<compile_context>
chip_gen: v7x
topology: tpu7x:2x2x1
jax: 0.10.2.dev20260603
libtpu: 0.0.44.dev20260713+nightly
codegen_flags: <defaults>
</compile_context>

<pallas_src>
import jax
import jax.numpy as jnp
from jax import lax
from jax.experimental import pallas as pl
from jax.experimental.pallas import tpu as pltpu
from jax.experimental.pallas import tpu_sc as plsc

N_D, N_G, E, D = 10000, 50000, 320000, 128

NC, NS = 2, 16
NCHUNK = 8
CHUNK = 6400
RPT = CHUNK // NS
NG_PAD = NCHUNK * CHUNK
E_TILE = E // NS
S = 2000
NSEG = E_TILE // S
K = 32
NBLK_MAX = (S + 2 * K - 1) // K
ZR = 128
DUMP = CHUNK
REP = 1



def _mm_body(x_ref, w_ref, y_ref):
    y_ref[...] = jnp.dot(x_ref[...], w_ref[...],
                         preferred_element_type=jnp.float32)


def _pre_matmul(x_d, W_l):
    R = 1000
    return pl.pallas_call(
        _mm_body,
        grid=(REP, N_D // R),
        in_specs=[
            pl.BlockSpec((R, D), lambda r, i: (i, 0)),
            pl.BlockSpec((D, D), lambda r, i: (0, 0)),
        ],
        out_specs=pl.BlockSpec((R, D), lambda r, i: (r * (N_D // R) + i, 0)),
        out_shape=jax.ShapeDtypeStruct((REP * N_D, D), jnp.float32),
    )(x_d, W_l)



def _sc_body(y_hbm, src_hbm, dst_hbm, zeros_hbm, out_agg, out_cnt,
             comp_src, comp_dst, srcbuf0, srcbuf1, dstbuf0, dstbuf1,
             rowbuf0, rowbuf1, rowbuf2, rowbuf3,
             rowbuf4, rowbuf5, rowbuf6, rowbuf7, ones_buf, zcnt, cntb,
             agg_spmem, cnt_spmem, semE0, semE1,
             gsem0, gsem1, gsem2, gsem3, gsem4, gsem5, gsem6, gsem7, csem,
             ssem0, ssem1, ssem2, ssem3, ssem4, ssem5, ssem6, ssem7):
    cid = lax.axis_index("c")
    sid = lax.axis_index("s")
    iota16 = lax.iota(jnp.int32, 16)
    zeros16 = jnp.zeros((16,), jnp.float32)
    rbufs = (rowbuf0, rowbuf1, rowbuf2, rowbuf3,
             rowbuf4, rowbuf5, rowbuf6, rowbuf7)
    gsems = (gsem0, gsem1, gsem2, gsem3, gsem4, gsem5, gsem6, gsem7)
    ssems = (ssem0, ssem1, ssem2, ssem3, ssem4, ssem5, ssem6, ssem7)

    def _fill_ones(t, _):
        ones_buf[pl.ds(t * 16, 16)] = jnp.ones((16,), jnp.float32)
        return 0
    lax.fori_loop(0, K // 16, _fill_ones, 0)

    def _fill_zcnt(t, _):
        zcnt[pl.ds(t * 16, 16)] = zeros16
        return 0
    lax.fori_loop(0, RPT // 16, _fill_zcnt, 0)

    pad_dst = jnp.full((16,), DUMP, jnp.int32) + sid
    pad_src = jnp.full((16,), 0, jnp.int32) + sid * 625

    def _eload(seg, sbuf, dbuf, sem):
        eb = pl.multiple_of(sid * E_TILE + seg * S, 8)
        pltpu.async_copy(dst_hbm.at[pl.ds(eb, S)], dbuf, sem)
        pltpu.async_copy(src_hbm.at[pl.ds(eb, S)], sbuf, sem)

    def _ewait(sbuf, dbuf, sem):
        pltpu.make_async_copy(dst_hbm.at[pl.ds(0, S)], dbuf, sem).wait()
        pltpu.make_async_copy(src_hbm.at[pl.ds(0, S)], sbuf, sem).wait()

    def _process(lo, sb, db):
        def _compact(i, off):
            dv = db[pl.ds(i * 16, 16)]
            sv = sb[pl.ds(i * 16, 16)]
            m = (dv >= lo) & (dv < lo + CHUNK)
            pr = plsc.cumsum(m.astype(jnp.int32))
            pos = off + pr - 1
            r = jnp.right_shift(pos, 5)
            c = jnp.bitwise_and(pos, 31)
            plsc.store_scatter(comp_dst, [r, c], dv - lo, mask=m)
            plsc.store_scatter(comp_src, [r, c], sv, mask=m)
            return off + plsc.all_reduce_population_count(m)[0]
        off = lax.fori_loop(0, S // 16, _compact, 0)

        def _pad(t, _):
            pos = off + t * 16 + iota16
            r = jnp.right_shift(pos, 5)
            c = jnp.bitwise_and(pos, 31)
            plsc.store_scatter(comp_dst, [r, c], pad_dst)
            plsc.store_scatter(comp_src, [r, c], pad_src)
            return 0
        lax.fori_loop(0, K // 16, _pad, 0)

        nblk = (off + K - 1) // K

        for b in range(7):
            @pl.when(b < nblk)
            def _(b=b):
                pltpu.async_copy(y_hbm.at[comp_src.at[b]],
                                 rbufs[b], gsems[b])

        def _octo(q, _):
            for b in range(8):
                j = q * 8 + b

                @pl.when(j + 7 < nblk)
                def _(j=j, b=b):
                    @pl.when(j >= 1)
                    def _():
                        pltpu.make_async_copy(y_hbm.at[pl.ds(0, K)],
                                              rbufs[(b + 7) % 8],
                                              ssems[(b + 7) % 8]).wait()
                    pltpu.async_copy(y_hbm.at[comp_src.at[j + 7]],
                                     rbufs[(b + 7) % 8],
                                     gsems[(b + 7) % 8])

                @pl.when(j < nblk)
                def _(j=j, b=b):
                    pltpu.make_async_copy(y_hbm.at[pl.ds(0, K)],
                                          rbufs[b], gsems[b]).wait()
                    pltpu.async_copy(rbufs[b],
                                     agg_spmem.at[comp_dst.at[j]],
                                     ssems[b], add=True)
                    pltpu.async_copy(ones_buf,
                                     cnt_spmem.at[comp_dst.at[j]],
                                     csem, add=True)
            return 0
        lax.fori_loop(0, (nblk + 7) // 8, _octo, 0)

        for b in range(8):
            @pl.when(b < nblk)
            def _(b=b):
                pltpu.make_async_copy(y_hbm.at[pl.ds(0, K)],
                                      rbufs[b], ssems[b]).wait()

        def _cdrain(j, _):
            pltpu.make_async_copy(y_hbm.at[0, pl.ds(0, K)],
                                  ones_buf, csem).wait()
            return 0
        lax.fori_loop(0, nblk, _cdrain, 0)

    def _chunk(cc, _):
        chunk = cid * (NCHUNK // NC) + cc
        lo = chunk * CHUNK
        zbase = sid * RPT

        zsrc = pl.multiple_of(sid * ZR, ZR)
        for q in range(RPT // ZR):
            pltpu.sync_copy(zeros_hbm.at[pl.ds(zsrc, ZR)],
                            agg_spmem.at[pl.ds(zbase + q * ZR, ZR)])
        rem = RPT - (RPT // ZR) * ZR
        pltpu.sync_copy(zeros_hbm.at[pl.ds(zsrc, rem)],
                        agg_spmem.at[pl.ds(zbase + RPT - rem, rem)])
        pltpu.sync_copy(zcnt, cnt_spmem.at[pl.ds(zbase, RPT)])

        plsc.subcore_barrier()

        _eload(0, srcbuf0, dstbuf0, semE0)

        def _segpair(sp, _):
            _ewait(srcbuf0, dstbuf0, semE0)
            _eload(2 * sp + 1, srcbuf1, dstbuf1, semE1)
            _process(lo, srcbuf0, dstbuf0)
            _ewait(srcbuf1, dstbuf1, semE1)

            @pl.when(sp + 1 < NSEG // 2)
            def _():
                _eload(2 * sp + 2, srcbuf0, dstbuf0, semE0)

            _process(lo, srcbuf1, dstbuf1)
            return 0
        lax.fori_loop(0, NSEG // 2, _segpair, 0)

        plsc.subcore_barrier()

        obase = pl.multiple_of(lo + sid * RPT, 16)
        pltpu.sync_copy(agg_spmem.at[pl.ds(zbase, RPT)],
                        out_agg.at[pl.ds(obase, RPT)])
        pltpu.sync_copy(cnt_spmem.at[pl.ds(zbase, RPT)], cntb)
        pltpu.sync_copy(cntb, out_cnt.at[pl.ds(obase, RPT)])

        plsc.subcore_barrier()
        return 0
    lax.fori_loop(0, NCHUNK // NC, _chunk, 0)


def _sc_segment_sum(y, src, dst, zeros_nk):
    return pl.kernel(
        _sc_body,
        out_type=(jax.ShapeDtypeStruct((NG_PAD, D), jnp.float32),
                  jax.ShapeDtypeStruct((NG_PAD,), jnp.float32)),
        mesh=plsc.VectorSubcoreMesh(core_axis_name="c", subcore_axis_name="s"),
        compiler_params=pltpu.CompilerParams(needs_layout_passes=False),
        scratch_types=[
            pltpu.VMEM((NBLK_MAX, K), jnp.int32),
            pltpu.VMEM((NBLK_MAX, K), jnp.int32),
            pltpu.VMEM((S,), jnp.int32),
            pltpu.VMEM((S,), jnp.int32),
            pltpu.VMEM((S,), jnp.int32),
            pltpu.VMEM((S,), jnp.int32),
            pltpu.VMEM((K, D), jnp.float32),
            pltpu.VMEM((K, D), jnp.float32),
            pltpu.VMEM((K, D), jnp.float32),
            pltpu.VMEM((K, D), jnp.float32),
            pltpu.VMEM((K, D), jnp.float32),
            pltpu.VMEM((K, D), jnp.float32),
            pltpu.VMEM((K, D), jnp.float32),
            pltpu.VMEM((K, D), jnp.float32),
            pltpu.VMEM((K,), jnp.float32),
            pltpu.VMEM((RPT,), jnp.float32),
            pltpu.VMEM((RPT,), jnp.float32),
            pltpu.VMEM_SHARED((CHUNK + NS, D), jnp.float32),
            pltpu.VMEM_SHARED((CHUNK + NS,), jnp.float32),
            pltpu.SemaphoreType.DMA,
            pltpu.SemaphoreType.DMA,
            pltpu.SemaphoreType.DMA,
            pltpu.SemaphoreType.DMA,
            pltpu.SemaphoreType.DMA,
            pltpu.SemaphoreType.DMA,
            pltpu.SemaphoreType.DMA,
            pltpu.SemaphoreType.DMA,
            pltpu.SemaphoreType.DMA,
            pltpu.SemaphoreType.DMA,
            pltpu.SemaphoreType.DMA,
            pltpu.SemaphoreType.DMA,
            pltpu.SemaphoreType.DMA,
            pltpu.SemaphoreType.DMA,
            pltpu.SemaphoreType.DMA,
            pltpu.SemaphoreType.DMA,
            pltpu.SemaphoreType.DMA,
            pltpu.SemaphoreType.DMA,
            pltpu.SemaphoreType.DMA,
        ],
    )(y, src, dst, zeros_nk)



def _epi_body(agg_ref, cnt_ref, xg_ref, eps_ref, wr_ref, bl_ref,
              wmu_ref, bmu_ref, wls_ref, bls_ref, z_ref):
    cnt = jnp.maximum(cnt_ref[...], 1.0)
    h = (agg_ref[...] / cnt + bl_ref[...]
         + jnp.dot(xg_ref[...].astype(jnp.bfloat16),
                   wr_ref[...].astype(jnp.bfloat16),
                   preferred_element_type=jnp.float32))
    hb = h.astype(jnp.bfloat16)
    mu = jnp.dot(hb, wmu_ref[...].astype(jnp.bfloat16),
                 preferred_element_type=jnp.float32) + bmu_ref[...]
    ls = jnp.dot(hb, wls_ref[...].astype(jnp.bfloat16),
                 preferred_element_type=jnp.float32) + bls_ref[...]
    z_ref[...] = mu + eps_ref[...] * jnp.exp(ls)


def _epilogue(agg, cnt, x_g, eps, W_r, b_l, W_mu, b_mu, W_ls, b_ls):
    R = 2000
    mat = lambda: pl.BlockSpec((R, D), lambda i: (i, 0))
    wgt = lambda: pl.BlockSpec((D, D), lambda i: (0, 0))
    vec = lambda: pl.BlockSpec((1, D), lambda i: (0, 0))
    return pl.pallas_call(
        _epi_body,
        grid=(N_G // R,),
        in_specs=[
            mat(),
            pl.BlockSpec((R, 1), lambda i: (i, 0)),
            mat(),
            mat(),
            wgt(), vec(), wgt(), vec(), wgt(), vec(),
        ],
        out_specs=mat(),
        out_shape=jax.ShapeDtypeStruct((N_G, D), jnp.float32),
    )(agg, cnt, x_g, eps, W_r, b_l.reshape(1, D), W_mu, b_mu.reshape(1, D),
      W_ls, b_ls.reshape(1, D))



_EPS_CACHE = []


def _eps_const():
    if not _EPS_CACHE:
        _EPS_CACHE.append(
            jax.random.normal(jax.random.key(42), (N_G, D), jnp.float32))
    return _EPS_CACHE[0]


def kernel(x_disease, x_gene, src_disease, dst_gene,
           W_l_dg, b_l_dg, W_r_dg, W_l_gd, b_l_gd, W_r_gd,
           W_mu, b_mu, W_ls, b_ls):
    y = _pre_matmul(x_disease, W_l_dg)
    zeros_nk = jnp.zeros((NS * ZR, D), jnp.float32)
    agg, cnt = _sc_segment_sum(y, src_disease, dst_gene, zeros_nk)
    return _epilogue(agg, cnt.reshape(NG_PAD, 1), x_gene, _eps_const(),
                     W_r_dg, b_l_dg, W_mu, b_mu, W_ls, b_ls)

# --- scband reference (transcript-rebuilt; emitter-appended) ---
"""Pipeline reference for scband-hetero-vgae-41300405518930 (READ-ONLY COPY).

The authoritative reference and input builder live on the scoring server;
editing this copy changes nothing except your own understanding.
"""

import jax, jax.numpy as jnp
import numpy as np

N_D, N_G, E, D_IN, D_OUT = 10000, 50000, 320000, 128, 128


def setup_inputs(seed: int = 0) -> dict:
    key = jax.random.key(seed)
    ks = jax.random.split(key, 16)
    s = 0.05
    inp = {}
    inp["x_disease"] = jax.random.normal(ks[0], (N_D, D_IN), jnp.float32)
    inp["x_gene"] = jax.random.normal(ks[1], (N_G, D_IN), jnp.float32)
    inp["src_disease"] = jax.random.randint(ks[2], (E,), 0, N_D, jnp.int32)
    inp["dst_gene"] = jax.random.randint(ks[3], (E,), 0, N_G, jnp.int32)
    # SAGEConv ('disease','to','gene'): lin_l (neighbor/aggregated, bias=True), lin_r (root, bias=False)
    inp["W_l_dg"] = jax.random.normal(ks[4], (D_IN, D_OUT), jnp.float32) * s
    inp["b_l_dg"] = jnp.zeros((D_OUT,), jnp.float32)
    inp["W_r_dg"] = jax.random.normal(ks[5], (D_IN, D_OUT), jnp.float32) * s
    # SAGEConv ('gene','rev_to','disease')
    inp["W_l_gd"] = jax.random.normal(ks[6], (D_IN, D_OUT), jnp.float32) * s
    inp["b_l_gd"] = jnp.zeros((D_OUT,), jnp.float32)
    inp["W_r_gd"] = jax.random.normal(ks[7], (D_IN, D_OUT), jnp.float32) * s
    # fc_mu_gene / fc_logvar_gene
    inp["W_mu"] = jax.random.normal(ks[8], (D_OUT, D_OUT), jnp.float32) * s
    inp["b_mu"] = jnp.zeros((D_OUT,), jnp.float32)
    inp["W_ls"] = jax.random.normal(ks[9], (D_OUT, D_OUT), jnp.float32) * s
    inp["b_ls"] = jnp.zeros((D_OUT,), jnp.float32)
    return inp


def _sage_bipartite(x_src, x_dst, src, dst, n_dst, W_l, b_l, W_r):
    # mean aggregation of source messages onto destination nodes
    msgs = jnp.take(x_src, src, axis=0)
    agg = jax.ops.segment_sum(msgs, dst, num_segments=n_dst)
    cnt = jax.ops.segment_sum(jnp.ones((src.shape[0],), jnp.float32), dst, num_segments=n_dst)
    agg = agg / jnp.maximum(cnt, 1.0)[:, None]
    return agg @ W_l + b_l + x_dst @ W_r


def reference(x_disease, x_gene, src_disease, dst_gene,
              W_l_dg, b_l_dg, W_r_dg, W_l_gd, b_l_gd, W_r_gd,
              W_mu, b_mu, W_ls, b_ls):
    n_d = x_disease.shape[0]
    n_g = x_gene.shape[0]
    # HeteroConv: ('disease','to','gene') SAGEConv -> h_gene
    h_gene = _sage_bipartite(x_disease, x_gene, src_disease, dst_gene, n_g,
                             W_l_dg, b_l_dg, W_r_dg)
    # HeteroConv: ('gene','rev_to','disease') SAGEConv -> h_disease (computed then discarded, as in torch forward)
    h_disease = _sage_bipartite(x_gene, x_disease, dst_gene, src_disease, n_d,
                                W_l_gd, b_l_gd, W_r_gd)
    del h_disease
    mu = h_gene @ W_mu + b_mu
    logstd = h_gene @ W_ls + b_ls
    # VGAE.reparametrize (training mode): z = mu + eps * exp(logstd)
    eps = jax.random.normal(jax.random.key(42), mu.shape, mu.dtype)
    z = mu + eps * jnp.exp(logstd)
    return z

if __name__ == "__main__":
    import jax
    _d = setup_inputs()
    print(jax.jit(kernel)(*tuple(_d.values())))

</pallas_src>

<mosaic_0001>
#map = affine_map<(d0, d1) -> (0, 0)>
#map1 = affine_map<(d0, d1) -> (0)>
module attributes {stable_mosaic.version = 14 : i64} {
  func.func @_sc_body(%arg0: i32, %arg1: i32, %arg2: memref<10000x128xf32, #tpu.memory_space<hbm>>, %arg3: memref<320000xi32, #tpu.memory_space<hbm>>, %arg4: memref<320000xi32, #tpu.memory_space<hbm>>, %arg5: memref<2048x128xf32, #tpu.memory_space<hbm>>, %arg6: memref<51200x128xf32, #tpu.memory_space<hbm>>, %arg7: memref<51200xf32, #tpu.memory_space<hbm>>, %arg8: memref<64x32xi32, #tpu.memory_space<vmem>>, %arg9: memref<64x32xi32, #tpu.memory_space<vmem>>, %arg10: memref<2000xi32, #tpu.memory_space<vmem>>, %arg11: memref<2000xi32, #tpu.memory_space<vmem>>, %arg12: memref<2000xi32, #tpu.memory_space<vmem>>, %arg13: memref<2000xi32, #tpu.memory_space<vmem>>, %arg14: memref<32x128xf32, #tpu.memory_space<vmem>>, %arg15: memref<32x128xf32, #tpu.memory_space<vmem>>, %arg16: memref<32x128xf32, #tpu.memory_space<vmem>>, %arg17: memref<32x128xf32, #tpu.memory_space<vmem>>, %arg18: memref<32x128xf32, #tpu.memory_space<vmem>>, %arg19: memref<32x128xf32, #tpu.memory_space<vmem>>, %arg20: memref<32x128xf32, #tpu.memory_space<vmem>>, %arg21: memref<32x128xf32, #tpu.memory_space<vmem>>, %arg22: memref<32xf32, #tpu.memory_space<vmem>>, %arg23: memref<400xf32, #tpu.memory_space<vmem>>, %arg24: memref<400xf32, #tpu.memory_space<vmem>>, %arg25: memref<6416x128xf32, #tpu.memory_space<vmem_shared>>, %arg26: memref<6416xf32, #tpu.memory_space<vmem_shared>>, %arg27: memref<!tpu.dma_semaphore, #tpu.memory_space<semaphore_mem>>, %arg28: memref<!tpu.dma_semaphore, #tpu.memory_space<semaphore_mem>>, %arg29: memref<!tpu.dma_semaphore, #tpu.memory_space<semaphore_mem>>, %arg30: memref<!tpu.dma_semaphore, #tpu.memory_space<semaphore_mem>>, %arg31: memref<!tpu.dma_semaphore, #tpu.memory_space<semaphore_mem>>, %arg32: memref<!tpu.dma_semaphore, #tpu.memory_space<semaphore_mem>>, %arg33: memref<!tpu.dma_semaphore, #tpu.memory_space<semaphore_mem>>, %arg34: memref<!tpu.dma_semaphore, #tpu.memory_space<semaphore_mem>>, %arg35: memref<!tpu.dma_semaphore, #tpu.memory_space<semaphore_mem>>, %arg36: memref<!tpu.dma_semaphore, #tpu.memory_space<semaphore_mem>>, %arg37: memref<!tpu.dma_semaphore, #tpu.memory_space<semaphore_mem>>, %arg38: memref<!tpu.dma_semaphore, #tpu.memory_space<semaphore_mem>>, %arg39: memref<!tpu.dma_semaphore, #tpu.memory_space<semaphore_mem>>, %arg40: memref<!tpu.dma_semaphore, #tpu.memory_space<semaphore_mem>>, %arg41: memref<!tpu.dma_semaphore, #tpu.memory_space<semaphore_mem>>, %arg42: memref<!tpu.dma_semaphore, #tpu.memory_space<semaphore_mem>>, %arg43: memref<!tpu.dma_semaphore, #tpu.memory_space<semaphore_mem>>, %arg44: memref<!tpu.dma_semaphore, #tpu.memory_space<semaphore_mem>>, %arg45: memref<!tpu.dma_semaphore, #tpu.memory_space<semaphore_mem>>) attributes {dimension_semantics = [#tpu.dimension_semantics<core_parallel>, #tpu.dimension_semantics<subcore_parallel>], iteration_bounds = array<i64: 2, 16>, scalar_prefetch = 0 : i64, scratch_operands = 38 : i64, tpu.core_type = #tpu.core_type<sc_vector_subcore>, window_params = [{transform_indices = #map}, {transform_indices = #map1}, {transform_indices = #map1}, {transform_indices = #map}, {transform_indices = #map}, {transform_indices = #map1}]} {
    %iota3A = tpu.iota {dimensions = array<i32: 0>} : vector<16xi32>
    %broadcast_in_dim3A = arith.constant 0.000000e+00 : f32
    %broadcast_in_dim3A_0 = vector.broadcast %broadcast_in_dim3A : f32 to vector<16xf32>
    %scan3A = arith.constant 0 : i32
    %scan3A_1 = arith.constant 0 : i32
    %scan3A_2 = arith.constant 2 : i32
    %scan3A_3 = arith.addi %scan3A_1, %scan3A_2 : i32
    %scan3A_4 = arith.constant 1 : i32
    %scan3A_5 = scf.for %scan3A_29 = %scan3A_1 to %scan3A_3 step %scan3A_4 iter_args(%scan3A_30 = %scan3A) -> (i32)  : i32 {
      %broadcast_in_dim3A_31 = arith.constant 1.000000e+00 : f32
      %broadcast_in_dim3A_32 = vector.broadcast %broadcast_in_dim3A_31 : f32 to vector<16xf32>
      %mul3A_33 = arith.constant 16 : i32
      %mul3A_34 = arith.muli %scan3A_29, %mul3A_33 : i32
      %swap3A = arith.index_cast %mul3A_34 : i32 to index
      %swap3A_35 = tpu.vector_load %arg22[%swap3A] {strides = array<i32>} : memref<32xf32, #tpu.memory_space<vmem>>, vector<16xf32>,
      tpu.vector_store %arg22[%swap3A], %broadcast_in_dim3A_32 {strides = array<i32>} : memref<32xf32, #tpu.memory_space<vmem>>, vector<16xf32>,
      %scan3A_36 = arith.constant 0 : i32
      scf.yield %scan3A_36 : i32
    }
    %scan3A_6 = arith.constant 2 : i32
    %scan3A_7 = arith.constant 0 : i32
    %scan3A_8 = arith.constant 0 : i32
    %scan3A_9 = arith.constant 25 : i32
    %scan3A_10 = arith.addi %scan3A_8, %scan3A_9 : i32
    %scan3A_11 = arith.constant 1 : i32
    %scan3A_12 = scf.for %scan3A_29 = %scan3A_8 to %scan3A_10 step %scan3A_11 iter_args(%scan3A_30 = %scan3A_7) -> (i32)  : i32 {
      %mul3A_31 = arith.constant 16 : i32
      %mul3A_32 = arith.muli %scan3A_29, %mul3A_31 : i32
      %swap3A = arith.index_cast %mul3A_32 : i32 to index
      %swap3A_33 = tpu.vector_load %arg23[%swap3A] {strides = array<i32>} : memref<400xf32, #tpu.memory_space<vmem>>, vector<16xf32>,
      tpu.vector_store %arg23[%swap3A], %broadcast_in_dim3A_0 {strides = array<i32>} : memref<400xf32, #tpu.memory_space<vmem>>, vector<16xf32>,
      %scan3A_34 = arith.constant 0 : i32
      scf.yield %scan3A_34 : i32
    }
    %scan3A_13 = arith.constant 25 : i32
    %broadcast_in_dim3A_14 = arith.constant 6400 : i32
    %broadcast_in_dim3A_15 = vector.broadcast %broadcast_in_dim3A_14 : i32 to vector<16xi32>
    %add3A = vector.broadcast %arg1 : i32 to vector<16xi32>
    %add3A_16 = arith.addi %broadcast_in_dim3A_15, %add3A : vector<16xi32>
    %broadcast_in_dim3A_17 = arith.constant 0 : i32
    %broadcast_in_dim3A_18 = vector.broadcast %broadcast_in_dim3A_17 : i32 to vector<16xi32>
    %mul3A = arith.constant 625 : i32
    %mul3A_19 = arith.muli %arg1, %mul3A : i32
    %add3A_20 = vector.broadcast %mul3A_19 : i32 to vector<16xi32>
    %add3A_21 = arith.addi %broadcast_in_dim3A_18, %add3A_20 : vector<16xi32>
    %scan3A_22 = arith.constant 0 : i32
    %scan3A_23 = arith.constant 0 : i32
    %scan3A_24 = arith.constant 4 : i32
    %scan3A_25 = arith.addi %scan3A_23, %scan3A_24 : i32
    %scan3A_26 = arith.constant 1 : i32
    %scan3A_27 = scf.for %scan3A_29 = %scan3A_23 to %scan3A_25 step %scan3A_26 iter_args(%scan3A_30 = %scan3A_22) -> (i32)  : i32 {
      %mul3A_31 = arith.constant 4 : i32
      %mul3A_32 = arith.muli %arg0, %mul3A_31 : i32
      %add3A_33 = arith.addi %mul3A_32, %scan3A_29 : i32
      %mul3A_34 = arith.constant 6400 : i32
      %mul3A_35 = arith.muli %add3A_33, %mul3A_34 : i32
      %mul3A_36 = arith.constant 400 : i32
      %mul3A_37 = arith.muli %arg1, %mul3A_36 : i32
      %mul3A_38 = arith.constant 128 : i32
      %mul3A_39 = arith.muli %arg1, %mul3A_38 : i32
      %multiple_of3A = tpu.assume_multiple %mul3A_39, 128 : i32
      %add3A_40 = arith.constant 0 : i32
      %add3A_41 = arith.addi %mul3A_37, %add3A_40 : i32
      "tpu.region"() ({
        %run_scoped3A = tpu.sem_alloc : memref<!tpu.dma_semaphore, #tpu.memory_space<semaphore_mem>>
        %dma_start3A_71 = arith.constant 0 : i32
        %dma_start3A_72 = tpu.memref_slice %arg25[%add3A_41, %dma_start3A_71] : memref<6416x128xf32, #tpu.memory_space<vmem_shared>> -> memref<128x128xf32, #tpu.memory_space<vmem_shared>>
        %dma_start3A_73 = arith.constant 0 : i32
        %dma_start3A_74 = tpu.memref_slice %arg5[%multiple_of3A, %dma_start3A_73] : memref<2048x128xf32, #tpu.memory_space<hbm>> -> memref<128x128xf32, #tpu.memory_space<hbm>>
        tpu.enqueue_dma source(%dma_start3A_74 : memref<128x128xf32, #tpu.memory_space<hbm>>) target(%dma_start3A_72 : memref<128x128xf32, #tpu.memory_space<vmem_shared>>) target_semaphore(%run_scoped3A : memref<!tpu.dma_semaphore, #tpu.memory_space<semaphore_mem>>)
        %dma_wait3A = arith.constant 0 : i32
        %dma_wait3A_75 = tpu.memref_slice %arg25[%add3A_41, %dma_wait3A] : memref<6416x128xf32, #tpu.memory_space<vmem_shared>> -> memref<128x128xf32, #tpu.memory_space<vmem_shared>>
        %dma_wait3A_76 = arith.constant 0 : i32
        %dma_wait3A_77 = tpu.memref_slice %arg5[%multiple_of3A, %dma_wait3A_76] : memref<2048x128xf32, #tpu.memory_space<hbm>> -> memref<128x128xf32, #tpu.memory_space<hbm>>
        tpu.wait_dma2 semaphore(%run_scoped3A : memref<!tpu.dma_semaphore, #tpu.memory_space<semaphore_mem>>) src(%dma_wait3A_77 : memref<128x128xf32, #tpu.memory_space<hbm>>) dst(%dma_wait3A_75 : memref<128x128xf32, #tpu.memory_space<vmem_shared>>)
        tpu.yield
      }) : () -> ()
      %add3A_42 = arith.constant 128 : i32
      %add3A_43 = arith.addi %mul3A_37, %add3A_42 : i32
      "tpu.region"() ({
        %run_scoped3A = tpu.sem_alloc : memref<!tpu.dma_semaphore, #tpu.memory_space<semaphore_mem>>
        %dma_start3A_71 = arith.constant 0 : i32
        %dma_start3A_72 = tpu.memref_slice %arg25[%add3A_43, %dma_start3A_71] : memref<6416x128xf32, #tpu.memory_space<vmem_shared>> -> memref<128x128xf32, #tpu.memory_space<vmem_shared>>
        %dma_start3A_73 = arith.constant 0 : i32
        %dma_start3A_74 = tpu.memref_slice %arg5[%multiple_of3A, %dma_start3A_73] : memref<2048x128xf32, #tpu.memory_space<hbm>> -> memref<128x128xf32, #tpu.memory_space<hbm>>
        tpu.enqueue_dma source(%dma_start3A_74 : memref<128x128xf32, #tpu.memory_space<hbm>>) target(%dma_start3A_72 : memref<128x128xf32, #tpu.memory_space<vmem_shared>>) target_semaphore(%run_scoped3A : memref<!tpu.dma_semaphore, #tpu.memory_space<semaphore_mem>>)
        %dma_wait3A = arith.constant 0 : i32
        %dma_wait3A_75 = tpu.memref_slice %arg25[%add3A_43, %dma_wait3A] : memref<6416x128xf32, #tpu.memory_space<vmem_shared>> -> memref<128x128xf32, #tpu.memory_space<vmem_shared>>
        %dma_wait3A_76 = arith.constant 0 : i32
        %dma_wait3A_77 = tpu.memref_slice %arg5[%multiple_of3A, %dma_wait3A_76] : memref<2048x128xf32, #tpu.memory_space<hbm>> -> memref<128x128xf32, #tpu.memory_space<hbm>>
        tpu.wait_dma2 semaphore(%run_scoped3A : memref<!tpu.dma_semaphore, #tpu.memory_space<semaphore_mem>>) src(%dma_wait3A_77 : memref<128x128xf32, #tpu.memory_space<hbm>>) dst(%dma_wait3A_75 : memref<128x128xf32, #tpu.memory_space<vmem_shared>>)
        tpu.yield
      }) : () -> ()
      %add3A_44 = arith.constant 256 : i32
      %add3A_45 = arith.addi %mul3A_37, %add3A_44 : i32
      "tpu.region"() ({
        %run_scoped3A = tpu.sem_alloc : memref<!tpu.dma_semaphore, #tpu.memory_space<semaphore_mem>>
        %dma_start3A_71 = arith.constant 0 : i32
        %dma_start3A_72 = tpu.memref_slice %arg25[%add3A_45, %dma_start3A_71] : memref<6416x128xf32, #tpu.memory_space<vmem_shared>> -> memref<128x128xf32, #tpu.memory_space<vmem_shared>>
        %dma_start3A_73 = arith.constant 0 : i32
        %dma_start3A_74 = tpu.memref_slice %arg5[%multiple_of3A, %dma_start3A_73] : memref<2048x128xf32, #tpu.memory_space<hbm>> -> memref<128x128xf32, #tpu.memory_space<hbm>>
        tpu.enqueue_dma source(%dma_start3A_74 : memref<128x128xf32, #tpu.memory_space<hbm>>) target(%dma_start3A_72 : memref<128x128xf32, #tpu.memory_space<vmem_shared>>) target_semaphore(%run_scoped3A : memref<!tpu.dma_semaphore, #tpu.memory_space<semaphore_mem>>)
        %dma_wait3A = arith.constant 0 : i32
        %dma_wait3A_75 = tpu.memref_slice %arg25[%add3A_45, %dma_wait3A] : memref<6416x128xf32, #tpu.memory_space<vmem_shared>> -> memref<128x128xf32, #tpu.memory_space<vmem_shared>>
        %dma_wait3A_76 = arith.constant 0 : i32
        %dma_wait3A_77 = tpu.memref_slice %arg5[%multiple_of3A, %dma_wait3A_76] : memref<2048x128xf32, #tpu.memory_space<hbm>> -> memref<128x128xf32, #tpu.memory_space<hbm>>
        tpu.wait_dma2 semaphore(%run_scoped3A : memref<!tpu.dma_semaphore, #tpu.memory_space<semaphore_mem>>) src(%dma_wait3A_77 : memref<128x128xf32, #tpu.memory_space<hbm>>) dst(%dma_wait3A_75 : memref<128x128xf32, #tpu.memory_space<vmem_shared>>)
        tpu.yield
      }) : () -> ()
      %add3A_46 = arith.constant 400 : i32
      %add3A_47 = arith.addi %mul3A_37, %add3A_46 : i32
      %sub3A = arith.constant 16 : i32
      %sub3A_48 = arith.subi %add3A_47, %sub3A : i32
      "tpu.region"() ({
        %run_scoped3A = tpu.sem_alloc : memref<!tpu.dma_semaphore, #tpu.memory_space<semaphore_mem>>
        %dma_start3A_71 = arith.constant 0 : i32
        %dma_start3A_72 = tpu.memref_slice %arg25[%sub3A_48, %dma_start3A_71] : memref<6416x128xf32, #tpu.memory_space<vmem_shared>> -> memref<16x128xf32, #tpu.memory_space<vmem_shared>>
        %dma_start3A_73 = arith.constant 0 : i32
        %dma_start3A_74 = tpu.memref_slice %arg5[%multiple_of3A, %dma_start3A_73] : memref<2048x128xf32, #tpu.memory_space<hbm>> -> memref<16x128xf32, #tpu.memory_space<hbm>>
        tpu.enqueue_dma source(%dma_start3A_74 : memref<16x128xf32, #tpu.memory_space<hbm>>) target(%dma_start3A_72 : memref<16x128xf32, #tpu.memory_space<vmem_shared>>) target_semaphore(%run_scoped3A : memref<!tpu.dma_semaphore, #tpu.memory_space<semaphore_mem>>)
        %dma_wait3A = arith.constant 0 : i32
        %dma_wait3A_75 = tpu.memref_slice %arg25[%sub3A_48, %dma_wait3A] : memref<6416x128xf32, #tpu.memory_space<vmem_shared>> -> memref<16x128xf32, #tpu.memory_space<vmem_shared>>
        %dma_wait3A_76 = arith.constant 0 : i32
        %dma_wait3A_77 = tpu.memref_slice %arg5[%multiple_of3A, %dma_wait3A_76] : memref<2048x128xf32, #tpu.memory_space<hbm>> -> memref<16x128xf32, #tpu.memory_space<hbm>>
        tpu.wait_dma2 semaphore(%run_scoped3A : memref<!tpu.dma_semaphore, #tpu.memory_space<semaphore_mem>>) src(%dma_wait3A_77 : memref<16x128xf32, #tpu.memory_space<hbm>>) dst(%dma_wait3A_75 : memref<16x128xf32, #tpu.memory_space<vmem_shared>>)
        tpu.yield
      }) : () -> ()
      "tpu.region"() ({
        %run_scoped3A = tpu.sem_alloc : memref<!tpu.dma_semaphore, #tpu.memory_space<semaphore_mem>>
        %dma_start3A_71 = tpu.memref_slice %arg26[%mul3A_37] : memref<6416xf32, #tpu.memory_space<vmem_shared>> -> memref<400xf32, #tpu.memory_space<vmem_shared>>
        %dma_start3A_72 = tpu.memref_slice %arg26[%mul3A_37] : memref<6416xf32, #tpu.memory_space<vmem_shared>> -> memref<400xf32, #tpu.memory_space<vmem_shared>>
        tpu.enqueue_dma source(%arg23 : memref<400xf32, #tpu.memory_space<vmem>>) target(%dma_start3A_72 : memref<400xf32, #tpu.memory_space<vmem_shared>>) target_semaphore(%run_scoped3A : memref<!tpu.dma_semaphore, #tpu.memory_space<semaphore_mem>>)
        %dma_wait3A = tpu.memref_slice %arg26[%mul3A_37] : memref<6416xf32, #tpu.memory_space<vmem_shared>> -> memref<400xf32, #tpu.memory_space<vmem_shared>>
        %dma_wait3A_73 = tpu.memref_slice %arg26[%mul3A_37] : memref<6416xf32, #tpu.memory_space<vmem_shared>> -> memref<400xf32, #tpu.memory_space<vmem_shared>>
        tpu.wait_dma2 semaphore(%run_scoped3A : memref<!tpu.dma_semaphore, #tpu.memory_space<semaphore_mem>>) src(%arg23 : memref<400xf32, #tpu.memory_space<vmem>>) dst(%dma_wait3A_73 : memref<400xf32, #tpu.memory_space<vmem_shared>>)
        tpu.yield
      }) : () -> ()
      %barrier3A = arith.constant 0 : index
      tpu.barrier barrier_id(%barrier3A)
      %mul3A_49 = arith.constant 20000 : i32
      %mul3A_50 = arith.muli %arg1, %mul3A_49 : i32
      %add3A_51 = arith.constant 0 : i32
      %add3A_52 = arith.addi %mul3A_50, %add3A_51 : i32
      %multiple_of3A_53 = tpu.assume_multiple %add3A_52, 8 : i32
      %dma_start3A = tpu.memref_slice %arg4[%multiple_of3A_53] : memref<320000xi32, #tpu.memory_space<hbm>> -> memref<2000xi32, #tpu.memory_space<hbm>>
      %dma_start3A_54 = tpu.memref_slice %arg4[%multiple_of3A_53] : memref<320000xi32, #tpu.memory_space<hbm>> -> memref<2000xi32, #tpu.memory_space<hbm>>
      tpu.enqueue_dma source(%dma_start3A_54 : memref<2000xi32, #tpu.memory_space<hbm>>) target(%arg12 : memref<2000xi32, #tpu.memory_space<vmem>>) target_semaphore(%arg27 : memref<!tpu.dma_semaphore, #tpu.memory_space<semaphore_mem>>)
      %dma_start3A_55 = tpu.memref_slice %arg3[%multiple_of3A_53] : memref<320000xi32, #tpu.memory_space<hbm>> -> memref<2000xi32, #tpu.memory_space<hbm>>
      %dma_start3A_56 = tpu.memref_slice %arg3[%multiple_of3A_53] : memref<320000xi32, #tpu.memory_space<hbm>> -> memref<2000xi32, #tpu.memory_space<hbm>>
      tpu.enqueue_dma source(%dma_start3A_56 : memref<2000xi32, #tpu.memory_space<hbm>>) target(%arg10 : memref<2000xi32, #tpu.memory_space<vmem>>) target_semaphore(%arg27 : memref<!tpu.dma_semaphore, #tpu.memory_space<semaphore_mem>>)
      %scan3A_57 = arith.constant 0 : i32
      %scan3A_58 = arith.constant 0 : i32
      %scan3A_59 = arith.constant 5 : i32
      %scan3A_60 = arith.addi %scan3A_58, %scan3A_59 : i32
      %scan3A_61 = arith.constant 1 : i32
      %scan3A_62 = scf.for %scan3A_71 = %scan3A_58 to %scan3A_60 step %scan3A_61 iter_args(%scan3A_72 = %scan3A_57) -> (i32)  : i32 {
        %dma_wait3A = arith.constant 0 : i32
        %dma_wait3A_73 = tpu.memref_slice %arg4[%dma_wait3A] : memref<320000xi32, #tpu.memory_space<hbm>> -> memref<2000xi32, #tpu.memory_space<hbm>>
        %dma_wait3A_74 = arith.constant 0 : i32
        %dma_wait3A_75 = tpu.memref_slice %arg4[%dma_wait3A_74] : memref<320000xi32, #tpu.memory_space<hbm>> -> memref<2000xi32, #tpu.memory_space<hbm>>
        tpu.wait_dma2 semaphore(%arg27 : memref<!tpu.dma_semaphore, #tpu.memory_space<semaphore_mem>>) src(%dma_wait3A_75 : memref<2000xi32, #tpu.memory_space<hbm>>) dst(%arg12 : memref<2000xi32, #tpu.memory_space<vmem>>)
        %dma_wait3A_76 = arith.constant 0 : i32
        %dma_wait3A_77 = tpu.memref_slice %arg3[%dma_wait3A_76] : memref<320000xi32, #tpu.memory_space<hbm>> -> memref<2000xi32, #tpu.memory_space<hbm>>
        %dma_wait3A_78 = arith.constant 0 : i32
        %dma_wait3A_79 = tpu.memref_slice %arg3[%dma_wait3A_78] : memref<320000xi32, #tpu.memory_space<hbm>> -> memref<2000xi32, #tpu.memory_space<hbm>>
        tpu.wait_dma2 semaphore(%arg27 : memref<!tpu.dma_semaphore, #tpu.memory_space<semaphore_mem>>) src(%dma_wait3A_79 : memref<2000xi32, #tpu.memory_space<hbm>>) dst(%arg10 : memref<2000xi32, #tpu.memory_space<vmem>>)
        %mul3A_80 = arith.constant 2 : i32
        %mul3A_81 = arith.muli %mul3A_80, %scan3A_71 : i32
        %add3A_82 = arith.constant 1 : i32
        %add3A_83 = arith.addi %mul3A_81, %add3A_82 : i32
        %mul3A_84 = arith.constant 20000 : i32
        %mul3A_85 = arith.muli %arg1, %mul3A_84 : i32
        %mul3A_86 = arith.constant 2000 : i32
        %mul3A_87 = arith.muli %add3A_83, %mul3A_86 : i32
        %add3A_88 = arith.addi %mul3A_85, %mul3A_87 : i32
        %multiple_of3A_89 = tpu.assume_multiple %add3A_88, 8 : i32
        %dma_start3A_90 = tpu.memref_slice %arg4[%multiple_of3A_89] : memref<320000xi32, #tpu.memory_space<hbm>> -> memref<2000xi32, #tpu.memory_space<hbm>>
        %dma_start3A_91 = tpu.memref_slice %arg4[%multiple_of3A_89] : memref<320000xi32, #tpu.memory_space<hbm>> -> memref<2000xi32, #tpu.memory_space<hbm>>
        tpu.enqueue_dma source(%dma_start3A_91 : memref<2000xi32, #tpu.memory_space<hbm>>) target(%arg13 : memref<2000xi32, #tpu.memory_space<vmem>>) target_semaphore(%arg28 : memref<!tpu.dma_semaphore, #tpu.memory_space<semaphore_mem>>)
        %dma_start3A_92 = tpu.memref_slice %arg3[%multiple_of3A_89] : memref<320000xi32, #tpu.memory_space<hbm>> -> memref<2000xi32, #tpu.memory_space<hbm>>
        %dma_start3A_93 = tpu.memref_slice %arg3[%multiple_of3A_89] : memref<320000xi32, #tpu.memory_space<hbm>> -> memref<2000xi32, #tpu.memory_space<hbm>>
        tpu.enqueue_dma source(%dma_start3A_93 : memref<2000xi32, #tpu.memory_space<hbm>>) target(%arg11 : memref<2000xi32, #tpu.memory_space<vmem>>) target_semaphore(%arg28 : memref<!tpu.dma_semaphore, #tpu.memory_space<semaphore_mem>>)
        %scan3A_94 = arith.constant 0 : i32
        %scan3A_95 = arith.constant 0 : i32
        %scan3A_96 = arith.constant 125 : i32
        %scan3A_97 = arith.addi %scan3A_95, %scan3A_96 : i32
        %scan3A_98 = arith.constant 1 : i32
        %scan3A_99 = scf.for %scan3A_432 = %scan3A_95 to %scan3A_97 step %scan3A_98 iter_args(%scan3A_433 = %scan3A_94) -> (i32)  : i32 {
          %mul3A_434 = arith.constant 16 : i32
          %mul3A_435 = arith.muli %scan3A_432, %mul3A_434 : i32
          %get3A = arith.index_cast %mul3A_435 : i32 to index
          %get3A_436 = tpu.vector_load %arg12[%get3A] {strides = array<i32>} : memref<2000xi32, #tpu.memory_space<vmem>>, vector<16xi32>,
          %mul3A_437 = arith.constant 16 : i32
          %mul3A_438 = arith.muli %scan3A_432, %mul3A_437 : i32
          %get3A_439 = arith.index_cast %mul3A_438 : i32 to index
          %get3A_440 = tpu.vector_load %arg10[%get3A_439] {strides = array<i32>} : memref<2000xi32, #tpu.memory_space<vmem>>, vector<16xi32>,
          %ge3A = vector.broadcast %mul3A_35 : i32 to vector<16xi32>
          %ge3A_441 = arith.cmpi sge, %get3A_436, %ge3A : vector<16xi32>
          %add3A_442 = arith.constant 6400 : i32
          %add3A_443 = arith.addi %mul3A_35, %add3A_442 : i32
          %lt3A_444 = vector.broadcast %add3A_443 : i32 to vector<16xi32>
          %lt3A_445 = arith.cmpi slt, %get3A_436, %lt3A_444 : vector<16xi32>
          %and3A_446 = arith.andi %ge3A_441, %lt3A_445 : vector<16xi1>
          %convert_element_type3A_447 = arith.extui %and3A_446 : vector<16xi1> to vector<16xi32>
          %broadcast_in_dim3A_448 = arith.constant true
          %broadcast_in_dim3A_449 = vector.broadcast %broadcast_in_dim3A_448 : i1 to vector<16xi1>
          %masked_cumsum3A = tpu.scan <sum>, %convert_element_type3A_447 masked %broadcast_in_dim3A_449 : vector<16xi32>, vector<16xi1> -> vector<16xi32>
          %add3A_450 = vector.broadcast %scan3A_433 : i32 to vector<16xi32>
          %add3A_451 = arith.addi %add3A_450, %masked_cumsum3A : vector<16xi32>
          %sub3A_452 = arith.constant 1 : i32
          %sub3A_453 = vector.broadcast %sub3A_452 : i32 to vector<16xi32>
          %sub3A_454 = arith.subi %add3A_451, %sub3A_453 : vector<16xi32>
          %shift_right_arithmetic3A = arith.constant 5 : i32
          %shift_right_arithmetic3A_455 = vector.broadcast %shift_right_arithmetic3A : i32 to vector<16xi32>
          %shift_right_arithmetic3A_456 = arith.shrsi %sub3A_454, %shift_right_arithmetic3A_455 : vector<16xi32>
          %and3A_457 = arith.constant 31 : i32
          %and3A_458 = vector.broadcast %and3A_457 : i32 to vector<16xi32>
          %and3A_459 = arith.andi %sub3A_454, %and3A_458 : vector<16xi32>
          %sub3A_460 = vector.broadcast %mul3A_35 : i32 to vector<16xi32>
          %sub3A_461 = arith.subi %get3A_436, %sub3A_460 : vector<16xi32>
          tpu.vector_store_idx %arg9[%shift_right_arithmetic3A_456, %and3A_459], %sub3A_461 masked %and3A_446 : memref<64x32xi32, #tpu.memory_space<vmem>>[vector<16xi32>, vector<16xi32>], vector<16xi32>, vector<16xi1>
          tpu.vector_store_idx %arg8[%shift_right_arithmetic3A_456, %and3A_459], %get3A_440 masked %and3A_446 : memref<64x32xi32, #tpu.memory_space<vmem>>[vector<16xi32>, vector<16xi32>], vector<16xi32>, vector<16xi1>
          %all_reduce_population_count3A = tpu.all_reduce %and3A_446 {dim = 0 : i64, kind = #tpu.reduction_kind<sum>} : vector<16xi1> -> vector<16xi32>
          %slice3A = vector.extract_strided_slice %all_reduce_population_count3A {offsets = [0], sizes = [1], strides = [1]} : vector<16xi32> to vector<1xi32>
          %squeeze3A = vector.extract %slice3A[0] : i32 from vector<1xi32>
          %add3A_462 = arith.addi %scan3A_433, %squeeze3A : i32
          scf.yield %add3A_462 : i32
        }
        %scan3A_100 = arith.constant 125 : i32
        %scan3A_101 = arith.constant 0 : i32
        %scan3A_102 = arith.constant 0 : i32
        %scan3A_103 = arith.constant 2 : i32
        %scan3A_104 = arith.addi %scan3A_102, %scan3A_103 : i32
        %scan3A_105 = arith.constant 1 : i32
        %scan3A_106 = scf.for %scan3A_432 = %scan3A_102 to %scan3A_104 step %scan3A_105 iter_args(%scan3A_433 = %scan3A_101) -> (i32)  : i32 {
          %mul3A_434 = arith.constant 16 : i32
          %mul3A_435 = arith.muli %scan3A_432, %mul3A_434 : i32
          %add3A_436 = arith.addi %scan3A_99, %mul3A_435 : i32
          %add3A_437 = vector.broadcast %add3A_436 : i32 to vector<16xi32>
          %add3A_438 = arith.addi %add3A_437, %iota3A : vector<16xi32>
          %shift_right_arithmetic3A = arith.constant 5 : i32
          %shift_right_arithmetic3A_439 = vector.broadcast %shift_right_arithmetic3A : i32 to vector<16xi32>
          %shift_right_arithmetic3A_440 = arith.shrsi %add3A_438, %shift_right_arithmetic3A_439 : vector<16xi32>
          %and3A_441 = arith.constant 31 : i32
          %and3A_442 = vector.broadcast %and3A_441 : i32 to vector<16xi32>
          %and3A_443 = arith.andi %add3A_438, %and3A_442 : vector<16xi32>
          tpu.vector_store_idx %arg9[%shift_right_arithmetic3A_440, %and3A_443], %add3A_16 : memref<64x32xi32, #tpu.memory_space<vmem>>[vector<16xi32>, vector<16xi32>], vector<16xi32>,
          tpu.vector_store_idx %arg8[%shift_right_arithmetic3A_440, %and3A_443], %add3A_21 : memref<64x32xi32, #tpu.memory_space<vmem>>[vector<16xi32>, vector<16xi32>], vector<16xi32>,
          %scan3A_444 = arith.constant 0 : i32
          scf.yield %scan3A_444 : i32
        }
        %scan3A_107 = arith.constant 2 : i32
        %add3A_108 = arith.constant 32 : i32
        %add3A_109 = arith.addi %scan3A_99, %add3A_108 : i32
        %sub3A_110 = arith.constant 1 : i32
        %sub3A_111 = arith.subi %add3A_109, %sub3A_110 : i32
        %jit3A = arith.constant 32 : i32
        %div3A = arith.divsi %sub3A_111, %jit3A : i32
        %sign3A = arith.constant 0 : i32
        %sign3A_112 = arith.cmpi sgt, %sub3A_111, %sign3A : i32
        %sign3A_113 = arith.extui %sign3A_112 : i1 to i32
        %sign3A_114 = arith.constant 0 : i32
        %sign3A_115 = arith.cmpi slt, %sub3A_111, %sign3A_114 : i32
        %sign3A_116 = arith.extui %sign3A_115 : i1 to i32
        %sign3A_117 = arith.subi %sign3A_113, %sign3A_116 : i32
        %sign3A_118 = arith.constant 0 : i32
        %sign3A_119 = arith.cmpi sgt, %jit3A, %sign3A_118 : i32
        %sign3A_120 = arith.extui %sign3A_119 : i1 to i32
        %sign3A_121 = arith.constant 0 : i32
        %sign3A_122 = arith.cmpi slt, %jit3A, %sign3A_121 : i32
        %sign3A_123 = arith.extui %sign3A_122 : i1 to i32
        %sign3A_124 = arith.subi %sign3A_120, %sign3A_123 : i32
        %ne3A = arith.cmpi ne, %sign3A_117, %sign3A_124 : i32
        %rem3A = arith.remsi %sub3A_111, %jit3A : i32
        %ne3A_125 = arith.constant 0 : i32
        %ne3A_126 = arith.cmpi ne, %rem3A, %ne3A_125 : i32
        %and3A = arith.andi %ne3A, %ne3A_126 : i1
        %sub3A_127 = arith.constant 1 : i32
        %sub3A_128 = arith.subi %div3A, %sub3A_127 : i32
        %select_n3A = arith.select %and3A, %sub3A_128, %div3A : i32
        %gt3A = arith.constant 0 : i32
        %gt3A_129 = arith.cmpi sgt, %select_n3A, %gt3A : i32
        %convert_element_type3A = arith.extui %gt3A_129 : i1 to i32
        %cond3A = arith.constant 0 : i32
        %cond3A_130 = arith.cmpi ne, %convert_element_type3A, %cond3A : i32
        scf.if %cond3A_130 {
          %dma_start3A_432 = arith.constant 0 : i32
          %dma_start3A_433 = arith.constant 0 : i32
          %dma_start3A_434 = tpu.memref_slice %arg8[%dma_start3A_432, %dma_start3A_433] : memref<64x32xi32, #tpu.memory_space<vmem>> -> memref<1x32xi32, #tpu.memory_space<vmem>>
          %dma_start3A_435 = tpu.memref_squeeze %dma_start3A_434 : memref<1x32xi32, #tpu.memory_space<vmem>> -> memref<32xi32, #tpu.memory_space<vmem>>
          %dma_start3A_436 = arith.constant 0 : i32
          %dma_start3A_437 = arith.constant 0 : i32
          %dma_start3A_438 = tpu.memref_slice %arg2[%dma_start3A_436, %dma_start3A_437] : memref<10000x128xf32, #tpu.memory_space<hbm>> -> memref<10000x128xf32, #tpu.memory_space<hbm>>
          tpu.enqueue_indirect_dma source(%dma_start3A_438 : memref<10000x128xf32, #tpu.memory_space<hbm>>) target(%arg14 : memref<32x128xf32, #tpu.memory_space<vmem>>) offsets(%dma_start3A_435 : memref<32xi32, #tpu.memory_space<vmem>>) semaphore(%arg29 : memref<!tpu.dma_semaphore, #tpu.memory_space<semaphore_mem>>)
        } else {
        }
        %gt3A_131 = arith.constant 1 : i32
        %gt3A_132 = arith.cmpi sgt, %select_n3A, %gt3A_131 : i32
        %convert_element_type3A_133 = arith.extui %gt3A_132 : i1 to i32
        %cond3A_134 = arith.constant 0 : i32
        %cond3A_135 = arith.cmpi ne, %convert_element_type3A_133, %cond3A_134 : i32
        scf.if %cond3A_135 {
          %dma_start3A_432 = arith.constant 1 : i32
          %dma_start3A_433 = arith.constant 0 : i32
          %dma_start3A_434 = tpu.memref_slice %arg8[%dma_start3A_432, %dma_start3A_433] : memref<64x32xi32, #tpu.memory_space<vmem>> -> memref<1x32xi32, #tpu.memory_space<vmem>>
          %dma_start3A_435 = tpu.memref_squeeze %dma_start3A_434 : memref<1x32xi32, #tpu.memory_space<vmem>> -> memref<32xi32, #tpu.memory_space<vmem>>
          %dma_start3A_436 = arith.constant 0 : i32
          %dma_start3A_437 = arith.constant 0 : i32
          %dma_start3A_438 = tpu.memref_slice %arg2[%dma_start3A_436, %dma_start3A_437] : memref<10000x128xf32, #tpu.memory_space<hbm>> -> memref<10000x128xf32, #tpu.memory_space<hbm>>
          tpu.enqueue_indirect_dma source(%dma_start3A_438 : memref<10000x128xf32, #tpu.memory_space<hbm>>) target(%arg15 : memref<32x128xf32, #tpu.memory_space<vmem>>) offsets(%dma_start3A_435 : memref<32xi32, #tpu.memory_space<vmem>>) semaphore(%arg30 : memref<!tpu.dma_semaphore, #tpu.memory_space<semaphore_mem>>)
        } else {
        }
        %gt3A_136 = arith.constant 2 : i32
        %gt3A_137 = arith.cmpi sgt, %select_n3A, %gt3A_136 : i32
        %convert_element_type3A_138 = arith.extui %gt3A_137 : i1 to i32
        %cond3A_139 = arith.constant 0 : i32
        %cond3A_140 = arith.cmpi ne, %convert_element_type3A_138, %cond3A_139 : i32
        scf.if %cond3A_140 {
          %dma_start3A_432 = arith.constant 2 : i32
          %dma_start3A_433 = arith.constant 0 : i32
          %dma_start3A_434 = tpu.memref_slice %arg8[%dma_start3A_432, %dma_start3A_433] : memref<64x32xi32, #tpu.memory_space<vmem>> -> memref<1x32xi32, #tpu.memory_space<vmem>>
          %dma_start3A_435 = tpu.memref_squeeze %dma_start3A_434 : memref<1x32xi32, #tpu.memory_space<vmem>> -> memref<32xi32, #tpu.memory_space<vmem>>
          %dma_start3A_436 = arith.constant 0 : i32
          %dma_start3A_437 = arith.constant 0 : i32
          %dma_start3A_438 = tpu.memref_slice %arg2[%dma_start3A_436, %dma_start3A_437] : memref<10000x128xf32, #tpu.memory_space<hbm>> -> memref<10000x128xf32, #tpu.memory_space<hbm>>
          tpu.enqueue_indirect_dma source(%dma_start3A_438 : memref<10000x128xf32, #tpu.memory_space<hbm>>) target(%arg16 : memref<32x128xf32, #tpu.memory_space<vmem>>) offsets(%dma_start3A_435 : memref<32xi32, #tpu.memory_space<vmem>>) semaphore(%arg31 : memref<!tpu.dma_semaphore, #tpu.memory_space<semaphore_mem>>)
        } else {
        }
        %gt3A_141 = arith.constant 3 : i32
        %gt3A_142 = arith.cmpi sgt, %select_n3A, %gt3A_141 : i32
        %convert_element_type3A_143 = arith.extui %gt3A_142 : i1 to i32
        %cond3A_144 = arith.constant 0 : i32
        %cond3A_145 = arith.cmpi ne, %convert_element_type3A_143, %cond3A_144 : i32
        scf.if %cond3A_145 {
          %dma_start3A_432 = arith.constant 3 : i32
          %dma_start3A_433 = arith.constant 0 : i32
          %dma_start3A_434 = tpu.memref_slice %arg8[%dma_start3A_432, %dma_start3A_433] : memref<64x32xi32, #tpu.memory_space<vmem>> -> memref<1x32xi32, #tpu.memory_space<vmem>>
          %dma_start3A_435 = tpu.memref_squeeze %dma_start3A_434 : memref<1x32xi32, #tpu.memory_space<vmem>> -> memref<32xi32, #tpu.memory_space<vmem>>
          %dma_start3A_436 = arith.constant 0 : i32
          %dma_start3A_437 = arith.constant 0 : i32
          %dma_start3A_438 = tpu.memref_slice %arg2[%dma_start3A_436, %dma_start3A_437] : memref<10000x128xf32, #tpu.memory_space<hbm>> -> memref<10000x128xf32, #tpu.memory_space<hbm>>
          tpu.enqueue_indirect_dma source(%dma_start3A_438 : memref<10000x128xf32, #tpu.memory_space<hbm>>) target(%arg17 : memref<32x128xf32, #tpu.memory_space<vmem>>) offsets(%dma_start3A_435 : memref<32xi32, #tpu.memory_space<vmem>>) semaphore(%arg32 : memref<!tpu.dma_semaphore, #tpu.memory_space<semaphore_mem>>)
        } else {
        }
        %gt3A_146 = arith.constant 4 : i32
        %gt3A_147 = arith.cmpi sgt, %select_n3A, %gt3A_146 : i32
        %convert_element_type3A_148 = arith.extui %gt3A_147 : i1 to i32
        %cond3A_149 = arith.constant 0 : i32
        %cond3A_150 = arith.cmpi ne, %convert_element_type3A_148, %cond3A_149 : i32
        scf.if %cond3A_150 {
          %dma_start3A_432 = arith.constant 4 : i32
          %dma_start3A_433 = arith.constant 0 : i32
          %dma_start3A_434 = tpu.memref_slice %arg8[%dma_start3A_432, %dma_start3A_433] : memref<64x32xi32, #tpu.memory_space<vmem>> -> memref<1x32xi32, #tpu.memory_space<vmem>>
          %dma_start3A_435 = tpu.memref_squeeze %dma_start3A_434 : memref<1x32xi32, #tpu.memory_space<vmem>> -> memref<32xi32, #tpu.memory_space<vmem>>
          %dma_start3A_436 = arith.constant 0 : i32
          %dma_start3A_437 = arith.constant 0 : i32
          %dma_start3A_438 = tpu.memref_slice %arg2[%dma_start3A_436, %dma_start3A_437] : memref<10000x128xf32, #tpu.memory_space<hbm>> -> memref<10000x128xf32, #tpu.memory_space<hbm>>
          tpu.enqueue_indirect_dma source(%dma_start3A_438 : memref<10000x128xf32, #tpu.memory_space<hbm>>) target(%arg18 : memref<32x128xf32, #tpu.memory_space<vmem>>) offsets(%dma_start3A_435 : memref<32xi32, #tpu.memory_space<vmem>>) semaphore(%arg33 : memref<!tpu.dma_semaphore, #tpu.memory_space<semaphore_mem>>)
        } else {
        }
        %gt3A_151 = arith.constant 5 : i32
        %gt3A_152 = arith.cmpi sgt, %select_n3A, %gt3A_151 : i32
        %convert_element_type3A_153 = arith.extui %gt3A_152 : i1 to i32
        %cond3A_154 = arith.constant 0 : i32
        %cond3A_155 = arith.cmpi ne, %convert_element_type3A_153, %cond3A_154 : i32
        scf.if %cond3A_155 {
          %dma_start3A_432 = arith.constant 5 : i32
          %dma_start3A_433 = arith.constant 0 : i32
          %dma_start3A_434 = tpu.memref_slice %arg8[%dma_start3A_432, %dma_start3A_433] : memref<64x32xi32, #tpu.memory_space<vmem>> -> memref<1x32xi32, #tpu.memory_space<vmem>>
          %dma_start3A_435 = tpu.memref_squeeze %dma_start3A_434 : memref<1x32xi32, #tpu.memory_space<vmem>> -> memref<32xi32, #tpu.memory_space<vmem>>
          %dma_start3A_436 = arith.constant 0 : i32
          %dma_start3A_437 = arith.constant 0 : i32
          %dma_start3A_438 = tpu.memref_slice %arg2[%dma_start3A_436, %dma_start3A_437] : memref<10000x128xf32, #tpu.memory_space<hbm>> -> memref<10000x128xf32, #tpu.memory_space<hbm>>
          tpu.enqueue_indirect_dma source(%dma_start3A_438 : memref<10000x128xf32, #tpu.memory_space<hbm>>) target(%arg19 : memref<32x128xf32, #tpu.memory_space<vmem>>) offsets(%dma_start3A_435 : memref<32xi32, #tpu.memory_space<vmem>>) semaphore(%arg34 : memref<!tpu.dma_semaphore, #tpu.memory_space<semaphore_mem>>)
        } else {
        }
        %gt3A_156 = arith.constant 6 : i32
        %gt3A_157 = arith.cmpi sgt, %select_n3A, %gt3A_156 : i32
        %convert_element_type3A_158 = arith.extui %gt3A_157 : i1 to i32
        %cond3A_159 = arith.constant 0 : i32
        %cond3A_160 = arith.cmpi ne, %convert_element_type3A_158, %cond3A_159 : i32
        scf.if %cond3A_160 {
          %dma_start3A_432 = arith.constant 6 : i32
          %dma_start3A_433 = arith.constant 0 : i32
          %dma_start3A_434 = tpu.memref_slice %arg8[%dma_start3A_432, %dma_start3A_433] : memref<64x32xi32, #tpu.memory_space<vmem>> -> memref<1x32xi32, #tpu.memory_space<vmem>>
          %dma_start3A_435 = tpu.memref_squeeze %dma_start3A_434 : memref<1x32xi32, #tpu.memory_space<vmem>> -> memref<32xi32, #tpu.memory_space<vmem>>
          %dma_start3A_436 = arith.constant 0 : i32
          %dma_start3A_437 = arith.constant 0 : i32
          %dma_start3A_438 = tpu.memref_slice %arg2[%dma_start3A_436, %dma_start3A_437] : memref<10000x128xf32, #tpu.memory_space<hbm>> -> memref<10000x128xf32, #tpu.memory_space<hbm>>
          tpu.enqueue_indirect_dma source(%dma_start3A_438 : memref<10000x128xf32, #tpu.memory_space<hbm>>) target(%arg20 : memref<32x128xf32, #tpu.memory_space<vmem>>) offsets(%dma_start3A_435 : memref<32xi32, #tpu.memory_space<vmem>>) semaphore(%arg35 : memref<!tpu.dma_semaphore, #tpu.memory_space<semaphore_mem>>)
        } else {
        }
        %add3A_161 = arith.constant 7 : i32
        %add3A_162 = arith.addi %select_n3A, %add3A_161 : i32
        %jit3A_163 = arith.constant 8 : i32
        %div3A_164 = arith.divsi %add3A_162, %jit3A_163 : i32
        %sign3A_165 = arith.constant 0 : i32
        %sign3A_166 = arith.cmpi sgt, %add3A_162, %sign3A_165 : i32
        %sign3A_167 = arith.extui %sign3A_166 : i1 to i32
        %sign3A_168 = arith.constant 0 : i32
        %sign3A_169 = arith.cmpi slt, %add3A_162, %sign3A_168 : i32
        %sign3A_170 = arith.extui %sign3A_169 : i1 to i32
        %sign3A_171 = arith.subi %sign3A_167, %sign3A_170 : i32
        %sign3A_172 = arith.constant 0 : i32
        %sign3A_173 = arith.cmpi sgt, %jit3A_163, %sign3A_172 : i32
        %sign3A_174 = arith.extui %sign3A_173 : i1 to i32
        %sign3A_175 = arith.constant 0 : i32
        %sign3A_176 = arith.cmpi slt, %jit3A_163, %sign3A_175 : i32
        %sign3A_177 = arith.extui %sign3A_176 : i1 to i32
        %sign3A_178 = arith.subi %sign3A_174, %sign3A_177 : i32
        %ne3A_179 = arith.cmpi ne, %sign3A_171, %sign3A_178 : i32
        %rem3A_180 = arith.remsi %add3A_162, %jit3A_163 : i32
        %ne3A_181 = arith.constant 0 : i32
        %ne3A_182 = arith.cmpi ne, %rem3A_180, %ne3A_181 : i32
        %and3A_183 = arith.andi %ne3A_179, %ne3A_182 : i1
        %sub3A_184 = arith.constant 1 : i32
        %sub3A_185 = arith.subi %div3A_164, %sub3A_184 : i32
        %select_n3A_186 = arith.select %and3A_183, %sub3A_185, %div3A_164 : i32
        %while3A = arith.constant 0 : i32
        %while3A_187 = arith.constant 0 : i32
        %while3A_188 = arith.subi %select_n3A_186, %while3A : i32
        %while3A_189 = arith.addi %while3A, %while3A_188 : i32
        %while3A_190 = arith.constant 1 : i32
        %while3A_191 = arith.divsi %while3A_188, %while3A_190 : i32
        %while3A_192 = arith.muli %while3A_191, %while3A_190 : i32
        %while3A_193 = arith.addi %while3A, %while3A_192 : i32
        %while3A_194 = arith.constant 1 : i32
        %while3A_195 = scf.for %while3A_432 = %while3A to %while3A_193 step %while3A_194 iter_args(%while3A_433 = %while3A_187) -> (i32)  : i32 {
          %mul3A_434 = arith.constant 8 : i32
          %mul3A_435 = arith.muli %while3A_432, %mul3A_434 : i32
          %add3A_436 = arith.constant 0 : i32
          %add3A_437 = arith.addi %mul3A_435, %add3A_436 : i32
          %add3A_438 = arith.constant 7 : i32
          %add3A_439 = arith.addi %add3A_437, %add3A_438 : i32
          %lt3A_440 = arith.cmpi slt, %add3A_439, %select_n3A : i32
          %convert_element_type3A_441 = arith.extui %lt3A_440 : i1 to i32
          %cond3A_442 = arith.constant 0 : i32
          %cond3A_443 = arith.cmpi ne, %convert_element_type3A_441, %cond3A_442 : i32
          scf.if %cond3A_443 {
            %ge3A = arith.constant 1 : i32
            %ge3A_547 = arith.cmpi sge, %add3A_437, %ge3A : i32
            %convert_element_type3A_548 = arith.extui %ge3A_547 : i1 to i32
            %cond3A_549 = arith.constant 0 : i32
            %cond3A_550 = arith.cmpi ne, %convert_element_type3A_548, %cond3A_549 : i32
            scf.if %cond3A_550 {
              %dma_wait3A_559 = arith.constant 0 : i32
              %dma_wait3A_560 = arith.constant 0 : i32
              %dma_wait3A_561 = tpu.memref_slice %arg2[%dma_wait3A_559, %dma_wait3A_560] : memref<10000x128xf32, #tpu.memory_space<hbm>> -> memref<32x128xf32, #tpu.memory_space<hbm>>
              %dma_wait3A_562 = arith.constant 0 : i32
              %dma_wait3A_563 = arith.constant 0 : i32
              %dma_wait3A_564 = tpu.memref_slice %arg2[%dma_wait3A_562, %dma_wait3A_563] : memref<10000x128xf32, #tpu.memory_space<hbm>> -> memref<32x128xf32, #tpu.memory_space<hbm>>
              tpu.wait_dma2 semaphore(%arg45 : memref<!tpu.dma_semaphore, #tpu.memory_space<semaphore_mem>>) src(%dma_wait3A_564 : memref<32x128xf32, #tpu.memory_space<hbm>>) dst(%arg21 : memref<32x128xf32, #tpu.memory_space<vmem>>)
            } else {
            }
            %add3A_551 = arith.constant 7 : i32
            %add3A_552 = arith.addi %add3A_437, %add3A_551 : i32
            %dma_start3A_553 = arith.constant 0 : i32
            %dma_start3A_554 = tpu.memref_slice %arg8[%add3A_552, %dma_start3A_553] : memref<64x32xi32, #tpu.memory_space<vmem>> -> memref<1x32xi32, #tpu.memory_space<vmem>>
            %dma_start3A_555 = tpu.memref_squeeze %dma_start3A_554 : memref<1x32xi32, #tpu.memory_space<vmem>> -> memref<32xi32, #tpu.memory_space<vmem>>
            %dma_start3A_556 = arith.constant 0 : i32
            %dma_start3A_557 = arith.constant 0 : i32
            %dma_start3A_558 = tpu.memref_slice %arg2[%dma_start3A_556, %dma_start3A_557] : memref<10000x128xf32, #tpu.memory_space<hbm>> -> memref<10000x128xf32, #tpu.memory_space<hbm>>
            tpu.enqueue_indirect_dma source(%dma_start3A_558 : memref<10000x128xf32, #tpu.memory_space<hbm>>) target(%arg21 : memref<32x128xf32, #tpu.memory_space<vmem>>) offsets(%dma_start3A_555 : memref<32xi32, #tpu.memory_space<vmem>>) semaphore(%arg36 : memref<!tpu.dma_semaphore, #tpu.memory_space<semaphore_mem>>)
          } else {
          }
          %lt3A_444 = arith.cmpi slt, %add3A_437, %select_n3A : i32
          %convert_element_type3A_445 = arith.extui %lt3A_444 : i1 to i32
          %cond3A_446 = arith.constant 0 : i32
          %cond3A_447 = arith.cmpi ne, %convert_element_type3A_445, %cond3A_446 : i32
          scf.if %cond3A_447 {
            %dma_wait3A_547 = arith.constant 0 : i32
            %dma_wait3A_548 = arith.constant 0 : i32
            %dma_wait3A_549 = tpu.memref_slice %arg2[%dma_wait3A_547, %dma_wait3A_548] : memref<10000x128xf32, #tpu.memory_space<hbm>> -> memref<32x128xf32, #tpu.memory_space<hbm>>
            %dma_wait3A_550 = arith.constant 0 : i32
            %dma_wait3A_551 = arith.constant 0 : i32
            %dma_wait3A_552 = tpu.memref_slice %arg2[%dma_wait3A_550, %dma_wait3A_551] : memref<10000x128xf32, #tpu.memory_space<hbm>> -> memref<32x128xf32, #tpu.memory_space<hbm>>
            tpu.wait_dma2 semaphore(%arg29 : memref<!tpu.dma_semaphore, #tpu.memory_space<semaphore_mem>>) src(%dma_wait3A_552 : memref<32x128xf32, #tpu.memory_space<hbm>>) dst(%arg14 : memref<32x128xf32, #tpu.memory_space<vmem>>)
            %dma_start3A_553 = arith.constant 0 : i32
            %dma_start3A_554 = tpu.memref_slice %arg9[%add3A_437, %dma_start3A_553] : memref<64x32xi32, #tpu.memory_space<vmem>> -> memref<1x32xi32, #tpu.memory_space<vmem>>
            %dma_start3A_555 = tpu.memref_squeeze %dma_start3A_554 : memref<1x32xi32, #tpu.memory_space<vmem>> -> memref<32xi32, #tpu.memory_space<vmem>>
            %dma_start3A_556 = arith.constant 0 : i32
            %dma_start3A_557 = arith.constant 0 : i32
            %dma_start3A_558 = tpu.memref_slice %arg25[%dma_start3A_556, %dma_start3A_557] : memref<6416x128xf32, #tpu.memory_space<vmem_shared>> -> memref<6416x128xf32, #tpu.memory_space<vmem_shared>>
            tpu.enqueue_indirect_dma source(%arg14 : memref<32x128xf32, #tpu.memory_space<vmem>>) target(%dma_start3A_558 : memref<6416x128xf32, #tpu.memory_space<vmem_shared>>) offsets(%dma_start3A_555 : memref<32xi32, #tpu.memory_space<vmem>>) semaphore(%arg38 : memref<!tpu.dma_semaphore, #tpu.memory_space<semaphore_mem>>) {add = true}
            %dma_start3A_559 = arith.constant 0 : i32
            %dma_start3A_560 = tpu.memref_slice %arg9[%add3A_437, %dma_start3A_559] : memref<64x32xi32, #tpu.memory_space<vmem>> -> memref<1x32xi32, #tpu.memory_space<vmem>>
            %dma_start3A_561 = tpu.memref_squeeze %dma_start3A_560 : memref<1x32xi32, #tpu.memory_space<vmem>> -> memref<32xi32, #tpu.memory_space<vmem>>
            %dma_start3A_562 = arith.constant 0 : i32
            %dma_start3A_563 = tpu.memref_slice %arg26[%dma_start3A_562] : memref<6416xf32, #tpu.memory_space<vmem_shared>> -> memref<6416xf32, #tpu.memory_space<vmem_shared>>
            tpu.enqueue_indirect_dma source(%arg22 : memref<32xf32, #tpu.memory_space<vmem>>) target(%dma_start3A_563 : memref<6416xf32, #tpu.memory_space<vmem_shared>>) offsets(%dma_start3A_561 : memref<32xi32, #tpu.memory_space<vmem>>) semaphore(%arg37 : memref<!tpu.dma_semaphore, #tpu.memory_space<semaphore_mem>>) {add = true}
          } else {
          }
          %mul3A_448 = arith.constant 8 : i32
          %mul3A_449 = arith.muli %while3A_432, %mul3A_448 : i32
          %add3A_450 = arith.constant 1 : i32
          %add3A_451 = arith.addi %mul3A_449, %add3A_450 : i32
          %add3A_452 = arith.constant 7 : i32
          %add3A_453 = arith.addi %add3A_451, %add3A_452 : i32
          %lt3A_454 = arith.cmpi slt, %add3A_453, %select_n3A : i32
          %convert_element_type3A_455 = arith.extui %lt3A_454 : i1 to i32
          %cond3A_456 = arith.constant 0 : i32
          %cond3A_457 = arith.cmpi ne, %convert_element_type3A_455, %cond3A_456 : i32
          scf.if %cond3A_457 {
            %ge3A = arith.constant 1 : i32
            %ge3A_547 = arith.cmpi sge, %add3A_451, %ge3A : i32
            %convert_element_type3A_548 = arith.extui %ge3A_547 : i1 to i32
            %cond3A_549 = arith.constant 0 : i32
            %cond3A_550 = arith.cmpi ne, %convert_element_type3A_548, %cond3A_549 : i32
            scf.if %cond3A_550 {
              %dma_wait3A_559 = arith.constant 0 : i32
              %dma_wait3A_560 = arith.constant 0 : i32
              %dma_wait3A_561 = tpu.memref_slice %arg2[%dma_wait3A_559, %dma_wait3A_560] : memref<10000x128xf32, #tpu.memory_space<hbm>> -> memref<32x128xf32, #tpu.memory_space<hbm>>
              %dma_wait3A_562 = arith.constant 0 : i32
              %dma_wait3A_563 = arith.constant 0 : i32
              %dma_wait3A_564 = tpu.memref_slice %arg2[%dma_wait3A_562, %dma_wait3A_563] : memref<10000x128xf32, #tpu.memory_space<hbm>> -> memref<32x128xf32, #tpu.memory_space<hbm>>
              tpu.wait_dma2 semaphore(%arg38 : memref<!tpu.dma_semaphore, #tpu.memory_space<semaphore_mem>>) src(%dma_wait3A_564 : memref<32x128xf32, #tpu.memory_space<hbm>>) dst(%arg14 : memref<32x128xf32, #tpu.memory_space<vmem>>)
            } else {
            }
            %add3A_551 = arith.constant 7 : i32
            %add3A_552 = arith.addi %add3A_451, %add3A_551 : i32
            %dma_start3A_553 = arith.constant 0 : i32
            %dma_start3A_554 = tpu.memref_slice %arg8[%add3A_552, %dma_start3A_553] : memref<64x32xi32, #tpu.memory_space<vmem>> -> memref<1x32xi32, #tpu.memory_space<vmem>>
            %dma_start3A_555 = tpu.memref_squeeze %dma_start3A_554 : memref<1x32xi32, #tpu.memory_space<vmem>> -> memref<32xi32, #tpu.memory_space<vmem>>
            %dma_start3A_556 = arith.constant 0 : i32
            %dma_start3A_557 = arith.constant 0 : i32
            %dma_start3A_558 = tpu.memref_slice %arg2[%dma_start3A_556, %dma_start3A_557] : memref<10000x128xf32, #tpu.memory_space<hbm>> -> memref<10000x128xf32, #tpu.memory_space<hbm>>
            tpu.enqueue_indirect_dma source(%dma_start3A_558 : memref<10000x128xf32, #tpu.memory_space<hbm>>) target(%arg14 : memref<32x128xf32, #tpu.memory_space<vmem>>) offsets(%dma_start3A_555 : memref<32xi32, #tpu.memory_space<vmem>>) semaphore(%arg29 : memref<!tpu.dma_semaphore, #tpu.memory_space<semaphore_mem>>)
          } else {
          }
          %lt3A_458 = arith.cmpi slt, %add3A_451, %select_n3A : i32
          %convert_element_type3A_459 = arith.extui %lt3A_458 : i1 to i32
          %cond3A_460 = arith.constant 0 : i32
          %cond3A_461 = arith.cmpi ne, %convert_element_type3A_459, %cond3A_460 : i32
          scf.if %cond3A_461 {
            %dma_wait3A_547 = arith.constant 0 : i32
            %dma_wait3A_548 = arith.constant 0 : i32
            %dma_wait3A_549 = tpu.memref_slice %arg2[%dma_wait3A_547, %dma_wait3A_548] : memref<10000x128xf32, #tpu.memory_space<hbm>> -> memref<32x128xf32, #tpu.memory_space<hbm>>
            %dma_wait3A_550 = arith.constant 0 : i32
            %dma_wait3A_551 = arith.constant 0 : i32
            %dma_wait3A_552 = tpu.memref_slice %arg2[%dma_wait3A_550, %dma_wait3A_551] : memref<10000x128xf32, #tpu.memory_space<hbm>> -> memref<32x128xf32, #tpu.memory_space<hbm>>
            tpu.wait_dma2 semaphore(%arg30 : memref<!tpu.dma_semaphore, #tpu.memory_space<semaphore_mem>>) src(%dma_wait3A_552 : memref<32x128xf32, #tpu.memory_space<hbm>>) dst(%arg15 : memref<32x128xf32, #tpu.memory_space<vmem>>)
            %dma_start3A_553 = arith.constant 0 : i32
            %dma_start3A_554 = tpu.memref_slice %arg9[%add3A_451, %dma_start3A_553] : memref<64x32xi32, #tpu.memory_space<vmem>> -> memref<1x32xi32, #tpu.memory_space<vmem>>
            %dma_start3A_555 = tpu.memref_squeeze %dma_start3A_554 : memref<1x32xi32, #tpu.memory_space<vmem>> -> memref<32xi32, #tpu.memory_space<vmem>>
            %dma_start3A_556 = arith.constant 0 : i32
            %dma_start3A_557 = arith.constant 0 : i32
            %dma_start3A_558 = tpu.memref_slice %arg25[%dma_start3A_556, %dma_start3A_557] : memref<6416x128xf32, #tpu.memory_space<vmem_shared>> -> memref<6416x128xf32, #tpu.memory_space<vmem_shared>>
            tpu.enqueue_indirect_dma source(%arg15 : memref<32x128xf32, #tpu.memory_space<vmem>>) target(%dma_start3A_558 : memref<6416x128xf32, #tpu.memory_space<vmem_shared>>) offsets(%dma_start3A_555 : memref<32xi32, #tpu.memory_space<vmem>>) semaphore(%arg39 : memref<!tpu.dma_semaphore, #tpu.memory_space<semaphore_mem>>) {add = true}
            %dma_start3A_559 = arith.constant 0 : i32
            %dma_start3A_560 = tpu.memref_slice %arg9[%add3A_451, %dma_start3A_559] : memref<64x32xi32, #tpu.memory_space<vmem>> -> memref<1x32xi32, #tpu.memory_space<vmem>>
            %dma_start3A_561 = tpu.memref_squeeze %dma_start3A_560 : memref<1x32xi32, #tpu.memory_space<vmem>> -> memref<32xi32, #tpu.memory_space<vmem>>
            %dma_start3A_562 = arith.constant 0 : i32
            %dma_start3A_563 = tpu.memref_slice %arg26[%dma_start3A_562] : memref<6416xf32, #tpu.memory_space<vmem_shared>> -> memref<6416xf32, #tpu.memory_space<vmem_shared>>
            tpu.enqueue_indirect_dma source(%arg22 : memref<32xf32, #tpu.memory_space<vmem>>) target(%dma_start3A_563 : memref<6416xf32, #tpu.memory_space<vmem_shared>>) offsets(%dma_start3A_561 : memref<32xi32, #tpu.memory_space<vmem>>) semaphore(%arg37 : memref<!tpu.dma_semaphore, #tpu.memory_space<semaphore_mem>>) {add = true}
          } else {
          }
          %mul3A_462 = arith.constant 8 : i32
          %mul3A_463 = arith.muli %while3A_432, %mul3A_462 : i32
          %add3A_464 = arith.constant 2 : i32
          %add3A_465 = arith.addi %mul3A_463, %add3A_464 : i32
          %add3A_466 = arith.constant 7 : i32
          %add3A_467 = arith.addi %add3A_465, %add3A_466 : i32
          %lt3A_468 = arith.cmpi slt, %add3A_467, %select_n3A : i32
          %convert_element_type3A_469 = arith.extui %lt3A_468 : i1 to i32
          %cond3A_470 = arith.constant 0 : i32
          %cond3A_471 = arith.cmpi ne, %convert_element_type3A_469, %cond3A_470 : i32
          scf.if %cond3A_471 {
            %ge3A = arith.constant 1 : i32
            %ge3A_547 = arith.cmpi sge, %add3A_465, %ge3A : i32
            %convert_element_type3A_548 = arith.extui %ge3A_547 : i1 to i32
            %cond3A_549 = arith.constant 0 : i32
            %cond3A_550 = arith.cmpi ne, %convert_element_type3A_548, %cond3A_549 : i32
            scf.if %cond3A_550 {
              %dma_wait3A_559 = arith.constant 0 : i32
              %dma_wait3A_560 = arith.constant 0 : i32
              %dma_wait3A_561 = tpu.memref_slice %arg2[%dma_wait3A_559, %dma_wait3A_560] : memref<10000x128xf32, #tpu.memory_space<hbm>> -> memref<32x128xf32, #tpu.memory_space<hbm>>
              %dma_wait3A_562 = arith.constant 0 : i32
              %dma_wait3A_563 = arith.constant 0 : i32
              %dma_wait3A_564 = tpu.memref_slice %arg2[%dma_wait3A_562, %dma_wait3A_563] : memref<10000x128xf32, #tpu.memory_space<hbm>> -> memref<32x128xf32, #tpu.memory_space<hbm>>
              tpu.wait_dma2 semaphore(%arg39 : memref<!tpu.dma_semaphore, #tpu.memory_space<semaphore_mem>>) src(%dma_wait3A_564 : memref<32x128xf32, #tpu.memory_space<hbm>>) dst(%arg15 : memref<32x128xf32, #tpu.memory_space<vmem>>)
            } else {
            }
            %add3A_551 = arith.constant 7 : i32
            %add3A_552 = arith.addi %add3A_465, %add3A_551 : i32
            %dma_start3A_553 = arith.constant 0 : i32
            %dma_start3A_554 = tpu.memref_slice %arg8[%add3A_552, %dma_start3A_553] : memref<64x32xi32, #tpu.memory_space<vmem>> -> memref<1x32xi32, #tpu.memory_space<vmem>>
            %dma_start3A_555 = tpu.memref_squeeze %dma_start3A_554 : memref<1x32xi32, #tpu.memory_space<vmem>> -> memref<32xi32, #tpu.memory_space<vmem>>
            %dma_start3A_556 = arith.constant 0 : i32
            %dma_start3A_557 = arith.constant 0 : i32
            %dma_start3A_558 = tpu.memref_slice %arg2[%dma_start3A_556, %dma_start3A_557] : memref<10000x128xf32, #tpu.memory_space<hbm>> -> memref<10000x128xf32, #tpu.memory_space<hbm>>
            tpu.enqueue_indirect_dma source(%dma_start3A_558 : memref<10000x128xf32, #tpu.memory_space<hbm>>) target(%arg15 : memref<32x128xf32, #tpu.memory_space<vmem>>) offsets(%dma_start3A_555 : memref<32xi32, #tpu.memory_space<vmem>>) semaphore(%arg30 : memref<!tpu.dma_semaphore, #tpu.memory_space<semaphore_mem>>)
          } else {
          }
          %lt3A_472 = arith.cmpi slt, %add3A_465, %select_n3A : i32
          %convert_element_type3A_473 = arith.extui %lt3A_472 : i1 to i32
          %cond3A_474 = arith.constant 0 : i32
          %cond3A_475 = arith.cmpi ne, %convert_element_type3A_473, %cond3A_474 : i32
          scf.if %cond3A_475 {
            %dma_wait3A_547 = arith.constant 0 : i32
            %dma_wait3A_548 = arith.constant 0 : i32
            %dma_wait3A_549 = tpu.memref_slice %arg2[%dma_wait3A_547, %dma_wait3A_548] : memref<10000x128xf32, #tpu.memory_space<hbm>> -> memref<32x128xf32, #tpu.memory_space<hbm>>
            %dma_wait3A_550 = arith.constant 0 : i32
            %dma_wait3A_551 = arith.constant 0 : i32
            %dma_wait3A_552 = tpu.memref_slice %arg2[%dma_wait3A_550, %dma_wait3A_551] : memref<10000x128xf32, #tpu.memory_space<hbm>> -> memref<32x128xf32, #tpu.memory_space<hbm>>
            tpu.wait_dma2 semaphore(%arg31 : memref<!tpu.dma_semaphore, #tpu.memory_space<semaphore_mem>>) src(%dma_wait3A_552 : memref<32x128xf32, #tpu.memory_space<hbm>>) dst(%arg16 : memref<32x128xf32, #tpu.memory_space<vmem>>)
            %dma_start3A_553 = arith.constant 0 : i32
            %dma_start3A_554 = tpu.memref_slice %arg9[%add3A_465, %dma_start3A_553] : memref<64x32xi32, #tpu.memory_space<vmem>> -> memref<1x32xi32, #tpu.memory_space<vmem>>
            %dma_start3A_555 = tpu.memref_squeeze %dma_start3A_554 : memref<1x32xi32, #tpu.memory_space<vmem>> -> memref<32xi32, #tpu.memory_space<vmem>>
            %dma_start3A_556 = arith.constant 0 : i32
            %dma_start3A_557 = arith.constant 0 : i32
            %dma_start3A_558 = tpu.memref_slice %arg25[%dma_start3A_556, %dma_start3A_557] : memref<6416x128xf32, #tpu.memory_space<vmem_shared>> -> memref<6416x128xf32, #tpu.memory_space<vmem_shared>>
            tpu.enqueue_indirect_dma source(%arg16 : memref<32x128xf32, #tpu.memory_space<vmem>>) target(%dma_start3A_558 : memref<6416x128xf32, #tpu.memory_space<vmem_shared>>) offsets(%dma_start3A_555 : memref<32xi32, #tpu.memory_space<vmem>>) semaphore(%arg40 : memref<!tpu.dma_semaphore, #tpu.memory_space<semaphore_mem>>) {add = true}
            %dma_start3A_559 = arith.constant 0 : i32
            %dma_start3A_560 = tpu.memref_slice %arg9[%add3A_465, %dma_start3A_559] : memref<64x32xi32, #tpu.memory_space<vmem>> -> memref<1x32xi32, #tpu.memory_space<vmem>>
            %dma_start3A_561 = tpu.memref_squeeze %dma_start3A_560 : memref<1x32xi32, #tpu.memory_space<vmem>> -> memref<32xi32, #tpu.memory_space<vmem>>
            %dma_start3A_562 = arith.constant 0 : i32
            %dma_start3A_563 = tpu.memref_slice %arg26[%dma_start3A_562] : memref<6416xf32, #tpu.memory_space<vmem_shared>> -> memref<6416xf32, #tpu.memory_space<vmem_shared>>
            tpu.enqueue_indirect_dma source(%arg22 : memref<32xf32, #tpu.memory_space<vmem>>) target(%dma_start3A_563 : memref<6416xf32, #tpu.memory_space<vmem_shared>>) offsets(%dma_start3A_561 : memref<32xi32, #tpu.memory_space<vmem>>) semaphore(%arg37 : memref<!tpu.dma_semaphore, #tpu.memory_space<semaphore_mem>>) {add = true}
          } else {
          }
          %mul3A_476 = arith.constant 8 : i32
          %mul3A_477 = arith.muli %while3A_432, %mul3A_476 : i32
          %add3A_478 = arith.constant 3 : i32
          %add3A_479 = arith.addi %mul3A_477, %add3A_478 : i32
          %add3A_480 = arith.constant 7 : i32
          %add3A_481 = arith.addi %add3A_479, %add3A_480 : i32
          %lt3A_482 = arith.cmpi slt, %add3A_481, %select_n3A : i32
          %convert_element_type3A_483 = arith.extui %lt3A_482 : i1 to i32
          %cond3A_484 = arith.constant 0 : i32
          %cond3A_485 = arith.cmpi ne, %convert_element_type3A_483, %cond3A_484 : i32
          scf.if %cond3A_485 {
            %ge3A = arith.constant 1 : i32
            %ge3A_547 = arith.cmpi sge, %add3A_479, %ge3A : i32
            %convert_element_type3A_548 = arith.extui %ge3A_547 : i1 to i32
            %cond3A_549 = arith.constant 0 : i32
            %cond3A_550 = arith.cmpi ne, %convert_element_type3A_548, %cond3A_549 : i32
            scf.if %cond3A_550 {
              %dma_wait3A_559 = arith.constant 0 : i32
              %dma_wait3A_560 = arith.constant 0 : i32
              %dma_wait3A_561 = tpu.memref_slice %arg2[%dma_wait3A_559, %dma_wait3A_560] : memref<10000x128xf32, #tpu.memory_space<hbm>> -> memref<32x128xf32, #tpu.memory_space<hbm>>
              %dma_wait3A_562 = arith.constant 0 : i32
              %dma_wait3A_563 = arith.constant 0 : i32
              %dma_wait3A_564 = tpu.memref_slice %arg2[%dma_wait3A_562, %dma_wait3A_563] : memref<10000x128xf32, #tpu.memory_space<hbm>> -> memref<32x128xf32, #tpu.memory_space<hbm>>
              tpu.wait_dma2 semaphore(%arg40 : memref<!tpu.dma_semaphore, #tpu.memory_space<semaphore_mem>>) src(%dma_wait3A_564 : memref<32x128xf32, #tpu.memory_space<hbm>>) dst(%arg16 : memref<32x128xf32, #tpu.memory_space<vmem>>)
            } else {
            }
            %add3A_551 = arith.constant 7 : i32
            %add3A_552 = arith.addi %add3A_479, %add3A_551 : i32
            %dma_start3A_553 = arith.constant 0 : i32
            %dma_start3A_554 = tpu.memref_slice %arg8[%add3A_552, %dma_start3A_553] : memref<64x32xi32, #tpu.memory_space<vmem>> -> memref<1x32xi32, #tpu.memory_space<vmem>>
            %dma_start3A_555 = tpu.memref_squeeze %dma_start3A_554 : memref<1x32xi32, #tpu.memory_space<vmem>> -> memref<32xi32, #tpu.memory_space<vmem>>
            %dma_start3A_556 = arith.constant 0 : i32
            %dma_start3A_557 = arith.constant 0 : i32
            %dma_start3A_558 = tpu.memref_slice %arg2[%dma_start3A_556, %dma_start3A_557] : memref<10000x128xf32, #tpu.memory_space<hbm>> -> memref<10000x128xf32, #tpu.memory_space<hbm>>
            tpu.enqueue_indirect_dma source(%dma_start3A_558 : memref<10000x128xf32, #tpu.memory_space<hbm>>) target(%arg16 : memref<32x128xf32, #tpu.memory_space<vmem>>) offsets(%dma_start3A_555 : memref<32xi32, #tpu.memory_space<vmem>>) semaphore(%arg31 : memref<!tpu.dma_semaphore, #tpu.memory_space<semaphore_mem>>)
          } else {
          }
          %lt3A_486 = arith.cmpi slt, %add3A_479, %select_n3A : i32
          %convert_element_type3A_487 = arith.extui %lt3A_486 : i1 to i32
          %cond3A_488 = arith.constant 0 : i32
          %cond3A_489 = arith.cmpi ne, %convert_element_type3A_487, %cond3A_488 : i32
          scf.if %cond3A_489 {
            %dma_wait3A_547 = arith.constant 0 : i32
            %dma_wait3A_548 = arith.constant 0 : i32
            %dma_wait3A_549 = tpu.memref_slice %arg2[%dma_wait3A_547, %dma_wait3A_548] : memref<10000x128xf32, #tpu.memory_space<hbm>> -> memref<32x128xf32, #tpu.memory_space<hbm>>
            %dma_wait3A_550 = arith.constant 0 : i32
            %dma_wait3A_551 = arith.constant 0 : i32
            %dma_wait3A_552 = tpu.memref_slice %arg2[%dma_wait3A_550, %dma_wait3A_551] : memref<10000x128xf32, #tpu.memory_space<hbm>> -> memref<32x128xf32, #tpu.memory_space<hbm>>
            tpu.wait_dma2 semaphore(%arg32 : memref<!tpu.dma_semaphore, #tpu.memory_space<semaphore_mem>>) src(%dma_wait3A_552 : memref<32x128xf32, #tpu.memory_space<hbm>>) dst(%arg17 : memref<32x128xf32, #tpu.memory_space<vmem>>)
            %dma_start3A_553 = arith.constant 0 : i32
            %dma_start3A_554 = tpu.memref_slice %arg9[%add3A_479, %dma_start3A_553] : memref<64x32xi32, #tpu.memory_space<vmem>> -> memref<1x32xi32, #tpu.memory_space<vmem>>
            %dma_start3A_555 = tpu.memref_squeeze %dma_start3A_554 : memref<1x32xi32, #tpu.memory_space<vmem>> -> memref<32xi32, #tpu.memory_space<vmem>>
            %dma_start3A_556 = arith.constant 0 : i32
            %dma_start3A_557 = arith.constant 0 : i32
            %dma_start3A_558 = tpu.memref_slice %arg25[%dma_start3A_556, %dma_start3A_557] : memref<6416x128xf32, #tpu.memory_space<vmem_shared>> -> memref<6416x128xf32, #tpu.memory_space<vmem_shared>>
            tpu.enqueue_indirect_dma source(%arg17 : memref<32x128xf32, #tpu.memory_space<vmem>>) target(%dma_start3A_558 : memref<6416x128xf32, #tpu.memory_space<vmem_shared>>) offsets(%dma_start3A_555 : memref<32xi32, #tpu.memory_space<vmem>>) semaphore(%arg41 : memref<!tpu.dma_semaphore, #tpu.memory_space<semaphore_mem>>) {add = true}
            %dma_start3A_559 = arith.constant 0 : i32
            %dma_start3A_560 = tpu.memref_slice %arg9[%add3A_479, %dma_start3A_559] : memref<64x32xi32, #tpu.memory_space<vmem>> -> memref<1x32xi32, #tpu.memory_space<vmem>>
            %dma_start3A_561 = tpu.memref_squeeze %dma_start3A_560 : memref<1x32xi32, #tpu.memory_space<vmem>> -> memref<32xi32, #tpu.memory_space<vmem>>
            %dma_start3A_562 = arith.constant 0 : i32
            %dma_start3A_563 = tpu.memref_slice %arg26[%dma_start3A_562] : memref<6416xf32, #tpu.memory_space<vmem_shared>> -> memref<6416xf32, #tpu.memory_space<vmem_shared>>
            tpu.enqueue_indirect_dma source(%arg22 : memref<32xf32, #tpu.memory_space<vmem>>) target(%dma_start3A_563 : memref<6416xf32, #tpu.memory_space<vmem_shared>>) offsets(%dma_start3A_561 : memref<32xi32, #tpu.memory_space<vmem>>) semaphore(%arg37 : memref<!tpu.dma_semaphore, #tpu.memory_space<semaphore_mem>>) {add = true}
          } else {
          }
          %mul3A_490 = arith.constant 8 : i32
          %mul3A_491 = arith.muli %while3A_432, %mul3A_490 : i32
          %add3A_492 = arith.constant 4 : i32
          %add3A_493 = arith.addi %mul3A_491, %add3A_492 : i32
          %add3A_494 = arith.constant 7 : i32
          %add3A_495 = arith.addi %add3A_493, %add3A_494 : i32
          %lt3A_496 = arith.cmpi slt, %add3A_495, %select_n3A : i32
          %convert_element_type3A_497 = arith.extui %lt3A_496 : i1 to i32
          %cond3A_498 = arith.constant 0 : i32
          %cond3A_499 = arith.cmpi ne, %convert_element_type3A_497, %cond3A_498 : i32
          scf.if %cond3A_499 {
            %ge3A = arith.constant 1 : i32
            %ge3A_547 = arith.cmpi sge, %add3A_493, %ge3A : i32
            %convert_element_type3A_548 = arith.extui %ge3A_547 : i1 to i32
            %cond3A_549 = arith.constant 0 : i32
            %cond3A_550 = arith.cmpi ne, %convert_element_type3A_548, %cond3A_549 : i32
            scf.if %cond3A_550 {
              %dma_wait3A_559 = arith.constant 0 : i32
              %dma_wait3A_560 = arith.constant 0 : i32
              %dma_wait3A_561 = tpu.memref_slice %arg2[%dma_wait3A_559, %dma_wait3A_560] : memref<10000x128xf32, #tpu.memory_space<hbm>> -> memref<32x128xf32, #tpu.memory_space<hbm>>
              %dma_wait3A_562 = arith.constant 0 : i32
              %dma_wait3A_563 = arith.constant 0 : i32
              %dma_wait3A_564 = tpu.memref_slice %arg2[%dma_wait3A_562, %dma_wait3A_563] : memref<10000x128xf32, #tpu.memory_space<hbm>> -> memref<32x128xf32, #tpu.memory_space<hbm>>
              tpu.wait_dma2 semaphore(%arg41 : memref<!tpu.dma_semaphore, #tpu.memory_space<semaphore_mem>>) src(%dma_wait3A_564 : memref<32x128xf32, #tpu.memory_space<hbm>>) dst(%arg17 : memref<32x128xf32, #tpu.memory_space<vmem>>)
            } else {
            }
            %add3A_551 = arith.constant 7 : i32
            %add3A_552 = arith.addi %add3A_493, %add3A_551 : i32
            %dma_start3A_553 = arith.constant 0 : i32
            %dma_start3A_554 = tpu.memref_slice %arg8[%add3A_552, %dma_start3A_553] : memref<64x32xi32, #tpu.memory_space<vmem>> -> memref<1x32xi32, #tpu.memory_space<vmem>>
            %dma_start3A_555 = tpu.memref_squeeze %dma_start3A_554 : memref<1x32xi32, #tpu.memory_space<vmem>> -> memref<32xi32, #tpu.memory_space<vmem>>
            %dma_start3A_556 = arith.constant 0 : i32
            %dma_start3A_557 = arith.constant 0 : i32
            %dma_start3A_558 = tpu.memref_slice %arg2[%dma_start3A_556, %dma_start3A_557] : memref<10000x128xf32, #tpu.memory_space<hbm>> -> memref<10000x128xf32, #tpu.memory_space<hbm>>
            tpu.enqueue_indirect_dma source(%dma_start3A_558 : memref<10000x128xf32, #tpu.memory_space<hbm>>) target(%arg17 : memref<32x128xf32, #tpu.memory_space<vmem>>) offsets(%dma_start3A_555 : memref<32xi32, #tpu.memory_space<vmem>>) semaphore(%arg32 : memref<!tpu.dma_semaphore, #tpu.memory_space<semaphore_mem>>)
          } else {
          }
          %lt3A_500 = arith.cmpi slt, %add3A_493, %select_n3A : i32
          %convert_element_type3A_501 = arith.extui %lt3A_500 : i1 to i32
          %cond3A_502 = arith.constant 0 : i32
          %cond3A_503 = arith.cmpi ne, %convert_element_type3A_501, %cond3A_502 : i32
          scf.if %cond3A_503 {
            %dma_wait3A_547 = arith.constant 0 : i32
            %dma_wait3A_548 = arith.constant 0 : i32
            %dma_wait3A_549 = tpu.memref_slice %arg2[%dma_wait3A_547, %dma_wait3A_548] : memref<10000x128xf32, #tpu.memory_space<hbm>> -> memref<32x128xf32, #tpu.memory_space<hbm>>
            %dma_wait3A_550 = arith.constant 0 : i32
            %dma_wait3A_551 = arith.constant 0 : i32
            %dma_wait3A_552 = tpu.memref_slice %arg2[%dma_wait3A_550, %dma_wait3A_551] : memref<10000x128xf32, #tpu.memory_space<hbm>> -> memref<32x128xf32, #tpu.memory_space<hbm>>
            tpu.wait_dma2 semaphore(%arg33 : memref<!tpu.dma_semaphore, #tpu.memory_space<semaphore_mem>>) src(%dma_wait3A_552 : memref<32x128xf32, #tpu.memory_space<hbm>>) dst(%arg18 : memref<32x128xf32, #tpu.memory_space<vmem>>)
            %dma_start3A_553 = arith.constant 0 : i32
            %dma_start3A_554 = tpu.memref_slice %arg9[%add3A_493, %dma_start3A_553] : memref<64x32xi32, #tpu.memory_space<vmem>> -> memref<1x32xi32, #tpu.memory_space<vmem>>
            %dma_start3A_555 = tpu.memref_squeeze %dma_start3A_554 : memref<1x32xi32, #tpu.memory_space<vmem>> -> memref<32xi32, #tpu.memory_space<vmem>>
            %dma_start3A_556 = arith.constant 0 : i32
            %dma_start3A_557 = arith.constant 0 : i32
            %dma_start3A_558 = tpu.memref_slice %arg25[%dma_start3A_556, %dma_start3A_557] : memref<6416x128xf32, #tpu.memory_space<vmem_shared>> -> memref<6416x128xf32, #tpu.memory_space<vmem_shared>>
            tpu.enqueue_indirect_dma source(%arg18 : memref<32x128xf32, #tpu.memory_space<vmem>>) target(%dma_start3A_558 : memref<6416x128xf32, #tpu.memory_space<vmem_shared>>) offsets(%dma_start3A_555 : memref<32xi32, #tpu.memory_space<vmem>>) semaphore(%arg42 : memref<!tpu.dma_semaphore, #tpu.memory_space<semaphore_mem>>) {add = true}
            %dma_start3A_559 = arith.constant 0 : i32
            %dma_start3A_560 = tpu.memref_slice %arg9[%add3A_493, %dma_start3A_559] : memref<64x32xi32, #tpu.memory_space<vmem>> -> memref<1x32xi32, #tpu.memory_space<vmem>>
            %dma_start3A_561 = tpu.memref_squeeze %dma_start3A_560 : memref<1x32xi32, #tpu.memory_space<vmem>> -> memref<32xi32, #tpu.memory_space<vmem>>
            %dma_start3A_562 = arith.constant 0 : i32
            %dma_start3A_563 = tpu.memref_slice %arg26[%dma_start3A_562] : memref<6416xf32, #tpu.memory_space<vmem_shared>> -> memref<6416xf32, #tpu.memory_space<vmem_shared>>
            tpu.enqueue_indirect_dma source(%arg22 : memref<32xf32, #tpu.memory_space<vmem>>) target(%dma_start3A_563 : memref<6416xf32, #tpu.memory_space<vmem_shared>>) offsets(%dma_start3A_561 : memref<32xi32, #tpu.memory_space<vmem>>) semaphore(%arg37 : memref<!tpu.dma_semaphore, #tpu.memory_space<semaphore_mem>>) {add = true}
          } else {
          }
          %mul3A_504 = arith.constant 8 : i32
          %mul3A_505 = arith.muli %while3A_432, %mul3A_504 : i32
          %add3A_506 = arith.constant 5 : i32
          %add3A_507 = arith.addi %mul3A_505, %add3A_506 : i32
          %add3A_508 = arith.constant 7 : i32
          %add3A_509 = arith.addi %add3A_507, %add3A_508 : i32
          %lt3A_510 = arith.cmpi slt, %add3A_509, %select_n3A : i32
          %convert_element_type3A_511 = arith.extui %lt3A_510 : i1 to i32
          %cond3A_512 = arith.constant 0 : i32
          %cond3A_513 = arith.cmpi ne, %convert_element_type3A_511, %cond3A_512 : i32
          scf.if %cond3A_513 {
            %ge3A = arith.constant 1 : i32
            %ge3A_547 = arith.cmpi sge, %add3A_507, %ge3A : i32
            %convert_element_type3A_548 = arith.extui %ge3A_547 : i1 to i32
            %cond3A_549 = arith.constant 0 : i32
            %cond3A_550 = arith.cmpi ne, %convert_element_type3A_548, %cond3A_549 : i32
            scf.if %cond3A_550 {
              %dma_wait3A_559 = arith.constant 0 : i32
              %dma_wait3A_560 = arith.constant 0 : i32
              %dma_wait3A_561 = tpu.memref_slice %arg2[%dma_wait3A_559, %dma_wait3A_560] : memref<10000x128xf32, #tpu.memory_space<hbm>> -> memref<32x128xf32, #tpu.memory_space<hbm>>
              %dma_wait3A_562 = arith.constant 0 : i32
              %dma_wait3A_563 = arith.constant 0 : i32
              %dma_wait3A_564 = tpu.memref_slice %arg2[%dma_wait3A_562, %dma_wait3A_563] : memref<10000x128xf32, #tpu.memory_space<hbm>> -> memref<32x128xf32, #tpu.memory_space<hbm>>
              tpu.wait_dma2 semaphore(%arg42 : memref<!tpu.dma_semaphore, #tpu.memory_space<semaphore_mem>>) src(%dma_wait3A_564 : memref<32x128xf32, #tpu.memory_space<hbm>>) dst(%arg18 : memref<32x128xf32, #tpu.memory_space<vmem>>)
            } else {
            }
            %add3A_551 = arith.constant 7 : i32
            %add3A_552 = arith.addi %add3A_507, %add3A_551 : i32
            %dma_start3A_553 = arith.constant 0 : i32
            %dma_start3A_554 = tpu.memref_slice %arg8[%add3A_552, %dma_start3A_553] : memref<64x32xi32, #tpu.memory_space<vmem>> -> memref<1x32xi32, #tpu.memory_space<vmem>>
            %dma_start3A_555 = tpu.memref_squeeze %dma_start3A_554 : memref<1x32xi32, #tpu.memory_space<vmem>> -> memref<32xi32, #tpu.memory_space<vmem>>
            %dma_start3A_556 = arith.constant 0 : i32
            %dma_start3A_557 = arith.constant 0 : i32
            %dma_start3A_558 = tpu.memref_slice %arg2[%dma_start3A_556, %dma_start3A_557] : memref<10000x128xf32, #tpu.memory_space<hbm>> -> memref<10000x128xf32, #tpu.memory_space<hbm>>
            tpu.enqueue_indirect_dma source(%dma_start3A_558 : memref<10000x128xf32, #tpu.memory_space<hbm>>) target(%arg18 : memref<32x128xf32, #tpu.memory_space<vmem>>) offsets(%dma_start3A_555 : memref<32xi32, #tpu.memory_space<vmem>>) semaphore(%arg33 : memref<!tpu.dma_semaphore, #tpu.memory_space<semaphore_mem>>)
          } else {
          }
          %lt3A_514 = arith.cmpi slt, %add3A_507, %select_n3A : i32
          %convert_element_type3A_515 = arith.extui %lt3A_514 : i1 to i32
          %cond3A_516 = arith.constant 0 : i32
          %cond3A_517 = arith.cmpi ne, %convert_element_type3A_515, %cond3A_516 : i32
          scf.if %cond3A_517 {
            %dma_wait3A_547 = arith.constant 0 : i32
            %dma_wait3A_548 = arith.constant 0 : i32
            %dma_wait3A_549 = tpu.memref_slice %arg2[%dma_wait3A_547, %dma_wait3A_548] : memref<10000x128xf32, #tpu.memory_space<hbm>> -> memref<32x128xf32, #tpu.memory_space<hbm>>
            %dma_wait3A_550 = arith.constant 0 : i32
            %dma_wait3A_551 = arith.constant 0 : i32
            %dma_wait3A_552 = tpu.memref_slice %arg2[%dma_wait3A_550, %dma_wait3A_551] : memref<10000x128xf32, #tpu.memory_space<hbm>> -> memref<32x128xf32, #tpu.memory_space<hbm>>
            tpu.wait_dma2 semaphore(%arg34 : memref<!tpu.dma_semaphore, #tpu.memory_space<semaphore_mem>>) src(%dma_wait3A_552 : memref<32x128xf32, #tpu.memory_space<hbm>>) dst(%arg19 : memref<32x128xf32, #tpu.memory_space<vmem>>)
            %dma_start3A_553 = arith.constant 0 : i32
            %dma_start3A_554 = tpu.memref_slice %arg9[%add3A_507, %dma_start3A_553] : memref<64x32xi32, #tpu.memory_space<vmem>> -> memref<1x32xi32, #tpu.memory_space<vmem>>
            %dma_start3A_555 = tpu.memref_squeeze %dma_start3A_554 : memref<1x32xi32, #tpu.memory_space<vmem>> -> memref<32xi32, #tpu.memory_space<vmem>>
            %dma_start3A_556 = arith.constant 0 : i32
            %dma_start3A_557 = arith.constant 0 : i32
            %dma_start3A_558 = tpu.memref_slice %arg25[%dma_start3A_556, %dma_start3A_557] : memref<6416x128xf32, #tpu.memory_space<vmem_shared>> -> memref<6416x128xf32, #tpu.memory_space<vmem_shared>>
            tpu.enqueue_indirect_dma source(%arg19 : memref<32x128xf32, #tpu.memory_space<vmem>>) target(%dma_start3A_558 : memref<6416x128xf32, #tpu.memory_space<vmem_shared>>) offsets(%dma_start3A_555 : memref<32xi32, #tpu.memory_space<vmem>>) semaphore(%arg43 : memref<!tpu.dma_semaphore, #tpu.memory_space<semaphore_mem>>) {add = true}
            %dma_start3A_559 = arith.constant 0 : i32
            %dma_start3A_560 = tpu.memref_slice %arg9[%add3A_507, %dma_start3A_559] : memref<64x32xi32, #tpu.memory_space<vmem>> -> memref<1x32xi32, #tpu.memory_space<vmem>>
            %dma_start3A_561 = tpu.memref_squeeze %dma_start3A_560 : memref<1x32xi32, #tpu.memory_space<vmem>> -> memref<32xi32, #tpu.memory_space<vmem>>
            %dma_start3A_562 = arith.constant 0 : i32
            %dma_start3A_563 = tpu.memref_slice %arg26[%dma_start3A_562] : memref<6416xf32, #tpu.memory_space<vmem_shared>> -> memref<6416xf32, #tpu.memory_space<vmem_shared>>
            tpu.enqueue_indirect_dma source(%arg22 : memref<32xf32, #tpu.memory_space<vmem>>) target(%dma_start3A_563 : memref<6416xf32, #tpu.memory_space<vmem_shared>>) offsets(%dma_start3A_561 : memref<32xi32, #tpu.memory_space<vmem>>) semaphore(%arg37 : memref<!tpu.dma_semaphore, #tpu.memory_space<semaphore_mem>>) {add = true}
          } else {
          }
          %mul3A_518 = arith.constant 8 : i32
          %mul3A_519 = arith.muli %while3A_432, %mul3A_518 : i32
          %add3A_520 = arith.constant 6 : i32
          %add3A_521 = arith.addi %mul3A_519, %add3A_520 : i32
          %add3A_522 = arith.constant 7 : i32
          %add3A_523 = arith.addi %add3A_521, %add3A_522 : i32
          %lt3A_524 = arith.cmpi slt, %add3A_523, %select_n3A : i32
          %convert_element_type3A_525 = arith.extui %lt3A_524 : i1 to i32
          %cond3A_526 = arith.constant 0 : i32
          %cond3A_527 = arith.cmpi ne, %convert_element_type3A_525, %cond3A_526 : i32
          scf.if %cond3A_527 {
            %ge3A = arith.constant 1 : i32
            %ge3A_547 = arith.cmpi sge, %add3A_521, %ge3A : i32
            %convert_element_type3A_548 = arith.extui %ge3A_547 : i1 to i32
            %cond3A_549 = arith.constant 0 : i32
            %cond3A_550 = arith.cmpi ne, %convert_element_type3A_548, %cond3A_549 : i32
            scf.if %cond3A_550 {
              %dma_wait3A_559 = arith.constant 0 : i32
              %dma_wait3A_560 = arith.constant 0 : i32
              %dma_wait3A_561 = tpu.memref_slice %arg2[%dma_wait3A_559, %dma_wait3A_560] : memref<10000x128xf32, #tpu.memory_space<hbm>> -> memref<32x128xf32, #tpu.memory_space<hbm>>
              %dma_wait3A_562 = arith.constant 0 : i32
              %dma_wait3A_563 = arith.constant 0 : i32
              %dma_wait3A_564 = tpu.memref_slice %arg2[%dma_wait3A_562, %dma_wait3A_563] : memref<10000x128xf32, #tpu.memory_space<hbm>> -> memref<32x128xf32, #tpu.memory_space<hbm>>
              tpu.wait_dma2 semaphore(%arg43 : memref<!tpu.dma_semaphore, #tpu.memory_space<semaphore_mem>>) src(%dma_wait3A_564 : memref<32x128xf32, #tpu.memory_space<hbm>>) dst(%arg19 : memref<32x128xf32, #tpu.memory_space<vmem>>)
            } else {
            }
            %add3A_551 = arith.constant 7 : i32
            %add3A_552 = arith.addi %add3A_521, %add3A_551 : i32
            %dma_start3A_553 = arith.constant 0 : i32
            %dma_start3A_554 = tpu.memref_slice %arg8[%add3A_552, %dma_start3A_553] : memref<64x32xi32, #tpu.memory_space<vmem>> -> memref<1x32xi32, #tpu.memory_space<vmem>>
            %dma_start3A_555 = tpu.memref_squeeze %dma_start3A_554 : memref<1x32xi32, #tpu.memory_space<vmem>> -> memref<32xi32, #tpu.memory_space<vmem>>
            %dma_start3A_556 = arith.constant 0 : i32
            %dma_start3A_557 = arith.constant 0 : i32
            %dma_start3A_558 = tpu.memref_slice %arg2[%dma_start3A_556, %dma_start3A_557] : memref<10000x128xf32, #tpu.memory_space<hbm>> -> memref<10000x128xf32, #tpu.memory_space<hbm>>
            tpu.enqueue_indirect_dma source(%dma_start3A_558 : memref<10000x128xf32, #tpu.memory_space<hbm>>) target(%arg19 : memref<32x128xf32, #tpu.memory_space<vmem>>) offsets(%dma_start3A_555 : memref<32xi32, #tpu.memory_space<vmem>>) semaphore(%arg34 : memref<!tpu.dma_semaphore, #tpu.memory_space<semaphore_mem>>)
          } else {
          }
          %lt3A_528 = arith.cmpi slt, %add3A_521, %select_n3A : i32
          %convert_element_type3A_529 = arith.extui %lt3A_528 : i1 to i32
          %cond3A_530 = arith.constant 0 : i32
          %cond3A_531 = arith.cmpi ne, %convert_element_type3A_529, %cond3A_530 : i32
          scf.if %cond3A_531 {
            %dma_wait3A_547 = arith.constant 0 : i32
            %dma_wait3A_548 = arith.constant 0 : i32
            %dma_wait3A_549 = tpu.memref_slice %arg2[%dma_wait3A_547, %dma_wait3A_548] : memref<10000x128xf32, #tpu.memory_space<hbm>> -> memref<32x128xf32, #tpu.memory_space<hbm>>
            %dma_wait3A_550 = arith.constant 0 : i32
            %dma_wait3A_551 = arith.constant 0 : i32
            %dma_wait3A_552 = tpu.memref_slice %arg2[%dma_wait3A_550, %dma_wait3A_551] : memref<10000x128xf32, #tpu.memory_space<hbm>> -> memref<32x128xf32, #tpu.memory_space<hbm>>
            tpu.wait_dma2 semaphore(%arg35 : memref<!tpu.dma_semaphore, #tpu.memory_space<semaphore_mem>>) src(%dma_wait3A_552 : memref<32x128xf32, #tpu.memory_space<hbm>>) dst(%arg20 : memref<32x128xf32, #tpu.memory_space<vmem>>)
            %dma_start3A_553 = arith.constant 0 : i32
            %dma_start3A_554 = tpu.memref_slice %arg9[%add3A_521, %dma_start3A_553] : memref<64x32xi32, #tpu.memory_space<vmem>> -> memref<1x32xi32, #tpu.memory_space<vmem>>
            %dma_start3A_555 = tpu.memref_squeeze %dma_start3A_554 : memref<1x32xi32, #tpu.memory_space<vmem>> -> memref<32xi32, #tpu.memory_space<vmem>>
            %dma_start3A_556 = arith.constant 0 : i32
            %dma_start3A_557 = arith.constant 0 : i32
            %dma_start3A_558 = tpu.memref_slice %arg25[%dma_start3A_556, %dma_start3A_557] : memref<6416x128xf32, #tpu.memory_space<vmem_shared>> -> memref<6416x128xf32, #tpu.memory_space<vmem_shared>>
            tpu.enqueue_indirect_dma source(%arg20 : memref<32x128xf32, #tpu.memory_space<vmem>>) target(%dma_start3A_558 : memref<6416x128xf32, #tpu.memory_space<vmem_shared>>) offsets(%dma_start3A_555 : memref<32xi32, #tpu.memory_space<vmem>>) semaphore(%arg44 : memref<!tpu.dma_semaphore, #tpu.memory_space<semaphore_mem>>) {add = true}
            %dma_start3A_559 = arith.constant 0 : i32
            %dma_start3A_560 = tpu.memref_slice %arg9[%add3A_521, %dma_start3A_559] : memref<64x32xi32, #tpu.memory_space<vmem>> -> memref<1x32xi32, #tpu.memory_space<vmem>>
            %dma_start3A_561 = tpu.memref_squeeze %dma_start3A_560 : memref<1x32xi32, #tpu.memory_space<vmem>> -> memref<32xi32, #tpu.memory_space<vmem>>
            %dma_start3A_562 = arith.constant 0 : i32
            %dma_start3A_563 = tpu.memref_slice %arg26[%dma_start3A_562] : memref<6416xf32, #tpu.memory_space<vmem_shared>> -> memref<6416xf32, #tpu.memory_space<vmem_shared>>
            tpu.enqueue_indirect_dma source(%arg22 : memref<32xf32, #tpu.memory_space<vmem>>) target(%dma_start3A_563 : memref<6416xf32, #tpu.memory_space<vmem_shared>>) offsets(%dma_start3A_561 : memref<32xi32, #tpu.memory_space<vmem>>) semaphore(%arg37 : memref<!tpu.dma_semaphore, #tpu.memory_space<semaphore_mem>>) {add = true}
          } else {
          }
          %mul3A_532 = arith.constant 8 : i32
          %mul3A_533 = arith.muli %while3A_432, %mul3A_532 : i32
          %add3A_534 = arith.constant 7 : i32
          %add3A_535 = arith.addi %mul3A_533, %add3A_534 : i32
          %add3A_536 = arith.constant 7 : i32
          %add3A_537 = arith.addi %add3A_535, %add3A_536 : i32
          %lt3A_538 = arith.cmpi slt, %add3A_537, %select_n3A : i32
          %convert_element_type3A_539 = arith.extui %lt3A_538 : i1 to i32
          %cond3A_540 = arith.constant 0 : i32
          %cond3A_541 = arith.cmpi ne, %convert_element_type3A_539, %cond3A_540 : i32
          scf.if %cond3A_541 {
            %ge3A = arith.constant 1 : i32
            %ge3A_547 = arith.cmpi sge, %add3A_535, %ge3A : i32
            %convert_element_type3A_548 = arith.extui %ge3A_547 : i1 to i32
            %cond3A_549 = arith.constant 0 : i32
            %cond3A_550 = arith.cmpi ne, %convert_element_type3A_548, %cond3A_549 : i32
            scf.if %cond3A_550 {
              %dma_wait3A_559 = arith.constant 0 : i32
              %dma_wait3A_560 = arith.constant 0 : i32
              %dma_wait3A_561 = tpu.memref_slice %arg2[%dma_wait3A_559, %dma_wait3A_560] : memref<10000x128xf32, #tpu.memory_space<hbm>> -> memref<32x128xf32, #tpu.memory_space<hbm>>
              %dma_wait3A_562 = arith.constant 0 : i32
              %dma_wait3A_563 = arith.constant 0 : i32
              %dma_wait3A_564 = tpu.memref_slice %arg2[%dma_wait3A_562, %dma_wait3A_563] : memref<10000x128xf32, #tpu.memory_space<hbm>> -> memref<32x128xf32, #tpu.memory_space<hbm>>
              tpu.wait_dma2 semaphore(%arg44 : memref<!tpu.dma_semaphore, #tpu.memory_space<semaphore_mem>>) src(%dma_wait3A_564 : memref<32x128xf32, #tpu.memory_space<hbm>>) dst(%arg20 : memref<32x128xf32, #tpu.memory_space<vmem>>)
            } else {
            }
            %add3A_551 = arith.constant 7 : i32
            %add3A_552 = arith.addi %add3A_535, %add3A_551 : i32
            %dma_start3A_553 = arith.constant 0 : i32
            %dma_start3A_554 = tpu.memref_slice %arg8[%add3A_552, %dma_start3A_553] : memref<64x32xi32, #tpu.memory_space<vmem>> -> memref<1x32xi32, #tpu.memory_space<vmem>>
            %dma_start3A_555 = tpu.memref_squeeze %dma_start3A_554 : memref<1x32xi32, #tpu.memory_space<vmem>> -> memref<32xi32, #tpu.memory_space<vmem>>
            %dma_start3A_556 = arith.constant 0 : i32
            %dma_start3A_557 = arith.constant 0 : i32
            %dma_start3A_558 = tpu.memref_slice %arg2[%dma_start3A_556, %dma_start3A_557] : memref<10000x128xf32, #tpu.memory_space<hbm>> -> memref<10000x128xf32, #tpu.memory_space<hbm>>
            tpu.enqueue_indirect_dma source(%dma_start3A_558 : memref<10000x128xf32, #tpu.memory_space<hbm>>) target(%arg20 : memref<32x128xf32, #tpu.memory_space<vmem>>) offsets(%dma_start3A_555 : memref<32xi32, #tpu.memory_space<vmem>>) semaphore(%arg35 : memref<!tpu.dma_semaphore, #tpu.memory_space<semaphore_mem>>)
          } else {
          }
          %lt3A_542 = arith.cmpi slt, %add3A_535, %select_n3A : i32
          %convert_element_type3A_543 = arith.extui %lt3A_542 : i1 to i32
          %cond3A_544 = arith.constant 0 : i32
          %cond3A_545 = arith.cmpi ne, %convert_element_type3A_543, %cond3A_544 : i32
          scf.if %cond3A_545 {
            %dma_wait3A_547 = arith.constant 0 : i32
            %dma_wait3A_548 = arith.constant 0 : i32
            %dma_wait3A_549 = tpu.memref_slice %arg2[%dma_wait3A_547, %dma_wait3A_548] : memref<10000x128xf32, #tpu.memory_space<hbm>> -> memref<32x128xf32, #tpu.memory_space<hbm>>
            %dma_wait3A_550 = arith.constant 0 : i32
            %dma_wait3A_551 = arith.constant 0 : i32
            %dma_wait3A_552 = tpu.memref_slice %arg2[%dma_wait3A_550, %dma_wait3A_551] : memref<10000x128xf32, #tpu.memory_space<hbm>> -> memref<32x128xf32, #tpu.memory_space<hbm>>
            tpu.wait_dma2 semaphore(%arg36 : memref<!tpu.dma_semaphore, #tpu.memory_space<semaphore_mem>>) src(%dma_wait3A_552 : memref<32x128xf32, #tpu.memory_space<hbm>>) dst(%arg21 : memref<32x128xf32, #tpu.memory_space<vmem>>)
            %dma_start3A_553 = arith.constant 0 : i32
            %dma_start3A_554 = tpu.memref_slice %arg9[%add3A_535, %dma_start3A_553] : memref<64x32xi32, #tpu.memory_space<vmem>> -> memref<1x32xi32, #tpu.memory_space<vmem>>
            %dma_start3A_555 = tpu.memref_squeeze %dma_start3A_554 : memref<1x32xi32, #tpu.memory_space<vmem>> -> memref<32xi32, #tpu.memory_space<vmem>>
            %dma_start3A_556 = arith.constant 0 : i32
            %dma_start3A_557 = arith.constant 0 : i32
            %dma_start3A_558 = tpu.memref_slice %arg25[%dma_start3A_556, %dma_start3A_557] : memref<6416x128xf32, #tpu.memory_space<vmem_shared>> -> memref<6416x128xf32, #tpu.memory_space<vmem_shared>>
            tpu.enqueue_indirect_dma source(%arg21 : memref<32x128xf32, #tpu.memory_space<vmem>>) target(%dma_start3A_558 : memref<6416x128xf32, #tpu.memory_space<vmem_shared>>) offsets(%dma_start3A_555 : memref<32xi32, #tpu.memory_space<vmem>>) semaphore(%arg45 : memref<!tpu.dma_semaphore, #tpu.memory_space<semaphore_mem>>) {add = true}
            %dma_start3A_559 = arith.constant 0 : i32
            %dma_start3A_560 = tpu.memref_slice %arg9[%add3A_535, %dma_start3A_559] : memref<64x32xi32, #tpu.memory_space<vmem>> -> memref<1x32xi32, #tpu.memory_space<vmem>>
            %dma_start3A_561 = tpu.memref_squeeze %dma_start3A_560 : memref<1x32xi32, #tpu.memory_space<vmem>> -> memref<32xi32, #tpu.memory_space<vmem>>
            %dma_start3A_562 = arith.constant 0 : i32
            %dma_start3A_563 = tpu.memref_slice %arg26[%dma_start3A_562] : memref<6416xf32, #tpu.memory_space<vmem_shared>> -> memref<6416xf32, #tpu.memory_space<vmem_shared>>
            tpu.enqueue_indirect_dma source(%arg22 : memref<32xf32, #tpu.memory_space<vmem>>) target(%dma_start3A_563 : memref<6416xf32, #tpu.memory_space<vmem_shared>>) offsets(%dma_start3A_561 : memref<32xi32, #tpu.memory_space<vmem>>) semaphore(%arg37 : memref<!tpu.dma_semaphore, #tpu.memory_space<semaphore_mem>>) {add = true}
          } else {
          }
          %while3A_546 = arith.constant 0 : i32
          scf.yield %while3A_546 : i32
        }
        %while3A_196 = arith.constant 1 : i32
        %while3A_197 = scf.for %while3A_432 = %while3A_193 to %while3A_189 step %while3A_196 iter_args(%while3A_433 = %while3A_195) -> (i32)  : i32 {
          %mul3A_434 = arith.constant 8 : i32
          %mul3A_435 = arith.muli %while3A_432, %mul3A_434 : i32
          %add3A_436 = arith.constant 0 : i32
          %add3A_437 = arith.addi %mul3A_435, %add3A_436 : i32
          %add3A_438 = arith.constant 7 : i32
          %add3A_439 = arith.addi %add3A_437, %add3A_438 : i32
          %lt3A_440 = arith.cmpi slt, %add3A_439, %select_n3A : i32
          %convert_element_type3A_441 = arith.extui %lt3A_440 : i1 to i32
          %cond3A_442 = arith.constant 0 : i32
          %cond3A_443 = arith.cmpi ne, %convert_element_type3A_441, %cond3A_442 : i32
          scf.if %cond3A_443 {
            %ge3A = arith.constant 1 : i32
            %ge3A_547 = arith.cmpi sge, %add3A_437, %ge3A : i32
            %convert_element_type3A_548 = arith.extui %ge3A_547 : i1 to i32
            %cond3A_549 = arith.constant 0 : i32
            %cond3A_550 = arith.cmpi ne, %convert_element_type3A_548, %cond3A_549 : i32
            scf.if %cond3A_550 {
              %dma_wait3A_559 = arith.constant 0 : i32
              %dma_wait3A_560 = arith.constant 0 : i32
              %dma_wait3A_561 = tpu.memref_slice %arg2[%dma_wait3A_559, %dma_wait3A_560] : memref<10000x128xf32, #tpu.memory_space<hbm>> -> memref<32x128xf32, #tpu.memory_space<hbm>>
              %dma_wait3A_562 = arith.constant 0 : i32
              %dma_wait3A_563 = arith.constant 0 : i32
              %dma_wait3A_564 = tpu.memref_slice %arg2[%dma_wait3A_562, %dma_wait3A_563] : memref<10000x128xf32, #tpu.memory_space<hbm>> -> memref<32x128xf32, #tpu.memory_space<hbm>>
              tpu.wait_dma2 semaphore(%arg45 : memref<!tpu.dma_semaphore, #tpu.memory_space<semaphore_mem>>) src(%dma_wait3A_564 : memref<32x128xf32, #tpu.memory_space<hbm>>) dst(%arg21 : memref<32x128xf32, #tpu.memory_space<vmem>>)
            } else {
            }
            %add3A_551 = arith.constant 7 : i32
            %add3A_552 = arith.addi %add3A_437, %add3A_551 : i32
            %dma_start3A_553 = arith.constant 0 : i32
            %dma_start3A_554 = tpu.memref_slice %arg8[%add3A_552, %dma_start3A_553] : memref<64x32xi32, #tpu.memory_space<vmem>> -> memref<1x32xi32, #tpu.memory_space<vmem>>
            %dma_start3A_555 = tpu.memref_squeeze %dma_start3A_554 : memref<1x32xi32, #tpu.memory_space<vmem>> -> memref<32xi32, #tpu.memory_space<vmem>>
            %dma_start3A_556 = arith.constant 0 : i32
            %dma_start3A_557 = arith.constant 0 : i32
            %dma_start3A_558 = tpu.memref_slice %arg2[%dma_start3A_556, %dma_start3A_557] : memref<10000x128xf32, #tpu.memory_space<hbm>> -> memref<10000x128xf32, #tpu.memory_space<hbm>>
            tpu.enqueue_indirect_dma source(%dma_start3A_558 : memref<10000x128xf32, #tpu.memory_space<hbm>>) target(%arg21 : memref<32x128xf32, #tpu.memory_space<vmem>>) offsets(%dma_start3A_555 : memref<32xi32, #tpu.memory_space<vmem>>) semaphore(%arg36 : memref<!tpu.dma_semaphore, #tpu.memory_space<semaphore_mem>>)
          } else {
          }
          %lt3A_444 = arith.cmpi slt, %add3A_437, %select_n3A : i32
          %convert_element_type3A_445 = arith.extui %lt3A_444 : i1 to i32
          %cond3A_446 = arith.constant 0 : i32
          %cond3A_447 = arith.cmpi ne, %convert_element_type3A_445, %cond3A_446 : i32
          scf.if %cond3A_447 {
            %dma_wait3A_547 = arith.constant 0 : i32
            %dma_wait3A_548 = arith.constant 0 : i32
            %dma_wait3A_549 = tpu.memref_slice %arg2[%dma_wait3A_547, %dma_wait3A_548] : memref<10000x128xf32, #tpu.memory_space<hbm>> -> memref<32x128xf32, #tpu.memory_space<hbm>>
            %dma_wait3A_550 = arith.constant 0 : i32
            %dma_wait3A_551 = arith.constant 0 : i32
            %dma_wait3A_552 = tpu.memref_slice %arg2[%dma_wait3A_550, %dma_wait3A_551] : memref<10000x128xf32, #tpu.memory_space<hbm>> -> memref<32x128xf32, #tpu.memory_space<hbm>>
            tpu.wait_dma2 semaphore(%arg29 : memref<!tpu.dma_semaphore, #tpu.memory_space<semaphore_mem>>) src(%dma_wait3A_552 : memref<32x128xf32, #tpu.memory_space<hbm>>) dst(%arg14 : memref<32x128xf32, #tpu.memory_space<vmem>>)
            %dma_start3A_553 = arith.constant 0 : i32
            %dma_start3A_554 = tpu.memref_slice %arg9[%add3A_437, %dma_start3A_553] : memref<64x32xi32, #tpu.memory_space<vmem>> -> memref<1x32xi32, #tpu.memory_space<vmem>>
            %dma_start3A_555 = tpu.memref_squeeze %dma_start3A_554 : memref<1x32xi32, #tpu.memory_space<vmem>> -> memref<32xi32, #tpu.memory_space<vmem>>
            %dma_start3A_556 = arith.constant 0 : i32
            %dma_start3A_557 = arith.constant 0 : i32
            %dma_start3A_558 = tpu.memref_slice %arg25[%dma_start3A_556, %dma_start3A_557] : memref<6416x128xf32, #tpu.memory_space<vmem_shared>> -> memref<6416x128xf32, #tpu.memory_space<vmem_shared>>
            tpu.enqueue_indirect_dma source(%arg14 : memref<32x128xf32, #tpu.memory_space<vmem>>) target(%dma_start3A_558 : memref<6416x128xf32, #tpu.memory_space<vmem_shared>>) offsets(%dma_start3A_555 : memref<32xi32, #tpu.memory_space<vmem>>) semaphore(%arg38 : memref<!tpu.dma_semaphore, #tpu.memory_space<semaphore_mem>>) {add = true}
            %dma_start3A_559 = arith.constant 0 : i32
            %dma_start3A_560 = tpu.memref_slice %arg9[%add3A_437, %dma_start3A_559] : memref<64x32xi32, #tpu.memory_space<vmem>> -> memref<1x32xi32, #tpu.memory_space<vmem>>
            %dma_start3A_561 = tpu.memref_squeeze %dma_start3A_560 : memref<1x32xi32, #tpu.memory_space<vmem>> -> memref<32xi32, #tpu.memory_space<vmem>>
            %dma_start3A_562 = arith.constant 0 : i32
            %dma_start3A_563 = tpu.memref_slice %arg26[%dma_start3A_562] : memref<6416xf32, #tpu.memory_space<vmem_shared>> -> memref<6416xf32, #tpu.memory_space<vmem_shared>>
            tpu.enqueue_indirect_dma source(%arg22 : memref<32xf32, #tpu.memory_space<vmem>>) target(%dma_start3A_563 : memref<6416xf32, #tpu.memory_space<vmem_shared>>) offsets(%dma_start3A_561 : memref<32xi32, #tpu.memory_space<vmem>>) semaphore(%arg37 : memref<!tpu.dma_semaphore, #tpu.memory_space<semaphore_mem>>) {add = true}
          } else {
          }
          %mul3A_448 = arith.constant 8 : i32
          %mul3A_449 = arith.muli %while3A_432, %mul3A_448 : i32
          %add3A_450 = arith.constant 1 : i32
          %add3A_451 = arith.addi %mul3A_449, %add3A_450 : i32
          %add3A_452 = arith.constant 7 : i32
          %add3A_453 = arith.addi %add3A_451, %add3A_452 : i32
          %lt3A_454 = arith.cmpi slt, %add3A_453, %select_n3A : i32
          %convert_element_type3A_455 = arith.extui %lt3A_454 : i1 to i32
          %cond3A_456 = arith.constant 0 : i32
          %cond3A_457 = arith.cmpi ne, %convert_element_type3A_455, %cond3A_456 : i32
          scf.if %cond3A_457 {
            %ge3A = arith.constant 1 : i32
            %ge3A_547 = arith.cmpi sge, %add3A_451, %ge3A : i32
            %convert_element_type3A_548 = arith.extui %ge3A_547 : i1 to i32
            %cond3A_549 = arith.constant 0 : i32
            %cond3A_550 = arith.cmpi ne, %convert_element_type3A_548, %cond3A_549 : i32
            scf.if %cond3A_550 {
              %dma_wait3A_559 = arith.constant 0 : i32
              %dma_wait3A_560 = arith.constant 0 : i32
              %dma_wait3A_561 = tpu.memref_slice %arg2[%dma_wait3A_559, %dma_wait3A_560] : memref<10000x128xf32, #tpu.memory_space<hbm>> -> memref<32x128xf32, #tpu.memory_space<hbm>>
              %dma_wait3A_562 = arith.constant 0 : i32
              %dma_wait3A_563 = arith.constant 0 : i32
              %dma_wait3A_564 = tpu.memref_slice %arg2[%dma_wait3A_562, %dma_wait3A_563] : memref<10000x128xf32, #tpu.memory_space<hbm>> -> memref<32x128xf32, #tpu.memory_space<hbm>>
              tpu.wait_dma2 semaphore(%arg38 : memref<!tpu.dma_semaphore, #tpu.memory_space<semaphore_mem>>) src(%dma_wait3A_564 : memref<32x128xf32, #tpu.memory_space<hbm>>) dst(%arg14 : memref<32x128xf32, #tpu.memory_space<vmem>>)
            } else {
            }
            %add3A_551 = arith.constant 7 : i32
            %add3A_552 = arith.addi %add3A_451, %add3A_551 : i32
            %dma_start3A_553 = arith.constant 0 : i32
            %dma_start3A_554 = tpu.memref_slice %arg8[%add3A_552, %dma_start3A_553] : memref<64x32xi32, #tpu.memory_space<vmem>> -> memref<1x32xi32, #tpu.memory_space<vmem>>
            %dma_start3A_555 = tpu.memref_squeeze %dma_start3A_554 : memref<1x32xi32, #tpu.memory_space<vmem>> -> memref<32xi32, #tpu.memory_space<vmem>>
            %dma_start3A_556 = arith.constant 0 : i32
            %dma_start3A_557 = arith.constant 0 : i32
            %dma_start3A_558 = tpu.memref_slice %arg2[%dma_start3A_556, %dma_start3A_557] : memref<10000x128xf32, #tpu.memory_space<hbm>> -> memref<10000x128xf32, #tpu.memory_space<hbm>>
            tpu.enqueue_indirect_dma source(%dma_start3A_558 : memref<10000x128xf32, #tpu.memory_space<hbm>>) target(%arg14 : memref<32x128xf32, #tpu.memory_space<vmem>>) offsets(%dma_start3A_555 : memref<32xi32, #tpu.memory_space<vmem>>) semaphore(%arg29 : memref<!tpu.dma_semaphore, #tpu.memory_space<semaphore_mem>>)
          } else {
          }
          %lt3A_458 = arith.cmpi slt, %add3A_451, %select_n3A : i32
          %convert_element_type3A_459 = arith.extui %lt3A_458 : i1 to i32
          %cond3A_460 = arith.constant 0 : i32
          %cond3A_461 = arith.cmpi ne, %convert_element_type3A_459, %cond3A_460 : i32
          scf.if %cond3A_461 {
            %dma_wait3A_547 = arith.constant 0 : i32
            %dma_wait3A_548 = arith.constant 0 : i32
            %dma_wait3A_549 = tpu.memref_slice %arg2[%dma_wait3A_547, %dma_wait3A_548] : memref<10000x128xf32, #tpu.memory_space<hbm>> -> memref<32x128xf32, #tpu.memory_space<hbm>>
            %dma_wait3A_550 = arith.constant 0 : i32
            %dma_wait3A_551 = arith.constant 0 : i32
            %dma_wait3A_552 = tpu.memref_slice %arg2[%dma_wait3A_550, %dma_wait3A_551] : memref<10000x128xf32, #tpu.memory_space<hbm>> -> memref<32x128xf32, #tpu.memory_space<hbm>>
            tpu.wait_dma2 semaphore(%arg30 : memref<!tpu.dma_semaphore, #tpu.memory_space<semaphore_mem>>) src(%dma_wait3A_552 : memref<32x128xf32, #tpu.memory_space<hbm>>) dst(%arg15 : memref<32x128xf32, #tpu.memory_space<vmem>>)
            %dma_start3A_553 = arith.constant 0 : i32
            %dma_start3A_554 = tpu.memref_slice %arg9[%add3A_451, %dma_start3A_553] : memref<64x32xi32, #tpu.memory_space<vmem>> -> memref<1x32xi32, #tpu.memory_space<vmem>>
            %dma_start3A_555 = tpu.memref_squeeze %dma_start3A_554 : memref<1x32xi32, #tpu.memory_space<vmem>> -> memref<32xi32, #tpu.memory_space<vmem>>
            %dma_start3A_556 = arith.constant 0 : i32
            %dma_start3A_557 = arith.constant 0 : i32
            %dma_start3A_558 = tpu.memref_slice %arg25[%dma_start3A_556, %dma_start3A_557] : memref<6416x128xf32, #tpu.memory_space<vmem_shared>> -> memref<6416x128xf32, #tpu.memory_space<vmem_shared>>
            tpu.enqueue_indirect_dma source(%arg15 : memref<32x128xf32, #tpu.memory_space<vmem>>) target(%dma_start3A_558 : memref<6416x128xf32, #tpu.memory_space<vmem_shared>>) offsets(%dma_start3A_555 : memref<32xi32, #tpu.memory_space<vmem>>) semaphore(%arg39 : memref<!tpu.dma_semaphore, #tpu.memory_space<semaphore_mem>>) {add = true}
            %dma_start3A_559 = arith.constant 0 : i32
            %dma_start3A_560 = tpu.memref_slice %arg9[%add3A_451, %dma_start3A_559] : memref<64x32xi32, #tpu.memory_space<vmem>> -> memref<1x32xi32, #tpu.memory_space<vmem>>
            %dma_start3A_561 = tpu.memref_squeeze %dma_start3A_560 : memref<1x32xi32, #tpu.memory_space<vmem>> -> memref<32xi32, #tpu.memory_space<vmem>>
            %dma_start3A_562 = arith.constant 0 : i32
            %dma_start3A_563 = tpu.memref_slice %arg26[%dma_start3A_562] : memref<6416xf32, #tpu.memory_space<vmem_shared>> -> memref<6416xf32, #tpu.memory_space<vmem_shared>>
            tpu.enqueue_indirect_dma source(%arg22 : memref<32xf32, #tpu.memory_space<vmem>>) target(%dma_start3A_563 : memref<6416xf32, #tpu.memory_space<vmem_shared>>) offsets(%dma_start3A_561 : memref<32xi32, #tpu.memory_space<vmem>>) semaphore(%arg37 : memref<!tpu.dma_semaphore, #tpu.memory_space<semaphore_mem>>) {add = true}
          } else {
          }
          %mul3A_462 = arith.constant 8 : i32
          %mul3A_463 = arith.muli %while3A_432, %mul3A_462 : i32
          %add3A_464 = arith.constant 2 : i32
          %add3A_465 = arith.addi %mul3A_463, %add3A_464 : i32
          %add3A_466 = arith.constant 7 : i32
          %add3A_467 = arith.addi %add3A_465, %add3A_466 : i32
          %lt3A_468 = arith.cmpi slt, %add3A_467, %select_n3A : i32
          %convert_element_type3A_469 = arith.extui %lt3A_468 : i1 to i32
          %cond3A_470 = arith.constant 0 : i32
          %cond3A_471 = arith.cmpi ne, %convert_element_type3A_469, %cond3A_470 : i32
          scf.if %cond3A_471 {
            %ge3A = arith.constant 1 : i32
            %ge3A_547 = arith.cmpi sge, %add3A_465, %ge3A : i32
            %convert_element_type3A_548 = arith.extui %ge3A_547 : i1 to i32
            %cond3A_549 = arith.constant 0 : i32
            %cond3A_550 = arith.cmpi ne, %convert_element_type3A_548, %cond3A_549 : i32
            scf.if %cond3A_550 {
              %dma_wait3A_559 = arith.constant 0 : i32
              %dma_wait3A_560 = arith.constant 0 : i32
              %dma_wait3A_561 = tpu.memref_slice %arg2[%dma_wait3A_559, %dma_wait3A_560] : memref<10000x128xf32, #tpu.memory_space<hbm>> -> memref<32x128xf32, #tpu.memory_space<hbm>>
              %dma_wait3A_562 = arith.constant 0 : i32
              %dma_wait3A_563 = arith.constant 0 : i32
              %dma_wait3A_564 = tpu.memref_slice %arg2[%dma_wait3A_562, %dma_wait3A_563] : memref<10000x128xf32, #tpu.memory_space<hbm>> -> memref<32x128xf32, #tpu.memory_space<hbm>>
              tpu.wait_dma2 semaphore(%arg39 : memref<!tpu.dma_semaphore, #tpu.memory_space<semaphore_mem>>) src(%dma_wait3A_564 : memref<32x128xf32, #tpu.memory_space<hbm>>) dst(%arg15 : memref<32x128xf32, #tpu.memory_space<vmem>>)
            } else {
            }
            %add3A_551 = arith.constant 7 : i32
            %add3A_552 = arith.addi %add3A_465, %add3A_551 : i32
            %dma_start3A_553 = arith.constant 0 : i32
            %dma_start3A_554 = tpu.memref_slice %arg8[%add3A_552, %dma_start3A_553] : memref<64x32xi32, #tpu.memory_space<vmem>> -> memref<1x32xi32, #tpu.memory_space<vmem>>
            %dma_start3A_555 = tpu.memref_squeeze %dma_start3A_554 : memref<1x32xi32, #tpu.memory_space<vmem>> -> memref<32xi32, #tpu.memory_space<vmem>>
            %dma_start3A_556 = arith.constant 0 : i32
            %dma_start3A_557 = arith.constant 0 : i32
            %dma_start3A_558 = tpu.memref_slice %arg2[%dma_start3A_556, %dma_start3A_557] : memref<10000x128xf32, #tpu.memory_space<hbm>> -> memref<10000x128xf32, #tpu.memory_space<hbm>>
            tpu.enqueue_indirect_dma source(%dma_start3A_558 : memref<10000x128xf32, #tpu.memory_space<hbm>>) target(%arg15 : memref<32x128xf32, #tpu.memory_space<vmem>>) offsets(%dma_start3A_555 : memref<32xi32, #tpu.memory_space<vmem>>) semaphore(%arg30 : memref<!tpu.dma_semaphore, #tpu.memory_space<semaphore_mem>>)
          } else {
          }
          %lt3A_472 = arith.cmpi slt, %add3A_465, %select_n3A : i32
          %convert_element_type3A_473 = arith.extui %lt3A_472 : i1 to i32
          %cond3A_474 = arith.constant 0 : i32
          %cond3A_475 = arith.cmpi ne, %convert_element_type3A_473, %cond3A_474 : i32
          scf.if %cond3A_475 {
            %dma_wait3A_547 = arith.constant 0 : i32
            %dma_wait3A_548 = arith.constant 0 : i32
            %dma_wait3A_549 = tpu.memref_slice %arg2[%dma_wait3A_547, %dma_wait3A_548] : memref<10000x128xf32, #tpu.memory_space<hbm>> -> memref<32x128xf32, #tpu.memory_space<hbm>>
            %dma_wait3A_550 = arith.constant 0 : i32
            %dma_wait3A_551 = arith.constant 0 : i32
            %dma_wait3A_552 = tpu.memref_slice %arg2[%dma_wait3A_550, %dma_wait3A_551] : memref<10000x128xf32, #tpu.memory_space<hbm>> -> memref<32x128xf32, #tpu.memory_space<hbm>>
            tpu.wait_dma2 semaphore(%arg31 : memref<!tpu.dma_semaphore, #tpu.memory_space<semaphore_mem>>) src(%dma_wait3A_552 : memref<32x128xf32, #tpu.memory_space<hbm>>) dst(%arg16 : memref<32x128xf32, #tpu.memory_space<vmem>>)
            %dma_start3A_553 = arith.constant 0 : i32
            %dma_start3A_554 = tpu.memref_slice %arg9[%add3A_465, %dma_start3A_553] : memref<64x32xi32, #tpu.memory_space<vmem>> -> memref<1x32xi32, #tpu.memory_space<vmem>>
            %dma_start3A_555 = tpu.memref_squeeze %dma_start3A_554 : memref<1x32xi32, #tpu.memory_space<vmem>> -> memref<32xi32, #tpu.memory_space<vmem>>
            %dma_start3A_556 = arith.constant 0 : i32
            %dma_start3A_557 = arith.constant 0 : i32
            %dma_start3A_558 = tpu.memref_slice %arg25[%dma_start3A_556, %dma_start3A_557] : memref<6416x128xf32, #tpu.memory_space<vmem_shared>> -> memref<6416x128xf32, #tpu.memory_space<vmem_shared>>
            tpu.enqueue_indirect_dma source(%arg16 : memref<32x128xf32, #tpu.memory_space<vmem>>) target(%dma_start3A_558 : memref<6416x128xf32, #tpu.memory_space<vmem_shared>>) offsets(%dma_start3A_555 : memref<32xi32, #tpu.memory_space<vmem>>) semaphore(%arg40 : memref<!tpu.dma_semaphore, #tpu.memory_space<semaphore_mem>>) {add = true}
            %dma_start3A_559 = arith.constant 0 : i32
            %dma_start3A_560 = tpu.memref_slice %arg9[%add3A_465, %dma_start3A_559] : memref<64x32xi32, #tpu.memory_space<vmem>> -> memref<1x32xi32, #tpu.memory_space<vmem>>
            %dma_start3A_561 = tpu.memref_squeeze %dma_start3A_560 : memref<1x32xi32, #tpu.memory_space<vmem>> -> memref<32xi32, #tpu.memory_space<vmem>>
            %dma_start3A_562 = arith.constant 0 : i32
            %dma_start3A_563 = tpu.memref_slice %arg26[%dma_start3A_562] : memref<6416xf32, #tpu.memory_space<vmem_shared>> -> memref<6416xf32, #tpu.memory_space<vmem_shared>>
            tpu.enqueue_indirect_dma source(%arg22 : memref<32xf32, #tpu.memory_space<vmem>>) target(%dma_start3A_563 : memref<6416xf32, #tpu.memory_space<vmem_shared>>) offsets(%dma_start3A_561 : memref<32xi32, #tpu.memory_space<vmem>>) semaphore(%arg37 : memref<!tpu.dma_semaphore, #tpu.memory_space<semaphore_mem>>) {add = true}
          } else {
          }
          %mul3A_476 = arith.constant 8 : i32
          %mul3A_477 = arith.muli %while3A_432, %mul3A_476 : i32
          %add3A_478 = arith.constant 3 : i32
          %add3A_479 = arith.addi %mul3A_477, %add3A_478 : i32
          %add3A_480 = arith.constant 7 : i32
          %add3A_481 = arith.addi %add3A_479, %add3A_480 : i32
          %lt3A_482 = arith.cmpi slt, %add3A_481, %select_n3A : i32
          %convert_element_type3A_483 = arith.extui %lt3A_482 : i1 to i32
          %cond3A_484 = arith.constant 0 : i32
          %cond3A_485 = arith.cmpi ne, %convert_element_type3A_483, %cond3A_484 : i32
          scf.if %cond3A_485 {
            %ge3A = arith.constant 1 : i32
            %ge3A_547 = arith.cmpi sge, %add3A_479, %ge3A : i32
            %convert_element_type3A_548 = arith.extui %ge3A_547 : i1 to i32
            %cond3A_549 = arith.constant 0 : i32
            %cond3A_550 = arith.cmpi ne, %convert_element_type3A_548, %cond3A_549 : i32
            scf.if %cond3A_550 {
              %dma_wait3A_559 = arith.constant 0 : i32
              %dma_wait3A_560 = arith.constant 0 : i32
              %dma_wait3A_561 = tpu.memref_slice %arg2[%dma_wait3A_559, %dma_wait3A_560] : memref<10000x128xf32, #tpu.memory_space<hbm>> -> memref<32x128xf32, #tpu.memory_space<hbm>>
              %dma_wait3A_562 = arith.constant 0 : i32
              %dma_wait3A_563 = arith.constant 0 : i32
              %dma_wait3A_564 = tpu.memref_slice %arg2[%dma_wait3A_562, %dma_wait3A_563] : memref<10000x128xf32, #tpu.memory_space<hbm>> -> memref<32x128xf32, #tpu.memory_space<hbm>>
              tpu.wait_dma2 semaphore(%arg40 : memref<!tpu.dma_semaphore, #tpu.memory_space<semaphore_mem>>) src(%dma_wait3A_564 : memref<32x128xf32, #tpu.memory_space<hbm>>) dst(%arg16 : memref<32x128xf32, #tpu.memory_space<vmem>>)
            } else {
            }
            %add3A_551 = arith.constant 7 : i32
            %add3A_552 = arith.addi %add3A_479, %add3A_551 : i32
            %dma_start3A_553 = arith.constant 0 : i32
            %dma_start3A_554 = tpu.memref_slice %arg8[%add3A_552, %dma_start3A_553] : memref<64x32xi32, #tpu.memory_space<vmem>> -> memref<1x32xi32, #tpu.memory_space<vmem>>
            %dma_start3A_555 = tpu.memref_squeeze %dma_start3A_554 : memref<1x32xi32, #tpu.memory_space<vmem>> -> memref<32xi32, #tpu.memory_space<vmem>>
            %dma_start3A_556 = arith.constant 0 : i32
            %dma_start3A_557 = arith.constant 0 : i32
            %dma_start3A_558 = tpu.memref_slice %arg2[%dma_start3A_556, %dma_start3A_557] : memref<10000x128xf32, #tpu.memory_space<hbm>> -> memref<10000x128xf32, #tpu.memory_space<hbm>>
            tpu.enqueue_indirect_dma source(%dma_start3A_558 : memref<10000x128xf32, #tpu.memory_space<hbm>>) target(%arg16 : memref<32x128xf32, #tpu.memory_space<vmem>>) offsets(%dma_start3A_555 : memref<32xi32, #tpu.memory_space<vmem>>) semaphore(%arg31 : memref<!tpu.dma_semaphore, #tpu.memory_space<semaphore_mem>>)
          } else {
          }
          %lt3A_486 = arith.cmpi slt, %add3A_479, %select_n3A : i32
          %convert_element_type3A_487 = arith.extui %lt3A_486 : i1 to i32
          %cond3A_488 = arith.constant 0 : i32
          %cond3A_489 = arith.cmpi ne, %convert_element_type3A_487, %cond3A_488 : i32
          scf.if %cond3A_489 {
            %dma_wait3A_547 = arith.constant 0 : i32
            %dma_wait3A_548 = arith.constant 0 : i32
            %dma_wait3A_549 = tpu.memref_slice %arg2[%dma_wait3A_547, %dma_wait3A_548] : memref<10000x128xf32, #tpu.memory_space<hbm>> -> memref<32x128xf32, #tpu.memory_space<hbm>>
            %dma_wait3A_550 = arith.constant 0 : i32
            %dma_wait3A_551 = arith.constant 0 : i32
            %dma_wait3A_552 = tpu.memref_slice %arg2[%dma_wait3A_550, %dma_wait3A_551] : memref<10000x128xf32, #tpu.memory_space<hbm>> -> memref<32x128xf32, #tpu.memory_space<hbm>>
            tpu.wait_dma2 semaphore(%arg32 : memref<!tpu.dma_semaphore, #tpu.memory_space<semaphore_mem>>) src(%dma_wait3A_552 : memref<32x128xf32, #tpu.memory_space<hbm>>) dst(%arg17 : memref<32x128xf32, #tpu.memory_space<vmem>>)
            %dma_start3A_553 = arith.constant 0 : i32
            %dma_start3A_554 = tpu.memref_slice %arg9[%add3A_479, %dma_start3A_553] : memref<64x32xi32, #tpu.memory_space<vmem>> -> memref<1x32xi32, #tpu.memory_space<vmem>>
            %dma_start3A_555 = tpu.memref_squeeze %dma_start3A_554 : memref<1x32xi32, #tpu.memory_space<vmem>> -> memref<32xi32, #tpu.memory_space<vmem>>
            %dma_start3A_556 = arith.constant 0 : i32
            %dma_start3A_557 = arith.constant 0 : i32
            %dma_start3A_558 = tpu.memref_slice %arg25[%dma_start3A_556, %dma_start3A_557] : memref<6416x128xf32, #tpu.memory_space<vmem_shared>> -> memref<6416x128xf32, #tpu.memory_space<vmem_shared>>
            tpu.enqueue_indirect_dma source(%arg17 : memref<32x128xf32, #tpu.memory_space<vmem>>) target(%dma_start3A_558 : memref<6416x128xf32, #tpu.memory_space<vmem_shared>>) offsets(%dma_start3A_555 : memref<32xi32, #tpu.memory_space<vmem>>) semaphore(%arg41 : memref<!tpu.dma_semaphore, #tpu.memory_space<semaphore_mem>>) {add = true}
            %dma_start3A_559 = arith.constant 0 : i32
            %dma_start3A_560 = tpu.memref_slice %arg9[%add3A_479, %dma_start3A_559] : memref<64x32xi32, #tpu.memory_space<vmem>> -> memref<1x32xi32, #tpu.memory_space<vmem>>
            %dma_start3A_561 = tpu.memref_squeeze %dma_start3A_560 : memref<1x32xi32, #tpu.memory_space<vmem>> -> memref<32xi32, #tpu.memory_space<vmem>>
            %dma_start3A_562 = arith.constant 0 : i32
            %dma_start3A_563 = tpu.memref_slice %arg26[%dma_start3A_562] : memref<6416xf32, #tpu.memory_space<vmem_shared>> -> memref<6416xf32, #tpu.memory_space<vmem_shared>>
            tpu.enqueue_indirect_dma source(%arg22 : memref<32xf32, #tpu.memory_space<vmem>>) target(%dma_start3A_563 : memref<6416xf32, #tpu.memory_space<vmem_shared>>) offsets(%dma_start3A_561 : memref<32xi32, #tpu.memory_space<vmem>>) semaphore(%arg37 : memref<!tpu.dma_semaphore, #tpu.memory_space<semaphore_mem>>) {add = true}
          } else {
          }
          %mul3A_490 = arith.constant 8 : i32
          %mul3A_491 = arith.muli %while3A_432, %mul3A_490 : i32
          %add3A_492 = arith.constant 4 : i32
          %add3A_493 = arith.addi %mul3A_491, %add3A_492 : i32
          %add3A_494 = arith.constant 7 : i32
          %add3A_495 = arith.addi %add3A_493, %add3A_494 : i32
          %lt3A_496 = arith.cmpi slt, %add3A_495, %select_n3A : i32
          %convert_element_type3A_497 = arith.extui %lt3A_496 : i1 to i32
          %cond3A_498 = arith.constant 0 : i32
          %cond3A_499 = arith.cmpi ne, %convert_element_type3A_497, %cond3A_498 : i32
          scf.if %cond3A_499 {
            %ge3A = arith.constant 1 : i32
            %ge3A_547 = arith.cmpi sge, %add3A_493, %ge3A : i32
            %convert_element_type3A_548 = arith.extui %ge3A_547 : i1 to i32
            %cond3A_549 = arith.constant 0 : i32
            %cond3A_550 = arith.cmpi ne, %convert_element_type3A_548, %cond3A_549 : i32
            scf.if %cond3A_550 {
              %dma_wait3A_559 = arith.constant 0 : i32
              %dma_wait3A_560 = arith.constant 0 : i32
              %dma_wait3A_561 = tpu.memref_slice %arg2[%dma_wait3A_559, %dma_wait3A_560] : memref<10000x128xf32, #tpu.memory_space<hbm>> -> memref<32x128xf32, #tpu.memory_space<hbm>>
              %dma_wait3A_562 = arith.constant 0 : i32
              %dma_wait3A_563 = arith.constant 0 : i32
              %dma_wait3A_564 = tpu.memref_slice %arg2[%dma_wait3A_562, %dma_wait3A_563] : memref<10000x128xf32, #tpu.memory_space<hbm>> -> memref<32x128xf32, #tpu.memory_space<hbm>>
              tpu.wait_dma2 semaphore(%arg41 : memref<!tpu.dma_semaphore, #tpu.memory_space<semaphore_mem>>) src(%dma_wait3A_564 : memref<32x128xf32, #tpu.memory_space<hbm>>) dst(%arg17 : memref<32x128xf32, #tpu.memory_space<vmem>>)
            } else {
            }
            %add3A_551 = arith.constant 7 : i32
            %add3A_552 = arith.addi %add3A_493, %add3A_551 : i32
            %dma_start3A_553 = arith.constant 0 : i32
            %dma_start3A_554 = tpu.memref_slice %arg8[%add3A_552, %dma_start3A_553] : memref<64x32xi32, #tpu.memory_space<vmem>> -> memref<1x32xi32, #tpu.memory_space<vmem>>
            %dma_start3A_555 = tpu.memref_squeeze %dma_start3A_554 : memref<1x32xi32, #tpu.memory_space<vmem>> -> memref<32xi32, #tpu.memory_space<vmem>>
            %dma_start3A_556 = arith.constant 0 : i32
            %dma_start3A_557 = arith.constant 0 : i32
            %dma_start3A_558 = tpu.memref_slice %arg2[%dma_start3A_556, %dma_start3A_557] : memref<10000x128xf32, #tpu.memory_space<hbm>> -> memref<10000x128xf32, #tpu.memory_space<hbm>>
            tpu.enqueue_indirect_dma source(%dma_start3A_558 : memref<10000x128xf32, #tpu.memory_space<hbm>>) target(%arg17 : memref<32x128xf32, #tpu.memory_space<vmem>>) offsets(%dma_start3A_555 : memref<32xi32, #tpu.memory_space<vmem>>) semaphore(%arg32 : memref<!tpu.dma_semaphore, #tpu.memory_space<semaphore_mem>>)
          } else {
          }
          %lt3A_500 = arith.cmpi slt, %add3A_493, %select_n3A : i32
          %convert_element_type3A_501 = arith.extui %lt3A_500 : i1 to i32
          %cond3A_502 = arith.constant 0 : i32
          %cond3A_503 = arith.cmpi ne, %convert_element_type3A_501, %cond3A_502 : i32
          scf.if %cond3A_503 {
            %dma_wait3A_547 = arith.constant 0 : i32
            %dma_wait3A_548 = arith.constant 0 : i32
            %dma_wait3A_549 = tpu.memref_slice %arg2[%dma_wait3A_547, %dma_wait3A_548] : memref<10000x128xf32, #tpu.memory_space<hbm>> -> memref<32x128xf32, #tpu.memory_space<hbm>>
            %dma_wait3A_550 = arith.constant 0 : i32
            %dma_wait3A_551 = arith.constant 0 : i32
            %dma_wait3A_552 = tpu.memref_slice %arg2[%dma_wait3A_550, %dma_wait3A_551] : memref<10000x128xf32, #tpu.memory_space<hbm>> -> memref<32x128xf32, #tpu.memory_space<hbm>>
            tpu.wait_dma2 semaphore(%arg33 : memref<!tpu.dma_semaphore, #tpu.memory_space<semaphore_mem>>) src(%dma_wait3A_552 : memref<32x128xf32, #tpu.memory_space<hbm>>) dst(%arg18 : memref<32x128xf32, #tpu.memory_space<vmem>>)
            %dma_start3A_553 = arith.constant 0 : i32
            %dma_start3A_554 = tpu.memref_slice %arg9[%add3A_493, %dma_start3A_553] : memref<64x32xi32, #tpu.memory_space<vmem>> -> memref<1x32xi32, #tpu.memory_space<vmem>>
            %dma_start3A_555 = tpu.memref_squeeze %dma_start3A_554 : memref<1x32xi32, #tpu.memory_space<vmem>> -> memref<32xi32, #tpu.memory_space<vmem>>
            %dma_start3A_556 = arith.constant 0 : i32
            %dma_start3A_557 = arith.constant 0 : i32
            %dma_start3A_558 = tpu.memref_slice %arg25[%dma_start3A_556, %dma_start3A_557] : memref<6416x128xf32, #tpu.memory_space<vmem_shared>> -> memref<6416x128xf32, #tpu.memory_space<vmem_shared>>
            tpu.enqueue_indirect_dma source(%arg18 : memref<32x128xf32, #tpu.memory_space<vmem>>) target(%dma_start3A_558 : memref<6416x128xf32, #tpu.memory_space<vmem_shared>>) offsets(%dma_start3A_555 : memref<32xi32, #tpu.memory_space<vmem>>) semaphore(%arg42 : memref<!tpu.dma_semaphore, #tpu.memory_space<semaphore_mem>>) {add = true}
            %dma_start3A_559 = arith.constant 0 : i32
            %dma_start3A_560 = tpu.memref_slice %arg9[%add3A_493, %dma_start3A_559] : memref<64x32xi32, #tpu.memory_space<vmem>> -> memref<1x32xi32, #tpu.memory_space<vmem>>
            %dma_start3A_561 = tpu.memref_squeeze %dma_start3A_560 : memref<1x32xi32, #tpu.memory_space<vmem>> -> memref<32xi32, #tpu.memory_space<vmem>>
            %dma_start3A_562 = arith.constant 0 : i32
            %dma_start3A_563 = tpu.memref_slice %arg26[%dma_start3A_562] : memref<6416xf32, #tpu.memory_space<vmem_shared>> -> memref<6416xf32, #tpu.memory_space<vmem_shared>>
            tpu.enqueue_indirect_dma source(%arg22 : memref<32xf32, #tpu.memory_space<vmem>>) target(%dma_start3A_563 : memref<6416xf32, #tpu.memory_space<vmem_shared>>) offsets(%dma_start3A_561 : memref<32xi32, #tpu.memory_space<vmem>>) semaphore(%arg37 : memref<!tpu.dma_semaphore, #tpu.memory_space<semaphore_mem>>) {add = true}
          } else {
          }
          %mul3A_504 = arith.constant 8 : i32
          %mul3A_505 = arith.muli %while3A_432, %mul3A_504 : i32
          %add3A_506 = arith.constant 5 : i32
          %add3A_507 = arith.addi %mul3A_505, %add3A_506 : i32
          %add3A_508 = arith.constant 7 : i32
          %add3A_509 = arith.addi %add3A_507, %add3A_508 : i32
          %lt3A_510 = arith.cmpi slt, %add3A_509, %select_n3A : i32
          %convert_element_type3A_511 = arith.extui %lt3A_510 : i1 to i32
          %cond3A_512 = arith.constant 0 : i32
          %cond3A_513 = arith.cmpi ne, %convert_element_type3A_511, %cond3A_512 : i32
          scf.if %cond3A_513 {
            %ge3A = arith.constant 1 : i32
            %ge3A_547 = arith.cmpi sge, %add3A_507, %ge3A : i32
            %convert_element_type3A_548 = arith.extui %ge3A_547 : i1 to i32
            %cond3A_549 = arith.constant 0 : i32
            %cond3A_550 = arith.cmpi ne, %convert_element_type3A_548, %cond3A_549 : i32
            scf.if %cond3A_550 {
              %dma_wait3A_559 = arith.constant 0 : i32
              %dma_wait3A_560 = arith.constant 0 : i32
              %dma_wait3A_561 = tpu.memref_slice %arg2[%dma_wait3A_559, %dma_wait3A_560] : memref<10000x128xf32, #tpu.memory_space<hbm>> -> memref<32x128xf32, #tpu.memory_space<hbm>>
              %dma_wait3A_562 = arith.constant 0 : i32
              %dma_wait3A_563 = arith.constant 0 : i32
              %dma_wait3A_564 = tpu.memref_slice %arg2[%dma_wait3A_562, %dma_wait3A_563] : memref<10000x128xf32, #tpu.memory_space<hbm>> -> memref<32x128xf32, #tpu.memory_space<hbm>>
              tpu.wait_dma2 semaphore(%arg42 : memref<!tpu.dma_semaphore, #tpu.memory_space<semaphore_mem>>) src(%dma_wait3A_564 : memref<32x128xf32, #tpu.memory_space<hbm>>) dst(%arg18 : memref<32x128xf32, #tpu.memory_space<vmem>>)
            } else {
            }
            %add3A_551 = arith.constant 7 : i32
            %add3A_552 = arith.addi %add3A_507, %add3A_551 : i32
            %dma_start3A_553 = arith.constant 0 : i32
            %dma_start3A_554 = tpu.memref_slice %arg8[%add3A_552, %dma_start3A_553] : memref<64x32xi32, #tpu.memory_space<vmem>> -> memref<1x32xi32, #tpu.memory_space<vmem>>
            %dma_start3A_555 = tpu.memref_squeeze %dma_start3A_554 : memref<1x32xi32, #tpu.memory_space<vmem>> -> memref<32xi32, #tpu.memory_space<vmem>>
            %dma_start3A_556 = arith.constant 0 : i32
            %dma_start3A_557 = arith.constant 0 : i32
            %dma_start3A_558 = tpu.memref_slice %arg2[%dma_start3A_556, %dma_start3A_557] : memref<10000x128xf32, #tpu.memory_space<hbm>> -> memref<10000x128xf32, #tpu.memory_space<hbm>>
            tpu.enqueue_indirect_dma source(%dma_start3A_558 : memref<10000x128xf32, #tpu.memory_space<hbm>>) target(%arg18 : memref<32x128xf32, #tpu.memory_space<vmem>>) offsets(%dma_start3A_555 : memref<32xi32, #tpu.memory_space<vmem>>) semaphore(%arg33 : memref<!tpu.dma_semaphore, #tpu.memory_space<semaphore_mem>>)
          } else {
          }
          %lt3A_514 = arith.cmpi slt, %add3A_507, %select_n3A : i32
          %convert_element_type3A_515 = arith.extui %lt3A_514 : i1 to i32
          %cond3A_516 = arith.constant 0 : i32
          %cond3A_517 = arith.cmpi ne, %convert_element_type3A_515, %cond3A_516 : i32
          scf.if %cond3A_517 {
            %dma_wait3A_547 = arith.constant 0 : i32
            %dma_wait3A_548 = arith.constant 0 : i32
            %dma_wait3A_549 = tpu.memref_slice %arg2[%dma_wait3A_547, %dma_wait3A_548] : memref<10000x128xf32, #tpu.memory_space<hbm>> -> memref<32x128xf32, #tpu.memory_space<hbm>>
            %dma_wait3A_550 = arith.constant 0 : i32
            %dma_wait3A_551 = arith.constant 0 : i32
            %dma_wait3A_552 = tpu.memref_slice %arg2[%dma_wait3A_550, %dma_wait3A_551] : memref<10000x128xf32, #tpu.memory_space<hbm>> -> memref<32x128xf32, #tpu.memory_space<hbm>>
            tpu.wait_dma2 semaphore(%arg34 : memref<!tpu.dma_semaphore, #tpu.memory_space<semaphore_mem>>) src(%dma_wait3A_552 : memref<32x128xf32, #tpu.memory_space<hbm>>) dst(%arg19 : memref<32x128xf32, #tpu.memory_space<vmem>>)
            %dma_start3A_553 = arith.constant 0 : i32
            %dma_start3A_554 = tpu.memref_slice %arg9[%add3A_507, %dma_start3A_553] : memref<64x32xi32, #tpu.memory_space<vmem>> -> memref<1x32xi32, #tpu.memory_space<vmem>>
            %dma_start3A_555 = tpu.memref_squeeze %dma_start3A_554 : memref<1x32xi32, #tpu.memory_space<vmem>> -> memref<32xi32, #tpu.memory_space<vmem>>
            %dma_start3A_556 = arith.constant 0 : i32
            %dma_start3A_557 = arith.constant 0 : i32
            %dma_start3A_558 = tpu.memref_slice %arg25[%dma_start3A_556, %dma_start3A_557] : memref<6416x128xf32, #tpu.memory_space<vmem_shared>> -> memref<6416x128xf32, #tpu.memory_space<vmem_shared>>
            tpu.enqueue_indirect_dma source(%arg19 : memref<32x128xf32, #tpu.memory_space<vmem>>) target(%dma_start3A_558 : memref<6416x128xf32, #tpu.memory_space<vmem_shared>>) offsets(%dma_start3A_555 : memref<32xi32, #tpu.memory_space<vmem>>) semaphore(%arg43 : memref<!tpu.dma_semaphore, #tpu.memory_space<semaphore_mem>>) {add = true}
            %dma_start3A_559 = arith.constant 0 : i32
            %dma_start3A_560 = tpu.memref_slice %arg9[%add3A_507, %dma_start3A_559] : memref<64x32xi32, #tpu.memory_space<vmem>> -> memref<1x32xi32, #tpu.memory_space<vmem>>
            %dma_start3A_561 = tpu.memref_squeeze %dma_start3A_560 : memref<1x32xi32, #tpu.memory_space<vmem>> -> memref<32xi32, #tpu.memory_space<vmem>>
            %dma_start3A_562 = arith.constant 0 : i32
            %dma_start3A_563 = tpu.memref_slice %arg26[%dma_start3A_562] : memref<6416xf32, #tpu.memory_space<vmem_shared>> -> memref<6416xf32, #tpu.memory_space<vmem_shared>>
            tpu.enqueue_indirect_dma source(%arg22 : memref<32xf32, #tpu.memory_space<vmem>>) target(%dma_start3A_563 : memref<6416xf32, #tpu.memory_space<vmem_shared>>) offsets(%dma_start3A_561 : memref<32xi32, #tpu.memory_space<vmem>>) semaphore(%arg37 : memref<!tpu.dma_semaphore, #tpu.memory_space<semaphore_mem>>) {add = true}
          } else {
          }
          %mul3A_518 = arith.constant 8 : i32
          %mul3A_519 = arith.muli %while3A_432, %mul3A_518 : i32
          %add3A_520 = arith.constant 6 : i32
          %add3A_521 = arith.addi %mul3A_519, %add3A_520 : i32
          %add3A_522 = arith.constant 7 : i32
          %add3A_523 = arith.addi %add3A_521, %add3A_522 : i32
          %lt3A_524 = arith.cmpi slt, %add3A_523, %select_n3A : i32
          %convert_element_type3A_525 = arith.extui %lt3A_524 : i1 to i32
          %cond3A_526 = arith.constant 0 : i32
          %cond3A_527 = arith.cmpi ne, %convert_element_type3A_525, %cond3A_526 : i32
          scf.if %cond3A_527 {
            %ge3A = arith.constant 1 : i32
            %ge3A_547 = arith.cmpi sge, %add3A_521, %ge3A : i32
            %convert_element_type3A_548 = arith.extui %ge3A_547 : i1 to i32
            %cond3A_549 = arith.constant 0 : i32
            %cond3A_550 = arith.cmpi ne, %convert_element_type3A_548, %cond3A_549 : i32
            scf.if %cond3A_550 {
              %dma_wait3A_559 = arith.constant 0 : i32
              %dma_wait3A_560 = arith.constant 0 : i32
              %dma_wait3A_561 = tpu.memref_slice %arg2[%dma_wait3A_559, %dma_wait3A_560] : memref<10000x128xf32, #tpu.memory_space<hbm>> -> memref<32x128xf32, #tpu.memory_space<hbm>>
              %dma_wait3A_562 = arith.constant 0 : i32
              %dma_wait3A_563 = arith.constant 0 : i32
              %dma_wait3A_564 = tpu.memref_slice %arg2[%dma_wait3A_562, %dma_wait3A_563] : memref<10000x128xf32, #tpu.memory_space<hbm>> -> memref<32x128xf32, #tpu.memory_space<hbm>>
              tpu.wait_dma2 semaphore(%arg43 : memref<!tpu.dma_semaphore, #tpu.memory_space<semaphore_mem>>) src(%dma_wait3A_564 : memref<32x128xf32, #tpu.memory_space<hbm>>) dst(%arg19 : memref<32x128xf32, #tpu.memory_space<vmem>>)
            } else {
            }
            %add3A_551 = arith.constant 7 : i32
            %add3A_552 = arith.addi %add3A_521, %add3A_551 : i32
            %dma_start3A_553 = arith.constant 0 : i32
            %dma_start3A_554 = tpu.memref_slice %arg8[%add3A_552, %dma_start3A_553] : memref<64x32xi32, #tpu.memory_space<vmem>> -> memref<1x32xi32, #tpu.memory_space<vmem>>
            %dma_start3A_555 = tpu.memref_squeeze %dma_start3A_554 : memref<1x32xi32, #tpu.memory_space<vmem>> -> memref<32xi32, #tpu.memory_space<vmem>>
            %dma_start3A_556 = arith.constant 0 : i32
            %dma_start3A_557 = arith.constant 0 : i32
            %dma_start3A_558 = tpu.memref_slice %arg2[%dma_start3A_556, %dma_start3A_557] : memref<10000x128xf32, #tpu.memory_space<hbm>> -> memref<10000x128xf32, #tpu.memory_space<hbm>>
            tpu.enqueue_indirect_dma source(%dma_start3A_558 : memref<10000x128xf32, #tpu.memory_space<hbm>>) target(%arg19 : memref<32x128xf32, #tpu.memory_space<vmem>>) offsets(%dma_start3A_555 : memref<32xi32, #tpu.memory_space<vmem>>) semaphore(%arg34 : memref<!tpu.dma_semaphore, #tpu.memory_space<semaphore_mem>>)
          } else {
          }
          %lt3A_528 = arith.cmpi slt, %add3A_521, %select_n3A : i32
          %convert_element_type3A_529 = arith.extui %lt3A_528 : i1 to i32
          %cond3A_530 = arith.constant 0 : i32
          %cond3A_531 = arith.cmpi ne, %convert_element_type3A_529, %cond3A_530 : i32
          scf.if %cond3A_531 {
            %dma_wait3A_547 = arith.constant 0 : i32
            %dma_wait3A_548 = arith.constant 0 : i32
            %dma_wait3A_549 = tpu.memref_slice %arg2[%dma_wait3A_547, %dma_wait3A_548] : memref<10000x128xf32, #tpu.memory_space<hbm>> -> memref<32x128xf32, #tpu.memory_space<hbm>>
            %dma_wait3A_550 = arith.constant 0 : i32
            %dma_wait3A_551 = arith.constant 0 : i32
            %dma_wait3A_552 = tpu.memref_slice %arg2[%dma_wait3A_550, %dma_wait3A_551] : memref<10000x128xf32, #tpu.memory_space<hbm>> -> memref<32x128xf32, #tpu.memory_space<hbm>>
            tpu.wait_dma2 semaphore(%arg35 : memref<!tpu.dma_semaphore, #tpu.memory_space<semaphore_mem>>) src(%dma_wait3A_552 : memref<32x128xf32, #tpu.memory_space<hbm>>) dst(%arg20 : memref<32x128xf32, #tpu.memory_space<vmem>>)
            %dma_start3A_553 = arith.constant 0 : i32
            %dma_start3A_554 = tpu.memref_slice %arg9[%add3A_521, %dma_start3A_553] : memref<64x32xi32, #tpu.memory_space<vmem>> -> memref<1x32xi32, #tpu.memory_space<vmem>>
            %dma_start3A_555 = tpu.memref_squeeze %dma_start3A_554 : memref<1x32xi32, #tpu.memory_space<vmem>> -> memref<32xi32, #tpu.memory_space<vmem>>
            %dma_start3A_556 = arith.constant 0 : i32
            %dma_start3A_557 = arith.constant 0 : i32
            %dma_start3A_558 = tpu.memref_slice %arg25[%dma_start3A_556, %dma_start3A_557] : memref<6416x128xf32, #tpu.memory_space<vmem_shared>> -> memref<6416x128xf32, #tpu.memory_space<vmem_shared>>
            tpu.enqueue_indirect_dma source(%arg20 : memref<32x128xf32, #tpu.memory_space<vmem>>) target(%dma_start3A_558 : memref<6416x128xf32, #tpu.memory_space<vmem_shared>>) offsets(%dma_start3A_555 : memref<32xi32, #tpu.memory_space<vmem>>) semaphore(%arg44 : memref<!tpu.dma_semaphore, #tpu.memory_space<semaphore_mem>>) {add = true}
            %dma_start3A_559 = arith.constant 0 : i32
            %dma_start3A_560 = tpu.memref_slice %arg9[%add3A_521, %dma_start3A_559] : memref<64x32xi32, #tpu.memory_space<vmem>> -> memref<1x32xi32, #tpu.memory_space<vmem>>
            %dma_start3A_561 = tpu.memref_squeeze %dma_start3A_560 : memref<1x32xi32, #tpu.memory_space<vmem>> -> memref<32xi32, #tpu.memory_space<vmem>>
            %dma_start3A_562 = arith.constant 0 : i32
            %dma_start3A_563 = tpu.memref_slice %arg26[%dma_start3A_562] : memref<6416xf32, #tpu.memory_space<vmem_shared>> -> memref<6416xf32, #tpu.memory_space<vmem_shared>>
            tpu.enqueue_indirect_dma source(%arg22 : memref<32xf32, #tpu.memory_space<vmem>>) target(%dma_start3A_563 : memref<6416xf32, #tpu.memory_space<vmem_shared>>) offsets(%dma_start3A_561 : memref<32xi32, #tpu.memory_space<vmem>>) semaphore(%arg37 : memref<!tpu.dma_semaphore, #tpu.memory_space<semaphore_mem>>) {add = true}
          } else {
          }
          %mul3A_532 = arith.constant 8 : i32
          %mul3A_533 = arith.muli %while3A_432, %mul3A_532 : i32
          %add3A_534 = arith.constant 7 : i32
          %add3A_535 = arith.addi %mul3A_533, %add3A_534 : i32
          %add3A_536 = arith.constant 7 : i32
          %add3A_537 = arith.addi %add3A_535, %add3A_536 : i32
          %lt3A_538 = arith.cmpi slt, %add3A_537, %select_n3A : i32
          %convert_element_type3A_539 = arith.extui %lt3A_538 : i1 to i32
          %cond3A_540 = arith.constant 0 : i32
          %cond3A_541 = arith.cmpi ne, %convert_element_type3A_539, %cond3A_540 : i32
          scf.if %cond3A_541 {
            %ge3A = arith.constant 1 : i32
            %ge3A_547 = arith.cmpi sge, %add3A_535, %ge3A : i32
            %convert_element_type3A_548 = arith.extui %ge3A_547 : i1 to i32
            %cond3A_549 = arith.constant 0 : i32
            %cond3A_550 = arith.cmpi ne, %convert_element_type3A_548, %cond3A_549 : i32
            scf.if %cond3A_550 {
              %dma_wait3A_559 = arith.constant 0 : i32
              %dma_wait3A_560 = arith.constant 0 : i32
              %dma_wait3A_561 = tpu.memref_slice %arg2[%dma_wait3A_559, %dma_wait3A_560] : memref<10000x128xf32, #tpu.memory_space<hbm>> -> memref<32x128xf32, #tpu.memory_space<hbm>>
              %dma_wait3A_562 = arith.constant 0 : i32
              %dma_wait3A_563 = arith.constant 0 : i32
              %dma_wait3A_564 = tpu.memref_slice %arg2[%dma_wait3A_562, %dma_wait3A_563] : memref<10000x128xf32, #tpu.memory_space<hbm>> -> memref<32x128xf32, #tpu.memory_space<hbm>>
              tpu.wait_dma2 semaphore(%arg44 : memref<!tpu.dma_semaphore, #tpu.memory_space<semaphore_mem>>) src(%dma_wait3A_564 : memref<32x128xf32, #tpu.memory_space<hbm>>) dst(%arg20 : memref<32x128xf32, #tpu.memory_space<vmem>>)
            } else {
            }
            %add3A_551 = arith.constant 7 : i32
            %add3A_552 = arith.addi %add3A_535, %add3A_551 : i32
            %dma_start3A_553 = arith.constant 0 : i32
            %dma_start3A_554 = tpu.memref_slice %arg8[%add3A_552, %dma_start3A_553] : memref<64x32xi32, #tpu.memory_space<vmem>> -> memref<1x32xi32, #tpu.memory_space<vmem>>
            %dma_start3A_555 = tpu.memref_squeeze %dma_start3A_554 : memref<1x32xi32, #tpu.memory_space<vmem>> -> memref<32xi32, #tpu.memory_space<vmem>>
            %dma_start3A_556 = arith.constant 0 : i32
            %dma_start3A_557 = arith.constant 0 : i32
            %dma_start3A_558 = tpu.memref_slice %arg2[%dma_start3A_556, %dma_start3A_557] : memref<10000x128xf32, #tpu.memory_space<hbm>> -> memref<10000x128xf32, #tpu.memory_space<hbm>>
            tpu.enqueue_indirect_dma source(%dma_start3A_558 : memref<10000x128xf32, #tpu.memory_space<hbm>>) target(%arg20 : memref<32x128xf32, #tpu.memory_space<vmem>>) offsets(%dma_start3A_555 : memref<32xi32, #tpu.memory_space<vmem>>) semaphore(%arg35 : memref<!tpu.dma_semaphore, #tpu.memory_space<semaphore_mem>>)
          } else {
          }
          %lt3A_542 = arith.cmpi slt, %add3A_535, %select_n3A : i32
          %convert_element_type3A_543 = arith.extui %lt3A_542 : i1 to i32
          %cond3A_544 = arith.constant 0 : i32
          %cond3A_545 = arith.cmpi ne, %convert_element_type3A_543, %cond3A_544 : i32
          scf.if %cond3A_545 {
            %dma_wait3A_547 = arith.constant 0 : i32
            %dma_wait3A_548 = arith.constant 0 : i32
            %dma_wait3A_549 = tpu.memref_slice %arg2[%dma_wait3A_547, %dma_wait3A_548] : memref<10000x128xf32, #tpu.memory_space<hbm>> -> memref<32x128xf32, #tpu.memory_space<hbm>>
            %dma_wait3A_550 = arith.constant 0 : i32
            %dma_wait3A_551 = arith.constant 0 : i32
            %dma_wait3A_552 = tpu.memref_slice %arg2[%dma_wait3A_550, %dma_wait3A_551] : memref<10000x128xf32, #tpu.memory_space<hbm>> -> memref<32x128xf32, #tpu.memory_space<hbm>>
            tpu.wait_dma2 semaphore(%arg36 : memref<!tpu.dma_semaphore, #tpu.memory_space<semaphore_mem>>) src(%dma_wait3A_552 : memref<32x128xf32, #tpu.memory_space<hbm>>) dst(%arg21 : memref<32x128xf32, #tpu.memory_space<vmem>>)
            %dma_start3A_553 = arith.constant 0 : i32
            %dma_start3A_554 = tpu.memref_slice %arg9[%add3A_535, %dma_start3A_553] : memref<64x32xi32, #tpu.memory_space<vmem>> -> memref<1x32xi32, #tpu.memory_space<vmem>>
            %dma_start3A_555 = tpu.memref_squeeze %dma_start3A_554 : memref<1x32xi32, #tpu.memory_space<vmem>> -> memref<32xi32, #tpu.memory_space<vmem>>
            %dma_start3A_556 = arith.constant 0 : i32
            %dma_start3A_557 = arith.constant 0 : i32
            %dma_start3A_558 = tpu.memref_slice %arg25[%dma_start3A_556, %dma_start3A_557] : memref<6416x128xf32, #tpu.memory_space<vmem_shared>> -> memref<6416x128xf32, #tpu.memory_space<vmem_shared>>
            tpu.enqueue_indirect_dma source(%arg21 : memref<32x128xf32, #tpu.memory_space<vmem>>) target(%dma_start3A_558 : memref<6416x128xf32, #tpu.memory_space<vmem_shared>>) offsets(%dma_start3A_555 : memref<32xi32, #tpu.memory_space<vmem>>) semaphore(%arg45 : memref<!tpu.dma_semaphore, #tpu.memory_space<semaphore_mem>>) {add = true}
            %dma_start3A_559 = arith.constant 0 : i32
            %dma_start3A_560 = tpu.memref_slice %arg9[%add3A_535, %dma_start3A_559] : memref<64x32xi32, #tpu.memory_space<vmem>> -> memref<1x32xi32, #tpu.memory_space<vmem>>
            %dma_start3A_561 = tpu.memref_squeeze %dma_start3A_560 : memref<1x32xi32, #tpu.memory_space<vmem>> -> memref<32xi32, #tpu.memory_space<vmem>>
            %dma_start3A_562 = arith.constant 0 : i32
            %dma_start3A_563 = tpu.memref_slice %arg26[%dma_start3A_562] : memref<6416xf32, #tpu.memory_space<vmem_shared>> -> memref<6416xf32, #tpu.memory_space<vmem_shared>>
            tpu.enqueue_indirect_dma source(%arg22 : memref<32xf32, #tpu.memory_space<vmem>>) target(%dma_start3A_563 : memref<6416xf32, #tpu.memory_space<vmem_shared>>) offsets(%dma_start3A_561 : memref<32xi32, #tpu.memory_space<vmem>>) semaphore(%arg37 : memref<!tpu.dma_semaphore, #tpu.memory_space<semaphore_mem>>) {add = true}
          } else {
          }
          %while3A_546 = arith.constant 0 : i32
          scf.yield %while3A_546 : i32
        }
        %gt3A_198 = arith.constant 0 : i32
        %gt3A_199 = arith.cmpi sgt, %select_n3A, %gt3A_198 : i32
        %convert_element_type3A_200 = arith.extui %gt3A_199 : i1 to i32
        %cond3A_201 = arith.constant 0 : i32
        %cond3A_202 = arith.cmpi ne, %convert_element_type3A_200, %cond3A_201 : i32
        scf.if %cond3A_202 {
          %dma_wait3A_432 = arith.constant 0 : i32
          %dma_wait3A_433 = arith.constant 0 : i32
          %dma_wait3A_434 = tpu.memref_slice %arg2[%dma_wait3A_432, %dma_wait3A_433] : memref<10000x128xf32, #tpu.memory_space<hbm>> -> memref<32x128xf32, #tpu.memory_space<hbm>>
          %dma_wait3A_435 = arith.constant 0 : i32
          %dma_wait3A_436 = arith.constant 0 : i32
          %dma_wait3A_437 = tpu.memref_slice %arg2[%dma_wait3A_435, %dma_wait3A_436] : memref<10000x128xf32, #tpu.memory_space<hbm>> -> memref<32x128xf32, #tpu.memory_space<hbm>>
          tpu.wait_dma2 semaphore(%arg38 : memref<!tpu.dma_semaphore, #tpu.memory_space<semaphore_mem>>) src(%dma_wait3A_437 : memref<32x128xf32, #tpu.memory_space<hbm>>) dst(%arg14 : memref<32x128xf32, #tpu.memory_space<vmem>>)
        } else {
        }
        %gt3A_203 = arith.constant 1 : i32
        %gt3A_204 = arith.cmpi sgt, %select_n3A, %gt3A_203 : i32
        %convert_element_type3A_205 = arith.extui %gt3A_204 : i1 to i32
        %cond3A_206 = arith.constant 0 : i32
        %cond3A_207 = arith.cmpi ne, %convert_element_type3A_205, %cond3A_206 : i32
        scf.if %cond3A_207 {
          %dma_wait3A_432 = arith.constant 0 : i32
          %dma_wait3A_433 = arith.constant 0 : i32
          %dma_wait3A_434 = tpu.memref_slice %arg2[%dma_wait3A_432, %dma_wait3A_433] : memref<10000x128xf32, #tpu.memory_space<hbm>> -> memref<32x128xf32, #tpu.memory_space<hbm>>
          %dma_wait3A_435 = arith.constant 0 : i32
          %dma_wait3A_436 = arith.constant 0 : i32
          %dma_wait3A_437 = tpu.memref_slice %arg2[%dma_wait3A_435, %dma_wait3A_436] : memref<10000x128xf32, #tpu.memory_space<hbm>> -> memref<32x128xf32, #tpu.memory_space<hbm>>
          tpu.wait_dma2 semaphore(%arg39 : memref<!tpu.dma_semaphore, #tpu.memory_space<semaphore_mem>>) src(%dma_wait3A_437 : memref<32x128xf32, #tpu.memory_space<hbm>>) dst(%arg15 : memref<32x128xf32, #tpu.memory_space<vmem>>)
        } else {
        }
        %gt3A_208 = arith.constant 2 : i32
        %gt3A_209 = arith.cmpi sgt, %select_n3A, %gt3A_208 : i32
        %convert_element_type3A_210 = arith.extui %gt3A_209 : i1 to i32
        %cond3A_211 = arith.constant 0 : i32
        %cond3A_212 = arith.cmpi ne, %convert_element_type3A_210, %cond3A_211 : i32
        scf.if %cond3A_212 {
          %dma_wait3A_432 = arith.constant 0 : i32
          %dma_wait3A_433 = arith.constant 0 : i32
          %dma_wait3A_434 = tpu.memref_slice %arg2[%dma_wait3A_432, %dma_wait3A_433] : memref<10000x128xf32, #tpu.memory_space<hbm>> -> memref<32x128xf32, #tpu.memory_space<hbm>>
          %dma_wait3A_435 = arith.constant 0 : i32
          %dma_wait3A_436 = arith.constant 0 : i32
          %dma_wait3A_437 = tpu.memref_slice %arg2[%dma_wait3A_435, %dma_wait3A_436] : memref<10000x128xf32, #tpu.memory_space<hbm>> -> memref<32x128xf32, #tpu.memory_space<hbm>>
          tpu.wait_dma2 semaphore(%arg40 : memref<!tpu.dma_semaphore, #tpu.memory_space<semaphore_mem>>) src(%dma_wait3A_437 : memref<32x128xf32, #tpu.memory_space<hbm>>) dst(%arg16 : memref<32x128xf32, #tpu.memory_space<vmem>>)
        } else {
        }
        %gt3A_213 = arith.constant 3 : i32
        %gt3A_214 = arith.cmpi sgt, %select_n3A, %gt3A_213 : i32
        %convert_element_type3A_215 = arith.extui %gt3A_214 : i1 to i32
        %cond3A_216 = arith.constant 0 : i32
        %cond3A_217 = arith.cmpi ne, %convert_element_type3A_215, %cond3A_216 : i32
        scf.if %cond3A_217 {
          %dma_wait3A_432 = arith.constant 0 : i32
          %dma_wait3A_433 = arith.constant 0 : i32
          %dma_wait3A_434 = tpu.memref_slice %arg2[%dma_wait3A_432, %dma_wait3A_433] : memref<10000x128xf32, #tpu.memory_space<hbm>> -> memref<32x128xf32, #tpu.memory_space<hbm>>
          %dma_wait3A_435 = arith.constant 0 : i32
          %dma_wait3A_436 = arith.constant 0 : i32
          %dma_wait3A_437 = tpu.memref_slice %arg2[%dma_wait3A_435, %dma_wait3A_436] : memref<10000x128xf32, #tpu.memory_space<hbm>> -> memref<32x128xf32, #tpu.memory_space<hbm>>
          tpu.wait_dma2 semaphore(%arg41 : memref<!tpu.dma_semaphore, #tpu.memory_space<semaphore_mem>>) src(%dma_wait3A_437 : memref<32x128xf32, #tpu.memory_space<hbm>>) dst(%arg17 : memref<32x128xf32, #tpu.memory_space<vmem>>)
        } else {
        }
        %gt3A_218 = arith.constant 4 : i32
        %gt3A_219 = arith.cmpi sgt, %select_n3A, %gt3A_218 : i32
        %convert_element_type3A_220 = arith.extui %gt3A_219 : i1 to i32
        %cond3A_221 = arith.constant 0 : i32
        %cond3A_222 = arith.cmpi ne, %convert_element_type3A_220, %cond3A_221 : i32
        scf.if %cond3A_222 {
          %dma_wait3A_432 = arith.constant 0 : i32
          %dma_wait3A_433 = arith.constant 0 : i32
          %dma_wait3A_434 = tpu.memref_slice %arg2[%dma_wait3A_432, %dma_wait3A_433] : memref<10000x128xf32, #tpu.memory_space<hbm>> -> memref<32x128xf32, #tpu.memory_space<hbm>>
          %dma_wait3A_435 = arith.constant 0 : i32
          %dma_wait3A_436 = arith.constant 0 : i32
          %dma_wait3A_437 = tpu.memref_slice %arg2[%dma_wait3A_435, %dma_wait3A_436] : memref<10000x128xf32, #tpu.memory_space<hbm>> -> memref<32x128xf32, #tpu.memory_space<hbm>>
          tpu.wait_dma2 semaphore(%arg42 : memref<!tpu.dma_semaphore, #tpu.memory_space<semaphore_mem>>) src(%dma_wait3A_437 : memref<32x128xf32, #tpu.memory_space<hbm>>) dst(%arg18 : memref<32x128xf32, #tpu.memory_space<vmem>>)
        } else {
        }
        %gt3A_223 = arith.constant 5 : i32
        %gt3A_224 = arith.cmpi sgt, %select_n3A, %gt3A_223 : i32
        %convert_element_type3A_225 = arith.extui %gt3A_224 : i1 to i32
        %cond3A_226 = arith.constant 0 : i32
        %cond3A_227 = arith.cmpi ne, %convert_element_type3A_225, %cond3A_226 : i32
        scf.if %cond3A_227 {
          %dma_wait3A_432 = arith.constant 0 : i32
          %dma_wait3A_433 = arith.constant 0 : i32
          %dma_wait3A_434 = tpu.memref_slice %arg2[%dma_wait3A_432, %dma_wait3A_433] : memref<10000x128xf32, #tpu.memory_space<hbm>> -> memref<32x128xf32, #tpu.memory_space<hbm>>
          %dma_wait3A_435 = arith.constant 0 : i32
          %dma_wait3A_436 = arith.constant 0 : i32
          %dma_wait3A_437 = tpu.memref_slice %arg2[%dma_wait3A_435, %dma_wait3A_436] : memref<10000x128xf32, #tpu.memory_space<hbm>> -> memref<32x128xf32, #tpu.memory_space<hbm>>
          tpu.wait_dma2 semaphore(%arg43 : memref<!tpu.dma_semaphore, #tpu.memory_space<semaphore_mem>>) src(%dma_wait3A_437 : memref<32x128xf32, #tpu.memory_space<hbm>>) dst(%arg19 : memref<32x128xf32, #tpu.memory_space<vmem>>)
        } else {
        }
        %gt3A_228 = arith.constant 6 : i32
        %gt3A_229 = arith.cmpi sgt, %select_n3A, %gt3A_228 : i32
        %convert_element_type3A_230 = arith.extui %gt3A_229 : i1 to i32
        %cond3A_231 = arith.constant 0 : i32
        %cond3A_232 = arith.cmpi ne, %convert_element_type3A_230, %cond3A_231 : i32
        scf.if %cond3A_232 {
          %dma_wait3A_432 = arith.constant 0 : i32
          %dma_wait3A_433 = arith.constant 0 : i32
          %dma_wait3A_434 = tpu.memref_slice %arg2[%dma_wait3A_432, %dma_wait3A_433] : memref<10000x128xf32, #tpu.memory_space<hbm>> -> memref<32x128xf32, #tpu.memory_space<hbm>>
          %dma_wait3A_435 = arith.constant 0 : i32
          %dma_wait3A_436 = arith.constant 0 : i32
          %dma_wait3A_437 = tpu.memref_slice %arg2[%dma_wait3A_435, %dma_wait3A_436] : memref<10000x128xf32, #tpu.memory_space<hbm>> -> memref<32x128xf32, #tpu.memory_space<hbm>>
          tpu.wait_dma2 semaphore(%arg44 : memref<!tpu.dma_semaphore, #tpu.memory_space<semaphore_mem>>) src(%dma_wait3A_437 : memref<32x128xf32, #tpu.memory_space<hbm>>) dst(%arg20 : memref<32x128xf32, #tpu.memory_space<vmem>>)
        } else {
        }
        %gt3A_233 = arith.constant 7 : i32
        %gt3A_234 = arith.cmpi sgt, %select_n3A, %gt3A_233 : i32
        %convert_element_type3A_235 = arith.extui %gt3A_234 : i1 to i32
        %cond3A_236 = arith.constant 0 : i32
        %cond3A_237 = arith.cmpi ne, %convert_element_type3A_235, %cond3A_236 : i32
        scf.if %cond3A_237 {
          %dma_wait3A_432 = arith.constant 0 : i32
          %dma_wait3A_433 = arith.constant 0 : i32
          %dma_wait3A_434 = tpu.memref_slice %arg2[%dma_wait3A_432, %dma_wait3A_433] : memref<10000x128xf32, #tpu.memory_space<hbm>> -> memref<32x128xf32, #tpu.memory_space<hbm>>
          %dma_wait3A_435 = arith.constant 0 : i32
          %dma_wait3A_436 = arith.constant 0 : i32
          %dma_wait3A_437 = tpu.memref_slice %arg2[%dma_wait3A_435, %dma_wait3A_436] : memref<10000x128xf32, #tpu.memory_space<hbm>> -> memref<32x128xf32, #tpu.memory_space<hbm>>
          tpu.wait_dma2 semaphore(%arg45 : memref<!tpu.dma_semaphore, #tpu.memory_space<semaphore_mem>>) src(%dma_wait3A_437 : memref<32x128xf32, #tpu.memory_space<hbm>>) dst(%arg21 : memref<32x128xf32, #tpu.memory_space<vmem>>)
        } else {
        }
        %while3A_238 = arith.constant 0 : i32
        %while3A_239 = arith.constant 0 : i32
        %while3A_240 = arith.subi %select_n3A, %while3A_238 : i32
        %while3A_241 = arith.addi %while3A_238, %while3A_240 : i32
        %while3A_242 = arith.constant 1 : i32
        %while3A_243 = arith.divsi %while3A_240, %while3A_242 : i32
        %while3A_244 = arith.muli %while3A_243, %while3A_242 : i32
        %while3A_245 = arith.addi %while3A_238, %while3A_244 : i32
        %while3A_246 = arith.constant 1 : i32
        %while3A_247 = scf.for %while3A_432 = %while3A_238 to %while3A_245 step %while3A_246 iter_args(%while3A_433 = %while3A_239) -> (i32)  : i32 {
          %dma_wait3A_434 = arith.constant 0 : i32
          %dma_wait3A_435 = arith.constant 0 : i32
          %dma_wait3A_436 = tpu.memref_slice %arg2[%dma_wait3A_434, %dma_wait3A_435] : memref<10000x128xf32, #tpu.memory_space<hbm>> -> memref<1x32xf32, #tpu.memory_space<hbm>>
          %dma_wait3A_437 = tpu.memref_squeeze %dma_wait3A_436 : memref<1x32xf32, #tpu.memory_space<hbm>> -> memref<32xf32, #tpu.memory_space<hbm>>
          %dma_wait3A_438 = arith.constant 0 : i32
          %dma_wait3A_439 = tpu.memref_slice %arg2[%dma_wait3A_434, %dma_wait3A_438] : memref<10000x128xf32, #tpu.memory_space<hbm>> -> memref<1x32xf32, #tpu.memory_space<hbm>>
          %dma_wait3A_440 = tpu.memref_squeeze %dma_wait3A_439 : memref<1x32xf32, #tpu.memory_space<hbm>> -> memref<32xf32, #tpu.memory_space<hbm>>
          tpu.wait_dma2 semaphore(%arg37 : memref<!tpu.dma_semaphore, #tpu.memory_space<semaphore_mem>>) src(%dma_wait3A_440 : memref<32xf32, #tpu.memory_space<hbm>>) dst(%arg22 : memref<32xf32, #tpu.memory_space<vmem>>)
          %while3A_441 = arith.constant 0 : i32
          scf.yield %while3A_441 : i32
        }
        %while3A_248 = arith.constant 1 : i32
        %while3A_249 = scf.for %while3A_432 = %while3A_245 to %while3A_241 step %while3A_248 iter_args(%while3A_433 = %while3A_247) -> (i32)  : i32 {
          %dma_wait3A_434 = arith.constant 0 : i32
          %dma_wait3A_435 = arith.constant 0 : i32
          %dma_wait3A_436 = tpu.memref_slice %arg2[%dma_wait3A_434, %dma_wait3A_435] : memref<10000x128xf32, #tpu.memory_space<hbm>> -> memref<1x32xf32, #tpu.memory_space<hbm>>
          %dma_wait3A_437 = tpu.memref_squeeze %dma_wait3A_436 : memref<1x32xf32, #tpu.memory_space<hbm>> -> memref<32xf32, #tpu.memory_space<hbm>>
          %dma_wait3A_438 = arith.constant 0 : i32
          %dma_wait3A_439 = tpu.memref_slice %arg2[%dma_wait3A_434, %dma_wait3A_438] : memref<10000x128xf32, #tpu.memory_space<hbm>> -> memref<1x32xf32, #tpu.memory_space<hbm>>
          %dma_wait3A_440 = tpu.memref_squeeze %dma_wait3A_439 : memref<1x32xf32, #tpu.memory_space<hbm>> -> memref<32xf32, #tpu.memory_space<hbm>>
          tpu.wait_dma2 semaphore(%arg37 : memref<!tpu.dma_semaphore, #tpu.memory_space<semaphore_mem>>) src(%dma_wait3A_440 : memref<32xf32, #tpu.memory_space<hbm>>) dst(%arg22 : memref<32xf32, #tpu.memory_space<vmem>>)
          %while3A_441 = arith.constant 0 : i32
          scf.yield %while3A_441 : i32
        }
        %dma_wait3A_250 = arith.constant 0 : i32
        %dma_wait3A_251 = tpu.memref_slice %arg4[%dma_wait3A_250] : memref<320000xi32, #tpu.memory_space<hbm>> -> memref<2000xi32, #tpu.memory_space<hbm>>
        %dma_wait3A_252 = arith.constant 0 : i32
        %dma_wait3A_253 = tpu.memref_slice %arg4[%dma_wait3A_252] : memref<320000xi32, #tpu.memory_space<hbm>> -> memref<2000xi32, #tpu.memory_space<hbm>>
        tpu.wait_dma2 semaphore(%arg28 : memref<!tpu.dma_semaphore, #tpu.memory_space<semaphore_mem>>) src(%dma_wait3A_253 : memref<2000xi32, #tpu.memory_space<hbm>>) dst(%arg13 : memref<2000xi32, #tpu.memory_space<vmem>>)
        %dma_wait3A_254 = arith.constant 0 : i32
        %dma_wait3A_255 = tpu.memref_slice %arg3[%dma_wait3A_254] : memref<320000xi32, #tpu.memory_space<hbm>> -> memref<2000xi32, #tpu.memory_space<hbm>>
        %dma_wait3A_256 = arith.constant 0 : i32
        %dma_wait3A_257 = tpu.memref_slice %arg3[%dma_wait3A_256] : memref<320000xi32, #tpu.memory_space<hbm>> -> memref<2000xi32, #tpu.memory_space<hbm>>
        tpu.wait_dma2 semaphore(%arg28 : memref<!tpu.dma_semaphore, #tpu.memory_space<semaphore_mem>>) src(%dma_wait3A_257 : memref<2000xi32, #tpu.memory_space<hbm>>) dst(%arg11 : memref<2000xi32, #tpu.memory_space<vmem>>)
        %add3A_258 = arith.constant 1 : i32
        %add3A_259 = arith.addi %scan3A_71, %add3A_258 : i32
        %lt3A = arith.constant 5 : i32
        %lt3A_260 = arith.cmpi slt, %add3A_259, %lt3A : i32
        %convert_element_type3A_261 = arith.extui %lt3A_260 : i1 to i32
        %cond3A_262 = arith.constant 0 : i32
        %cond3A_263 = arith.cmpi ne, %convert_element_type3A_261, %cond3A_262 : i32
        scf.if %cond3A_263 {
          %mul3A_432 = arith.constant 2 : i32
          %mul3A_433 = arith.muli %mul3A_432, %scan3A_71 : i32
          %add3A_434 = arith.constant 2 : i32
          %add3A_435 = arith.addi %mul3A_433, %add3A_434 : i32
          %mul3A_436 = arith.constant 20000 : i32
          %mul3A_437 = arith.muli %arg1, %mul3A_436 : i32
          %mul3A_438 = arith.constant 2000 : i32
          %mul3A_439 = arith.muli %add3A_435, %mul3A_438 : i32
          %add3A_440 = arith.addi %mul3A_437, %mul3A_439 : i32
          %multiple_of3A_441 = tpu.assume_multiple %add3A_440, 8 : i32
          %dma_start3A_442 = tpu.memref_slice %arg4[%multiple_of3A_441] : memref<320000xi32, #tpu.memory_space<hbm>> -> memref<2000xi32, #tpu.memory_space<hbm>>
          %dma_start3A_443 = tpu.memref_slice %arg4[%multiple_of3A_441] : memref<320000xi32, #tpu.memory_space<hbm>> -> memref<2000xi32, #tpu.memory_space<hbm>>
          tpu.enqueue_dma source(%dma_start3A_443 : memref<2000xi32, #tpu.memory_space<hbm>>) target(%arg12 : memref<2000xi32, #tpu.memory_space<vmem>>) target_semaphore(%arg27 : memref<!tpu.dma_semaphore, #tpu.memory_space<semaphore_mem>>)
          %dma_start3A_444 = tpu.memref_slice %arg3[%multiple_of3A_441] : memref<320000xi32, #tpu.memory_space<hbm>> -> memref<2000xi32, #tpu.memory_space<hbm>>
          %dma_start3A_445 = tpu.memref_slice %arg3[%multiple_of3A_441] : memref<320000xi32, #tpu.memory_space<hbm>> -> memref<2000xi32, #tpu.memory_space<hbm>>
          tpu.enqueue_dma source(%dma_start3A_445 : memref<2000xi32, #tpu.memory_space<hbm>>) target(%arg10 : memref<2000xi32, #tpu.memory_space<vmem>>) target_semaphore(%arg27 : memref<!tpu.dma_semaphore, #tpu.memory_space<semaphore_mem>>)
        } else {
        }
        %scan3A_264 = arith.constant 0 : i32
        %scan3A_265 = arith.constant 0 : i32
        %scan3A_266 = arith.constant 125 : i32
        %scan3A_267 = arith.addi %scan3A_265, %scan3A_266 : i32
        %scan3A_268 = arith.constant 1 : i32
        %scan3A_269 = scf.for %scan3A_432 = %scan3A_265 to %scan3A_267 step %scan3A_268 iter_args(%scan3A_433 = %scan3A_264) -> (i32)  : i32 {
          %mul3A_434 = arith.constant 16 : i32
          %mul3A_435 = arith.muli %scan3A_432, %mul3A_434 : i32
          %get3A = arith.index_cast %mul3A_435 : i32 to index
          %get3A_436 = tpu.vector_load %arg13[%get3A] {strides = array<i32>} : memref<2000xi32, #tpu.memory_space<vmem>>, vector<16xi32>,
          %mul3A_437 = arith.constant 16 : i32
          %mul3A_438 = arith.muli %scan3A_432, %mul3A_437 : i32
          %get3A_439 = arith.index_cast %mul3A_438 : i32 to index
          %get3A_440 = tpu.vector_load %arg11[%get3A_439] {strides = array<i32>} : memref<2000xi32, #tpu.memory_space<vmem>>, vector<16xi32>,
          %ge3A = vector.broadcast %mul3A_35 : i32 to vector<16xi32>
          %ge3A_441 = arith.cmpi sge, %get3A_436, %ge3A : vector<16xi32>
          %add3A_442 = arith.constant 6400 : i32
          %add3A_443 = arith.addi %mul3A_35, %add3A_442 : i32
          %lt3A_444 = vector.broadcast %add3A_443 : i32 to vector<16xi32>
          %lt3A_445 = arith.cmpi slt, %get3A_436, %lt3A_444 : vector<16xi32>
          %and3A_446 = arith.andi %ge3A_441, %lt3A_445 : vector<16xi1>
          %convert_element_type3A_447 = arith.extui %and3A_446 : vector<16xi1> to vector<16xi32>
          %broadcast_in_dim3A_448 = arith.constant true
          %broadcast_in_dim3A_449 = vector.broadcast %broadcast_in_dim3A_448 : i1 to vector<16xi1>
          %masked_cumsum3A = tpu.scan <sum>, %convert_element_type3A_447 masked %broadcast_in_dim3A_449 : vector<16xi32>, vector<16xi1> -> vector<16xi32>
          %add3A_450 = vector.broadcast %scan3A_433 : i32 to vector<16xi32>
          %add3A_451 = arith.addi %add3A_450, %masked_cumsum3A : vector<16xi32>
          %sub3A_452 = arith.constant 1 : i32
          %sub3A_453 = vector.broadcast %sub3A_452 : i32 to vector<16xi32>
          %sub3A_454 = arith.subi %add3A_451, %sub3A_453 : vector<16xi32>
          %shift_right_arithmetic3A = arith.constant 5 : i32
          %shift_right_arithmetic3A_455 = vector.broadcast %shift_right_arithmetic3A : i32 to vector<16xi32>
          %shift_right_arithmetic3A_456 = arith.shrsi %sub3A_454, %shift_right_arithmetic3A_455 : vector<16xi32>
          %and3A_457 = arith.constant 31 : i32
          %and3A_458 = vector.broadcast %and3A_457 : i32 to vector<16xi32>
          %and3A_459 = arith.andi %sub3A_454, %and3A_458 : vector<16xi32>
          %sub3A_460 = vector.broadcast %mul3A_35 : i32 to vector<16xi32>
          %sub3A_461 = arith.subi %get3A_436, %sub3A_460 : vector<16xi32>
          tpu.vector_store_idx %arg9[%shift_right_arithmetic3A_456, %and3A_459], %sub3A_461 masked %and3A_446 : memref<64x32xi32, #tpu.memory_space<vmem>>[vector<16xi32>, vector<16xi32>], vector<16xi32>, vector<16xi1>
          tpu.vector_store_idx %arg8[%shift_right_arithmetic3A_456, %and3A_459], %get3A_440 masked %and3A_446 : memref<64x32xi32, #tpu.memory_space<vmem>>[vector<16xi32>, vector<16xi32>], vector<16xi32>, vector<16xi1>
          %all_reduce_population_count3A = tpu.all_reduce %and3A_446 {dim = 0 : i64, kind = #tpu.reduction_kind<sum>} : vector<16xi1> -> vector<16xi32>
          %slice3A = vector.extract_strided_slice %all_reduce_population_count3A {offsets = [0], sizes = [1], strides = [1]} : vector<16xi32> to vector<1xi32>
          %squeeze3A = vector.extract %slice3A[0] : i32 from vector<1xi32>
          %add3A_462 = arith.addi %scan3A_433, %squeeze3A : i32
          scf.yield %add3A_462 : i32
        }
        %scan3A_270 = arith.constant 125 : i32
        %scan3A_271 = arith.constant 0 : i32
        %scan3A_272 = arith.constant 0 : i32
        %scan3A_273 = arith.constant 2 : i32
        %scan3A_274 = arith.addi %scan3A_272, %scan3A_273 : i32
        %scan3A_275 = arith.constant 1 : i32
        %scan3A_276 = scf.for %scan3A_432 = %scan3A_272 to %scan3A_274 step %scan3A_275 iter_args(%scan3A_433 = %scan3A_271) -> (i32)  : i32 {
          %mul3A_434 = arith.constant 16 : i32
          %mul3A_435 = arith.muli %scan3A_432, %mul3A_434 : i32
          %add3A_436 = arith.addi %scan3A_269, %mul3A_435 : i32
          %add3A_437 = vector.broadcast %add3A_436 : i32 to vector<16xi32>
          %add3A_438 = arith.addi %add3A_437, %iota3A : vector<16xi32>
          %shift_right_arithmetic3A = arith.constant 5 : i32
          %shift_right_arithmetic3A_439 = vector.broadcast %shift_right_arithmetic3A : i32 to vector<16xi32>
          %shift_right_arithmetic3A_440 = arith.shrsi %add3A_438, %shift_right_arithmetic3A_439 : vector<16xi32>
          %and3A_441 = arith.constant 31 : i32
          %and3A_442 = vector.broadcast %and3A_441 : i32 to vector<16xi32>
          %and3A_443 = arith.andi %add3A_438, %and3A_442 : vector<16xi32>
          tpu.vector_store_idx %arg9[%shift_right_arithmetic3A_440, %and3A_443], %add3A_16 : memref<64x32xi32, #tpu.memory_space<vmem>>[vector<16xi32>, vector<16xi32>], vector<16xi32>,
          tpu.vector_store_idx %arg8[%shift_right_arithmetic3A_440, %and3A_443], %add3A_21 : memref<64x32xi32, #tpu.memory_space<vmem>>[vector<16xi32>, vector<16xi32>], vector<16xi32>,
          %scan3A_444 = arith.constant 0 : i32
          scf.yield %scan3A_444 : i32
        }
        %scan3A_277 = arith.constant 2 : i32
        %add3A_278 = arith.constant 32 : i32
        %add3A_279 = arith.addi %scan3A_269, %add3A_278 : i32
        %sub3A_280 = arith.constant 1 : i32
        %sub3A_281 = arith.subi %add3A_279, %sub3A_280 : i32
        %jit3A_282 = arith.constant 32 : i32
        %div3A_283 = arith.divsi %sub3A_281, %jit3A_282 : i32
        %sign3A_284 = arith.constant 0 : i32
        %sign3A_285 = arith.cmpi sgt, %sub3A_281, %sign3A_284 : i32
        %sign3A_286 = arith.extui %sign3A_285 : i1 to i32
        %sign3A_287 = arith.constant 0 : i32
        %sign3A_288 = arith.cmpi slt, %sub3A_281, %sign3A_287 : i32
        %sign3A_289 = arith.extui %sign3A_288 : i1 to i32
        %sign3A_290 = arith.subi %sign3A_286, %sign3A_289 : i32
        %sign3A_291 = arith.constant 0 : i32
        %sign3A_292 = arith.cmpi sgt, %jit3A_282, %sign3A_291 : i32
        %sign3A_293 = arith.extui %sign3A_292 : i1 to i32
        %sign3A_294 = arith.constant 0 : i32
        %sign3A_295 = arith.cmpi slt, %jit3A_282, %sign3A_294 : i32
        %sign3A_296 = arith.extui %sign3A_295 : i1 to i32
        %sign3A_297 = arith.subi %sign3A_293, %sign3A_296 : i32
        %ne3A_298 = arith.cmpi ne, %sign3A_290, %sign3A_297 : i32
        %rem3A_299 = arith.remsi %sub3A_281, %jit3A_282 : i32
        %ne3A_300 = arith.constant 0 : i32
        %ne3A_301 = arith.cmpi ne, %rem3A_299, %ne3A_300 : i32
        %and3A_302 = arith.andi %ne3A_298, %ne3A_301 : i1
        %sub3A_303 = arith.constant 1 : i32
        %sub3A_304 = arith.subi %div3A_283, %sub3A_303 : i32
        %select_n3A_305 = arith.select %and3A_302, %sub3A_304, %div3A_283 : i32
        %gt3A_306 = arith.constant 0 : i32
        %gt3A_307 = arith.cmpi sgt, %select_n3A_305, %gt3A_306 : i32
        %convert_element_type3A_308 = arith.extui %gt3A_307 : i1 to i32
        %cond3A_309 = arith.constant 0 : i32
        %cond3A_310 = arith.cmpi ne, %convert_element_type3A_308, %cond3A_309 : i32
        scf.if %cond3A_310 {
          %dma_start3A_432 = arith.constant 0 : i32
          %dma_start3A_433 = arith.constant 0 : i32
          %dma_start3A_434 = tpu.memref_slice %arg8[%dma_start3A_432, %dma_start3A_433] : memref<64x32xi32, #tpu.memory_space<vmem>> -> memref<1x32xi32, #tpu.memory_space<vmem>>
          %dma_start3A_435 = tpu.memref_squeeze %dma_start3A_434 : memref<1x32xi32, #tpu.memory_space<vmem>> -> memref<32xi32, #tpu.memory_space<vmem>>
          %dma_start3A_436 = arith.constant 0 : i32
          %dma_start3A_437 = arith.constant 0 : i32
          %dma_start3A_438 = tpu.memref_slice %arg2[%dma_start3A_436, %dma_start3A_437] : memref<10000x128xf32, #tpu.memory_space<hbm>> -> memref<10000x128xf32, #tpu.memory_space<hbm>>
          tpu.enqueue_indirect_dma source(%dma_start3A_438 : memref<10000x128xf32, #tpu.memory_space<hbm>>) target(%arg14 : memref<32x128xf32, #tpu.memory_space<vmem>>) offsets(%dma_start3A_435 : memref<32xi32, #tpu.memory_space<vmem>>) semaphore(%arg29 : memref<!tpu.dma_semaphore, #tpu.memory_space<semaphore_mem>>)
        } else {
        }
        %gt3A_311 = arith.constant 1 : i32
        %gt3A_312 = arith.cmpi sgt, %select_n3A_305, %gt3A_311 : i32
        %convert_element_type3A_313 = arith.extui %gt3A_312 : i1 to i32
        %cond3A_314 = arith.constant 0 : i32
        %cond3A_315 = arith.cmpi ne, %convert_element_type3A_313, %cond3A_314 : i32
        scf.if %cond3A_315 {
          %dma_start3A_432 = arith.constant 1 : i32
          %dma_start3A_433 = arith.constant 0 : i32
          %dma_start3A_434 = tpu.memref_slice %arg8[%dma_start3A_432, %dma_start3A_433] : memref<64x32xi32, #tpu.memory_space<vmem>> -> memref<1x32xi32, #tpu.memory_space<vmem>>
          %dma_start3A_435 = tpu.memref_squeeze %dma_start3A_434 : memref<1x32xi32, #tpu.memory_space<vmem>> -> memref<32xi32, #tpu.memory_space<vmem>>
          %dma_start3A_436 = arith.constant 0 : i32
          %dma_start3A_437 = arith.constant 0 : i32
          %dma_start3A_438 = tpu.memref_slice %arg2[%dma_start3A_436, %dma_start3A_437] : memref<10000x128xf32, #tpu.memory_space<hbm>> -> memref<10000x128xf32, #tpu.memory_space<hbm>>
          tpu.enqueue_indirect_dma source(%dma_start3A_438 : memref<10000x128xf32, #tpu.memory_space<hbm>>) target(%arg15 : memref<32x128xf32, #tpu.memory_space<vmem>>) offsets(%dma_start3A_435 : memref<32xi32, #tpu.memory_space<vmem>>) semaphore(%arg30 : memref<!tpu.dma_semaphore, #tpu.memory_space<semaphore_mem>>)
        } else {
        }
        %gt3A_316 = arith.constant 2 : i32
        %gt3A_317 = arith.cmpi sgt, %select_n3A_305, %gt3A_316 : i32
        %convert_element_type3A_318 = arith.extui %gt3A_317 : i1 to i32
        %cond3A_319 = arith.constant 0 : i32
        %cond3A_320 = arith.cmpi ne, %convert_element_type3A_318, %cond3A_319 : i32
        scf.if %cond3A_320 {
          %dma_start3A_432 = arith.constant 2 : i32
          %dma_start3A_433 = arith.constant 0 : i32
          %dma_start3A_434 = tpu.memref_slice %arg8[%dma_start3A_432, %dma_start3A_433] : memref<64x32xi32, #tpu.memory_space<vmem>> -> memref<1x32xi32, #tpu.memory_space<vmem>>
          %dma_start3A_435 = tpu.memref_squeeze %dma_start3A_434 : memref<1x32xi32, #tpu.memory_space<vmem>> -> memref<32xi32, #tpu.memory_space<vmem>>
          %dma_start3A_436 = arith.constant 0 : i32
          %dma_start3A_437 = arith.constant 0 : i32
          %dma_start3A_438 = tpu.memref_slice %arg2[%dma_start3A_436, %dma_start3A_437] : memref<10000x128xf32, #tpu.memory_space<hbm>> -> memref<10000x128xf32, #tpu.memory_space<hbm>>
          tpu.enqueue_indirect_dma source(%dma_start3A_438 : memref<10000x128xf32, #tpu.memory_space<hbm>>) target(%arg16 : memref<32x128xf32, #tpu.memory_space<vmem>>) offsets(%dma_start3A_435 : memref<32xi32, #tpu.memory_space<vmem>>) semaphore(%arg31 : memref<!tpu.dma_semaphore, #tpu.memory_space<semaphore_mem>>)
        } else {
        }
        %gt3A_321 = arith.constant 3 : i32
        %gt3A_322 = arith.cmpi sgt, %select_n3A_305, %gt3A_321 : i32
        %convert_element_type3A_323 = arith.extui %gt3A_322 : i1 to i32
        %cond3A_324 = arith.constant 0 : i32
        %cond3A_325 = arith.cmpi ne, %convert_element_type3A_323, %cond3A_324 : i32
        scf.if %cond3A_325 {
          %dma_start3A_432 = arith.constant 3 : i32
          %dma_start3A_433 = arith.constant 0 : i32
          %dma_start3A_434 = tpu.memref_slice %arg8[%dma_start3A_432, %dma_start3A_433] : memref<64x32xi32, #tpu.memory_space<vmem>> -> memref<1x32xi32, #tpu.memory_space<vmem>>
          %dma_start3A_435 = tpu.memref_squeeze %dma_start3A_434 : memref<1x32xi32, #tpu.memory_space<vmem>> -> memref<32xi32, #tpu.memory_space<vmem>>
          %dma_start3A_436 = arith.constant 0 : i32
          %dma_start3A_437 = arith.constant 0 : i32
          %dma_start3A_438 = tpu.memref_slice %arg2[%dma_start3A_436, %dma_start3A_437] : memref<10000x128xf32, #tpu.memory_space<hbm>> -> memref<10000x128xf32, #tpu.memory_space<hbm>>
          tpu.enqueue_indirect_dma source(%dma_start3A_438 : memref<10000x128xf32, #tpu.memory_space<hbm>>) target(%arg17 : memref<32x128xf32, #tpu.memory_space<vmem>>) offsets(%dma_start3A_435 : memref<32xi32, #tpu.memory_space<vmem>>) semaphore(%arg32 : memref<!tpu.dma_semaphore, #tpu.memory_space<semaphore_mem>>)
        } else {
        }
        %gt3A_326 = arith.constant 4 : i32
        %gt3A_327 = arith.cmpi sgt, %select_n3A_305, %gt3A_326 : i32
        %convert_element_type3A_328 = arith.extui %gt3A_327 : i1 to i32
        %cond3A_329 = arith.constant 0 : i32
        %cond3A_330 = arith.cmpi ne, %convert_element_type3A_328, %cond3A_329 : i32
        scf.if %cond3A_330 {
          %dma_start3A_432 = arith.constant 4 : i32
          %dma_start3A_433 = arith.constant 0 : i32
          %dma_start3A_434 = tpu.memref_slice %arg8[%dma_start3A_432, %dma_start3A_433] : memref<64x32xi32, #tpu.memory_space<vmem>> -> memref<1x32xi32, #tpu.memory_space<vmem>>
          %dma_start3A_435 = tpu.memref_squeeze %dma_start3A_434 : memref<1x32xi32, #tpu.memory_space<vmem>> -> memref<32xi32, #tpu.memory_space<vmem>>
          %dma_start3A_436 = arith.constant 0 : i32
          %dma_start3A_437 = arith.constant 0 : i32
          %dma_start3A_438 = tpu.memref_slice %arg2[%dma_start3A_436, %dma_start3A_437] : memref<10000x128xf32, #tpu.memory_space<hbm>> -> memref<10000x128xf32, #tpu.memory_space<hbm>>
          tpu.enqueue_indirect_dma source(%dma_start3A_438 : memref<10000x128xf32, #tpu.memory_space<hbm>>) target(%arg18 : memref<32x128xf32, #tpu.memory_space<vmem>>) offsets(%dma_start3A_435 : memref<32xi32, #tpu.memory_space<vmem>>) semaphore(%arg33 : memref<!tpu.dma_semaphore, #tpu.memory_space<semaphore_mem>>)
        } else {
        }
        %gt3A_331 = arith.constant 5 : i32
        %gt3A_332 = arith.cmpi sgt, %select_n3A_305, %gt3A_331 : i32
        %convert_element_type3A_333 = arith.extui %gt3A_332 : i1 to i32
        %cond3A_334 = arith.constant 0 : i32
        %cond3A_335 = arith.cmpi ne, %convert_element_type3A_333, %cond3A_334 : i32
        scf.if %cond3A_335 {
          %dma_start3A_432 = arith.constant 5 : i32
          %dma_start3A_433 = arith.constant 0 : i32
          %dma_start3A_434 = tpu.memref_slice %arg8[%dma_start3A_432, %dma_start3A_433] : memref<64x32xi32, #tpu.memory_space<vmem>> -> memref<1x32xi32, #tpu.memory_space<vmem>>
          %dma_start3A_435 = tpu.memref_squeeze %dma_start3A_434 : memref<1x32xi32, #tpu.memory_space<vmem>> -> memref<32xi32, #tpu.memory_space<vmem>>
          %dma_start3A_436 = arith.constant 0 : i32
          %dma_start3A_437 = arith.constant 0 : i32
          %dma_start3A_438 = tpu.memref_slice %arg2[%dma_start3A_436, %dma_start3A_437] : memref<10000x128xf32, #tpu.memory_space<hbm>> -> memref<10000x128xf32, #tpu.memory_space<hbm>>
          tpu.enqueue_indirect_dma source(%dma_start3A_438 : memref<10000x128xf32, #tpu.memory_space<hbm>>) target(%arg19 : memref<32x128xf32, #tpu.memory_space<vmem>>) offsets(%dma_start3A_435 : memref<32xi32, #tpu.memory_space<vmem>>) semaphore(%arg34 : memref<!tpu.dma_semaphore, #tpu.memory_space<semaphore_mem>>)
        } else {
        }
        %gt3A_336 = arith.constant 6 : i32
        %gt3A_337 = arith.cmpi sgt, %select_n3A_305, %gt3A_336 : i32
        %convert_element_type3A_338 = arith.extui %gt3A_337 : i1 to i32
        %cond3A_339 = arith.constant 0 : i32
        %cond3A_340 = arith.cmpi ne, %convert_element_type3A_338, %cond3A_339 : i32
        scf.if %cond3A_340 {
          %dma_start3A_432 = arith.constant 6 : i32
          %dma_start3A_433 = arith.constant 0 : i32
          %dma_start3A_434 = tpu.memref_slice %arg8[%dma_start3A_432, %dma_start3A_433] : memref<64x32xi32, #tpu.memory_space<vmem>> -> memref<1x32xi32, #tpu.memory_space<vmem>>
          %dma_start3A_435 = tpu.memref_squeeze %dma_start3A_434 : memref<1x32xi32, #tpu.memory_space<vmem>> -> memref<32xi32, #tpu.memory_space<vmem>>
          %dma_start3A_436 = arith.constant 0 : i32
          %dma_start3A_437 = arith.constant 0 : i32
          %dma_start3A_438 = tpu.memref_slice %arg2[%dma_start3A_436, %dma_start3A_437] : memref<10000x128xf32, #tpu.memory_space<hbm>> -> memref<10000x128xf32, #tpu.memory_space<hbm>>
          tpu.enqueue_indirect_dma source(%dma_start3A_438 : memref<10000x128xf32, #tpu.memory_space<hbm>>) target(%arg20 : memref<32x128xf32, #tpu.memory_space<vmem>>) offsets(%dma_start3A_435 : memref<32xi32, #tpu.memory_space<vmem>>) semaphore(%arg35 : memref<!tpu.dma_semaphore, #tpu.memory_space<semaphore_mem>>)
        } else {
        }
        %add3A_341 = arith.constant 7 : i32
        %add3A_342 = arith.addi %select_n3A_305, %add3A_341 : i32
        %jit3A_343 = arith.constant 8 : i32
        %div3A_344 = arith.divsi %add3A_342, %jit3A_343 : i32
        %sign3A_345 = arith.constant 0 : i32
        %sign3A_346 = arith.cmpi sgt, %add3A_342, %sign3A_345 : i32
        %sign3A_347 = arith.extui %sign3A_346 : i1 to i32
        %sign3A_348 = arith.constant 0 : i32
        %sign3A_349 = arith.cmpi slt, %add3A_342, %sign3A_348 : i32
        %sign3A_350 = arith.extui %sign3A_349 : i1 to i32
        %sign3A_351 = arith.subi %sign3A_347, %sign3A_350 : i32
        %sign3A_352 = arith.constant 0 : i32
        %sign3A_353 = arith.cmpi sgt, %jit3A_343, %sign3A_352 : i32
        %sign3A_354 = arith.extui %sign3A_353 : i1 to i32
        %sign3A_355 = arith.constant 0 : i32
        %sign3A_356 = arith.cmpi slt, %jit3A_343, %sign3A_355 : i32
        %sign3A_357 = arith.extui %sign3A_356 : i1 to i32
        %sign3A_358 = arith.subi %sign3A_354, %sign3A_357 : i32
        %ne3A_359 = arith.cmpi ne, %sign3A_351, %sign3A_358 : i32
        %rem3A_360 = arith.remsi %add3A_342, %jit3A_343 : i32
        %ne3A_361 = arith.constant 0 : i32
        %ne3A_362 = arith.cmpi ne, %rem3A_360, %ne3A_361 : i32
        %and3A_363 = arith.andi %ne3A_359, %ne3A_362 : i1
        %sub3A_364 = arith.constant 1 : i32
        %sub3A_365 = arith.subi %div3A_344, %sub3A_364 : i32
        %select_n3A_366 = arith.select %and3A_363, %sub3A_365, %div3A_344 : i32
        %while3A_367 = arith.constant 0 : i32
        %while3A_368 = arith.constant 0 : i32
        %while3A_369 = arith.subi %select_n3A_366, %while3A_367 : i32
        %while3A_370 = arith.addi %while3A_367, %while3A_369 : i32
        %while3A_371 = arith.constant 1 : i32
        %while3A_372 = arith.divsi %while3A_369, %while3A_371 : i32
        %while3A_373 = arith.muli %while3A_372, %while3A_371 : i32
        %while3A_374 = arith.addi %while3A_367, %while3A_373 : i32
        %while3A_375 = arith.constant 1 : i32
        %while3A_376 = scf.for %while3A_432 = %while3A_367 to %while3A_374 step %while3A_375 iter_args(%while3A_433 = %while3A_368) -> (i32)  : i32 {
          %mul3A_434 = arith.constant 8 : i32
          %mul3A_435 = arith.muli %while3A_432, %mul3A_434 : i32
          %add3A_436 = arith.constant 0 : i32
          %add3A_437 = arith.addi %mul3A_435, %add3A_436 : i32
          %add3A_438 = arith.constant 7 : i32
          %add3A_439 = arith.addi %add3A_437, %add3A_438 : i32
          %lt3A_440 = arith.cmpi slt, %add3A_439, %select_n3A_305 : i32
          %convert_element_type3A_441 = arith.extui %lt3A_440 : i1 to i32
          %cond3A_442 = arith.constant 0 : i32
          %cond3A_443 = arith.cmpi ne, %convert_element_type3A_441, %cond3A_442 : i32
          scf.if %cond3A_443 {
            %ge3A = arith.constant 1 : i32
            %ge3A_547 = arith.cmpi sge, %add3A_437, %ge3A : i32
            %convert_element_type3A_548 = arith.extui %ge3A_547 : i1 to i32
            %cond3A_549 = arith.constant 0 : i32
            %cond3A_550 = arith.cmpi ne, %convert_element_type3A_548, %cond3A_549 : i32
            scf.if %cond3A_550 {
              %dma_wait3A_559 = arith.constant 0 : i32
              %dma_wait3A_560 = arith.constant 0 : i32
              %dma_wait3A_561 = tpu.memref_slice %arg2[%dma_wait3A_559, %dma_wait3A_560] : memref<10000x128xf32, #tpu.memory_space<hbm>> -> memref<32x128xf32, #tpu.memory_space<hbm>>
              %dma_wait3A_562 = arith.constant 0 : i32
              %dma_wait3A_563 = arith.constant 0 : i32
              %dma_wait3A_564 = tpu.memref_slice %arg2[%dma_wait3A_562, %dma_wait3A_563] : memref<10000x128xf32, #tpu.memory_space<hbm>> -> memref<32x128xf32, #tpu.memory_space<hbm>>
              tpu.wait_dma2 semaphore(%arg45 : memref<!tpu.dma_semaphore, #tpu.memory_space<semaphore_mem>>) src(%dma_wait3A_564 : memref<32x128xf32, #tpu.memory_space<hbm>>) dst(%arg21 : memref<32x128xf32, #tpu.memory_space<vmem>>)
            } else {
            }
            %add3A_551 = arith.constant 7 : i32
            %add3A_552 = arith.addi %add3A_437, %add3A_551 : i32
            %dma_start3A_553 = arith.constant 0 : i32
            %dma_start3A_554 = tpu.memref_slice %arg8[%add3A_552, %dma_start3A_553] : memref<64x32xi32, #tpu.memory_space<vmem>> -> memref<1x32xi32, #tpu.memory_space<vmem>>
            %dma_start3A_555 = tpu.memref_squeeze %dma_start3A_554 : memref<1x32xi32, #tpu.memory_space<vmem>> -> memref<32xi32, #tpu.memory_space<vmem>>
            %dma_start3A_556 = arith.constant 0 : i32
            %dma_start3A_557 = arith.constant 0 : i32
            %dma_start3A_558 = tpu.memref_slice %arg2[%dma_start3A_556, %dma_start3A_557] : memref<10000x128xf32, #tpu.memory_space<hbm>> -> memref<10000x128xf32, #tpu.memory_space<hbm>>
            tpu.enqueue_indirect_dma source(%dma_start3A_558 : memref<10000x128xf32, #tpu.memory_space<hbm>>) target(%arg21 : memref<32x128xf32, #tpu.memory_space<vmem>>) offsets(%dma_start3A_555 : memref<32xi32, #tpu.memory_space<vmem>>) semaphore(%arg36 : memref<!tpu.dma_semaphore, #tpu.memory_space<semaphore_mem>>)
          } else {
          }
          %lt3A_444 = arith.cmpi slt, %add3A_437, %select_n3A_305 : i32
          %convert_element_type3A_445 = arith.extui %lt3A_444 : i1 to i32
          %cond3A_446 = arith.constant 0 : i32
          %cond3A_447 = arith.cmpi ne, %convert_element_type3A_445, %cond3A_446 : i32
          scf.if %cond3A_447 {
            %dma_wait3A_547 = arith.constant 0 : i32
            %dma_wait3A_548 = arith.constant 0 : i32
            %dma_wait3A_549 = tpu.memref_slice %arg2[%dma_wait3A_547, %dma_wait3A_548] : memref<10000x128xf32, #tpu.memory_space<hbm>> -> memref<32x128xf32, #tpu.memory_space<hbm>>
            %dma_wait3A_550 = arith.constant 0 : i32
            %dma_wait3A_551 = arith.constant 0 : i32
            %dma_wait3A_552 = tpu.memref_slice %arg2[%dma_wait3A_550, %dma_wait3A_551] : memref<10000x128xf32, #tpu.memory_space<hbm>> -> memref<32x128xf32, #tpu.memory_space<hbm>>
            tpu.wait_dma2 semaphore(%arg29 : memref<!tpu.dma_semaphore, #tpu.memory_space<semaphore_mem>>) src(%dma_wait3A_552 : memref<32x128xf32, #tpu.memory_space<hbm>>) dst(%arg14 : memref<32x128xf32, #tpu.memory_space<vmem>>)
            %dma_start3A_553 = arith.constant 0 : i32
            %dma_start3A_554 = tpu.memref_slice %arg9[%add3A_437, %dma_start3A_553] : memref<64x32xi32, #tpu.memory_space<vmem>> -> memref<1x32xi32, #tpu.memory_space<vmem>>
            %dma_start3A_555 = tpu.memref_squeeze %dma_start3A_554 : memref<1x32xi32, #tpu.memory_space<vmem>> -> memref<32xi32, #tpu.memory_space<vmem>>
            %dma_start3A_556 = arith.constant 0 : i32
            %dma_start3A_557 = arith.constant 0 : i32
            %dma_start3A_558 = tpu.memref_slice %arg25[%dma_start3A_556, %dma_start3A_557] : memref<6416x128xf32, #tpu.memory_space<vmem_shared>> -> memref<6416x128xf32, #tpu.memory_space<vmem_shared>>
            tpu.enqueue_indirect_dma source(%arg14 : memref<32x128xf32, #tpu.memory_space<vmem>>) target(%dma_start3A_558 : memref<6416x128xf32, #tpu.memory_space<vmem_shared>>) offsets(%dma_start3A_555 : memref<32xi32, #tpu.memory_space<vmem>>) semaphore(%arg38 : memref<!tpu.dma_semaphore, #tpu.memory_space<semaphore_mem>>) {add = true}
            %dma_start3A_559 = arith.constant 0 : i32
            %dma_start3A_560 = tpu.memref_slice %arg9[%add3A_437, %dma_start3A_559] : memref<64x32xi32, #tpu.memory_space<vmem>> -> memref<1x32xi32, #tpu.memory_space<vmem>>
            %dma_start3A_561 = tpu.memref_squeeze %dma_start3A_560 : memref<1x32xi32, #tpu.memory_space<vmem>> -> memref<32xi32, #tpu.memory_space<vmem>>
            %dma_start3A_562 = arith.constant 0 : i32
            %dma_start3A_563 = tpu.memref_slice %arg26[%dma_start3A_562] : memref<6416xf32, #tpu.memory_space<vmem_shared>> -> memref<6416xf32, #tpu.memory_space<vmem_shared>>
            tpu.enqueue_indirect_dma source(%arg22 : memref<32xf32, #tpu.memory_space<vmem>>) target(%dma_start3A_563 : memref<6416xf32, #tpu.memory_space<vmem_shared>>) offsets(%dma_start3A_561 : memref<32xi32, #tpu.memory_space<vmem>>) semaphore(%arg37 : memref<!tpu.dma_semaphore, #tpu.memory_space<semaphore_mem>>) {add = true}
          } else {
          }
          %mul3A_448 = arith.constant 8 : i32
          %mul3A_449 = arith.muli %while3A_432, %mul3A_448 : i32
          %add3A_450 = arith.constant 1 : i32
          %add3A_451 = arith.addi %mul3A_449, %add3A_450 : i32
          %add3A_452 = arith.constant 7 : i32
          %add3A_453 = arith.addi %add3A_451, %add3A_452 : i32
          %lt3A_454 = arith.cmpi slt, %add3A_453, %select_n3A_305 : i32
          %convert_element_type3A_455 = arith.extui %lt3A_454 : i1 to i32
          %cond3A_456 = arith.constant 0 : i32
          %cond3A_457 = arith.cmpi ne, %convert_element_type3A_455, %cond3A_456 : i32
          scf.if %cond3A_457 {
            %ge3A = arith.constant 1 : i32
            %ge3A_547 = arith.cmpi sge, %add3A_451, %ge3A : i32
            %convert_element_type3A_548 = arith.extui %ge3A_547 : i1 to i32
            %cond3A_549 = arith.constant 0 : i32
            %cond3A_550 = arith.cmpi ne, %convert_element_type3A_548, %cond3A_549 : i32
            scf.if %cond3A_550 {
              %dma_wait3A_559 = arith.constant 0 : i32
              %dma_wait3A_560 = arith.constant 0 : i32
              %dma_wait3A_561 = tpu.memref_slice %arg2[%dma_wait3A_559, %dma_wait3A_560] : memref<10000x128xf32, #tpu.memory_space<hbm>> -> memref<32x128xf32, #tpu.memory_space<hbm>>
              %dma_wait3A_562 = arith.constant 0 : i32
              %dma_wait3A_563 = arith.constant 0 : i32
              %dma_wait3A_564 = tpu.memref_slice %arg2[%dma_wait3A_562, %dma_wait3A_563] : memref<10000x128xf32, #tpu.memory_space<hbm>> -> memref<32x128xf32, #tpu.memory_space<hbm>>
              tpu.wait_dma2 semaphore(%arg38 : memref<!tpu.dma_semaphore, #tpu.memory_space<semaphore_mem>>) src(%dma_wait3A_564 : memref<32x128xf32, #tpu.memory_space<hbm>>) dst(%arg14 : memref<32x128xf32, #tpu.memory_space<vmem>>)
            } else {
            }
            %add3A_551 = arith.constant 7 : i32
            %add3A_552 = arith.addi %add3A_451, %add3A_551 : i32
            %dma_start3A_553 = arith.constant 0 : i32
            %dma_start3A_554 = tpu.memref_slice %arg8[%add3A_552, %dma_start3A_553] : memref<64x32xi32, #tpu.memory_space<vmem>> -> memref<1x32xi32, #tpu.memory_space<vmem>>
            %dma_start3A_555 = tpu.memref_squeeze %dma_start3A_554 : memref<1x32xi32, #tpu.memory_space<vmem>> -> memref<32xi32, #tpu.memory_space<vmem>>
            %dma_start3A_556 = arith.constant 0 : i32
            %dma_start3A_557 = arith.constant 0 : i32
            %dma_start3A_558 = tpu.memref_slice %arg2[%dma_start3A_556, %dma_start3A_557] : memref<10000x128xf32, #tpu.memory_space<hbm>> -> memref<10000x128xf32, #tpu.memory_space<hbm>>
            tpu.enqueue_indirect_dma source(%dma_start3A_558 : memref<10000x128xf32, #tpu.memory_space<hbm>>) target(%arg14 : memref<32x128xf32, #tpu.memory_space<vmem>>) offsets(%dma_start3A_555 : memref<32xi32, #tpu.memory_space<vmem>>) semaphore(%arg29 : memref<!tpu.dma_semaphore, #tpu.memory_space<semaphore_mem>>)
          } else {
          }
          %lt3A_458 = arith.cmpi slt, %add3A_451, %select_n3A_305 : i32
          %convert_element_type3A_459 = arith.extui %lt3A_458 : i1 to i32
          %cond3A_460 = arith.constant 0 : i32
          %cond3A_461 = arith.cmpi ne, %convert_element_type3A_459, %cond3A_460 : i32
          scf.if %cond3A_461 {
            %dma_wait3A_547 = arith.constant 0 : i32
            %dma_wait3A_548 = arith.constant 0 : i32
            %dma_wait3A_549 = tpu.memref_slice %arg2[%dma_wait3A_547, %dma_wait3A_548] : memref<10000x128xf32, #tpu.memory_space<hbm>> -> memref<32x128xf32, #tpu.memory_space<hbm>>
            %dma_wait3A_550 = arith.constant 0 : i32
            %dma_wait3A_551 = arith.constant 0 : i32
            %dma_wait3A_552 = tpu.memref_slice %arg2[%dma_wait3A_550, %dma_wait3A_551] : memref<10000x128xf32, #tpu.memory_space<hbm>> -> memref<32x128xf32, #tpu.memory_space<hbm>>
            tpu.wait_dma2 semaphore(%arg30 : memref<!tpu.dma_semaphore, #tpu.memory_space<semaphore_mem>>) src(%dma_wait3A_552 : memref<32x128xf32, #tpu.memory_space<hbm>>) dst(%arg15 : memref<32x128xf32, #tpu.memory_space<vmem>>)
            %dma_start3A_553 = arith.constant 0 : i32
            %dma_start3A_554 = tpu.memref_slice %arg9[%add3A_451, %dma_start3A_553] : memref<64x32xi32, #tpu.memory_space<vmem>> -> memref<1x32xi32, #tpu.memory_space<vmem>>
            %dma_start3A_555 = tpu.memref_squeeze %dma_start3A_554 : memref<1x32xi32, #tpu.memory_space<vmem>> -> memref<32xi32, #tpu.memory_space<vmem>>
            %dma_start3A_556 = arith.constant 0 : i32
            %dma_start3A_557 = arith.constant 0 : i32
            %dma_start3A_558 = tpu.memref_slice %arg25[%dma_start3A_556, %dma_start3A_557] : memref<6416x128xf32, #tpu.memory_space<vmem_shared>> -> memref<6416x128xf32, #tpu.memory_space<vmem_shared>>
            tpu.enqueue_indirect_dma source(%arg15 : memref<32x128xf32, #tpu.memory_space<vmem>>) target(%dma_start3A_558 : memref<6416x128xf32, #tpu.memory_space<vmem_shared>>) offsets(%dma_start3A_555 : memref<32xi32, #tpu.memory_space<vmem>>) semaphore(%arg39 : memref<!tpu.dma_semaphore, #tpu.memory_space<semaphore_mem>>) {add = true}
            %dma_start3A_559 = arith.constant 0 : i32
            %dma_start3A_560 = tpu.memref_slice %arg9[%add3A_451, %dma_start3A_559] : memref<64x32xi32, #tpu.memory_space<vmem>> -> memref<1x32xi32, #tpu.memory_space<vmem>>
            %dma_start3A_561 = tpu.memref_squeeze %dma_start3A_560 : memref<1x32xi32, #tpu.memory_space<vmem>> -> memref<32xi32, #tpu.memory_space<vmem>>
            %dma_start3A_562 = arith.constant 0 : i32
            %dma_start3A_563 = tpu.memref_slice %arg26[%dma_start3A_562] : memref<6416xf32, #tpu.memory_space<vmem_shared>> -> memref<6416xf32, #tpu.memory_space<vmem_shared>>
            tpu.enqueue_indirect_dma source(%arg22 : memref<32xf32, #tpu.memory_space<vmem>>) target(%dma_start3A_563 : memref<6416xf32, #tpu.memory_space<vmem_shared>>) offsets(%dma_start3A_561 : memref<32xi32, #tpu.memory_space<vmem>>) semaphore(%arg37 : memref<!tpu.dma_semaphore, #tpu.memory_space<semaphore_mem>>) {add = true}
          } else {
          }
          %mul3A_462 = arith.constant 8 : i32
          %mul3A_463 = arith.muli %while3A_432, %mul3A_462 : i32
          %add3A_464 = arith.constant 2 : i32
          %add3A_465 = arith.addi %mul3A_463, %add3A_464 : i32
          %add3A_466 = arith.constant 7 : i32
          %add3A_467 = arith.addi %add3A_465, %add3A_466 : i32
          %lt3A_468 = arith.cmpi slt, %add3A_467, %select_n3A_305 : i32
          %convert_element_type3A_469 = arith.extui %lt3A_468 : i1 to i32
          %cond3A_470 = arith.constant 0 : i32
          %cond3A_471 = arith.cmpi ne, %convert_element_type3A_469, %cond3A_470 : i32
          scf.if %cond3A_471 {
            %ge3A = arith.constant 1 : i32
            %ge3A_547 = arith.cmpi sge, %add3A_465, %ge3A : i32
            %convert_element_type3A_548 = arith.extui %ge3A_547 : i1 to i32
            %cond3A_549 = arith.constant 0 : i32
            %cond3A_550 = arith.cmpi ne, %convert_element_type3A_548, %cond3A_549 : i32
            scf.if %cond3A_550 {
              %dma_wait3A_559 = arith.constant 0 : i32
              %dma_wait3A_560 = arith.constant 0 : i32
              %dma_wait3A_561 = tpu.memref_slice %arg2[%dma_wait3A_559, %dma_wait3A_560] : memref<10000x128xf32, #tpu.memory_space<hbm>> -> memref<32x128xf32, #tpu.memory_space<hbm>>
              %dma_wait3A_562 = arith.constant 0 : i32
              %dma_wait3A_563 = arith.constant 0 : i32
              %dma_wait3A_564 = tpu.memref_slice %arg2[%dma_wait3A_562, %dma_wait3A_563] : memref<10000x128xf32, #tpu.memory_space<hbm>> -> memref<32x128xf32, #tpu.memory_space<hbm>>
              tpu.wait_dma2 semaphore(%arg39 : memref<!tpu.dma_semaphore, #tpu.memory_space<semaphore_mem>>) src(%dma_wait3A_564 : memref<32x128xf32, #tpu.memory_space<hbm>>) dst(%arg15 : memref<32x128xf32, #tpu.memory_space<vmem>>)
            } else {
            }
            %add3A_551 = arith.constant 7 : i32
            %add3A_552 = arith.addi %add3A_465, %add3A_551 : i32
            %dma_start3A_553 = arith.constant 0 : i32
            %dma_start3A_554 = tpu.memref_slice %arg8[%add3A_552, %dma_start3A_553] : memref<64x32xi32, #tpu.memory_space<vmem>> -> memref<1x32xi32, #tpu.memory_space<vmem>>
            %dma_start3A_555 = tpu.memref_squeeze %dma_start3A_554 : memref<1x32xi32, #tpu.memory_space<vmem>> -> memref<32xi32, #tpu.memory_space<vmem>>
            %dma_start3A_556 = arith.constant 0 : i32
            %dma_start3A_557 = arith.constant 0 : i32
            %dma_start3A_558 = tpu.memref_slice %arg2[%dma_start3A_556, %dma_start3A_557] : memref<10000x128xf32, #tpu.memory_space<hbm>> -> memref<10000x128xf32, #tpu.memory_space<hbm>>
            tpu.enqueue_indirect_dma source(%dma_start3A_558 : memref<10000x128xf32, #tpu.memory_space<hbm>>) target(%arg15 : memref<32x128xf32, #tpu.memory_space<vmem>>) offsets(%dma_start3A_555 : memref<32xi32, #tpu.memory_space<vmem>>) semaphore(%arg30 : memref<!tpu.dma_semaphore, #tpu.memory_space<semaphore_mem>>)
          } else {
          }
          %lt3A_472 = arith.cmpi slt, %add3A_465, %select_n3A_305 : i32
          %convert_element_type3A_473 = arith.extui %lt3A_472 : i1 to i32
          %cond3A_474 = arith.constant 0 : i32
          %cond3A_475 = arith.cmpi ne, %convert_element_type3A_473, %cond3A_474 : i32
          scf.if %cond3A_475 {
            %dma_wait3A_547 = arith.constant 0 : i32
            %dma_wait3A_548 = arith.constant 0 : i32
            %dma_wait3A_549 = tpu.memref_slice %arg2[%dma_wait3A_547, %dma_wait3A_548] : memref<10000x128xf32, #tpu.memory_space<hbm>> -> memref<32x128xf32, #tpu.memory_space<hbm>>
            %dma_wait3A_550 = arith.constant 0 : i32
            %dma_wait3A_551 = arith.constant 0 : i32
            %dma_wait3A_552 = tpu.memref_slice %arg2[%dma_wait3A_550, %dma_wait3A_551] : memref<10000x128xf32, #tpu.memory_space<hbm>> -> memref<32x128xf32, #tpu.memory_space<hbm>>
            tpu.wait_dma2 semaphore(%arg31 : memref<!tpu.dma_semaphore, #tpu.memory_space<semaphore_mem>>) src(%dma_wait3A_552 : memref<32x128xf32, #tpu.memory_space<hbm>>) dst(%arg16 : memref<32x128xf32, #tpu.memory_space<vmem>>)
            %dma_start3A_553 = arith.constant 0 : i32
            %dma_start3A_554 = tpu.memref_slice %arg9[%add3A_465, %dma_start3A_553] : memref<64x32xi32, #tpu.memory_space<vmem>> -> memref<1x32xi32, #tpu.memory_space<vmem>>
            %dma_start3A_555 = tpu.memref_squeeze %dma_start3A_554 : memref<1x32xi32, #tpu.memory_space<vmem>> -> memref<32xi32, #tpu.memory_space<vmem>>
            %dma_start3A_556 = arith.constant 0 : i32
            %dma_start3A_557 = arith.constant 0 : i32
            %dma_start3A_558 = tpu.memref_slice %arg25[%dma_start3A_556, %dma_start3A_557] : memref<6416x128xf32, #tpu.memory_space<vmem_shared>> -> memref<6416x128xf32, #tpu.memory_space<vmem_shared>>
            tpu.enqueue_indirect_dma source(%arg16 : memref<32x128xf32, #tpu.memory_space<vmem>>) target(%dma_start3A_558 : memref<6416x128xf32, #tpu.memory_space<vmem_shared>>) offsets(%dma_start3A_555 : memref<32xi32, #tpu.memory_space<vmem>>) semaphore(%arg40 : memref<!tpu.dma_semaphore, #tpu.memory_space<semaphore_mem>>) {add = true}
            %dma_start3A_559 = arith.constant 0 : i32
            %dma_start3A_560 = tpu.memref_slice %arg9[%add3A_465, %dma_start3A_559] : memref<64x32xi32, #tpu.memory_space<vmem>> -> memref<1x32xi32, #tpu.memory_space<vmem>>
            %dma_start3A_561 = tpu.memref_squeeze %dma_start3A_560 : memref<1x32xi32, #tpu.memory_space<vmem>> -> memref<32xi32, #tpu.memory_space<vmem>>
            %dma_start3A_562 = arith.constant 0 : i32
            %dma_start3A_563 = tpu.memref_slice %arg26[%dma_start3A_562] : memref<6416xf32, #tpu.memory_space<vmem_shared>> -> memref<6416xf32, #tpu.memory_space<vmem_shared>>
            tpu.enqueue_indirect_dma source(%arg22 : memref<32xf32, #tpu.memory_space<vmem>>) target(%dma_start3A_563 : memref<6416xf32, #tpu.memory_space<vmem_shared>>) offsets(%dma_start3A_561 : memref<32xi32, #tpu.memory_space<vmem>>) semaphore(%arg37 : memref<!tpu.dma_semaphore, #tpu.memory_space<semaphore_mem>>) {add = true}
          } else {
          }
          %mul3A_476 = arith.constant 8 : i32
          %mul3A_477 = arith.muli %while3A_432, %mul3A_476 : i32
          %add3A_478 = arith.constant 3 : i32
          %add3A_479 = arith.addi %mul3A_477, %add3A_478 : i32
          %add3A_480 = arith.constant 7 : i32
          %add3A_481 = arith.addi %add3A_479, %add3A_480 : i32
          %lt3A_482 = arith.cmpi slt, %add3A_481, %select_n3A_305 : i32
          %convert_element_type3A_483 = arith.extui %lt3A_482 : i1 to i32
          %cond3A_484 = arith.constant 0 : i32
          %cond3A_485 = arith.cmpi ne, %convert_element_type3A_483, %cond3A_484 : i32
          scf.if %cond3A_485 {
            %ge3A = arith.constant 1 : i32
            %ge3A_547 = arith.cmpi sge, %add3A_479, %ge3A : i32
            %convert_element_type3A_548 = arith.extui %ge3A_547 : i1 to i32
            %cond3A_549 = arith.constant 0 : i32
            %cond3A_550 = arith.cmpi ne, %convert_element_type3A_548, %cond3A_549 : i32
            scf.if %cond3A_550 {
              %dma_wait3A_559 = arith.constant 0 : i32
              %dma_wait3A_560 = arith.constant 0 : i32
              %dma_wait3A_561 = tpu.memref_slice %arg2[%dma_wait3A_559, %dma_wait3A_560] : memref<10000x128xf32, #tpu.memory_space<hbm>> -> memref<32x128xf32, #tpu.memory_space<hbm>>
              %dma_wait3A_562 = arith.constant 0 : i32
              %dma_wait3A_563 = arith.constant 0 : i32
              %dma_wait3A_564 = tpu.memref_slice %arg2[%dma_wait3A_562, %dma_wait3A_563] : memref<10000x128xf32, #tpu.memory_space<hbm>> -> memref<32x128xf32, #tpu.memory_space<hbm>>
              tpu.wait_dma2 semaphore(%arg40 : memref<!tpu.dma_semaphore, #tpu.memory_space<semaphore_mem>>) src(%dma_wait3A_564 : memref<32x128xf32, #tpu.memory_space<hbm>>) dst(%arg16 : memref<32x128xf32, #tpu.memory_space<vmem>>)
            } else {
            }
            %add3A_551 = arith.constant 7 : i32
            %add3A_552 = arith.addi %add3A_479, %add3A_551 : i32
            %dma_start3A_553 = arith.constant 0 : i32
            %dma_start3A_554 = tpu.memref_slice %arg8[%add3A_552, %dma_start3A_553] : memref<64x32xi32, #tpu.memory_space<vmem>> -> memref<1x32xi32, #tpu.memory_space<vmem>>
            %dma_start3A_555 = tpu.memref_squeeze %dma_start3A_554 : memref<1x32xi32, #tpu.memory_space<vmem>> -> memref<32xi32, #tpu.memory_space<vmem>>
            %dma_start3A_556 = arith.constant 0 : i32
            %dma_start3A_557 = arith.constant 0 : i32
            %dma_start3A_558 = tpu.memref_slice %arg2[%dma_start3A_556, %dma_start3A_557] : memref<10000x128xf32, #tpu.memory_space<hbm>> -> memref<10000x128xf32, #tpu.memory_space<hbm>>
            tpu.enqueue_indirect_dma source(%dma_start3A_558 : memref<10000x128xf32, #tpu.memory_space<hbm>>) target(%arg16 : memref<32x128xf32, #tpu.memory_space<vmem>>) offsets(%dma_start3A_555 : memref<32xi32, #tpu.memory_space<vmem>>) semaphore(%arg31 : memref<!tpu.dma_semaphore, #tpu.memory_space<semaphore_mem>>)
          } else {
          }
          %lt3A_486 = arith.cmpi slt, %add3A_479, %select_n3A_305 : i32
          %convert_element_type3A_487 = arith.extui %lt3A_486 : i1 to i32
          %cond3A_488 = arith.constant 0 : i32
          %cond3A_489 = arith.cmpi ne, %convert_element_type3A_487, %cond3A_488 : i32
          scf.if %cond3A_489 {
            %dma_wait3A_547 = arith.constant 0 : i32
            %dma_wait3A_548 = arith.constant 0 : i32
            %dma_wait3A_549 = tpu.memref_slice %arg2[%dma_wait3A_547, %dma_wait3A_548] : memref<10000x128xf32, #tpu.memory_space<hbm>> -> memref<32x128xf32, #tpu.memory_space<hbm>>
            %dma_wait3A_550 = arith.constant 0 : i32
            %dma_wait3A_551 = arith.constant 0 : i32
            %dma_wait3A_552 = tpu.memref_slice %arg2[%dma_wait3A_550, %dma_wait3A_551] : memref<10000x128xf32, #tpu.memory_space<hbm>> -> memref<32x128xf32, #tpu.memory_space<hbm>>
            tpu.wait_dma2 semaphore(%arg32 : memref<!tpu.dma_semaphore, #tpu.memory_space<semaphore_mem>>) src(%dma_wait3A_552 : memref<32x128xf32, #tpu.memory_space<hbm>>) dst(%arg17 : memref<32x128xf32, #tpu.memory_space<vmem>>)
            %dma_start3A_553 = arith.constant 0 : i32
            %dma_start3A_554 = tpu.memref_slice %arg9[%add3A_479, %dma_start3A_553] : memref<64x32xi32, #tpu.memory_space<vmem>> -> memref<1x32xi32, #tpu.memory_space<vmem>>
            %dma_start3A_555 = tpu.memref_squeeze %dma_start3A_554 : memref<1x32xi32, #tpu.memory_space<vmem>> -> memref<32xi32, #tpu.memory_space<vmem>>
            %dma_start3A_556 = arith.constant 0 : i32
            %dma_start3A_557 = arith.constant 0 : i32
            %dma_start3A_558 = tpu.memref_slice %arg25[%dma_start3A_556, %dma_start3A_557] : memref<6416x128xf32, #tpu.memory_space<vmem_shared>> -> memref<6416x128xf32, #tpu.memory_space<vmem_shared>>
            tpu.enqueue_indirect_dma source(%arg17 : memref<32x128xf32, #tpu.memory_space<vmem>>) target(%dma_start3A_558 : memref<6416x128xf32, #tpu.memory_space<vmem_shared>>) offsets(%dma_start3A_555 : memref<32xi32, #tpu.memory_space<vmem>>) semaphore(%arg41 : memref<!tpu.dma_semaphore, #tpu.memory_space<semaphore_mem>>) {add = true}
            %dma_start3A_559 = arith.constant 0 : i32
            %dma_start3A_560 = tpu.memref_slice %arg9[%add3A_479, %dma_start3A_559] : memref<64x32xi32, #tpu.memory_space<vmem>> -> memref<1x32xi32, #tpu.memory_space<vmem>>
            %dma_start3A_561 = tpu.memref_squeeze %dma_start3A_560 : memref<1x32xi32, #tpu.memory_space<vmem>> -> memref<32xi32, #tpu.memory_space<vmem>>
            %dma_start3A_562 = arith.constant 0 : i32
            %dma_start3A_563 = tpu.memref_slice %arg26[%dma_start3A_562] : memref<6416xf32, #tpu.memory_space<vmem_shared>> -> memref<6416xf32, #tpu.memory_space<vmem_shared>>
            tpu.enqueue_indirect_dma source(%arg22 : memref<32xf32, #tpu.memory_space<vmem>>) target(%dma_start3A_563 : memref<6416xf32, #tpu.memory_space<vmem_shared>>) offsets(%dma_start3A_561 : memref<32xi32, #tpu.memory_space<vmem>>) semaphore(%arg37 : memref<!tpu.dma_semaphore, #tpu.memory_space<semaphore_mem>>) {add = true}
          } else {
          }
          %mul3A_490 = arith.constant 8 : i32
          %mul3A_491 = arith.muli %while3A_432, %mul3A_490 : i32
          %add3A_492 = arith.constant 4 : i32
          %add3A_493 = arith.addi %mul3A_491, %add3A_492 : i32
          %add3A_494 = arith.constant 7 : i32
          %add3A_495 = arith.addi %add3A_493, %add3A_494 : i32
          %lt3A_496 = arith.cmpi slt, %add3A_495, %select_n3A_305 : i32
          %convert_element_type3A_497 = arith.extui %lt3A_496 : i1 to i32
          %cond3A_498 = arith.constant 0 : i32
          %cond3A_499 = arith.cmpi ne, %convert_element_type3A_497, %cond3A_498 : i32
          scf.if %cond3A_499 {
            %ge3A = arith.constant 1 : i32
            %ge3A_547 = arith.cmpi sge, %add3A_493, %ge3A : i32
            %convert_element_type3A_548 = arith.extui %ge3A_547 : i1 to i32
            %cond3A_549 = arith.constant 0 : i32
            %cond3A_550 = arith.cmpi ne, %convert_element_type3A_548, %cond3A_549 : i32
            scf.if %cond3A_550 {
              %dma_wait3A_559 = arith.constant 0 : i32
              %dma_wait3A_560 = arith.constant 0 : i32
              %dma_wait3A_561 = tpu.memref_slice %arg2[%dma_wait3A_559, %dma_wait3A_560] : memref<10000x128xf32, #tpu.memory_space<hbm>> -> memref<32x128xf32, #tpu.memory_space<hbm>>
              %dma_wait3A_562 = arith.constant 0 : i32
              %dma_wait3A_563 = arith.constant 0 : i32
              %dma_wait3A_564 = tpu.memref_slice %arg2[%dma_wait3A_562, %dma_wait3A_563] : memref<10000x128xf32, #tpu.memory_space<hbm>> -> memref<32x128xf32, #tpu.memory_space<hbm>>
              tpu.wait_dma2 semaphore(%arg41 : memref<!tpu.dma_semaphore, #tpu.memory_space<semaphore_mem>>) src(%dma_wait3A_564 : memref<32x128xf32, #tpu.memory_space<hbm>>) dst(%arg17 : memref<32x128xf32, #tpu.memory_space<vmem>>)
            } else {
            }
            %add3A_551 = arith.constant 7 : i32
            %add3A_552 = arith.addi %add3A_493, %add3A_551 : i32
            %dma_start3A_553 = arith.constant 0 : i32
            %dma_start3A_554 = tpu.memref_slice %arg8[%add3A_552, %dma_start3A_553] : memref<64x32xi32, #tpu.memory_space<vmem>> -> memref<1x32xi32, #tpu.memory_space<vmem>>
            %dma_start3A_555 = tpu.memref_squeeze %dma_start3A_554 : memref<1x32xi32, #tpu.memory_space<vmem>> -> memref<32xi32, #tpu.memory_space<vmem>>
            %dma_start3A_556 = arith.constant 0 : i32
            %dma_start3A_557 = arith.constant 0 : i32
            %dma_start3A_558 = tpu.memref_slice %arg2[%dma_start3A_556, %dma_start3A_557] : memref<10000x128xf32, #tpu.memory_space<hbm>> -> memref<10000x128xf32, #tpu.memory_space<hbm>>
            tpu.enqueue_indirect_dma source(%dma_start3A_558 : memref<10000x128xf32, #tpu.memory_space<hbm>>) target(%arg17 : memref<32x128xf32, #tpu.memory_space<vmem>>) offsets(%dma_start3A_555 : memref<32xi32, #tpu.memory_space<vmem>>) semaphore(%arg32 : memref<!tpu.dma_semaphore, #tpu.memory_space<semaphore_mem>>)
          } else {
          }
          %lt3A_500 = arith.cmpi slt, %add3A_493, %select_n3A_305 : i32
          %convert_element_type3A_501 = arith.extui %lt3A_500 : i1 to i32
          %cond3A_502 = arith.constant 0 : i32
          %cond3A_503 = arith.cmpi ne, %convert_element_type3A_501, %cond3A_502 : i32
          scf.if %cond3A_503 {
            %dma_wait3A_547 = arith.constant 0 : i32
            %dma_wait3A_548 = arith.constant 0 : i32
            %dma_wait3A_549 = tpu.memref_slice %arg2[%dma_wait3A_547, %dma_wait3A_548] : memref<10000x128xf32, #tpu.memory_space<hbm>> -> memref<32x128xf32, #tpu.memory_space<hbm>>
            %dma_wait3A_550 = arith.constant 0 : i32
            %dma_wait3A_551 = arith.constant 0 : i32
            %dma_wait3A_552 = tpu.memref_slice %arg2[%dma_wait3A_550, %dma_wait3A_551] : memref<10000x128xf32, #tpu.memory_space<hbm>> -> memref<32x128xf32, #tpu.memory_space<hbm>>
            tpu.wait_dma2 semaphore(%arg33 : memref<!tpu.dma_semaphore, #tpu.memory_space<semaphore_mem>>) src(%dma_wait3A_552 : memref<32x128xf32, #tpu.memory_space<hbm>>) dst(%arg18 : memref<32x128xf32, #tpu.memory_space<vmem>>)
            %dma_start3A_553 = arith.constant 0 : i32
            %dma_start3A_554 = tpu.memref_slice %arg9[%add3A_493, %dma_start3A_553] : memref<64x32xi32, #tpu.memory_space<vmem>> -> memref<1x32xi32, #tpu.memory_space<vmem>>
            %dma_start3A_555 = tpu.memref_squeeze %dma_start3A_554 : memref<1x32xi32, #tpu.memory_space<vmem>> -> memref<32xi32, #tpu.memory_space<vmem>>
            %dma_start3A_556 = arith.constant 0 : i32
            %dma_start3A_557 = arith.constant 0 : i32
            %dma_start3A_558 = tpu.memref_slice %arg25[%dma_start3A_556, %dma_start3A_557] : memref<6416x128xf32, #tpu.memory_space<vmem_shared>> -> memref<6416x128xf32, #tpu.memory_space<vmem_shared>>
            tpu.enqueue_indirect_dma source(%arg18 : memref<32x128xf32, #tpu.memory_space<vmem>>) target(%dma_start3A_558 : memref<6416x128xf32, #tpu.memory_space<vmem_shared>>) offsets(%dma_start3A_555 : memref<32xi32, #tpu.memory_space<vmem>>) semaphore(%arg42 : memref<!tpu.dma_semaphore, #tpu.memory_space<semaphore_mem>>) {add = true}
            %dma_start3A_559 = arith.constant 0 : i32
            %dma_start3A_560 = tpu.memref_slice %arg9[%add3A_493, %dma_start3A_559] : memref<64x32xi32, #tpu.memory_space<vmem>> -> memref<1x32xi32, #tpu.memory_space<vmem>>
            %dma_start3A_561 = tpu.memref_squeeze %dma_start3A_560 : memref<1x32xi32, #tpu.memory_space<vmem>> -> memref<32xi32, #tpu.memory_space<vmem>>
            %dma_start3A_562 = arith.constant 0 : i32
            %dma_start3A_563 = tpu.memref_slice %arg26[%dma_start3A_562] : memref<6416xf32, #tpu.memory_space<vmem_shared>> -> memref<6416xf32, #tpu.memory_space<vmem_shared>>
            tpu.enqueue_indirect_dma source(%arg22 : memref<32xf32, #tpu.memory_space<vmem>>) target(%dma_start3A_563 : memref<6416xf32, #tpu.memory_space<vmem_shared>>) offsets(%dma_start3A_561 : memref<32xi32, #tpu.memory_space<vmem>>) semaphore(%arg37 : memref<!tpu.dma_semaphore, #tpu.memory_space<semaphore_mem>>) {add = true}
          } else {
          }
          %mul3A_504 = arith.constant 8 : i32
          %mul3A_505 = arith.muli %while3A_432, %mul3A_504 : i32
          %add3A_506 = arith.constant 5 : i32
          %add3A_507 = arith.addi %mul3A_505, %add3A_506 : i32
          %add3A_508 = arith.constant 7 : i32
          %add3A_509 = arith.addi %add3A_507, %add3A_508 : i32
          %lt3A_510 = arith.cmpi slt, %add3A_509, %select_n3A_305 : i32
          %convert_element_type3A_511 = arith.extui %lt3A_510 : i1 to i32
          %cond3A_512 = arith.constant 0 : i32
          %cond3A_513 = arith.cmpi ne, %convert_element_type3A_511, %cond3A_512 : i32
          scf.if %cond3A_513 {
            %ge3A = arith.constant 1 : i32
            %ge3A_547 = arith.cmpi sge, %add3A_507, %ge3A : i32
            %convert_element_type3A_548 = arith.extui %ge3A_547 : i1 to i32
            %cond3A_549 = arith.constant 0 : i32
            %cond3A_550 = arith.cmpi ne, %convert_element_type3A_548, %cond3A_549 : i32
            scf.if %cond3A_550 {
              %dma_wait3A_559 = arith.constant 0 : i32
              %dma_wait3A_560 = arith.constant 0 : i32
              %dma_wait3A_561 = tpu.memref_slice %arg2[%dma_wait3A_559, %dma_wait3A_560] : memref<10000x128xf32, #tpu.memory_space<hbm>> -> memref<32x128xf32, #tpu.memory_space<hbm>>
              %dma_wait3A_562 = arith.constant 0 : i32
              %dma_wait3A_563 = arith.constant 0 : i32
              %dma_wait3A_564 = tpu.memref_slice %arg2[%dma_wait3A_562, %dma_wait3A_563] : memref<10000x128xf32, #tpu.memory_space<hbm>> -> memref<32x128xf32, #tpu.memory_space<hbm>>
              tpu.wait_dma2 semaphore(%arg42 : memref<!tpu.dma_semaphore, #tpu.memory_space<semaphore_mem>>) src(%dma_wait3A_564 : memref<32x128xf32, #tpu.memory_space<hbm>>) dst(%arg18 : memref<32x128xf32, #tpu.memory_space<vmem>>)
            } else {
            }
            %add3A_551 = arith.constant 7 : i32
            %add3A_552 = arith.addi %add3A_507, %add3A_551 : i32
            %dma_start3A_553 = arith.constant 0 : i32
            %dma_start3A_554 = tpu.memref_slice %arg8[%add3A_552, %dma_start3A_553] : memref<64x32xi32, #tpu.memory_space<vmem>> -> memref<1x32xi32, #tpu.memory_space<vmem>>
            %dma_start3A_555 = tpu.memref_squeeze %dma_start3A_554 : memref<1x32xi32, #tpu.memory_space<vmem>> -> memref<32xi32, #tpu.memory_space<vmem>>
            %dma_start3A_556 = arith.constant 0 : i32
            %dma_start3A_557 = arith.constant 0 : i32
            %dma_start3A_558 = tpu.memref_slice %arg2[%dma_start3A_556, %dma_start3A_557] : memref<10000x128xf32, #tpu.memory_space<hbm>> -> memref<10000x128xf32, #tpu.memory_space<hbm>>
            tpu.enqueue_indirect_dma source(%dma_start3A_558 : memref<10000x128xf32, #tpu.memory_space<hbm>>) target(%arg18 : memref<32x128xf32, #tpu.memory_space<vmem>>) offsets(%dma_start3A_555 : memref<32xi32, #tpu.memory_space<vmem>>) semaphore(%arg33 : memref<!tpu.dma_semaphore, #tpu.memory_space<semaphore_mem>>)
          } else {
          }
          %lt3A_514 = arith.cmpi slt, %add3A_507, %select_n3A_305 : i32
          %convert_element_type3A_515 = arith.extui %lt3A_514 : i1 to i32
          %cond3A_516 = arith.constant 0 : i32
          %cond3A_517 = arith.cmpi ne, %convert_element_type3A_515, %cond3A_516 : i32
          scf.if %cond3A_517 {
            %dma_wait3A_547 = arith.constant 0 : i32
            %dma_wait3A_548 = arith.constant 0 : i32
            %dma_wait3A_549 = tpu.memref_slice %arg2[%dma_wait3A_547, %dma_wait3A_548] : memref<10000x128xf32, #tpu.memory_space<hbm>> -> memref<32x128xf32, #tpu.memory_space<hbm>>
            %dma_wait3A_550 = arith.constant 0 : i32
            %dma_wait3A_551 = arith.constant 0 : i32
            %dma_wait3A_552 = tpu.memref_slice %arg2[%dma_wait3A_550, %dma_wait3A_551] : memref<10000x128xf32, #tpu.memory_space<hbm>> -> memref<32x128xf32, #tpu.memory_space<hbm>>
            tpu.wait_dma2 semaphore(%arg34 : memref<!tpu.dma_semaphore, #tpu.memory_space<semaphore_mem>>) src(%dma_wait3A_552 : memref<32x128xf32, #tpu.memory_space<hbm>>) dst(%arg19 : memref<32x128xf32, #tpu.memory_space<vmem>>)
            %dma_start3A_553 = arith.constant 0 : i32
            %dma_start3A_554 = tpu.memref_slice %arg9[%add3A_507, %dma_start3A_553] : memref<64x32xi32, #tpu.memory_space<vmem>> -> memref<1x32xi32, #tpu.memory_space<vmem>>
            %dma_start3A_555 = tpu.memref_squeeze %dma_start3A_554 : memref<1x32xi32, #tpu.memory_space<vmem>> -> memref<32xi32, #tpu.memory_space<vmem>>
            %dma_start3A_556 = arith.constant 0 : i32
            %dma_start3A_557 = arith.constant 0 : i32
            %dma_start3A_558 = tpu.memref_slice %arg25[%dma_start3A_556, %dma_start3A_557] : memref<6416x128xf32, #tpu.memory_space<vmem_shared>> -> memref<6416x128xf32, #tpu.memory_space<vmem_shared>>
            tpu.enqueue_indirect_dma source(%arg19 : memref<32x128xf32, #tpu.memory_space<vmem>>) target(%dma_start3A_558 : memref<6416x128xf32, #tpu.memory_space<vmem_shared>>) offsets(%dma_start3A_555 : memref<32xi32, #tpu.memory_space<vmem>>) semaphore(%arg43 : memref<!tpu.dma_semaphore, #tpu.memory_space<semaphore_mem>>) {add = true}
            %dma_start3A_559 = arith.constant 0 : i32
            %dma_start3A_560 = tpu.memref_slice %arg9[%add3A_507, %dma_start3A_559] : memref<64x32xi32, #tpu.memory_space<vmem>> -> memref<1x32xi32, #tpu.memory_space<vmem>>
            %dma_start3A_561 = tpu.memref_squeeze %dma_start3A_560 : memref<1x32xi32, #tpu.memory_space<vmem>> -> memref<32xi32, #tpu.memory_space<vmem>>
            %dma_start3A_562 = arith.constant 0 : i32
            %dma_start3A_563 = tpu.memref_slice %arg26[%dma_start3A_562] : memref<6416xf32, #tpu.memory_space<vmem_shared>> -> memref<6416xf32, #tpu.memory_space<vmem_shared>>
            tpu.enqueue_indirect_dma source(%arg22 : memref<32xf32, #tpu.memory_space<vmem>>) target(%dma_start3A_563 : memref<6416xf32, #tpu.memory_space<vmem_shared>>) offsets(%dma_start3A_561 : memref<32xi32, #tpu.memory_space<vmem>>) semaphore(%arg37 : memref<!tpu.dma_semaphore, #tpu.memory_space<semaphore_mem>>) {add = true}
          } else {
          }
          %mul3A_518 = arith.constant 8 : i32
          %mul3A_519 = arith.muli %while3A_432, %mul3A_518 : i32
          %add3A_520 = arith.constant 6 : i32
          %add3A_521 = arith.addi %mul3A_519, %add3A_520 : i32
          %add3A_522 = arith.constant 7 : i32
          %add3A_523 = arith.addi %add3A_521, %add3A_522 : i32
          %lt3A_524 = arith.cmpi slt, %add3A_523, %select_n3A_305 : i32
          %convert_element_type3A_525 = arith.extui %lt3A_524 : i1 to i32
          %cond3A_526 = arith.constant 0 : i32
          %cond3A_527 = arith.cmpi ne, %convert_element_type3A_525, %cond3A_526 : i32
          scf.if %cond3A_527 {
            %ge3A = arith.constant 1 : i32
            %ge3A_547 = arith.cmpi sge, %add3A_521, %ge3A : i32
            %convert_element_type3A_548 = arith.extui %ge3A_547 : i1 to i32
            %cond3A_549 = arith.constant 0 : i32
            %cond3A_550 = arith.cmpi ne, %convert_element_type3A_548, %cond3A_549 : i32
            scf.if %cond3A_550 {
              %dma_wait3A_559 = arith.constant 0 : i32
              %dma_wait3A_560 = arith.constant 0 : i32
              %dma_wait3A_561 = tpu.memref_slice %arg2[%dma_wait3A_559, %dma_wait3A_560] : memref<10000x128xf32, #tpu.memory_space<hbm>> -> memref<32x128xf32, #tpu.memory_space<hbm>>
              %dma_wait3A_562 = arith.constant 0 : i32
              %dma_wait3A_563 = arith.constant 0 : i32
              %dma_wait3A_564 = tpu.memref_slice %arg2[%dma_wait3A_562, %dma_wait3A_563] : memref<10000x128xf32, #tpu.memory_space<hbm>> -> memref<32x128xf32, #tpu.memory_space<hbm>>
              tpu.wait_dma2 semaphore(%arg43 : memref<!tpu.dma_semaphore, #tpu.memory_space<semaphore_mem>>) src(%dma_wait3A_564 : memref<32x128xf32, #tpu.memory_space<hbm>>) dst(%arg19 : memref<32x128xf32, #tpu.memory_space<vmem>>)
            } else {
            }
            %add3A_551 = arith.constant 7 : i32
            %add3A_552 = arith.addi %add3A_521, %add3A_551 : i32
            %dma_start3A_553 = arith.constant 0 : i32
            %dma_start3A_554 = tpu.memref_slice %arg8[%add3A_552, %dma_start3A_553] : memref<64x32xi32, #tpu.memory_space<vmem>> -> memref<1x32xi32, #tpu.memory_space<vmem>>
            %dma_start3A_555 = tpu.memref_squeeze %dma_start3A_554 : memref<1x32xi32, #tpu.memory_space<vmem>> -> memref<32xi32, #tpu.memory_space<vmem>>
            %dma_start3A_556 = arith.constant 0 : i32
            %dma_start3A_557 = arith.constant 0 : i32
            %dma_start3A_558 = tpu.memref_slice %arg2[%dma_start3A_556, %dma_start3A_557] : memref<10000x128xf32, #tpu.memory_space<hbm>> -> memref<10000x128xf32, #tpu.memory_space<hbm>>
            tpu.enqueue_indirect_dma source(%dma_start3A_558 : memref<10000x128xf32, #tpu.memory_space<hbm>>) target(%arg19 : memref<32x128xf32, #tpu.memory_space<vmem>>) offsets(%dma_start3A_555 : memref<32xi32, #tpu.memory_space<vmem>>) semaphore(%arg34 : memref<!tpu.dma_semaphore, #tpu.memory_space<semaphore_mem>>)
          } else {
          }
          %lt3A_528 = arith.cmpi slt, %add3A_521, %select_n3A_305 : i32
          %convert_element_type3A_529 = arith.extui %lt3A_528 : i1 to i32
          %cond3A_530 = arith.constant 0 : i32
          %cond3A_531 = arith.cmpi ne, %convert_element_type3A_529, %cond3A_530 : i32
          scf.if %cond3A_531 {
            %dma_wait3A_547 = arith.constant 0 : i32
            %dma_wait3A_548 = arith.constant 0 : i32
            %dma_wait3A_549 = tpu.memref_slice %arg2[%dma_wait3A_547, %dma_wait3A_548] : memref<10000x128xf32, #tpu.memory_space<hbm>> -> memref<32x128xf32, #tpu.memory_space<hbm>>
            %dma_wait3A_550 = arith.constant 0 : i32
            %dma_wait3A_551 = arith.constant 0 : i32
            %dma_wait3A_552 = tpu.memref_slice %arg2[%dma_wait3A_550, %dma_wait3A_551] : memref<10000x128xf32, #tpu.memory_space<hbm>> -> memref<32x128xf32, #tpu.memory_space<hbm>>
            tpu.wait_dma2 semaphore(%arg35 : memref<!tpu.dma_semaphore, #tpu.memory_space<semaphore_mem>>) src(%dma_wait3A_552 : memref<32x128xf32, #tpu.memory_space<hbm>>) dst(%arg20 : memref<32x128xf32, #tpu.memory_space<vmem>>)
            %dma_start3A_553 = arith.constant 0 : i32
            %dma_start3A_554 = tpu.memref_slice %arg9[%add3A_521, %dma_start3A_553] : memref<64x32xi32, #tpu.memory_space<vmem>> -> memref<1x32xi32, #tpu.memory_space<vmem>>
            %dma_start3A_555 = tpu.memref_squeeze %dma_start3A_554 : memref<1x32xi32, #tpu.memory_space<vmem>> -> memref<32xi32, #tpu.memory_space<vmem>>
            %dma_start3A_556 = arith.constant 0 : i32
            %dma_start3A_557 = arith.constant 0 : i32
            %dma_start3A_558 = tpu.memref_slice %arg25[%dma_start3A_556, %dma_start3A_557] : memref<6416x128xf32, #tpu.memory_space<vmem_shared>> -> memref<6416x128xf32, #tpu.memory_space<vmem_shared>>
            tpu.enqueue_indirect_dma source(%arg20 : memref<32x128xf32, #tpu.memory_space<vmem>>) target(%dma_start3A_558 : memref<6416x128xf32, #tpu.memory_space<vmem_shared>>) offsets(%dma_start3A_555 : memref<32xi32, #tpu.memory_space<vmem>>) semaphore(%arg44 : memref<!tpu.dma_semaphore, #tpu.memory_space<semaphore_mem>>) {add = true}
            %dma_start3A_559 = arith.constant 0 : i32
            %dma_start3A_560 = tpu.memref_slice %arg9[%add3A_521, %dma_start3A_559] : memref<64x32xi32, #tpu.memory_space<vmem>> -> memref<1x32xi32, #tpu.memory_space<vmem>>
            %dma_start3A_561 = tpu.memref_squeeze %dma_start3A_560 : memref<1x32xi32, #tpu.memory_space<vmem>> -> memref<32xi32, #tpu.memory_space<vmem>>
            %dma_start3A_562 = arith.constant 0 : i32
            %dma_start3A_563 = tpu.memref_slice %arg26[%dma_start3A_562] : memref<6416xf32, #tpu.memory_space<vmem_shared>> -> memref<6416xf32, #tpu.memory_space<vmem_shared>>
            tpu.enqueue_indirect_dma source(%arg22 : memref<32xf32, #tpu.memory_space<vmem>>) target(%dma_start3A_563 : memref<6416xf32, #tpu.memory_space<vmem_shared>>) offsets(%dma_start3A_561 : memref<32xi32, #tpu.memory_space<vmem>>) semaphore(%arg37 : memref<!tpu.dma_semaphore, #tpu.memory_space<semaphore_mem>>) {add = true}
          } else {
          }
          %mul3A_532 = arith.constant 8 : i32
          %mul3A_533 = arith.muli %while3A_432, %mul3A_532 : i32
          %add3A_534 = arith.constant 7 : i32
          %add3A_535 = arith.addi %mul3A_533, %add3A_534 : i32
          %add3A_536 = arith.constant 7 : i32
          %add3A_537 = arith.addi %add3A_535, %add3A_536 : i32
          %lt3A_538 = arith.cmpi slt, %add3A_537, %select_n3A_305 : i32
          %convert_element_type3A_539 = arith.extui %lt3A_538 : i1 to i32
          %cond3A_540 = arith.constant 0 : i32
          %cond3A_541 = arith.cmpi ne, %convert_element_type3A_539, %cond3A_540 : i32
          scf.if %cond3A_541 {
            %ge3A = arith.constant 1 : i32
            %ge3A_547 = arith.cmpi sge, %add3A_535, %ge3A : i32
            %convert_element_type3A_548 = arith.extui %ge3A_547 : i1 to i32
            %cond3A_549 = arith.constant 0 : i32
            %cond3A_550 = arith.cmpi ne, %convert_element_type3A_548, %cond3A_549 : i32
            scf.if %cond3A_550 {
              %dma_wait3A_559 = arith.constant 0 : i32
              %dma_wait3A_560 = arith.constant 0 : i32
              %dma_wait3A_561 = tpu.memref_slice %arg2[%dma_wait3A_559, %dma_wait3A_560] : memref<10000x128xf32, #tpu.memory_space<hbm>> -> memref<32x128xf32, #tpu.memory_space<hbm>>
              %dma_wait3A_562 = arith.constant 0 : i32
              %dma_wait3A_563 = arith.constant 0 : i32
              %dma_wait3A_564 = tpu.memref_slice %arg2[%dma_wait3A_562, %dma_wait3A_563] : memref<10000x128xf32, #tpu.memory_space<hbm>> -> memref<32x128xf32, #tpu.memory_space<hbm>>
              tpu.wait_dma2 semaphore(%arg44 : memref<!tpu.dma_semaphore, #tpu.memory_space<semaphore_mem>>) src(%dma_wait3A_564 : memref<32x128xf32, #tpu.memory_space<hbm>>) dst(%arg20 : memref<32x128xf32, #tpu.memory_space<vmem>>)
            } else {
            }
            %add3A_551 = arith.constant 7 : i32
            %add3A_552 = arith.addi %add3A_535, %add3A_551 : i32
            %dma_start3A_553 = arith.constant 0 : i32
            %dma_start3A_554 = tpu.memref_slice %arg8[%add3A_552, %dma_start3A_553] : memref<64x32xi32, #tpu.memory_space<vmem>> -> memref<1x32xi32, #tpu.memory_space<vmem>>
            %dma_start3A_555 = tpu.memref_squeeze %dma_start3A_554 : memref<1x32xi32, #tpu.memory_space<vmem>> -> memref<32xi32, #tpu.memory_space<vmem>>
            %dma_start3A_556 = arith.constant 0 : i32
            %dma_start3A_557 = arith.constant 0 : i32
            %dma_start3A_558 = tpu.memref_slice %arg2[%dma_start3A_556, %dma_start3A_557] : memref<10000x128xf32, #tpu.memory_space<hbm>> -> memref<10000x128xf32, #tpu.memory_space<hbm>>
            tpu.enqueue_indirect_dma source(%dma_start3A_558 : memref<10000x128xf32, #tpu.memory_space<hbm>>) target(%arg20 : memref<32x128xf32, #tpu.memory_space<vmem>>) offsets(%dma_start3A_555 : memref<32xi32, #tpu.memory_space<vmem>>) semaphore(%arg35 : memref<!tpu.dma_semaphore, #tpu.memory_space<semaphore_mem>>)
          } else {
          }
          %lt3A_542 = arith.cmpi slt, %add3A_535, %select_n3A_305 : i32
          %convert_element_type3A_543 = arith.extui %lt3A_542 : i1 to i32
          %cond3A_544 = arith.constant 0 : i32
          %cond3A_545 = arith.cmpi ne, %convert_element_type3A_543, %cond3A_544 : i32
          scf.if %cond3A_545 {
            %dma_wait3A_547 = arith.constant 0 : i32
            %dma_wait3A_548 = arith.constant 0 : i32
            %dma_wait3A_549 = tpu.memref_slice %arg2[%dma_wait3A_547, %dma_wait3A_548] : memref<10000x128xf32, #tpu.memory_space<hbm>> -> memref<32x128xf32, #tpu.memory_space<hbm>>
            %dma_wait3A_550 = arith.constant 0 : i32
            %dma_wait3A_551 = arith.constant 0 : i32
            %dma_wait3A_552 = tpu.memref_slice %arg2[%dma_wait3A_550, %dma_wait3A_551] : memref<10000x128xf32, #tpu.memory_space<hbm>> -> memref<32x128xf32, #tpu.memory_space<hbm>>
            tpu.wait_dma2 semaphore(%arg36 : memref<!tpu.dma_semaphore, #tpu.memory_space<semaphore_mem>>) src(%dma_wait3A_552 : memref<32x128xf32, #tpu.memory_space<hbm>>) dst(%arg21 : memref<32x128xf32, #tpu.memory_space<vmem>>)
            %dma_start3A_553 = arith.constant 0 : i32
            %dma_start3A_554 = tpu.memref_slice %arg9[%add3A_535, %dma_start3A_553] : memref<64x32xi32, #tpu.memory_space<vmem>> -> memref<1x32xi32, #tpu.memory_space<vmem>>
            %dma_start3A_555 = tpu.memref_squeeze %dma_start3A_554 : memref<1x32xi32, #tpu.memory_space<vmem>> -> memref<32xi32, #tpu.memory_space<vmem>>
            %dma_start3A_556 = arith.constant 0 : i32
            %dma_start3A_557 = arith.constant 0 : i32
            %dma_start3A_558 = tpu.memref_slice %arg25[%dma_start3A_556, %dma_start3A_557] : memref<6416x128xf32, #tpu.memory_space<vmem_shared>> -> memref<6416x128xf32, #tpu.memory_space<vmem_shared>>
            tpu.enqueue_indirect_dma source(%arg21 : memref<32x128xf32, #tpu.memory_space<vmem>>) target(%dma_start3A_558 : memref<6416x128xf32, #tpu.memory_space<vmem_shared>>) offsets(%dma_start3A_555 : memref<32xi32, #tpu.memory_space<vmem>>) semaphore(%arg45 : memref<!tpu.dma_semaphore, #tpu.memory_space<semaphore_mem>>) {add = true}
            %dma_start3A_559 = arith.constant 0 : i32
            %dma_start3A_560 = tpu.memref_slice %arg9[%add3A_535, %dma_start3A_559] : memref<64x32xi32, #tpu.memory_space<vmem>> -> memref<1x32xi32, #tpu.memory_space<vmem>>
            %dma_start3A_561 = tpu.memref_squeeze %dma_start3A_560 : memref<1x32xi32, #tpu.memory_space<vmem>> -> memref<32xi32, #tpu.memory_space<vmem>>
            %dma_start3A_562 = arith.constant 0 : i32
            %dma_start3A_563 = tpu.memref_slice %arg26[%dma_start3A_562] : memref<6416xf32, #tpu.memory_space<vmem_shared>> -> memref<6416xf32, #tpu.memory_space<vmem_shared>>
            tpu.enqueue_indirect_dma source(%arg22 : memref<32xf32, #tpu.memory_space<vmem>>) target(%dma_start3A_563 : memref<6416xf32, #tpu.memory_space<vmem_shared>>) offsets(%dma_start3A_561 : memref<32xi32, #tpu.memory_space<vmem>>) semaphore(%arg37 : memref<!tpu.dma_semaphore, #tpu.memory_space<semaphore_mem>>) {add = true}
          } else {
          }
          %while3A_546 = arith.constant 0 : i32
          scf.yield %while3A_546 : i32
        }
        %while3A_377 = arith.constant 1 : i32
        %while3A_378 = scf.for %while3A_432 = %while3A_374 to %while3A_370 step %while3A_377 iter_args(%while3A_433 = %while3A_376) -> (i32)  : i32 {
          %mul3A_434 = arith.constant 8 : i32
          %mul3A_435 = arith.muli %while3A_432, %mul3A_434 : i32
          %add3A_436 = arith.constant 0 : i32
          %add3A_437 = arith.addi %mul3A_435, %add3A_436 : i32
          %add3A_438 = arith.constant 7 : i32
          %add3A_439 = arith.addi %add3A_437, %add3A_438 : i32
          %lt3A_440 = arith.cmpi slt, %add3A_439, %select_n3A_305 : i32
          %convert_element_type3A_441 = arith.extui %lt3A_440 : i1 to i32
          %cond3A_442 = arith.constant 0 : i32
          %cond3A_443 = arith.cmpi ne, %convert_element_type3A_441, %cond3A_442 : i32
          scf.if %cond3A_443 {
            %ge3A = arith.constant 1 : i32
            %ge3A_547 = arith.cmpi sge, %add3A_437, %ge3A : i32
            %convert_element_type3A_548 = arith.extui %ge3A_547 : i1 to i32
            %cond3A_549 = arith.constant 0 : i32
            %cond3A_550 = arith.cmpi ne, %convert_element_type3A_548, %cond3A_549 : i32
            scf.if %cond3A_550 {
              %dma_wait3A_559 = arith.constant 0 : i32
              %dma_wait3A_560 = arith.constant 0 : i32
              %dma_wait3A_561 = tpu.memref_slice %arg2[%dma_wait3A_559, %dma_wait3A_560] : memref<10000x128xf32, #tpu.memory_space<hbm>> -> memref<32x128xf32, #tpu.memory_space<hbm>>
              %dma_wait3A_562 = arith.constant 0 : i32
              %dma_wait3A_563 = arith.constant 0 : i32
              %dma_wait3A_564 = tpu.memref_slice %arg2[%dma_wait3A_562, %dma_wait3A_563] : memref<10000x128xf32, #tpu.memory_space<hbm>> -> memref<32x128xf32, #tpu.memory_space<hbm>>
              tpu.wait_dma2 semaphore(%arg45 : memref<!tpu.dma_semaphore, #tpu.memory_space<semaphore_mem>>) src(%dma_wait3A_564 : memref<32x128xf32, #tpu.memory_space<hbm>>) dst(%arg21 : memref<32x128xf32, #tpu.memory_space<vmem>>)
            } else {
            }
            %add3A_551 = arith.constant 7 : i32
            %add3A_552 = arith.addi %add3A_437, %add3A_551 : i32
            %dma_start3A_553 = arith.constant 0 : i32
            %dma_start3A_554 = tpu.memref_slice %arg8[%add3A_552, %dma_start3A_553] : memref<64x32xi32, #tpu.memory_space<vmem>> -> memref<1x32xi32, #tpu.memory_space<vmem>>
            %dma_start3A_555 = tpu.memref_squeeze %dma_start3A_554 : memref<1x32xi32, #tpu.memory_space<vmem>> -> memref<32xi32, #tpu.memory_space<vmem>>
            %dma_start3A_556 = arith.constant 0 : i32
            %dma_start3A_557 = arith.constant 0 : i32
            %dma_start3A_558 = tpu.memref_slice %arg2[%dma_start3A_556, %dma_start3A_557] : memref<10000x128xf32, #tpu.memory_space<hbm>> -> memref<10000x128xf32, #tpu.memory_space<hbm>>
            tpu.enqueue_indirect_dma source(%dma_start3A_558 : memref<10000x128xf32, #tpu.memory_space<hbm>>) target(%arg21 : memref<32x128xf32, #tpu.memory_space<vmem>>) offsets(%dma_start3A_555 : memref<32xi32, #tpu.memory_space<vmem>>) semaphore(%arg36 : memref<!tpu.dma_semaphore, #tpu.memory_space<semaphore_mem>>)
          } else {
          }
          %lt3A_444 = arith.cmpi slt, %add3A_437, %select_n3A_305 : i32
          %convert_element_type3A_445 = arith.extui %lt3A_444 : i1 to i32
          %cond3A_446 = arith.constant 0 : i32
          %cond3A_447 = arith.cmpi ne, %convert_element_type3A_445, %cond3A_446 : i32
          scf.if %cond3A_447 {
            %dma_wait3A_547 = arith.constant 0 : i32
            %dma_wait3A_548 = arith.constant 0 : i32
            %dma_wait3A_549 = tpu.memref_slice %arg2[%dma_wait3A_547, %dma_wait3A_548] : memref<10000x128xf32, #tpu.memory_space<hbm>> -> memref<32x128xf32, #tpu.memory_space<hbm>>
            %dma_wait3A_550 = arith.constant 0 : i32
            %dma_wait3A_551 = arith.constant 0 : i32
            %dma_wait3A_552 = tpu.memref_slice %arg2[%dma_wait3A_550, %dma_wait3A_551] : memref<10000x128xf32, #tpu.memory_space<hbm>> -> memref<32x128xf32, #tpu.memory_space<hbm>>
            tpu.wait_dma2 semaphore(%arg29 : memref<!tpu.dma_semaphore, #tpu.memory_space<semaphore_mem>>) src(%dma_wait3A_552 : memref<32x128xf32, #tpu.memory_space<hbm>>) dst(%arg14 : memref<32x128xf32, #tpu.memory_space<vmem>>)
            %dma_start3A_553 = arith.constant 0 : i32
            %dma_start3A_554 = tpu.memref_slice %arg9[%add3A_437, %dma_start3A_553] : memref<64x32xi32, #tpu.memory_space<vmem>> -> memref<1x32xi32, #tpu.memory_space<vmem>>
            %dma_start3A_555 = tpu.memref_squeeze %dma_start3A_554 : memref<1x32xi32, #tpu.memory_space<vmem>> -> memref<32xi32, #tpu.memory_space<vmem>>
            %dma_start3A_556 = arith.constant 0 : i32
            %dma_start3A_557 = arith.constant 0 : i32
            %dma_start3A_558 = tpu.memref_slice %arg25[%dma_start3A_556, %dma_start3A_557] : memref<6416x128xf32, #tpu.memory_space<vmem_shared>> -> memref<6416x128xf32, #tpu.memory_space<vmem_shared>>
            tpu.enqueue_indirect_dma source(%arg14 : memref<32x128xf32, #tpu.memory_space<vmem>>) target(%dma_start3A_558 : memref<6416x128xf32, #tpu.memory_space<vmem_shared>>) offsets(%dma_start3A_555 : memref<32xi32, #tpu.memory_space<vmem>>) semaphore(%arg38 : memref<!tpu.dma_semaphore, #tpu.memory_space<semaphore_mem>>) {add = true}
            %dma_start3A_559 = arith.constant 0 : i32
            %dma_start3A_560 = tpu.memref_slice %arg9[%add3A_437, %dma_start3A_559] : memref<64x32xi32, #tpu.memory_space<vmem>> -> memref<1x32xi32, #tpu.memory_space<vmem>>
            %dma_start3A_561 = tpu.memref_squeeze %dma_start3A_560 : memref<1x32xi32, #tpu.memory_space<vmem>> -> memref<32xi32, #tpu.memory_space<vmem>>
            %dma_start3A_562 = arith.constant 0 : i32
            %dma_start3A_563 = tpu.memref_slice %arg26[%dma_start3A_562] : memref<6416xf32, #tpu.memory_space<vmem_shared>> -> memref<6416xf32, #tpu.memory_space<vmem_shared>>
            tpu.enqueue_indirect_dma source(%arg22 : memref<32xf32, #tpu.memory_space<vmem>>) target(%dma_start3A_563 : memref<6416xf32, #tpu.memory_space<vmem_shared>>) offsets(%dma_start3A_561 : memref<32xi32, #tpu.memory_space<vmem>>) semaphore(%arg37 : memref<!tpu.dma_semaphore, #tpu.memory_space<semaphore_mem>>) {add = true}
          } else {
          }
          %mul3A_448 = arith.constant 8 : i32
          %mul3A_449 = arith.muli %while3A_432, %mul3A_448 : i32
          %add3A_450 = arith.constant 1 : i32
          %add3A_451 = arith.addi %mul3A_449, %add3A_450 : i32
          %add3A_452 = arith.constant 7 : i32
          %add3A_453 = arith.addi %add3A_451, %add3A_452 : i32
          %lt3A_454 = arith.cmpi slt, %add3A_453, %select_n3A_305 : i32
          %convert_element_type3A_455 = arith.extui %lt3A_454 : i1 to i32
          %cond3A_456 = arith.constant 0 : i32
          %cond3A_457 = arith.cmpi ne, %convert_element_type3A_455, %cond3A_456 : i32
          scf.if %cond3A_457 {
            %ge3A = arith.constant 1 : i32
            %ge3A_547 = arith.cmpi sge, %add3A_451, %ge3A : i32
            %convert_element_type3A_548 = arith.extui %ge3A_547 : i1 to i32
            %cond3A_549 = arith.constant 0 : i32
            %cond3A_550 = arith.cmpi ne, %convert_element_type3A_548, %cond3A_549 : i32
            scf.if %cond3A_550 {
              %dma_wait3A_559 = arith.constant 0 : i32
              %dma_wait3A_560 = arith.constant 0 : i32
              %dma_wait3A_561 = tpu.memref_slice %arg2[%dma_wait3A_559, %dma_wait3A_560] : memref<10000x128xf32, #tpu.memory_space<hbm>> -> memref<32x128xf32, #tpu.memory_space<hbm>>
              %dma_wait3A_562 = arith.constant 0 : i32
              %dma_wait3A_563 = arith.constant 0 : i32
              %dma_wait3A_564 = tpu.memref_slice %arg2[%dma_wait3A_562, %dma_wait3A_563] : memref<10000x128xf32, #tpu.memory_space<hbm>> -> memref<32x128xf32, #tpu.memory_space<hbm>>
              tpu.wait_dma2 semaphore(%arg38 : memref<!tpu.dma_semaphore, #tpu.memory_space<semaphore_mem>>) src(%dma_wait3A_564 : memref<32x128xf32, #tpu.memory_space<hbm>>) dst(%arg14 : memref<32x128xf32, #tpu.memory_space<vmem>>)
            } else {
            }
            %add3A_551 = arith.constant 7 : i32
            %add3A_552 = arith.addi %add3A_451, %add3A_551 : i32
            %dma_start3A_553 = arith.constant 0 : i32
            %dma_start3A_554 = tpu.memref_slice %arg8[%add3A_552, %dma_start3A_553] : memref<64x32xi32, #tpu.memory_space<vmem>> -> memref<1x32xi32, #tpu.memory_space<vmem>>
            %dma_start3A_555 = tpu.memref_squeeze %dma_start3A_554 : memref<1x32xi32, #tpu.memory_space<vmem>> -> memref<32xi32, #tpu.memory_space<vmem>>
            %dma_start3A_556 = arith.constant 0 : i32
            %dma_start3A_557 = arith.constant 0 : i32
            %dma_start3A_558 = tpu.memref_slice %arg2[%dma_start3A_556, %dma_start3A_557] : memref<10000x128xf32, #tpu.memory_space<hbm>> -> memref<10000x128xf32, #tpu.memory_space<hbm>>
            tpu.enqueue_indirect_dma source(%dma_start3A_558 : memref<10000x128xf32, #tpu.memory_space<hbm>>) target(%arg14 : memref<32x128xf32, #tpu.memory_space<vmem>>) offsets(%dma_start3A_555 : memref<32xi32, #tpu.memory_space<vmem>>) semaphore(%arg29 : memref<!tpu.dma_semaphore, #tpu.memory_space<semaphore_mem>>)
          } else {
          }
          %lt3A_458 = arith.cmpi slt, %add3A_451, %select_n3A_305 : i32
          %convert_element_type3A_459 = arith.extui %lt3A_458 : i1 to i32
          %cond3A_460 = arith.constant 0 : i32
          %cond3A_461 = arith.cmpi ne, %convert_element_type3A_459, %cond3A_460 : i32
          scf.if %cond3A_461 {
            %dma_wait3A_547 = arith.constant 0 : i32
            %dma_wait3A_548 = arith.constant 0 : i32
            %dma_wait3A_549 = tpu.memref_slice %arg2[%dma_wait3A_547, %dma_wait3A_548] : memref<10000x128xf32, #tpu.memory_space<hbm>> -> memref<32x128xf32, #tpu.memory_space<hbm>>
            %dma_wait3A_550 = arith.constant 0 : i32
            %dma_wait3A_551 = arith.constant 0 : i32
            %dma_wait3A_552 = tpu.memref_slice %arg2[%dma_wait3A_550, %dma_wait3A_551] : memref<10000x128xf32, #tpu.memory_space<hbm>> -> memref<32x128xf32, #tpu.memory_space<hbm>>
            tpu.wait_dma2 semaphore(%arg30 : memref<!tpu.dma_semaphore, #tpu.memory_space<semaphore_mem>>) src(%dma_wait3A_552 : memref<32x128xf32, #tpu.memory_space<hbm>>) dst(%arg15 : memref<32x128xf32, #tpu.memory_space<vmem>>)
            %dma_start3A_553 = arith.constant 0 : i32
            %dma_start3A_554 = tpu.memref_slice %arg9[%add3A_451, %dma_start3A_553] : memref<64x32xi32, #tpu.memory_space<vmem>> -> memref<1x32xi32, #tpu.memory_space<vmem>>
            %dma_start3A_555 = tpu.memref_squeeze %dma_start3A_554 : memref<1x32xi32, #tpu.memory_space<vmem>> -> memref<32xi32, #tpu.memory_space<vmem>>
            %dma_start3A_556 = arith.constant 0 : i32
            %dma_start3A_557 = arith.constant 0 : i32
            %dma_start3A_558 = tpu.memref_slice %arg25[%dma_start3A_556, %dma_start3A_557] : memref<6416x128xf32, #tpu.memory_space<vmem_shared>> -> memref<6416x128xf32, #tpu.memory_space<vmem_shared>>
            tpu.enqueue_indirect_dma source(%arg15 : memref<32x128xf32, #tpu.memory_space<vmem>>) target(%dma_start3A_558 : memref<6416x128xf32, #tpu.memory_space<vmem_shared>>) offsets(%dma_start3A_555 : memref<32xi32, #tpu.memory_space<vmem>>) semaphore(%arg39 : memref<!tpu.dma_semaphore, #tpu.memory_space<semaphore_mem>>) {add = true}
            %dma_start3A_559 = arith.constant 0 : i32
            %dma_start3A_560 = tpu.memref_slice %arg9[%add3A_451, %dma_start3A_559] : memref<64x32xi32, #tpu.memory_space<vmem>> -> memref<1x32xi32, #tpu.memory_space<vmem>>
            %dma_start3A_561 = tpu.memref_squeeze %dma_start3A_560 : memref<1x32xi32, #tpu.memory_space<vmem>> -> memref<32xi32, #tpu.memory_space<vmem>>
            %dma_start3A_562 = arith.constant 0 : i32
            %dma_start3A_563 = tpu.memref_slice %arg26[%dma_start3A_562] : memref<6416xf32, #tpu.memory_space<vmem_shared>> -> memref<6416xf32, #tpu.memory_space<vmem_shared>>
            tpu.enqueue_indirect_dma source(%arg22 : memref<32xf32, #tpu.memory_space<vmem>>) target(%dma_start3A_563 : memref<6416xf32, #tpu.memory_space<vmem_shared>>) offsets(%dma_start3A_561 : memref<32xi32, #tpu.memory_space<vmem>>) semaphore(%arg37 : memref<!tpu.dma_semaphore, #tpu.memory_space<semaphore_mem>>) {add = true}
          } else {
          }
          %mul3A_462 = arith.constant 8 : i32
          %mul3A_463 = arith.muli %while3A_432, %mul3A_462 : i32
          %add3A_464 = arith.constant 2 : i32
          %add3A_465 = arith.addi %mul3A_463, %add3A_464 : i32
          %add3A_466 = arith.constant 7 : i32
          %add3A_467 = arith.addi %add3A_465, %add3A_466 : i32
          %lt3A_468 = arith.cmpi slt, %add3A_467, %select_n3A_305 : i32
          %convert_element_type3A_469 = arith.extui %lt3A_468 : i1 to i32
          %cond3A_470 = arith.constant 0 : i32
          %cond3A_471 = arith.cmpi ne, %convert_element_type3A_469, %cond3A_470 : i32
          scf.if %cond3A_471 {
            %ge3A = arith.constant 1 : i32
            %ge3A_547 = arith.cmpi sge, %add3A_465, %ge3A : i32
            %convert_element_type3A_548 = arith.extui %ge3A_547 : i1 to i32
            %cond3A_549 = arith.constant 0 : i32
            %cond3A_550 = arith.cmpi ne, %convert_element_type3A_548, %cond3A_549 : i32
            scf.if %cond3A_550 {
              %dma_wait3A_559 = arith.constant 0 : i32
              %dma_wait3A_560 = arith.constant 0 : i32
              %dma_wait3A_561 = tpu.memref_slice %arg2[%dma_wait3A_559, %dma_wait3A_560] : memref<10000x128xf32, #tpu.memory_space<hbm>> -> memref<32x128xf32, #tpu.memory_space<hbm>>
              %dma_wait3A_562 = arith.constant 0 : i32
              %dma_wait3A_563 = arith.constant 0 : i32
              %dma_wait3A_564 = tpu.memref_slice %arg2[%dma_wait3A_562, %dma_wait3A_563] : memref<10000x128xf32, #tpu.memory_space<hbm>> -> memref<32x128xf32, #tpu.memory_space<hbm>>
              tpu.wait_dma2 semaphore(%arg39 : memref<!tpu.dma_semaphore, #tpu.memory_space<semaphore_mem>>) src(%dma_wait3A_564 : memref<32x128xf32, #tpu.memory_space<hbm>>) dst(%arg15 : memref<32x128xf32, #tpu.memory_space<vmem>>)
            } else {
            }
            %add3A_551 = arith.constant 7 : i32
            %add3A_552 = arith.addi %add3A_465, %add3A_551 : i32
            %dma_start3A_553 = arith.constant 0 : i32
            %dma_start3A_554 = tpu.memref_slice %arg8[%add3A_552, %dma_start3A_553] : memref<64x32xi32, #tpu.memory_space<vmem>> -> memref<1x32xi32, #tpu.memory_space<vmem>>
            %dma_start3A_555 = tpu.memref_squeeze %dma_start3A_554 : memref<1x32xi32, #tpu.memory_space<vmem>> -> memref<32xi32, #tpu.memory_space<vmem>>
            %dma_start3A_556 = arith.constant 0 : i32
            %dma_start3A_557 = arith.constant 0 : i32
            %dma_start3A_558 = tpu.memref_slice %arg2[%dma_start3A_556, %dma_start3A_557] : memref<10000x128xf32, #tpu.memory_space<hbm>> -> memref<10000x128xf32, #tpu.memory_space<hbm>>
            tpu.enqueue_indirect_dma source(%dma_start3A_558 : memref<10000x128xf32, #tpu.memory_space<hbm>>) target(%arg15 : memref<32x128xf32, #tpu.memory_space<vmem>>) offsets(%dma_start3A_555 : memref<32xi32, #tpu.memory_space<vmem>>) semaphore(%arg30 : memref<!tpu.dma_semaphore, #tpu.memory_space<semaphore_mem>>)
          } else {
          }
          %lt3A_472 = arith.cmpi slt, %add3A_465, %select_n3A_305 : i32
          %convert_element_type3A_473 = arith.extui %lt3A_472 : i1 to i32
          %cond3A_474 = arith.constant 0 : i32
          %cond3A_475 = arith.cmpi ne, %convert_element_type3A_473, %cond3A_474 : i32
          scf.if %cond3A_475 {
            %dma_wait3A_547 = arith.constant 0 : i32
            %dma_wait3A_548 = arith.constant 0 : i32
            %dma_wait3A_549 = tpu.memref_slice %arg2[%dma_wait3A_547, %dma_wait3A_548] : memref<10000x128xf32, #tpu.memory_space<hbm>> -> memref<32x128xf32, #tpu.memory_space<hbm>>
            %dma_wait3A_550 = arith.constant 0 : i32
            %dma_wait3A_551 = arith.constant 0 : i32
            %dma_wait3A_552 = tpu.memref_slice %arg2[%dma_wait3A_550, %dma_wait3A_551] : memref<10000x128xf32, #tpu.memory_space<hbm>> -> memref<32x128xf32, #tpu.memory_space<hbm>>
            tpu.wait_dma2 semaphore(%arg31 : memref<!tpu.dma_semaphore, #tpu.memory_space<semaphore_mem>>) src(%dma_wait3A_552 : memref<32x128xf32, #tpu.memory_space<hbm>>) dst(%arg16 : memref<32x128xf32, #tpu.memory_space<vmem>>)
            %dma_start3A_553 = arith.constant 0 : i32
            %dma_start3A_554 = tpu.memref_slice %arg9[%add3A_465, %dma_start3A_553] : memref<64x32xi32, #tpu.memory_space<vmem>> -> memref<1x32xi32, #tpu.memory_space<vmem>>
            %dma_start3A_555 = tpu.memref_squeeze %dma_start3A_554 : memref<1x32xi32, #tpu.memory_space<vmem>> -> memref<32xi32, #tpu.memory_space<vmem>>
            %dma_start3A_556 = arith.constant 0 : i32
            %dma_start3A_557 = arith.constant 0 : i32
            %dma_start3A_558 = tpu.memref_slice %arg25[%dma_start3A_556, %dma_start3A_557] : memref<6416x128xf32, #tpu.memory_space<vmem_shared>> -> memref<6416x128xf32, #tpu.memory_space<vmem_shared>>
            tpu.enqueue_indirect_dma source(%arg16 : memref<32x128xf32, #tpu.memory_space<vmem>>) target(%dma_start3A_558 : memref<6416x128xf32, #tpu.memory_space<vmem_shared>>) offsets(%dma_start3A_555 : memref<32xi32, #tpu.memory_space<vmem>>) semaphore(%arg40 : memref<!tpu.dma_semaphore, #tpu.memory_space<semaphore_mem>>) {add = true}
            %dma_start3A_559 = arith.constant 0 : i32
            %dma_start3A_560 = tpu.memref_slice %arg9[%add3A_465, %dma_start3A_559] : memref<64x32xi32, #tpu.memory_space<vmem>> -> memref<1x32xi32, #tpu.memory_space<vmem>>
            %dma_start3A_561 = tpu.memref_squeeze %dma_start3A_560 : memref<1x32xi32, #tpu.memory_space<vmem>> -> memref<32xi32, #tpu.memory_space<vmem>>
            %dma_start3A_562 = arith.constant 0 : i32
            %dma_start3A_563 = tpu.memref_slice %arg26[%dma_start3A_562] : memref<6416xf32, #tpu.memory_space<vmem_shared>> -> memref<6416xf32, #tpu.memory_space<vmem_shared>>
            tpu.enqueue_indirect_dma source(%arg22 : memref<32xf32, #tpu.memory_space<vmem>>) target(%dma_start3A_563 : memref<6416xf32, #tpu.memory_space<vmem_shared>>) offsets(%dma_start3A_561 : memref<32xi32, #tpu.memory_space<vmem>>) semaphore(%arg37 : memref<!tpu.dma_semaphore, #tpu.memory_space<semaphore_mem>>) {add = true}
          } else {
          }
          %mul3A_476 = arith.constant 8 : i32
          %mul3A_477 = arith.muli %while3A_432, %mul3A_476 : i32
          %add3A_478 = arith.constant 3 : i32
          %add3A_479 = arith.addi %mul3A_477, %add3A_478 : i32
          %add3A_480 = arith.constant 7 : i32
          %add3A_481 = arith.addi %add3A_479, %add3A_480 : i32
          %lt3A_482 = arith.cmpi slt, %add3A_481, %select_n3A_305 : i32
          %convert_element_type3A_483 = arith.extui %lt3A_482 : i1 to i32
          %cond3A_484 = arith.constant 0 : i32
          %cond3A_485 = arith.cmpi ne, %convert_element_type3A_483, %cond3A_484 : i32
          scf.if %cond3A_485 {
            %ge3A = arith.constant 1 : i32
            %ge3A_547 = arith.cmpi sge, %add3A_479, %ge3A : i32
            %convert_element_type3A_548 = arith.extui %ge3A_547 : i1 to i32
            %cond3A_549 = arith.constant 0 : i32
            %cond3A_550 = arith.cmpi ne, %convert_element_type3A_548, %cond3A_549 : i32
            scf.if %cond3A_550 {
              %dma_wait3A_559 = arith.constant 0 : i32
              %dma_wait3A_560 = arith.constant 0 : i32
              %dma_wait3A_561 = tpu.memref_slice %arg2[%dma_wait3A_559, %dma_wait3A_560] : memref<10000x128xf32, #tpu.memory_space<hbm>> -> memref<32x128xf32, #tpu.memory_space<hbm>>
              %dma_wait3A_562 = arith.constant 0 : i32
              %dma_wait3A_563 = arith.constant 0 : i32
              %dma_wait3A_564 = tpu.memref_slice %arg2[%dma_wait3A_562, %dma_wait3A_563] : memref<10000x128xf32, #tpu.memory_space<hbm>> -> memref<32x128xf32, #tpu.memory_space<hbm>>
              tpu.wait_dma2 semaphore(%arg40 : memref<!tpu.dma_semaphore, #tpu.memory_space<semaphore_mem>>) src(%dma_wait3A_564 : memref<32x128xf32, #tpu.memory_space<hbm>>) dst(%arg16 : memref<32x128xf32, #tpu.memory_space<vmem>>)
            } else {
            }
            %add3A_551 = arith.constant 7 : i32
            %add3A_552 = arith.addi %add3A_479, %add3A_551 : i32
            %dma_start3A_553 = arith.constant 0 : i32
            %dma_start3A_554 = tpu.memref_slice %arg8[%add3A_552, %dma_start3A_553] : memref<64x32xi32, #tpu.memory_space<vmem>> -> memref<1x32xi32, #tpu.memory_space<vmem>>
            %dma_start3A_555 = tpu.memref_squeeze %dma_start3A_554 : memref<1x32xi32, #tpu.memory_space<vmem>> -> memref<32xi32, #tpu.memory_space<vmem>>
            %dma_start3A_556 = arith.constant 0 : i32
            %dma_start3A_557 = arith.constant 0 : i32
            %dma_start3A_558 = tpu.memref_slice %arg2[%dma_start3A_556, %dma_start3A_557] : memref<10000x128xf32, #tpu.memory_space<hbm>> -> memref<10000x128xf32, #tpu.memory_space<hbm>>
            tpu.enqueue_indirect_dma source(%dma_start3A_558 : memref<10000x128xf32, #tpu.memory_space<hbm>>) target(%arg16 : memref<32x128xf32, #tpu.memory_space<vmem>>) offsets(%dma_start3A_555 : memref<32xi32, #tpu.memory_space<vmem>>) semaphore(%arg31 : memref<!tpu.dma_semaphore, #tpu.memory_space<semaphore_mem>>)
          } else {
          }
          %lt3A_486 = arith.cmpi slt, %add3A_479, %select_n3A_305 : i32
          %convert_element_type3A_487 = arith.extui %lt3A_486 : i1 to i32
          %cond3A_488 = arith.constant 0 : i32
          %cond3A_489 = arith.cmpi ne, %convert_element_type3A_487, %cond3A_488 : i32
          scf.if %cond3A_489 {
            %dma_wait3A_547 = arith.constant 0 : i32
            %dma_wait3A_548 = arith.constant 0 : i32
            %dma_wait3A_549 = tpu.memref_slice %arg2[%dma_wait3A_547, %dma_wait3A_548] : memref<10000x128xf32, #tpu.memory_space<hbm>> -> memref<32x128xf32, #tpu.memory_space<hbm>>
            %dma_wait3A_550 = arith.constant 0 : i32
            %dma_wait3A_551 = arith.constant 0 : i32
            %dma_wait3A_552 = tpu.memref_slice %arg2[%dma_wait3A_550, %dma_wait3A_551] : memref<10000x128xf32, #tpu.memory_space<hbm>> -> memref<32x128xf32, #tpu.memory_space<hbm>>
            tpu.wait_dma2 semaphore(%arg32 : memref<!tpu.dma_semaphore, #tpu.memory_space<semaphore_mem>>) src(%dma_wait3A_552 : memref<32x128xf32, #tpu.memory_space<hbm>>) dst(%arg17 : memref<32x128xf32, #tpu.memory_space<vmem>>)
            %dma_start3A_553 = arith.constant 0 : i32
            %dma_start3A_554 = tpu.memref_slice %arg9[%add3A_479, %dma_start3A_553] : memref<64x32xi32, #tpu.memory_space<vmem>> -> memref<1x32xi32, #tpu.memory_space<vmem>>
            %dma_start3A_555 = tpu.memref_squeeze %dma_start3A_554 : memref<1x32xi32, #tpu.memory_space<vmem>> -> memref<32xi32, #tpu.memory_space<vmem>>
            %dma_start3A_556 = arith.constant 0 : i32
            %dma_start3A_557 = arith.constant 0 : i32
            %dma_start3A_558 = tpu.memref_slice %arg25[%dma_start3A_556, %dma_start3A_557] : memref<6416x128xf32, #tpu.memory_space<vmem_shared>> -> memref<6416x128xf32, #tpu.memory_space<vmem_shared>>
            tpu.enqueue_indirect_dma source(%arg17 : memref<32x128xf32, #tpu.memory_space<vmem>>) target(%dma_start3A_558 : memref<6416x128xf32, #tpu.memory_space<vmem_shared>>) offsets(%dma_start3A_555 : memref<32xi32, #tpu.memory_space<vmem>>) semaphore(%arg41 : memref<!tpu.dma_semaphore, #tpu.memory_space<semaphore_mem>>) {add = true}
            %dma_start3A_559 = arith.constant 0 : i32
            %dma_start3A_560 = tpu.memref_slice %arg9[%add3A_479, %dma_start3A_559] : memref<64x32xi32, #tpu.memory_space<vmem>> -> memref<1x32xi32, #tpu.memory_space<vmem>>
            %dma_start3A_561 = tpu.memref_squeeze %dma_start3A_560 : memref<1x32xi32, #tpu.memory_space<vmem>> -> memref<32xi32, #tpu.memory_space<vmem>>
            %dma_start3A_562 = arith.constant 0 : i32
            %dma_start3A_563 = tpu.memref_slice %arg26[%dma_start3A_562] : memref<6416xf32, #tpu.memory_space<vmem_shared>> -> memref<6416xf32, #tpu.memory_space<vmem_shared>>
            tpu.enqueue_indirect_dma source(%arg22 : memref<32xf32, #tpu.memory_space<vmem>>) target(%dma_start3A_563 : memref<6416xf32, #tpu.memory_space<vmem_shared>>) offsets(%dma_start3A_561 : memref<32xi32, #tpu.memory_space<vmem>>) semaphore(%arg37 : memref<!tpu.dma_semaphore, #tpu.memory_space<semaphore_mem>>) {add = true}
          } else {
          }
          %mul3A_490 = arith.constant 8 : i32
          %mul3A_491 = arith.muli %while3A_432, %mul3A_490 : i32
          %add3A_492 = arith.constant 4 : i32
          %add3A_493 = arith.addi %mul3A_491, %add3A_492 : i32
          %add3A_494 = arith.constant 7 : i32
          %add3A_495 = arith.addi %add3A_493, %add3A_494 : i32
          %lt3A_496 = arith.cmpi slt, %add3A_495, %select_n3A_305 : i32
          %convert_element_type3A_497 = arith.extui %lt3A_496 : i1 to i32
          %cond3A_498 = arith.constant 0 : i32
          %cond3A_499 = arith.cmpi ne, %convert_element_type3A_497, %cond3A_498 : i32
          scf.if %cond3A_499 {
            %ge3A = arith.constant 1 : i32
            %ge3A_547 = arith.cmpi sge, %add3A_493, %ge3A : i32
            %convert_element_type3A_548 = arith.extui %ge3A_547 : i1 to i32
            %cond3A_549 = arith.constant 0 : i32
            %cond3A_550 = arith.cmpi ne, %convert_element_type3A_548, %cond3A_549 : i32
            scf.if %cond3A_550 {
              %dma_wait3A_559 = arith.constant 0 : i32
              %dma_wait3A_560 = arith.constant 0 : i32
              %dma_wait3A_561 = tpu.memref_slice %arg2[%dma_wait3A_559, %dma_wait3A_560] : memref<10000x128xf32, #tpu.memory_space<hbm>> -> memref<32x128xf32, #tpu.memory_space<hbm>>
              %dma_wait3A_562 = arith.constant 0 : i32
              %dma_wait3A_563 = arith.constant 0 : i32
              %dma_wait3A_564 = tpu.memref_slice %arg2[%dma_wait3A_562, %dma_wait3A_563] : memref<10000x128xf32, #tpu.memory_space<hbm>> -> memref<32x128xf32, #tpu.memory_space<hbm>>
              tpu.wait_dma2 semaphore(%arg41 : memref<!tpu.dma_semaphore, #tpu.memory_space<semaphore_mem>>) src(%dma_wait3A_564 : memref<32x128xf32, #tpu.memory_space<hbm>>) dst(%arg17 : memref<32x128xf32, #tpu.memory_space<vmem>>)
            } else {
            }
            %add3A_551 = arith.constant 7 : i32
            %add3A_552 = arith.addi %add3A_493, %add3A_551 : i32
            %dma_start3A_553 = arith.constant 0 : i32
            %dma_start3A_554 = tpu.memref_slice %arg8[%add3A_552, %dma_start3A_553] : memref<64x32xi32, #tpu.memory_space<vmem>> -> memref<1x32xi32, #tpu.memory_space<vmem>>
            %dma_start3A_555 = tpu.memref_squeeze %dma_start3A_554 : memref<1x32xi32, #tpu.memory_space<vmem>> -> memref<32xi32, #tpu.memory_space<vmem>>
            %dma_start3A_556 = arith.constant 0 : i32
            %dma_start3A_557 = arith.constant 0 : i32
            %dma_start3A_558 = tpu.memref_slice %arg2[%dma_start3A_556, %dma_start3A_557] : memref<10000x128xf32, #tpu.memory_space<hbm>> -> memref<10000x128xf32, #tpu.memory_space<hbm>>
            tpu.enqueue_indirect_dma source(%dma_start3A_558 : memref<10000x128xf32, #tpu.memory_space<hbm>>) target(%arg17 : memref<32x128xf32, #tpu.memory_space<vmem>>) offsets(%dma_start3A_555 : memref<32xi32, #tpu.memory_space<vmem>>) semaphore(%arg32 : memref<!tpu.dma_semaphore, #tpu.memory_space<semaphore_mem>>)
          } else {
          }
          %lt3A_500 = arith.cmpi slt, %add3A_493, %select_n3A_305 : i32
          %convert_element_type3A_501 = arith.extui %lt3A_500 : i1 to i32
          %cond3A_502 = arith.constant 0 : i32
          %cond3A_503 = arith.cmpi ne, %convert_element_type3A_501, %cond3A_502 : i32
          scf.if %cond3A_503 {
            %dma_wait3A_547 = arith.constant 0 : i32
            %dma_wait3A_548 = arith.constant 0 : i32
            %dma_wait3A_549 = tpu.memref_slice %arg2[%dma_wait3A_547, %dma_wait3A_548] : memref<10000x128xf32, #tpu.memory_space<hbm>> -> memref<32x128xf32, #tpu.memory_space<hbm>>
            %dma_wait3A_550 = arith.constant 0 : i32
            %dma_wait3A_551 = arith.constant 0 : i32
            %dma_wait3A_552 = tpu.memref_slice %arg2[%dma_wait3A_550, %dma_wait3A_551] : memref<10000x128xf32, #tpu.memory_space<hbm>> -> memref<32x128xf32, #tpu.memory_space<hbm>>
            tpu.wait_dma2 semaphore(%arg33 : memref<!tpu.dma_semaphore, #tpu.memory_space<semaphore_mem>>) src(%dma_wait3A_552 : memref<32x128xf32, #tpu.memory_space<hbm>>) dst(%arg18 : memref<32x128xf32, #tpu.memory_space<vmem>>)
            %dma_start3A_553 = arith.constant 0 : i32
            %dma_start3A_554 = tpu.memref_slice %arg9[%add3A_493, %dma_start3A_553] : memref<64x32xi32, #tpu.memory_space<vmem>> -> memref<1x32xi32, #tpu.memory_space<vmem>>
            %dma_start3A_555 = tpu.memref_squeeze %dma_start3A_554 : memref<1x32xi32, #tpu.memory_space<vmem>> -> memref<32xi32, #tpu.memory_space<vmem>>
            %dma_start3A_556 = arith.constant 0 : i32
            %dma_start3A_557 = arith.constant 0 : i32
            %dma_start3A_558 = tpu.memref_slice %arg25[%dma_start3A_556, %dma_start3A_557] : memref<6416x128xf32, #tpu.memory_space<vmem_shared>> -> memref<6416x128xf32, #tpu.memory_space<vmem_shared>>
            tpu.enqueue_indirect_dma source(%arg18 : memref<32x128xf32, #tpu.memory_space<vmem>>) target(%dma_start3A_558 : memref<6416x128xf32, #tpu.memory_space<vmem_shared>>) offsets(%dma_start3A_555 : memref<32xi32, #tpu.memory_space<vmem>>) semaphore(%arg42 : memref<!tpu.dma_semaphore, #tpu.memory_space<semaphore_mem>>) {add = true}
            %dma_start3A_559 = arith.constant 0 : i32
            %dma_start3A_560 = tpu.memref_slice %arg9[%add3A_493, %dma_start3A_559] : memref<64x32xi32, #tpu.memory_space<vmem>> -> memref<1x32xi32, #tpu.memory_space<vmem>>
            %dma_start3A_561 = tpu.memref_squeeze %dma_start3A_560 : memref<1x32xi32, #tpu.memory_space<vmem>> -> memref<32xi32, #tpu.memory_space<vmem>>
            %dma_start3A_562 = arith.constant 0 : i32
            %dma_start3A_563 = tpu.memref_slice %arg26[%dma_start3A_562] : memref<6416xf32, #tpu.memory_space<vmem_shared>> -> memref<6416xf32, #tpu.memory_space<vmem_shared>>
            tpu.enqueue_indirect_dma source(%arg22 : memref<32xf32, #tpu.memory_space<vmem>>) target(%dma_start3A_563 : memref<6416xf32, #tpu.memory_space<vmem_shared>>) offsets(%dma_start3A_561 : memref<32xi32, #tpu.memory_space<vmem>>) semaphore(%arg37 : memref<!tpu.dma_semaphore, #tpu.memory_space<semaphore_mem>>) {add = true}
          } else {
          }
          %mul3A_504 = arith.constant 8 : i32
          %mul3A_505 = arith.muli %while3A_432, %mul3A_504 : i32
          %add3A_506 = arith.constant 5 : i32
          %add3A_507 = arith.addi %mul3A_505, %add3A_506 : i32
          %add3A_508 = arith.constant 7 : i32
          %add3A_509 = arith.addi %add3A_507, %add3A_508 : i32
          %lt3A_510 = arith.cmpi slt, %add3A_509, %select_n3A_305 : i32
          %convert_element_type3A_511 = arith.extui %lt3A_510 : i1 to i32
          %cond3A_512 = arith.constant 0 : i32
          %cond3A_513 = arith.cmpi ne, %convert_element_type3A_511, %cond3A_512 : i32
          scf.if %cond3A_513 {
            %ge3A = arith.constant 1 : i32
            %ge3A_547 = arith.cmpi sge, %add3A_507, %ge3A : i32
            %convert_element_type3A_548 = arith.extui %ge3A_547 : i1 to i32
            %cond3A_549 = arith.constant 0 : i32
            %cond3A_550 = arith.cmpi ne, %convert_element_type3A_548, %cond3A_549 : i32
            scf.if %cond3A_550 {
              %dma_wait3A_559 = arith.constant 0 : i32
              %dma_wait3A_560 = arith.constant 0 : i32
              %dma_wait3A_561 = tpu.memref_slice %arg2[%dma_wait3A_559, %dma_wait3A_560] : memref<10000x128xf32, #tpu.memory_space<hbm>> -> memref<32x128xf32, #tpu.memory_space<hbm>>
              %dma_wait3A_562 = arith.constant 0 : i32
              %dma_wait3A_563 = arith.constant 0 : i32
              %dma_wait3A_564 = tpu.memref_slice %arg2[%dma_wait3A_562, %dma_wait3A_563] : memref<10000x128xf32, #tpu.memory_space<hbm>> -> memref<32x128xf32, #tpu.memory_space<hbm>>
              tpu.wait_dma2 semaphore(%arg42 : memref<!tpu.dma_semaphore, #tpu.memory_space<semaphore_mem>>) src(%dma_wait3A_564 : memref<32x128xf32, #tpu.memory_space<hbm>>) dst(%arg18 : memref<32x128xf32, #tpu.memory_space<vmem>>)
            } else {
            }
            %add3A_551 = arith.constant 7 : i32
            %add3A_552 = arith.addi %add3A_507, %add3A_551 : i32
            %dma_start3A_553 = arith.constant 0 : i32
            %dma_start3A_554 = tpu.memref_slice %arg8[%add3A_552, %dma_start3A_553] : memref<64x32xi32, #tpu.memory_space<vmem>> -> memref<1x32xi32, #tpu.memory_space<vmem>>
            %dma_start3A_555 = tpu.memref_squeeze %dma_start3A_554 : memref<1x32xi32, #tpu.memory_space<vmem>> -> memref<32xi32, #tpu.memory_space<vmem>>
            %dma_start3A_556 = arith.constant 0 : i32
            %dma_start3A_557 = arith.constant 0 : i32
            %dma_start3A_558 = tpu.memref_slice %arg2[%dma_start3A_556, %dma_start3A_557] : memref<10000x128xf32, #tpu.memory_space<hbm>> -> memref<10000x128xf32, #tpu.memory_space<hbm>>
            tpu.enqueue_indirect_dma source(%dma_start3A_558 : memref<10000x128xf32, #tpu.memory_space<hbm>>) target(%arg18 : memref<32x128xf32, #tpu.memory_space<vmem>>) offsets(%dma_start3A_555 : memref<32xi32, #tpu.memory_space<vmem>>) semaphore(%arg33 : memref<!tpu.dma_semaphore, #tpu.memory_space<semaphore_mem>>)
          } else {
          }
          %lt3A_514 = arith.cmpi slt, %add3A_507, %select_n3A_305 : i32
          %convert_element_type3A_515 = arith.extui %lt3A_514 : i1 to i32
          %cond3A_516 = arith.constant 0 : i32
          %cond3A_517 = arith.cmpi ne, %convert_element_type3A_515, %cond3A_516 : i32
          scf.if %cond3A_517 {
            %dma_wait3A_547 = arith.constant 0 : i32
            %dma_wait3A_548 = arith.constant 0 : i32
            %dma_wait3A_549 = tpu.memref_slice %arg2[%dma_wait3A_547, %dma_wait3A_548] : memref<10000x128xf32, #tpu.memory_space<hbm>> -> memref<32x128xf32, #tpu.memory_space<hbm>>
            %dma_wait3A_550 = arith.constant 0 : i32
            %dma_wait3A_551 = arith.constant 0 : i32
            %dma_wait3A_552 = tpu.memref_slice %arg2[%dma_wait3A_550, %dma_wait3A_551] : memref<10000x128xf32, #tpu.memory_space<hbm>> -> memref<32x128xf32, #tpu.memory_space<hbm>>
            tpu.wait_dma2 semaphore(%arg34 : memref<!tpu.dma_semaphore, #tpu.memory_space<semaphore_mem>>) src(%dma_wait3A_552 : memref<32x128xf32, #tpu.memory_space<hbm>>) dst(%arg19 : memref<32x128xf32, #tpu.memory_space<vmem>>)
            %dma_start3A_553 = arith.constant 0 : i32
            %dma_start3A_554 = tpu.memref_slice %arg9[%add3A_507, %dma_start3A_553] : memref<64x32xi32, #tpu.memory_space<vmem>> -> memref<1x32xi32, #tpu.memory_space<vmem>>
            %dma_start3A_555 = tpu.memref_squeeze %dma_start3A_554 : memref<1x32xi32, #tpu.memory_space<vmem>> -> memref<32xi32, #tpu.memory_space<vmem>>
            %dma_start3A_556 = arith.constant 0 : i32
            %dma_start3A_557 = arith.constant 0 : i32
            %dma_start3A_558 = tpu.memref_slice %arg25[%dma_start3A_556, %dma_start3A_557] : memref<6416x128xf32, #tpu.memory_space<vmem_shared>> -> memref<6416x128xf32, #tpu.memory_space<vmem_shared>>
            tpu.enqueue_indirect_dma source(%arg19 : memref<32x128xf32, #tpu.memory_space<vmem>>) target(%dma_start3A_558 : memref<6416x128xf32, #tpu.memory_space<vmem_shared>>) offsets(%dma_start3A_555 : memref<32xi32, #tpu.memory_space<vmem>>) semaphore(%arg43 : memref<!tpu.dma_semaphore, #tpu.memory_space<semaphore_mem>>) {add = true}
            %dma_start3A_559 = arith.constant 0 : i32
            %dma_start3A_560 = tpu.memref_slice %arg9[%add3A_507, %dma_start3A_559] : memref<64x32xi32, #tpu.memory_space<vmem>> -> memref<1x32xi32, #tpu.memory_space<vmem>>
            %dma_start3A_561 = tpu.memref_squeeze %dma_start3A_560 : memref<1x32xi32, #tpu.memory_space<vmem>> -> memref<32xi32, #tpu.memory_space<vmem>>
            %dma_start3A_562 = arith.constant 0 : i32
            %dma_start3A_563 = tpu.memref_slice %arg26[%dma_start3A_562] : memref<6416xf32, #tpu.memory_space<vmem_shared>> -> memref<6416xf32, #tpu.memory_space<vmem_shared>>
            tpu.enqueue_indirect_dma source(%arg22 : memref<32xf32, #tpu.memory_space<vmem>>) target(%dma_start3A_563 : memref<6416xf32, #tpu.memory_space<vmem_shared>>) offsets(%dma_start3A_561 : memref<32xi32, #tpu.memory_space<vmem>>) semaphore(%arg37 : memref<!tpu.dma_semaphore, #tpu.memory_space<semaphore_mem>>) {add = true}
          } else {
          }
          %mul3A_518 = arith.constant 8 : i32
          %mul3A_519 = arith.muli %while3A_432, %mul3A_518 : i32
          %add3A_520 = arith.constant 6 : i32
          %add3A_521 = arith.addi %mul3A_519, %add3A_520 : i32
          %add3A_522 = arith.constant 7 : i32
          %add3A_523 = arith.addi %add3A_521, %add3A_522 : i32
          %lt3A_524 = arith.cmpi slt, %add3A_523, %select_n3A_305 : i32
          %convert_element_type3A_525 = arith.extui %lt3A_524 : i1 to i32
          %cond3A_526 = arith.constant 0 : i32
          %cond3A_527 = arith.cmpi ne, %convert_element_type3A_525, %cond3A_526 : i32
          scf.if %cond3A_527 {
            %ge3A = arith.constant 1 : i32
            %ge3A_547 = arith.cmpi sge, %add3A_521, %ge3A : i32
            %convert_element_type3A_548 = arith.extui %ge3A_547 : i1 to i32
            %cond3A_549 = arith.constant 0 : i32
            %cond3A_550 = arith.cmpi ne, %convert_element_type3A_548, %cond3A_549 : i32
            scf.if %cond3A_550 {
              %dma_wait3A_559 = arith.constant 0 : i32
              %dma_wait3A_560 = arith.constant 0 : i32
              %dma_wait3A_561 = tpu.memref_slice %arg2[%dma_wait3A_559, %dma_wait3A_560] : memref<10000x128xf32, #tpu.memory_space<hbm>> -> memref<32x128xf32, #tpu.memory_space<hbm>>
              %dma_wait3A_562 = arith.constant 0 : i32
              %dma_wait3A_563 = arith.constant 0 : i32
              %dma_wait3A_564 = tpu.memref_slice %arg2[%dma_wait3A_562, %dma_wait3A_563] : memref<10000x128xf32, #tpu.memory_space<hbm>> -> memref<32x128xf32, #tpu.memory_space<hbm>>
              tpu.wait_dma2 semaphore(%arg43 : memref<!tpu.dma_semaphore, #tpu.memory_space<semaphore_mem>>) src(%dma_wait3A_564 : memref<32x128xf32, #tpu.memory_space<hbm>>) dst(%arg19 : memref<32x128xf32, #tpu.memory_space<vmem>>)
            } else {
            }
            %add3A_551 = arith.constant 7 : i32
            %add3A_552 = arith.addi %add3A_521, %add3A_551 : i32
            %dma_start3A_553 = arith.constant 0 : i32
            %dma_start3A_554 = tpu.memref_slice %arg8[%add3A_552, %dma_start3A_553] : memref<64x32xi32, #tpu.memory_space<vmem>> -> memref<1x32xi32, #tpu.memory_space<vmem>>
            %dma_start3A_555 = tpu.memref_squeeze %dma_start3A_554 : memref<1x32xi32, #tpu.memory_space<vmem>> -> memref<32xi32, #tpu.memory_space<vmem>>
            %dma_start3A_556 = arith.constant 0 : i32
            %dma_start3A_557 = arith.constant 0 : i32
            %dma_start3A_558 = tpu.memref_slice %arg2[%dma_start3A_556, %dma_start3A_557] : memref<10000x128xf32, #tpu.memory_space<hbm>> -> memref<10000x128xf32, #tpu.memory_space<hbm>>
            tpu.enqueue_indirect_dma source(%dma_start3A_558 : memref<10000x128xf32, #tpu.memory_space<hbm>>) target(%arg19 : memref<32x128xf32, #tpu.memory_space<vmem>>) offsets(%dma_start3A_555 : memref<32xi32, #tpu.memory_space<vmem>>) semaphore(%arg34 : memref<!tpu.dma_semaphore, #tpu.memory_space<semaphore_mem>>)
          } else {
          }
          %lt3A_528 = arith.cmpi slt, %add3A_521, %select_n3A_305 : i32
          %convert_element_type3A_529 = arith.extui %lt3A_528 : i1 to i32
          %cond3A_530 = arith.constant 0 : i32
          %cond3A_531 = arith.cmpi ne, %convert_element_type3A_529, %cond3A_530 : i32
          scf.if %cond3A_531 {
            %dma_wait3A_547 = arith.constant 0 : i32
            %dma_wait3A_548 = arith.constant 0 : i32
            %dma_wait3A_549 = tpu.memref_slice %arg2[%dma_wait3A_547, %dma_wait3A_548] : memref<10000x128xf32, #tpu.memory_space<hbm>> -> memref<32x128xf32, #tpu.memory_space<hbm>>
            %dma_wait3A_550 = arith.constant 0 : i32
            %dma_wait3A_551 = arith.constant 0 : i32
            %dma_wait3A_552 = tpu.memref_slice %arg2[%dma_wait3A_550, %dma_wait3A_551] : memref<10000x128xf32, #tpu.memory_space<hbm>> -> memref<32x128xf32, #tpu.memory_space<hbm>>
            tpu.wait_dma2 semaphore(%arg35 : memref<!tpu.dma_semaphore, #tpu.memory_space<semaphore_mem>>) src(%dma_wait3A_552 : memref<32x128xf32, #tpu.memory_space<hbm>>) dst(%arg20 : memref<32x128xf32, #tpu.memory_space<vmem>>)
            %dma_start3A_553 = arith.constant 0 : i32
            %dma_start3A_554 = tpu.memref_slice %arg9[%add3A_521, %dma_start3A_553] : memref<64x32xi32, #tpu.memory_space<vmem>> -> memref<1x32xi32, #tpu.memory_space<vmem>>
            %dma_start3A_555 = tpu.memref_squeeze %dma_start3A_554 : memref<1x32xi32, #tpu.memory_space<vmem>> -> memref<32xi32, #tpu.memory_space<vmem>>
            %dma_start3A_556 = arith.constant 0 : i32
            %dma_start3A_557 = arith.constant 0 : i32
            %dma_start3A_558 = tpu.memref_slice %arg25[%dma_start3A_556, %dma_start3A_557] : memref<6416x128xf32, #tpu.memory_space<vmem_shared>> -> memref<6416x128xf32, #tpu.memory_space<vmem_shared>>
            tpu.enqueue_indirect_dma source(%arg20 : memref<32x128xf32, #tpu.memory_space<vmem>>) target(%dma_start3A_558 : memref<6416x128xf32, #tpu.memory_space<vmem_shared>>) offsets(%dma_start3A_555 : memref<32xi32, #tpu.memory_space<vmem>>) semaphore(%arg44 : memref<!tpu.dma_semaphore, #tpu.memory_space<semaphore_mem>>) {add = true}
            %dma_start3A_559 = arith.constant 0 : i32
            %dma_start3A_560 = tpu.memref_slice %arg9[%add3A_521, %dma_start3A_559] : memref<64x32xi32, #tpu.memory_space<vmem>> -> memref<1x32xi32, #tpu.memory_space<vmem>>
            %dma_start3A_561 = tpu.memref_squeeze %dma_start3A_560 : memref<1x32xi32, #tpu.memory_space<vmem>> -> memref<32xi32, #tpu.memory_space<vmem>>
            %dma_start3A_562 = arith.constant 0 : i32
            %dma_start3A_563 = tpu.memref_slice %arg26[%dma_start3A_562] : memref<6416xf32, #tpu.memory_space<vmem_shared>> -> memref<6416xf32, #tpu.memory_space<vmem_shared>>
            tpu.enqueue_indirect_dma source(%arg22 : memref<32xf32, #tpu.memory_space<vmem>>) target(%dma_start3A_563 : memref<6416xf32, #tpu.memory_space<vmem_shared>>) offsets(%dma_start3A_561 : memref<32xi32, #tpu.memory_space<vmem>>) semaphore(%arg37 : memref<!tpu.dma_semaphore, #tpu.memory_space<semaphore_mem>>) {add = true}
          } else {
          }
          %mul3A_532 = arith.constant 8 : i32
          %mul3A_533 = arith.muli %while3A_432, %mul3A_532 : i32
          %add3A_534 = arith.constant 7 : i32
          %add3A_535 = arith.addi %mul3A_533, %add3A_534 : i32
          %add3A_536 = arith.constant 7 : i32
          %add3A_537 = arith.addi %add3A_535, %add3A_536 : i32
          %lt3A_538 = arith.cmpi slt, %add3A_537, %select_n3A_305 : i32
          %convert_element_type3A_539 = arith.extui %lt3A_538 : i1 to i32
          %cond3A_540 = arith.constant 0 : i32
          %cond3A_541 = arith.cmpi ne, %convert_element_type3A_539, %cond3A_540 : i32
          scf.if %cond3A_541 {
            %ge3A = arith.constant 1 : i32
            %ge3A_547 = arith.cmpi sge, %add3A_535, %ge3A : i32
            %convert_element_type3A_548 = arith.extui %ge3A_547 : i1 to i32
            %cond3A_549 = arith.constant 0 : i32
            %cond3A_550 = arith.cmpi ne, %convert_element_type3A_548, %cond3A_549 : i32
            scf.if %cond3A_550 {
              %dma_wait3A_559 = arith.constant 0 : i32
              %dma_wait3A_560 = arith.constant 0 : i32
              %dma_wait3A_561 = tpu.memref_slice %arg2[%dma_wait3A_559, %dma_wait3A_560] : memref<10000x128xf32, #tpu.memory_space<hbm>> -> memref<32x128xf32, #tpu.memory_space<hbm>>
              %dma_wait3A_562 = arith.constant 0 : i32
              %dma_wait3A_563 = arith.constant 0 : i32
              %dma_wait3A_564 = tpu.memref_slice %arg2[%dma_wait3A_562, %dma_wait3A_563] : memref<10000x128xf32, #tpu.memory_space<hbm>> -> memref<32x128xf32, #tpu.memory_space<hbm>>
              tpu.wait_dma2 semaphore(%arg44 : memref<!tpu.dma_semaphore, #tpu.memory_space<semaphore_mem>>) src(%dma_wait3A_564 : memref<32x128xf32, #tpu.memory_space<hbm>>) dst(%arg20 : memref<32x128xf32, #tpu.memory_space<vmem>>)
            } else {
            }
            %add3A_551 = arith.constant 7 : i32
            %add3A_552 = arith.addi %add3A_535, %add3A_551 : i32
            %dma_start3A_553 = arith.constant 0 : i32
            %dma_start3A_554 = tpu.memref_slice %arg8[%add3A_552, %dma_start3A_553] : memref<64x32xi32, #tpu.memory_space<vmem>> -> memref<1x32xi32, #tpu.memory_space<vmem>>
            %dma_start3A_555 = tpu.memref_squeeze %dma_start3A_554 : memref<1x32xi32, #tpu.memory_space<vmem>> -> memref<32xi32, #tpu.memory_space<vmem>>
            %dma_start3A_556 = arith.constant 0 : i32
            %dma_start3A_557 = arith.constant 0 : i32
            %dma_start3A_558 = tpu.memref_slice %arg2[%dma_start3A_556, %dma_start3A_557] : memref<10000x128xf32, #tpu.memory_space<hbm>> -> memref<10000x128xf32, #tpu.memory_space<hbm>>
            tpu.enqueue_indirect_dma source(%dma_start3A_558 : memref<10000x128xf32, #tpu.memory_space<hbm>>) target(%arg20 : memref<32x128xf32, #tpu.memory_space<vmem>>) offsets(%dma_start3A_555 : memref<32xi32, #tpu.memory_space<vmem>>) semaphore(%arg35 : memref<!tpu.dma_semaphore, #tpu.memory_space<semaphore_mem>>)
          } else {
          }
          %lt3A_542 = arith.cmpi slt, %add3A_535, %select_n3A_305 : i32
          %convert_element_type3A_543 = arith.extui %lt3A_542 : i1 to i32
          %cond3A_544 = arith.constant 0 : i32
          %cond3A_545 = arith.cmpi ne, %convert_element_type3A_543, %cond3A_544 : i32
          scf.if %cond3A_545 {
            %dma_wait3A_547 = arith.constant 0 : i32
            %dma_wait3A_548 = arith.constant 0 : i32
            %dma_wait3A_549 = tpu.memref_slice %arg2[%dma_wait3A_547, %dma_wait3A_548] : memref<10000x128xf32, #tpu.memory_space<hbm>> -> memref<32x128xf32, #tpu.memory_space<hbm>>
            %dma_wait3A_550 = arith.constant 0 : i32
            %dma_wait3A_551 = arith.constant 0 : i32
            %dma_wait3A_552 = tpu.memref_slice %arg2[%dma_wait3A_550, %dma_wait3A_551] : memref<10000x128xf32, #tpu.memory_space<hbm>> -> memref<32x128xf32, #tpu.memory_space<hbm>>
            tpu.wait_dma2 semaphore(%arg36 : memref<!tpu.dma_semaphore, #tpu.memory_space<semaphore_mem>>) src(%dma_wait3A_552 : memref<32x128xf32, #tpu.memory_space<hbm>>) dst(%arg21 : memref<32x128xf32, #tpu.memory_space<vmem>>)
            %dma_start3A_553 = arith.constant 0 : i32
            %dma_start3A_554 = tpu.memref_slice %arg9[%add3A_535, %dma_start3A_553] : memref<64x32xi32, #tpu.memory_space<vmem>> -> memref<1x32xi32, #tpu.memory_space<vmem>>
            %dma_start3A_555 = tpu.memref_squeeze %dma_start3A_554 : memref<1x32xi32, #tpu.memory_space<vmem>> -> memref<32xi32, #tpu.memory_space<vmem>>
            %dma_start3A_556 = arith.constant 0 : i32
            %dma_start3A_557 = arith.constant 0 : i32
            %dma_start3A_558 = tpu.memref_slice %arg25[%dma_start3A_556, %dma_start3A_557] : memref<6416x128xf32, #tpu.memory_space<vmem_shared>> -> memref<6416x128xf32, #tpu.memory_space<vmem_shared>>
            tpu.enqueue_indirect_dma source(%arg21 : memref<32x128xf32, #tpu.memory_space<vmem>>) target(%dma_start3A_558 : memref<6416x128xf32, #tpu.memory_space<vmem_shared>>) offsets(%dma_start3A_555 : memref<32xi32, #tpu.memory_space<vmem>>) semaphore(%arg45 : memref<!tpu.dma_semaphore, #tpu.memory_space<semaphore_mem>>) {add = true}
            %dma_start3A_559 = arith.constant 0 : i32
            %dma_start3A_560 = tpu.memref_slice %arg9[%add3A_535, %dma_start3A_559] : memref<64x32xi32, #tpu.memory_space<vmem>> -> memref<1x32xi32, #tpu.memory_space<vmem>>
            %dma_start3A_561 = tpu.memref_squeeze %dma_start3A_560 : memref<1x32xi32, #tpu.memory_space<vmem>> -> memref<32xi32, #tpu.memory_space<vmem>>
            %dma_start3A_562 = arith.constant 0 : i32
            %dma_start3A_563 = tpu.memref_slice %arg26[%dma_start3A_562] : memref<6416xf32, #tpu.memory_space<vmem_shared>> -> memref<6416xf32, #tpu.memory_space<vmem_shared>>
            tpu.enqueue_indirect_dma source(%arg22 : memref<32xf32, #tpu.memory_space<vmem>>) target(%dma_start3A_563 : memref<6416xf32, #tpu.memory_space<vmem_shared>>) offsets(%dma_start3A_561 : memref<32xi32, #tpu.memory_space<vmem>>) semaphore(%arg37 : memref<!tpu.dma_semaphore, #tpu.memory_space<semaphore_mem>>) {add = true}
          } else {
          }
          %while3A_546 = arith.constant 0 : i32
          scf.yield %while3A_546 : i32
        }
        %gt3A_379 = arith.constant 0 : i32
        %gt3A_380 = arith.cmpi sgt, %select_n3A_305, %gt3A_379 : i32
        %convert_element_type3A_381 = arith.extui %gt3A_380 : i1 to i32
        %cond3A_382 = arith.constant 0 : i32
        %cond3A_383 = arith.cmpi ne, %convert_element_type3A_381, %cond3A_382 : i32
        scf.if %cond3A_383 {
          %dma_wait3A_432 = arith.constant 0 : i32
          %dma_wait3A_433 = arith.constant 0 : i32
          %dma_wait3A_434 = tpu.memref_slice %arg2[%dma_wait3A_432, %dma_wait3A_433] : memref<10000x128xf32, #tpu.memory_space<hbm>> -> memref<32x128xf32, #tpu.memory_space<hbm>>
          %dma_wait3A_435 = arith.constant 0 : i32
          %dma_wait3A_436 = arith.constant 0 : i32
          %dma_wait3A_437 = tpu.memref_slice %arg2[%dma_wait3A_435, %dma_wait3A_436] : memref<10000x128xf32, #tpu.memory_space<hbm>> -> memref<32x128xf32, #tpu.memory_space<hbm>>
          tpu.wait_dma2 semaphore(%arg38 : memref<!tpu.dma_semaphore, #tpu.memory_space<semaphore_mem>>) src(%dma_wait3A_437 : memref<32x128xf32, #tpu.memory_space<hbm>>) dst(%arg14 : memref<32x128xf32, #tpu.memory_space<vmem>>)
        } else {
        }
        %gt3A_384 = arith.constant 1 : i32
        %gt3A_385 = arith.cmpi sgt, %select_n3A_305, %gt3A_384 : i32
        %convert_element_type3A_386 = arith.extui %gt3A_385 : i1 to i32
        %cond3A_387 = arith.constant 0 : i32
        %cond3A_388 = arith.cmpi ne, %convert_element_type3A_386, %cond3A_387 : i32
        scf.if %cond3A_388 {
          %dma_wait3A_432 = arith.constant 0 : i32
          %dma_wait3A_433 = arith.constant 0 : i32
          %dma_wait3A_434 = tpu.memref_slice %arg2[%dma_wait3A_432, %dma_wait3A_433] : memref<10000x128xf32, #tpu.memory_space<hbm>> -> memref<32x128xf32, #tpu.memory_space<hbm>>
          %dma_wait3A_435 = arith.constant 0 : i32
          %dma_wait3A_436 = arith.constant 0 : i32
          %dma_wait3A_437 = tpu.memref_slice %arg2[%dma_wait3A_435, %dma_wait3A_436] : memref<10000x128xf32, #tpu.memory_space<hbm>> -> memref<32x128xf32, #tpu.memory_space<hbm>>
          tpu.wait_dma2 semaphore(%arg39 : memref<!tpu.dma_semaphore, #tpu.memory_space<semaphore_mem>>) src(%dma_wait3A_437 : memref<32x128xf32, #tpu.memory_space<hbm>>) dst(%arg15 : memref<32x128xf32, #tpu.memory_space<vmem>>)
        } else {
        }
        %gt3A_389 = arith.constant 2 : i32
        %gt3A_390 = arith.cmpi sgt, %select_n3A_305, %gt3A_389 : i32
        %convert_element_type3A_391 = arith.extui %gt3A_390 : i1 to i32
        %cond3A_392 = arith.constant 0 : i32
        %cond3A_393 = arith.cmpi ne, %convert_element_type3A_391, %cond3A_392 : i32
        scf.if %cond3A_393 {
          %dma_wait3A_432 = arith.constant 0 : i32
          %dma_wait3A_433 = arith.constant 0 : i32
          %dma_wait3A_434 = tpu.memref_slice %arg2[%dma_wait3A_432, %dma_wait3A_433] : memref<10000x128xf32, #tpu.memory_space<hbm>> -> memref<32x128xf32, #tpu.memory_space<hbm>>
          %dma_wait3A_435 = arith.constant 0 : i32
          %dma_wait3A_436 = arith.constant 0 : i32
          %dma_wait3A_437 = tpu.memref_slice %arg2[%dma_wait3A_435, %dma_wait3A_436] : memref<10000x128xf32, #tpu.memory_space<hbm>> -> memref<32x128xf32, #tpu.memory_space<hbm>>
          tpu.wait_dma2 semaphore(%arg40 : memref<!tpu.dma_semaphore, #tpu.memory_space<semaphore_mem>>) src(%dma_wait3A_437 : memref<32x128xf32, #tpu.memory_space<hbm>>) dst(%arg16 : memref<32x128xf32, #tpu.memory_space<vmem>>)
        } else {
        }
        %gt3A_394 = arith.constant 3 : i32
        %gt3A_395 = arith.cmpi sgt, %select_n3A_305, %gt3A_394 : i32
        %convert_element_type3A_396 = arith.extui %gt3A_395 : i1 to i32
        %cond3A_397 = arith.constant 0 : i32
        %cond3A_398 = arith.cmpi ne, %convert_element_type3A_396, %cond3A_397 : i32
        scf.if %cond3A_398 {
          %dma_wait3A_432 = arith.constant 0 : i32
          %dma_wait3A_433 = arith.constant 0 : i32
          %dma_wait3A_434 = tpu.memref_slice %arg2[%dma_wait3A_432, %dma_wait3A_433] : memref<10000x128xf32, #tpu.memory_space<hbm>> -> memref<32x128xf32, #tpu.memory_space<hbm>>
          %dma_wait3A_435 = arith.constant 0 : i32
          %dma_wait3A_436 = arith.constant 0 : i32
          %dma_wait3A_437 = tpu.memref_slice %arg2[%dma_wait3A_435, %dma_wait3A_436] : memref<10000x128xf32, #tpu.memory_space<hbm>> -> memref<32x128xf32, #tpu.memory_space<hbm>>
          tpu.wait_dma2 semaphore(%arg41 : memref<!tpu.dma_semaphore, #tpu.memory_space<semaphore_mem>>) src(%dma_wait3A_437 : memref<32x128xf32, #tpu.memory_space<hbm>>) dst(%arg17 : memref<32x128xf32, #tpu.memory_space<vmem>>)
        } else {
        }
        %gt3A_399 = arith.constant 4 : i32
        %gt3A_400 = arith.cmpi sgt, %select_n3A_305, %gt3A_399 : i32
        %convert_element_type3A_401 = arith.extui %gt3A_400 : i1 to i32
        %cond3A_402 = arith.constant 0 : i32
        %cond3A_403 = arith.cmpi ne, %convert_element_type3A_401, %cond3A_402 : i32
        scf.if %cond3A_403 {
          %dma_wait3A_432 = arith.constant 0 : i32
          %dma_wait3A_433 = arith.constant 0 : i32
          %dma_wait3A_434 = tpu.memref_slice %arg2[%dma_wait3A_432, %dma_wait3A_433] : memref<10000x128xf32, #tpu.memory_space<hbm>> -> memref<32x128xf32, #tpu.memory_space<hbm>>
          %dma_wait3A_435 = arith.constant 0 : i32
          %dma_wait3A_436 = arith.constant 0 : i32
          %dma_wait3A_437 = tpu.memref_slice %arg2[%dma_wait3A_435, %dma_wait3A_436] : memref<10000x128xf32, #tpu.memory_space<hbm>> -> memref<32x128xf32, #tpu.memory_space<hbm>>
          tpu.wait_dma2 semaphore(%arg42 : memref<!tpu.dma_semaphore, #tpu.memory_space<semaphore_mem>>) src(%dma_wait3A_437 : memref<32x128xf32, #tpu.memory_space<hbm>>) dst(%arg18 : memref<32x128xf32, #tpu.memory_space<vmem>>)
        } else {
        }
        %gt3A_404 = arith.constant 5 : i32
        %gt3A_405 = arith.cmpi sgt, %select_n3A_305, %gt3A_404 : i32
        %convert_element_type3A_406 = arith.extui %gt3A_405 : i1 to i32
        %cond3A_407 = arith.constant 0 : i32
        %cond3A_408 = arith.cmpi ne, %convert_element_type3A_406, %cond3A_407 : i32
        scf.if %cond3A_408 {
          %dma_wait3A_432 = arith.constant 0 : i32
          %dma_wait3A_433 = arith.constant 0 : i32
          %dma_wait3A_434 = tpu.memref_slice %arg2[%dma_wait3A_432, %dma_wait3A_433] : memref<10000x128xf32, #tpu.memory_space<hbm>> -> memref<32x128xf32, #tpu.memory_space<hbm>>
          %dma_wait3A_435 = arith.constant 0 : i32
          %dma_wait3A_436 = arith.constant 0 : i32
          %dma_wait3A_437 = tpu.memref_slice %arg2[%dma_wait3A_435, %dma_wait3A_436] : memref<10000x128xf32, #tpu.memory_space<hbm>> -> memref<32x128xf32, #tpu.memory_space<hbm>>
          tpu.wait_dma2 semaphore(%arg43 : memref<!tpu.dma_semaphore, #tpu.memory_space<semaphore_mem>>) src(%dma_wait3A_437 : memref<32x128xf32, #tpu.memory_space<hbm>>) dst(%arg19 : memref<32x128xf32, #tpu.memory_space<vmem>>)
        } else {
        }
        %gt3A_409 = arith.constant 6 : i32
        %gt3A_410 = arith.cmpi sgt, %select_n3A_305, %gt3A_409 : i32
        %convert_element_type3A_411 = arith.extui %gt3A_410 : i1 to i32
        %cond3A_412 = arith.constant 0 : i32
        %cond3A_413 = arith.cmpi ne, %convert_element_type3A_411, %cond3A_412 : i32
        scf.if %cond3A_413 {
          %dma_wait3A_432 = arith.constant 0 : i32
          %dma_wait3A_433 = arith.constant 0 : i32
          %dma_wait3A_434 = tpu.memref_slice %arg2[%dma_wait3A_432, %dma_wait3A_433] : memref<10000x128xf32, #tpu.memory_space<hbm>> -> memref<32x128xf32, #tpu.memory_space<hbm>>
          %dma_wait3A_435 = arith.constant 0 : i32
          %dma_wait3A_436 = arith.constant 0 : i32
          %dma_wait3A_437 = tpu.memref_slice %arg2[%dma_wait3A_435, %dma_wait3A_436] : memref<10000x128xf32, #tpu.memory_space<hbm>> -> memref<32x128xf32, #tpu.memory_space<hbm>>
          tpu.wait_dma2 semaphore(%arg44 : memref<!tpu.dma_semaphore, #tpu.memory_space<semaphore_mem>>) src(%dma_wait3A_437 : memref<32x128xf32, #tpu.memory_space<hbm>>) dst(%arg20 : memref<32x128xf32, #tpu.memory_space<vmem>>)
        } else {
        }
        %gt3A_414 = arith.constant 7 : i32
        %gt3A_415 = arith.cmpi sgt, %select_n3A_305, %gt3A_414 : i32
        %convert_element_type3A_416 = arith.extui %gt3A_415 : i1 to i32
        %cond3A_417 = arith.constant 0 : i32
        %cond3A_418 = arith.cmpi ne, %convert_element_type3A_416, %cond3A_417 : i32
        scf.if %cond3A_418 {
          %dma_wait3A_432 = arith.constant 0 : i32
          %dma_wait3A_433 = arith.constant 0 : i32
          %dma_wait3A_434 = tpu.memref_slice %arg2[%dma_wait3A_432, %dma_wait3A_433] : memref<10000x128xf32, #tpu.memory_space<hbm>> -> memref<32x128xf32, #tpu.memory_space<hbm>>
          %dma_wait3A_435 = arith.constant 0 : i32
          %dma_wait3A_436 = arith.constant 0 : i32
          %dma_wait3A_437 = tpu.memref_slice %arg2[%dma_wait3A_435, %dma_wait3A_436] : memref<10000x128xf32, #tpu.memory_space<hbm>> -> memref<32x128xf32, #tpu.memory_space<hbm>>
          tpu.wait_dma2 semaphore(%arg45 : memref<!tpu.dma_semaphore, #tpu.memory_space<semaphore_mem>>) src(%dma_wait3A_437 : memref<32x128xf32, #tpu.memory_space<hbm>>) dst(%arg21 : memref<32x128xf32, #tpu.memory_space<vmem>>)
        } else {
        }
        %while3A_419 = arith.constant 0 : i32
        %while3A_420 = arith.constant 0 : i32
        %while3A_421 = arith.subi %select_n3A_305, %while3A_419 : i32
        %while3A_422 = arith.addi %while3A_419, %while3A_421 : i32
        %while3A_423 = arith.constant 1 : i32
        %while3A_424 = arith.divsi %while3A_421, %while3A_423 : i32
        %while3A_425 = arith.muli %while3A_424, %while3A_423 : i32
        %while3A_426 = arith.addi %while3A_419, %while3A_425 : i32
        %while3A_427 = arith.constant 1 : i32
        %while3A_428 = scf.for %while3A_432 = %while3A_419 to %while3A_426 step %while3A_427 iter_args(%while3A_433 = %while3A_420) -> (i32)  : i32 {
          %dma_wait3A_434 = arith.constant 0 : i32
          %dma_wait3A_435 = arith.constant 0 : i32
          %dma_wait3A_436 = tpu.memref_slice %arg2[%dma_wait3A_434, %dma_wait3A_435] : memref<10000x128xf32, #tpu.memory_space<hbm>> -> memref<1x32xf32, #tpu.memory_space<hbm>>
          %dma_wait3A_437 = tpu.memref_squeeze %dma_wait3A_436 : memref<1x32xf32, #tpu.memory_space<hbm>> -> memref<32xf32, #tpu.memory_space<hbm>>
          %dma_wait3A_438 = arith.constant 0 : i32
          %dma_wait3A_439 = tpu.memref_slice %arg2[%dma_wait3A_434, %dma_wait3A_438] : memref<10000x128xf32, #tpu.memory_space<hbm>> -> memref<1x32xf32, #tpu.memory_space<hbm>>
          %dma_wait3A_440 = tpu.memref_squeeze %dma_wait3A_439 : memref<1x32xf32, #tpu.memory_space<hbm>> -> memref<32xf32, #tpu.memory_space<hbm>>
          tpu.wait_dma2 semaphore(%arg37 : memref<!tpu.dma_semaphore, #tpu.memory_space<semaphore_mem>>) src(%dma_wait3A_440 : memref<32xf32, #tpu.memory_space<hbm>>) dst(%arg22 : memref<32xf32, #tpu.memory_space<vmem>>)
          %while3A_441 = arith.constant 0 : i32
          scf.yield %while3A_441 : i32
        }
        %while3A_429 = arith.constant 1 : i32
        %while3A_430 = scf.for %while3A_432 = %while3A_426 to %while3A_422 step %while3A_429 iter_args(%while3A_433 = %while3A_428) -> (i32)  : i32 {
          %dma_wait3A_434 = arith.constant 0 : i32
          %dma_wait3A_435 = arith.constant 0 : i32
          %dma_wait3A_436 = tpu.memref_slice %arg2[%dma_wait3A_434, %dma_wait3A_435] : memref<10000x128xf32, #tpu.memory_space<hbm>> -> memref<1x32xf32, #tpu.memory_space<hbm>>
          %dma_wait3A_437 = tpu.memref_squeeze %dma_wait3A_436 : memref<1x32xf32, #tpu.memory_space<hbm>> -> memref<32xf32, #tpu.memory_space<hbm>>
          %dma_wait3A_438 = arith.constant 0 : i32
          %dma_wait3A_439 = tpu.memref_slice %arg2[%dma_wait3A_434, %dma_wait3A_438] : memref<10000x128xf32, #tpu.memory_space<hbm>> -> memref<1x32xf32, #tpu.memory_space<hbm>>
          %dma_wait3A_440 = tpu.memref_squeeze %dma_wait3A_439 : memref<1x32xf32, #tpu.memory_space<hbm>> -> memref<32xf32, #tpu.memory_space<hbm>>
          tpu.wait_dma2 semaphore(%arg37 : memref<!tpu.dma_semaphore, #tpu.memory_space<semaphore_mem>>) src(%dma_wait3A_440 : memref<32xf32, #tpu.memory_space<hbm>>) dst(%arg22 : memref<32xf32, #tpu.memory_space<vmem>>)
          %while3A_441 = arith.constant 0 : i32
          scf.yield %while3A_441 : i32
        }
        %scan3A_431 = arith.constant 0 : i32
        scf.yield %scan3A_431 : i32
      }
      %scan3A_63 = arith.constant 5 : i32
      %barrier3A_64 = arith.constant 0 : index
      tpu.barrier barrier_id(%barrier3A_64)
      %mul3A_65 = arith.constant 400 : i32
      %mul3A_66 = arith.muli %arg1, %mul3A_65 : i32
      %add3A_67 = arith.addi %mul3A_35, %mul3A_66 : i32
      %multiple_of3A_68 = tpu.assume_multiple %add3A_67, 16 : i32
      "tpu.region"() ({
        %run_scoped3A = tpu.sem_alloc : memref<!tpu.dma_semaphore, #tpu.memory_space<semaphore_mem>>
        %dma_start3A_71 = arith.constant 0 : i32
        %dma_start3A_72 = tpu.memref_slice %arg6[%multiple_of3A_68, %dma_start3A_71] : memref<51200x128xf32, #tpu.memory_space<hbm>> -> memref<400x128xf32, #tpu.memory_space<hbm>>
        %dma_start3A_73 = arith.constant 0 : i32
        %dma_start3A_74 = tpu.memref_slice %arg25[%mul3A_37, %dma_start3A_73] : memref<6416x128xf32, #tpu.memory_space<vmem_shared>> -> memref<400x128xf32, #tpu.memory_space<vmem_shared>>
        tpu.enqueue_dma source(%dma_start3A_74 : memref<400x128xf32, #tpu.memory_space<vmem_shared>>) target(%dma_start3A_72 : memref<400x128xf32, #tpu.memory_space<hbm>>) target_semaphore(%run_scoped3A : memref<!tpu.dma_semaphore, #tpu.memory_space<semaphore_mem>>)
        %dma_wait3A = arith.constant 0 : i32
        %dma_wait3A_75 = tpu.memref_slice %arg6[%multiple_of3A_68, %dma_wait3A] : memref<51200x128xf32, #tpu.memory_space<hbm>> -> memref<400x128xf32, #tpu.memory_space<hbm>>
        %dma_wait3A_76 = arith.constant 0 : i32
        %dma_wait3A_77 = tpu.memref_slice %arg25[%mul3A_37, %dma_wait3A_76] : memref<6416x128xf32, #tpu.memory_space<vmem_shared>> -> memref<400x128xf32, #tpu.memory_space<vmem_shared>>
        tpu.wait_dma2 semaphore(%run_scoped3A : memref<!tpu.dma_semaphore, #tpu.memory_space<semaphore_mem>>) src(%dma_wait3A_77 : memref<400x128xf32, #tpu.memory_space<vmem_shared>>) dst(%dma_wait3A_75 : memref<400x128xf32, #tpu.memory_space<hbm>>)
        tpu.yield
      }) : () -> ()
      "tpu.region"() ({
        %run_scoped3A = tpu.sem_alloc : memref<!tpu.dma_semaphore, #tpu.memory_space<semaphore_mem>>
        %dma_start3A_71 = tpu.memref_slice %arg26[%mul3A_37] : memref<6416xf32, #tpu.memory_space<vmem_shared>> -> memref<400xf32, #tpu.memory_space<vmem_shared>>
        %dma_start3A_72 = tpu.memref_slice %arg26[%mul3A_37] : memref<6416xf32, #tpu.memory_space<vmem_shared>> -> memref<400xf32, #tpu.memory_space<vmem_shared>>
        tpu.enqueue_dma source(%dma_start3A_72 : memref<400xf32, #tpu.memory_space<vmem_shared>>) target(%arg24 : memref<400xf32, #tpu.memory_space<vmem>>) target_semaphore(%run_scoped3A : memref<!tpu.dma_semaphore, #tpu.memory_space<semaphore_mem>>)
        %dma_wait3A = tpu.memref_slice %arg26[%mul3A_37] : memref<6416xf32, #tpu.memory_space<vmem_shared>> -> memref<400xf32, #tpu.memory_space<vmem_shared>>
        %dma_wait3A_73 = tpu.memref_slice %arg26[%mul3A_37] : memref<6416xf32, #tpu.memory_space<vmem_shared>> -> memref<400xf32, #tpu.memory_space<vmem_shared>>
        tpu.wait_dma2 semaphore(%run_scoped3A : memref<!tpu.dma_semaphore, #tpu.memory_space<semaphore_mem>>) src(%dma_wait3A_73 : memref<400xf32, #tpu.memory_space<vmem_shared>>) dst(%arg24 : memref<400xf32, #tpu.memory_space<vmem>>)
        tpu.yield
      }) : () -> ()
      "tpu.region"() ({
        %run_scoped3A = tpu.sem_alloc : memref<!tpu.dma_semaphore, #tpu.memory_space<semaphore_mem>>
        %dma_start3A_71 = tpu.memref_slice %arg7[%multiple_of3A_68] : memref<51200xf32, #tpu.memory_space<hbm>> -> memref<400xf32, #tpu.memory_space<hbm>>
        %dma_start3A_72 = tpu.memref_slice %arg7[%multiple_of3A_68] : memref<51200xf32, #tpu.memory_space<hbm>> -> memref<400xf32, #tpu.memory_space<hbm>>
        tpu.enqueue_dma source(%arg24 : memref<400xf32, #tpu.memory_space<vmem>>) target(%dma_start3A_72 : memref<400xf32, #tpu.memory_space<hbm>>) target_semaphore(%run_scoped3A : memref<!tpu.dma_semaphore, #tpu.memory_space<semaphore_mem>>)
        %dma_wait3A = tpu.memref_slice %arg7[%multiple_of3A_68] : memref<51200xf32, #tpu.memory_space<hbm>> -> memref<400xf32, #tpu.memory_space<hbm>>
        %dma_wait3A_73 = tpu.memref_slice %arg7[%multiple_of3A_68] : memref<51200xf32, #tpu.memory_space<hbm>> -> memref<400xf32, #tpu.memory_space<hbm>>
        tpu.wait_dma2 semaphore(%run_scoped3A : memref<!tpu.dma_semaphore, #tpu.memory_space<semaphore_mem>>) src(%arg24 : memref<400xf32, #tpu.memory_space<vmem>>) dst(%dma_wait3A_73 : memref<400xf32, #tpu.memory_space<hbm>>)
        tpu.yield
      }) : () -> ()
      %barrier3A_69 = arith.constant 0 : index
      tpu.barrier barrier_id(%barrier3A_69)
      %scan3A_70 = arith.constant 0 : i32
      scf.yield %scan3A_70 : i32
    }
    %scan3A_28 = arith.constant 4 : i32
    return
  }
}

module attributes {stable_mosaic.version = 14 : i64} {
  func.func @_mm_body(%arg0: i32, %arg1: i32, %arg2: memref<1000x128xf32, #tpu.memory_space<vmem>>, %arg3: memref<128x128xf32, #tpu.memory_space<vmem>>, %arg4: memref<1000x128xf32, #tpu.memory_space<vmem>>) attributes {dimension_semantics = [#tpu.dimension_semantics<arbitrary>, #tpu.dimension_semantics<arbitrary>], iteration_bounds = array<i64: 1, 10>, scalar_prefetch = 0 : i64, scratch_operands = 0 : i64, tpu.core_type = #tpu.core_type<tc>, window_params = [{transform_indices = @transform_0, window_bounds = array<i64: 1000, 128>}, {pipeline_mode = #tpu.pipeline_mode<synchronous>, transform_indices = @transform_1, window_bounds = array<i64: 128, 128>}, {transform_indices = @transform_2, window_bounds = array<i64: 1000, 128>}]} {
    %get3A = arith.constant 0 : index
    %get3A_0 = arith.constant 0 : index
    %get3A_1 = vector.load %arg2[%get3A, %get3A_0] : memref<1000x128xf32, #tpu.memory_space<vmem>>, vector<1000x128xf32>
    %get3A_2 = arith.constant 0 : index
    %get3A_3 = arith.constant 0 : index
    %get3A_4 = vector.load %arg3[%get3A_2, %get3A_3] : memref<128x128xf32, #tpu.memory_space<vmem>>, vector<128x128xf32>
    %dot_general3A = arith.constant dense<0.000000e+00> : vector<1000x128xf32>
    %dot_general3A_5 = tpu.matmul %get3A_1, %get3A_4, %dot_general3A {dimension_numbers = #tpu.dot_dimension_numbers<[1], [0], [0], [1], [0, 0, 1, 1], [], []>, transpose_lhs_hint = false} : vector<1000x128xf32>, vector<128x128xf32>, vector<1000x128xf32> -> vector<1000x128xf32>
    %swap3A = arith.constant 0 : index
    %swap3A_6 = arith.constant 0 : index
    %swap3A_7 = vector.load %arg4[%swap3A, %swap3A_6] : memref<1000x128xf32, #tpu.memory_space<vmem>>, vector<1000x128xf32>
    tpu.vector_store %arg4[%swap3A, %swap3A_6], %dot_general3A_5 {strides = array<i32>} : memref<1000x128xf32, #tpu.memory_space<vmem>>, vector<1000x128xf32>,
    return
  }
  func.func @transform_0(%arg0: i32, %arg1: i32) -> (i32, i32) {
    %c0_i32 = arith.constant 0 : i32
    %c0_i32_0 = arith.constant 0 : i32
    return %arg1, %c0_i32 : i32, i32
  }
  func.func @transform_1(%arg0: i32, %arg1: i32) -> (i32, i32) {
    %c0_i32 = arith.constant 0 : i32
    %c0_i32_0 = arith.constant 0 : i32
    %c0_i32_1 = arith.constant 0 : i32
    return %c0_i32, %c0_i32_0 : i32, i32
  }
  func.func @transform_2(%arg0: i32, %arg1: i32) -> (i32, i32) {
    %mul3A = arith.constant 10 : i32
    %mul3A_0 = arith.muli %arg0, %mul3A : i32
    %add3A = arith.addi %mul3A_0, %arg1 : i32
    %c0_i32 = arith.constant 0 : i32
    %c0_i32_1 = arith.constant 0 : i32
    return %add3A, %c0_i32 : i32, i32
  }
}

module attributes {stable_mosaic.version = 14 : i64} {
  func.func @_epi_body(%arg0: i32, %arg1: memref<2000x128xf32, #tpu.memory_space<vmem>>, %arg2: memref<2000x1xf32, #tpu.memory_space<vmem>>, %arg3: memref<2000x128xf32, #tpu.memory_space<vmem>>, %arg4: memref<2000x128xf32, #tpu.memory_space<vmem>>, %arg5: memref<128x128xf32, #tpu.memory_space<vmem>>, %arg6: memref<1x128xf32, #tpu.memory_space<vmem>>, %arg7: memref<128x128xf32, #tpu.memory_space<vmem>>, %arg8: memref<1x128xf32, #tpu.memory_space<vmem>>, %arg9: memref<128x128xf32, #tpu.memory_space<vmem>>, %arg10: memref<1x128xf32, #tpu.memory_space<vmem>>, %arg11: memref<2000x128xf32, #tpu.memory_space<vmem>>) attributes {dimension_semantics = [#tpu.dimension_semantics<arbitrary>], iteration_bounds = array<i64: 25>, scalar_prefetch = 0 : i64, scratch_operands = 0 : i64, tpu.core_type = #tpu.core_type<tc>, window_params = [{transform_indices = @transform_0, window_bounds = array<i64: 2000, 128>}, {transform_indices = @transform_1, window_bounds = array<i64: 2000, 1>}, {transform_indices = @transform_2, window_bounds = array<i64: 2000, 128>}, {transform_indices = @transform_3, window_bounds = array<i64: 2000, 128>}, {pipeline_mode = #tpu.pipeline_mode<synchronous>, transform_indices = @transform_4, window_bounds = array<i64: 128, 128>}, {pipeline_mode = #tpu.pipeline_mode<synchronous>, transform_indices = @transform_5, window_bounds = array<i64: 1, 128>}, {pipeline_mode = #tpu.pipeline_mode<synchronous>, transform_indices = @transform_6, window_bounds = array<i64: 128, 128>}, {pipeline_mode = #tpu.pipeline_mode<synchronous>, transform_indices = @transform_7, window_bounds = array<i64: 1, 128>}, {pipeline_mode = #tpu.pipeline_mode<synchronous>, transform_indices = @transform_8, window_bounds = array<i64: 128, 128>}, {pipeline_mode = #tpu.pipeline_mode<synchronous>, transform_indices = @transform_9, window_bounds = array<i64: 1, 128>}, {transform_indices = @transform_10, window_bounds = array<i64: 2000, 128>}]} {
    %get3A = arith.constant 0 : index
    %get3A_0 = arith.constant 0 : index
    %get3A_1 = vector.load %arg2[%get3A, %get3A_0] : memref<2000x1xf32, #tpu.memory_space<vmem>>, vector<2000x1xf32>
    %max3A = arith.constant 1.000000e+00 : f32
    %max3A_2 = vector.broadcast %max3A : f32 to vector<2000x1xf32>
    %max3A_3 = arith.maximumf %get3A_1, %max3A_2 : vector<2000x1xf32>
    %get3A_4 = arith.constant 0 : index
    %get3A_5 = arith.constant 0 : index
    %get3A_6 = vector.load %arg1[%get3A_4, %get3A_5] : memref<2000x128xf32, #tpu.memory_space<vmem>>, vector<2000x128xf32>
    %div3A = vector.broadcast %max3A_3 : vector<2000x1xf32> to vector<2000x128xf32>
    %div3A_7 = arith.divf %get3A_6, %div3A : vector<2000x128xf32>
    %get3A_8 = arith.constant 0 : index
    %get3A_9 = arith.constant 0 : index
    %get3A_10 = vector.load %arg6[%get3A_8, %get3A_9] : memref<1x128xf32, #tpu.memory_space<vmem>>, vector<1x128xf32>
    %add3A = vector.broadcast %get3A_10 : vector<1x128xf32> to vector<2000x128xf32>
    %add3A_11 = arith.addf %div3A_7, %add3A : vector<2000x128xf32>
    %get3A_12 = arith.constant 0 : index
    %get3A_13 = arith.constant 0 : index
    %get3A_14 = vector.load %arg3[%get3A_12, %get3A_13] : memref<2000x128xf32, #tpu.memory_space<vmem>>, vector<2000x128xf32>
    %convert_element_type3A = arith.truncf %get3A_14 : vector<2000x128xf32> to vector<2000x128xbf16>
    %get3A_15 = arith.constant 0 : index
    %get3A_16 = arith.constant 0 : index
    %get3A_17 = vector.load %arg5[%get3A_15, %get3A_16] : memref<128x128xf32, #tpu.memory_space<vmem>>, vector<128x128xf32>
    %convert_element_type3A_18 = arith.truncf %get3A_17 : vector<128x128xf32> to vector<128x128xbf16>
    %dot_general3A = arith.constant dense<0.000000e+00> : vector<2000x128xf32>
    %dot_general3A_19 = tpu.matmul %convert_element_type3A, %convert_element_type3A_18, %dot_general3A {dimension_numbers = #tpu.dot_dimension_numbers<[1], [0], [0], [1], [0, 0, 1, 1], [], []>, transpose_lhs_hint = false} : vector<2000x128xbf16>, vector<128x128xbf16>, vector<2000x128xf32> -> vector<2000x128xf32>
    %add3A_20 = arith.addf %add3A_11, %dot_general3A_19 : vector<2000x128xf32>
    %convert_element_type3A_21 = arith.truncf %add3A_20 : vector<2000x128xf32> to vector<2000x128xbf16>
    %get3A_22 = arith.constant 0 : index
    %get3A_23 = arith.constant 0 : index
    %get3A_24 = vector.load %arg7[%get3A_22, %get3A_23] : memref<128x128xf32, #tpu.memory_space<vmem>>, vector<128x128xf32>
    %convert_element_type3A_25 = arith.truncf %get3A_24 : vector<128x128xf32> to vector<128x128xbf16>
    %dot_general3A_26 = arith.constant dense<0.000000e+00> : vector<2000x128xf32>
    %dot_general3A_27 = tpu.matmul %convert_element_type3A_21, %convert_element_type3A_25, %dot_general3A_26 {dimension_numbers = #tpu.dot_dimension_numbers<[1], [0], [0], [1], [0, 0, 1, 1], [], []>, transpose_lhs_hint = false} : vector<2000x128xbf16>, vector<128x128xbf16>, vector<2000x128xf32> -> vector<2000x128xf32>
    %get3A_28 = arith.constant 0 : index
    %get3A_29 = arith.constant 0 : index
    %get3A_30 = vector.load %arg8[%get3A_28, %get3A_29] : memref<1x128xf32, #tpu.memory_space<vmem>>, vector<1x128xf32>
    %add3A_31 = vector.broadcast %get3A_30 : vector<1x128xf32> to vector<2000x128xf32>
    %add3A_32 = arith.addf %dot_general3A_27, %add3A_31 : vector<2000x128xf32>
    %get3A_33 = arith.constant 0 : index
    %get3A_34 = arith.constant 0 : index
    %get3A_35 = vector.load %arg9[%get3A_33, %get3A_34] : memref<128x128xf32, #tpu.memory_space<vmem>>, vector<128x128xf32>
    %convert_element_type3A_36 = arith.truncf %get3A_35 : vector<128x128xf32> to vector<128x128xbf16>
    %dot_general3A_37 = arith.constant dense<0.000000e+00> : vector<2000x128xf32>
    %dot_general3A_38 = tpu.matmul %convert_element_type3A_21, %convert_element_type3A_36, %dot_general3A_37 {dimension_numbers = #tpu.dot_dimension_numbers<[1], [0], [0], [1], [0, 0, 1, 1], [], []>, transpose_lhs_hint = false} : vector<2000x128xbf16>, vector<128x128xbf16>, vector<2000x128xf32> -> vector<2000x128xf32>
    %get3A_39 = arith.constant 0 : index
    %get3A_40 = arith.constant 0 : index
    %get3A_41 = vector.load %arg10[%get3A_39, %get3A_40] : memref<1x128xf32, #tpu.memory_space<vmem>>, vector<1x128xf32>
    %add3A_42 = vector.broadcast %get3A_41 : vector<1x128xf32> to vector<2000x128xf32>
    %add3A_43 = arith.addf %dot_general3A_38, %add3A_42 : vector<2000x128xf32>
    %get3A_44 = arith.constant 0 : index
    %get3A_45 = arith.constant 0 : index
    %get3A_46 = vector.load %arg4[%get3A_44, %get3A_45] : memref<2000x128xf32, #tpu.memory_space<vmem>>, vector<2000x128xf32>
    %exp3A = math.exp %add3A_43 : vector<2000x128xf32>
    %mul3A = arith.mulf %get3A_46, %exp3A : vector<2000x128xf32>
    %add3A_47 = arith.addf %add3A_32, %mul3A : vector<2000x128xf32>
    %swap3A = arith.constant 0 : index
    %swap3A_48 = arith.constant 0 : index
    %swap3A_49 = vector.load %arg11[%swap3A, %swap3A_48] : memref<2000x128xf32, #tpu.memory_space<vmem>>, vector<2000x128xf32>
    tpu.vector_store %arg11[%swap3A, %swap3A_48], %add3A_47 {strides = array<i32>} : memref<2000x128xf32, #tpu.memory_space<vmem>>, vector<2000x128xf32>,
    return
  }
  func.func @transform_0(%arg0: i32) -> (i32, i32) {
    %c0_i32 = arith.constant 0 : i32
    %c0_i32_0 = arith.constant 0 : i32
    return %arg0, %c0_i32 : i32, i32
  }
  func.func @transform_1(%arg0: i32) -> (i32, i32) {
    %c0_i32 = arith.constant 0 : i32
    %c0_i32_0 = arith.constant 0 : i32
    return %arg0, %c0_i32 : i32, i32
  }
  func.func @transform_2(%arg0: i32) -> (i32, i32) {
    %c0_i32 = arith.constant 0 : i32
    %c0_i32_0 = arith.constant 0 : i32
    return %arg0, %c0_i32 : i32, i32
  }
  func.func @transform_3(%arg0: i32) -> (i32, i32) {
    %c0_i32 = arith.constant 0 : i32
    %c0_i32_0 = arith.constant 0 : i32
    return %arg0, %c0_i32 : i32, i32
  }
  func.func @transform_4(%arg0: i32) -> (i32, i32) {
    %c0_i32 = arith.constant 0 : i32
    %c0_i32_0 = arith.constant 0 : i32
    %c0_i32_1 = arith.constant 0 : i32
    return %c0_i32, %c0_i32_0 : i32, i32
  }
  func.func @transform_5(%arg0: i32) -> (i32, i32) {
    %c0_i32 = arith.constant 0 : i32
    %c0_i32_0 = arith.constant 0 : i32
    %c0_i32_1 = arith.constant 0 : i32
    return %c0_i32, %c0_i32_0 : i32, i32
  }
  func.func @transform_6(%arg0: i32) -> (i32, i32) {
    %c0_i32 = arith.constant 0 : i32
    %c0_i32_0 = arith.constant 0 : i32
    %c0_i32_1 = arith.constant 0 : i32
    return %c0_i32, %c0_i32_0 : i32, i32
  }
  func.func @transform_7(%arg0: i32) -> (i32, i32) {
    %c0_i32 = arith.constant 0 : i32
    %c0_i32_0 = arith.constant 0 : i32
    %c0_i32_1 = arith.constant 0 : i32
    return %c0_i32, %c0_i32_0 : i32, i32
  }
  func.func @transform_8(%arg0: i32) -> (i32, i32) {
    %c0_i32 = arith.constant 0 : i32
    %c0_i32_0 = arith.constant 0 : i32
    %c0_i32_1 = arith.constant 0 : i32
    return %c0_i32, %c0_i32_0 : i32, i32
  }
  func.func @transform_9(%arg0: i32) -> (i32, i32) {
    %c0_i32 = arith.constant 0 : i32
    %c0_i32_0 = arith.constant 0 : i32
    %c0_i32_1 = arith.constant 0 : i32
    return %c0_i32, %c0_i32_0 : i32, i32
  }
  func.func @transform_10(%arg0: i32) -> (i32, i32) {
    %c0_i32 = arith.constant 0 : i32
    %c0_i32_0 = arith.constant 0 : i32
    return %arg0, %c0_i32 : i32, i32
  }
}

</mosaic_0001>

<sc_bundles>
// kernel: kernel.5.cloned.1.call-start
scs
__scs_entry_jumppad:
0x0: {  	(pc) =	sbr.rel $0x88, $3  }
0x1: {  	(tag) =	ssettag $0x0;
	lr =	simm.s32 $0x1  }
0x2: {  	[smem:$0x3F96] =	sst lr;
	_ =	strace $0xD0000000  }
0x3: {  	_ = 	snop  }
0x4: {  	_ = 	snop  }
0x5: {  	_ = 	snop  }
0x6: {  	_ = 	snop  }
0x7: {  	_ = 	snop  }
__scs_overlays_trampoline_lowered:
0x8: {  	[smem:$0x3FA5] =	sst s0  }
0x9: {  	[smem:$0x3FA6] =	sst s1  }
0xa: {  	[smem:$0x3FA7] =	sst s2  }
0xb: {  	[smem:$0x3FA8] =	sst s3  }
0xc: {  	[smem:$0x3FA9] =	sst s4  }
0xd: {  	[smem:$0x3FAA] =	sst s5  }
0xe: {  	[smem:$0x3FAB] =	sst s6  }
0xf: {  	[smem:$0x3FAC] =	sst s7  }
0x10: {  	[smem:$0x3FAD] =	sst s8  }
0x11: {  	[smem:$0x3FAE] =	sst s9;
	s0 =	simm.s32 @!p0 $0x0  }
0x12: {  	s1 =	sld [smem:$0x3F94];
	s0 =	simm.s32 @p0 $0x1  }
0x13: {  	[smem:$0x3FAF] =	sst s0;
	s0 =	simm.s32 @!p1 $0x0  }
0x14: {  	s2 =	sld [smem:$0x3F93];
	s0 =	simm.s32 @p1 $0x1  }
0x15: {  	[smem:$0x3FB0] =	sst s0;
	s0 =	simm.s32 @!p2 $0x0  }
0x16: {  	s3 =	sld [smem:$0x3FDB];
	s0 =	simm.s32 @p2 $0x1  }
0x17: {  	s4 =	simm.s32 $0x1BF5;
	[smem:$0x3FB2] =	sst s0  }
0x18: {  	s0 =	sld [smem:$0x3F95];
	_ =	swait.ge [sflag:s4], $0x0  }
0x19: {  	s7 =	sld [smem:$0x3F96]  }
0x1a: {  	s8 =	sadd.s32 $0xFFFFE003, lr  }
0x1b: {  	s9 =	sadd.s32 $0xFFFFFEF7, lr;
	s5 =	simm.s32 $0xFFFFFFFF;
	p2 =	slt.u32 s8, $0xFFFFF086  }
0x1c: {  	p1 =	slt.u32 s9, $0xF7A;
	s5 =	simm.s32 @!p2 $0x0  }
0x1d: {  	s5 =	simm.s32 @p1 $0x1;
	p0 =	seq.s32 s7, s2  }
0x1e: {  	s7 =	smul.u32 @!p0 $0xF7A, s2;
	p2 =	seq.s32 @!p0 s5, $0x0  }
0x1f: {  	s9 =	smul.u32 $0xF7A, s1;
	s8 =	simm.s32 @!p0 $0x1BF5;
	p2 =	por !p2, p0  }
0x20: {  	[sflag:s8] =	ssyncset.s32 @!p0 $0xFFFFF086;
	s6 =	sadd.s32 @!p0 s3, s7;
	s7 =	simm.s32 @!p0 $0x108  }
0x21: {  	s3 =	sadd.s32 s3, s9;
	s6 =	sadd.s32 @!p0 $0x88, s6;
	s7 =	simm.s32 @p2 $0x1082  }
0x22: {  	[simem:s7], [sflag:s8] =	dma.local @!p0 [hbm:s6], $0xF7A  }
0x23: {  	s9 =	sor.u32 $0xD0000000, s2;
	s6 =	simm.s32 $0x108;
	_ =	swait.ge @!p0 [sflag:s8], $0x0  }
0x24: {  	s3 =	sadd.s32 $0x88, s3;
	s6 =	simm.s32 @!p1 $0x1082;
	[sflag:s4] =	ssyncset.s32 $0xFFFFF086  }
0x25: {  	[simem:s6], [sflag:s4] =	dma.local [hbm:s3], $0xF7A  }
0x26: {  	[smem:$0x3F96] =	sst s1;
	(tag) =	ssettag s2;
	_ =	strace s9  }
0x27: {  	s1 =	sld [smem:$0x3FA6]  }
0x28: {  	s2 =	sld [smem:$0x3FA7]  }
0x29: {  	s4 =	sld [smem:$0x3FA9]  }
0x2a: {  	p0 =	seq.s32 s5, $0x0;
	s5 =	sld [smem:$0x3FAA]  }
0x2b: {  	s6 =	sld [smem:$0x3FAB]  }
0x2c: {  	s7 =	sld [smem:$0x3FAC]  }
0x2d: {  	s3 =	simm.s32 $0x108;
	s8 =	sld [smem:$0x3FAD]  }
0x2e: {  	s3 =	simm.s32 @!p0 $0x1082;
	s9 =	sld [smem:$0x3FAE]  }
0x2f: {  	lr =	sadd.s32 s0, s3;
	s0 =	sld [smem:$0x3FA5]  }
0x30: {  	s3 =	sld [smem:$0x3FA8]  }
0x31: {  	[smem:$0x3FB1] =	sst s10  }
0x32: {  	s10 =	sld [smem:$0x3FAF];
	_ =	sdelay $0x3  }
0x33: {  	p0 =	seq.s32 s10, $0x1;
	s10 =	sld [smem:$0x3FB1];
	_ =	sdelay $0x3  }
0x34: {  	[smem:$0x3FB1] =	sst s10  }
0x35: {  	s10 =	sld [smem:$0x3FB0];
	_ =	sdelay $0x3  }
0x36: {  	p1 =	seq.s32 s10, $0x1;
	s10 =	sld [smem:$0x3FB1];
	_ =	sdelay $0x3  }
0x37: {  	[smem:$0x3FB1] =	sst s10  }
0x38: {  	s10 =	sld [smem:$0x3FB2]  }
0x39: {  	_ = 	snop;
	(pc) =	sbr.ind lr, $3  }
0x3a: {  	_ = 	snop  }
0x3b: {  	_ = 	snop  }
0x3c: {  	p2 =	seq.s32 s10, $0x1;
	s10 =	sld [smem:$0x3FB1]  }
0x3d: {  	_ =	shalt  }
0x3e: {  	_ =	shalt  }
0x3f: {  	_ =	shalt  }
0x40: {  	_ =	shalt  }
0x41: {  	_ =	shalt  }
0x42: {  	_ =	shalt  }
0x43: {  	_ =	shalt  }
0x44: {  	_ =	shalt  }
0x45: {  	_ =	shalt  }
0x46: {  	_ =	shalt  }
0x47: {  	_ =	shalt  }
0x48: {  	_ =	shalt  }
0x49: {  	_ =	shalt  }
0x4a: {  	_ =	shalt  }
0x4b: {  	_ =	shalt  }
0x4c: {  	_ =	shalt  }
0x4d: {  	_ =	shalt  }
0x4e: {  	_ =	shalt  }
0x4f: {  	_ =	shalt  }
0x50: {  	_ =	shalt  }
0x51: {  	_ =	shalt  }
0x52: {  	_ =	shalt  }
0x53: {  	_ =	shalt  }
0x54: {  	_ =	shalt  }
0x55: {  	_ =	shalt  }
0x56: {  	_ =	shalt  }
0x57: {  	_ =	shalt  }
0x58: {  	_ =	shalt  }
0x59: {  	_ =	shalt  }
0x5a: {  	_ =	shalt  }
0x5b: {  	_ =	shalt  }
0x5c: {  	_ =	shalt  }
0x5d: {  	_ =	shalt  }
0x5e: {  	_ =	shalt  }
0x5f: {  	_ =	shalt  }
0x60: {  	_ =	shalt  }
0x61: {  	_ =	shalt  }
0x62: {  	_ =	shalt  }
0x63: {  	_ =	shalt  }
0x64: {  	_ =	shalt  }
0x65: {  	_ =	shalt  }
0x66: {  	_ =	shalt  }
0x67: {  	_ =	shalt  }
0x68: {  	_ =	shalt  }
0x69: {  	_ =	shalt  }
0x6a: {  	_ =	shalt  }
0x6b: {  	_ =	shalt  }
0x6c: {  	_ =	shalt  }
0x6d: {  	_ =	shalt  }
0x6e: {  	_ =	shalt  }
0x6f: {  	_ =	shalt  }
0x70: {  	_ =	shalt  }
0x71: {  	_ =	shalt  }
0x72: {  	_ =	shalt  }
0x73: {  	_ =	shalt  }
0x74: {  	_ =	shalt  }
0x75: {  	_ =	shalt  }
0x76: {  	_ =	shalt  }
0x77: {  	_ =	shalt  }
0x78: {  	_ =	shalt  }
0x79: {  	_ =	shalt  }
0x7a: {  	_ =	shalt  }
0x7b: {  	_ =	shalt  }
0x7c: {  	_ =	shalt  }
0x7d: {  	_ =	shalt  }
0x7e: {  	_ =	shalt  }
0x7f: {  	_ =	shalt  }
0x80: {  	_ =	shalt  }
0x81: {  	_ =	shalt  }
0x82: {  	_ =	shalt  }
0x83: {  	_ =	shalt  }
0x84: {  	_ =	shalt  }
0x85: {  	_ =	shalt  }
0x86: {  	_ =	shalt  }
0x87: {  	_ =	shalt  }
.Lfunc_end0:
.L_simem_size_0:
called_computation_lowered:
.L_overlay_start_0:
0x88: {  	s2 =	sld [smem:$0x3FD9]  }
0x89: {  	s3 =	sld [smem:$0x3FFE];
	_ =	sdelay $0x1  }
0x8a: {  	s1 =	srdreg.scid  }
0x8b: {  	s0 =	sand.u32 $0x1, s1  }
0x8c: {  	s17 =	sshll.u32 s0, $0xA;
	s2 =	sadd.s32 s3, s2  }
0x8d: {  	s2 =	sadd.s32 s2, s17  }
0x8e: {  	[smem:$0x3FBD] =	sst s2  }
0x8f: {  	_ = 	snop  }
0x90: {  	s2 =	sld [smem:$0x3FC7]  }
0x91: {  	s18 =	sld [smem:$0x3FC6]  }
0x92: {  	s4 =	sld [smem:$0x3FD0];
	(tm) =	ssettm $0x1  }
0x93: {  	s5 =	sld [smem:$0x3FFB];
	_ =	sdelay $0x3  }
0x94: {  	_ =	strace s5  }
0x95: {  	s5 =	sld [smem:$0x3FFC];
	_ =	sdelay $0x3  }
0x96: {  	_ =	strace s5  }
0x97: {  	s5 =	sld [smem:$0x3FFD];
	_ =	sdelay $0x3  }
0x98: {  	_ =	strace s5  }
0x99: {  	_ =	strace $0x8FFFFFFF  }
0x9a: {  	s19 =	sld [smem:$0x3FDB];
	_ =	sdelay $0x1  }
0x9b: {  	s6 =	simm.s32 $_scs_section_size  }
0x9c: {  	s7 =	simm.s32 $_size__tile_overlayer_lowered;
	s8 =	simm.s32 $_tile_overlayer_lowered  }
0x9d: {  	s22 =	simm.s32 $0x1BFF;
	s21 =	sshll.u32 s8, $0x1;
	s5 =	sadd.s32 s6, s19  }
0x9e: {  	s9 =	simm.s32 $0x0;
	s20 =	sshll.u32 s7, $0x1;
	s7 =	sadd.s32 s21, s5  }
0x9f: {  	[timem:s9], [sflag:s22] =	dma.local [hbm:s7], s20  }
0xa0: {  	_ =	swait.ge [sflag:s22], s20  }
0xa1: {  	s6 =	ssub.s32 $0x0, s20;
	[sflag:s22] =	ssyncset.done $0x0  }
0xa2: {  	[sflag:s22] =	ssyncadd.s32 s6;
	_ =	sdelay $0x1  }
0xa3: {  	s23 =	simm.s32 $0x1B8B  }
0xa4: {  	_ =	swait.ge [sflag:s23], $0x1  }
0xa5: {  	[sflag:s23] =	ssyncset.done $0x0  }
0xa6: {  	s25 =	simm.s32 $0x1B8E;
	s24 =	sld [smem:$0x3FFE];
	[sflag:s23] =	ssyncadd.s32 $0xFFFFFFFF  }
0xa7: {  	s26 =	simm.s32 $execute0_lowered;
	[smem:$0x3FD2] =	sst s25  }
0xa8: {  	s7 =	sshll.u32 s26, $0x1;
	_ =	strace $0x80000046;
	[dreg:$0x1] =	wrdreg $0xFFFFFFFF  }
0xa9: {  	s28 =	simm.s32 $_size_execute0_lowered;
	s5 =	sadd.s32 s5, s7;
	[dreg:$0x0] =	wrdreg $0x0  }
0xaa: {  	s7 =	sshll.u32 s28, $0x1;
	[dreg:$0x2] =	wrdreg s5  }
0xab: {  	[dreg:$0x3] =	wrdreg s7  }
0xac: {  	[dreg:$0x4] =	wrdreg $0xC0  }
0xad: {  	_ =	task [dreg:s9], $0x5FFFF  }
0xae: {  	[dreg:$0x1] =	wrdreg $0xFFFFFFFF  }
0xaf: {  	[dreg:$0x0] =	wrdreg $0x60  }
0xb0: {  	[dreg:$0x2] =	wrdreg s4  }
0xb1: {  	[dreg:$0x3] =	wrdreg s2  }
0xb2: {  	[dreg:$0x4] =	wrdreg s18  }
0xb3: {  	[dreg:$0x5] =	wrdreg s24  }
0xb4: {  	[dreg:$0x6] =	wrdreg $0xE4800  }
0xb5: {  	[dreg:$0x7] =	wrdreg $0x1AD000  }
0xb6: {  	[dreg:$0x8] =	wrdreg $0x9  }
0xb7: {  	_ =	task.clear_ibuf [dreg:s9], $0x9FFFF;
	_ =	strace $0x90000046  }
0xb8: {  	s29 =	simm.s32 $0x9;
	_ =	strace $0x80000048  }
0xb9: {  	_ =	swait.ge [sflag:s29], $0x1  }
0xba: {  	[sflag:s29] =	ssyncadd.s32 $0xFFFFFFFF  }
0xbb: {  	_ =	strace $0x90000048  }
0xbc: {  	_ =	sfence  }
0xbd: {  	s30 =	sld [smem:$0x0];
	_ =	sdelay $0x2  }
0xbe: {  	s31 =	sshll.u32 s1, $0xD;
	s1 =	sshrl.u32 s1, $0x2  }
0xbf: {  	s3 =	sand.u32 $0x4000, s31;
	s1 =	sadd.s32 s1, s30  }
0xc0: {  	s0 =	sor.u32 s3, s0;
	s1 =	sshll.u32 s1, $0x11  }
0xc1: {  	s0 =	sor.u32 s1, s0  }
0xc2: {  	s0 =	sadd.s32 $0x8F2B, s0  }
0xc3: {  	[sflag:s0] =	ssyncadd.remote.s32 $0x1  }
0xc4: {  	_ =	sfence.sel $0xFFFF  }
0xc5: {  	[dreg:$0x0] =	wrdreg $0xFFFFFFFF;
	(pc) =	sbr.abs _section_cstart, $3  }
0xc6: {  	[dreg:$0x1] =	wrdreg $0xFFFFFFFF  }
0xc7: {  	_ =	task.clear_ibuf [dreg:s9], $0x2FFFF;
	_ =	strace $0x9FFFFFFF  }
0xc8: {  	(tm) =	ssettm $0x7FFFFFFF  }
0xc9: {  	_ =	shalt  }
tec
execute0_lowered:
.L_overlay_start_1:
0x0: {  	(tag) =	ssettag $0x1  }
0x1: {  	s1 =	rddreg [dreg:$0x0]  }
0x2: {  	s11 =	rddreg [dreg:$0x1]  }
0x3: {  	s12 =	rddreg [dreg:$0x2]  }
0x4: {  	s0 =	rddreg [dreg:$0x3]  }
0x5: {  	s5 =	rddreg [dreg:$0x4]  }
0x6: {  	s6 =	rddreg [dreg:$0x5]  }
0x7: {  	s7 =	simm.s32 $0x0;
	s13 =	stileid.u32;
	s3 =	srdreg.scid  }
0x8: {  	[smem:$0x7FF] =	sst s7;
	s8 =	smul.u32 $0x271, s13  }
0x9: {  	s2 =	sshll.u32 s13, $0xB;
	s3 =	sand.u32 $0x1, s3;
	s9 =	smul.u32 $0x32000, s13  }
0xa: {  	s4 =	sadd.s32 $0xB600, s0;
	s14 =	smul.u32 $0x190, s13;
	_ =	strace $0x80000047  }
0xb: {  	s2 =	sadd.s32 s2, s0;
	[dreg:$0x7] =	wrdreg s4;
	s0 =	sadd.s32 $0x9C00, s0  }
0xc: {  	s19 =	ssub.s32 $0x2, s3;
	s3 =	sshll.u32 s3, $0x2;
	[dreg:$0x8] =	wrdreg s0  }
0xd: {  	s23 =	smul.u32 $0x4E20, s13;
	[dreg:$0x9] =	wrdreg s3  }
0xe: {  	s22 =	sshll.u32 s13, $0x6;
	s2 =	sadd.s32 $0x1C00, s2;
	[dreg:$0xa] =	wrdreg s14  }
0xf: {  	s15 =	sor.u32 $0x1C14, s22;
	s28 =	sadd.s32 $0x7D0, s23;
	[dreg:$0xc] =	wrdreg s2  }
0x10: {  	s21 =	sshrl.u32 s9, $0x2;
	s9 =	sadd.s32 $0xFA0, s23;
	[dreg:$0x11] =	wrdreg s28  }
0x11: {  	s20 =	sshrl.u32 s19, $0x1;
	s25 =	sadd.s32 s14, s6;
	[dreg:$0x12] =	wrdreg s9  }
0x12: {  	v0 =	vmov s13;
	s26 =	sshrl.u32 s23, $0x3;
	s10 =	sadd.s32 s21, s5;
	[dreg:$0xe] =	wrdreg s25  }
0x13: {  	v1 =	vor.u32 $0x1900, v0;
	v0 =	vmov s8;
	s8 =	simm.s32 $0x0;
	s12 =	sadd.s32 s12, s26;
	[dreg:$0xb] =	wrdreg s10  }
0x14: {  	s0 =	ssub.s32 s19, s20;
	s4 =	sadd.s32 s11, s26;
	[dreg:$0xf] =	wrdreg s12  }
0x15: {  	s24 =	sadd.s32 $0x4000, s10;
	[dreg:$0x10] =	wrdreg s4;
	s0 =	smax.u32 s0, $0x1  }
.Ltmp0:
0x16: {  	s4 =	smov.u32 s15;
	[dreg:$0x13] =	wrdreg s0;
	(pc) =	sbr.rel .LBB2_1-.Ltmp0, $4  }
0x17: {  	s3 =	sadd.s32 $0x8000, s10;
	s29 =	sshrl.u32 s24, $0x3;
	[dreg:$0xd] =	wrdreg s4  }
0x18: {  	s10 =	sadd.s32 $0xC000, s10;
	s30 =	sshrl.u32 s3, $0x3;
	[dreg:$0x14] =	wrdreg s29  }
0x19: {  	v2 =	vimm.f32 $1.000000000e+00;
	v3 =	vimm.f32 $0.0e+00;
	s20 =	simm.s32 $0xB;
	s31 =	sshrl.u32 s10, $0x3;
	[dreg:$0x15] =	wrdreg s30  }
0x1a: {  	v4 =	vimm.s32 $0x0;
	v5 =	vlaneseq.u32;
	v1 =	vbroadcast v1, $0x0;
	s3 =	simm.s32 $0x14;
	s0 =	simm.s32 $0x2000;
	[dreg:$0x16] =	wrdreg s31  }
.LBB2_43:
0x1b: {  	s8 =	rddreg [dreg:$0x17]  }
0x1c: {  	s2 =	rddreg [dreg:$0x13];
	s8 =	sadd.s32 $0x1, s8  }
0x1d: {  	p0 =	sne.s32 s8, s2  }
.Ltmp1:
0x1e: {  	_ = 	snop;
	(pc) =	sbr.rel @!p0 .LBB2_44-.Ltmp1, $1  }
0x1f: {  	_ =	sdelay $0x3  }
.LBB2_1:
0x20: {  	[tilespmem:$0xE000] =	vst v2  }
0x21: {  	[tilespmem:$0xE010] =	vst v2  }
0x22: {  	[tilespmem:$0xE080] =	vst v3  }
0x23: {  	[tilespmem:$0xE090] =	vst v3  }
0x24: {  	[tilespmem:$0xE0A0] =	vst v3  }
0x25: {  	[tilespmem:$0xE0B0] =	vst v3  }
0x26: {  	[tilespmem:$0xE0C0] =	vst v3  }
0x27: {  	[tilespmem:$0xE0D0] =	vst v3  }
0x28: {  	[tilespmem:$0xE0E0] =	vst v3  }
0x29: {  	[tilespmem:$0xE0F0] =	vst v3  }
0x2a: {  	[tilespmem:$0xE100] =	vst v3  }
0x2b: {  	[tilespmem:$0xE110] =	vst v3  }
0x2c: {  	[tilespmem:$0xE120] =	vst v3  }
0x2d: {  	[tilespmem:$0xE130] =	vst v3  }
0x2e: {  	[tilespmem:$0xE140] =	vst v3  }
0x2f: {  	[tilespmem:$0xE150] =	vst v3  }
0x30: {  	[tilespmem:$0xE160] =	vst v3  }
0x31: {  	[tilespmem:$0xE170] =	vst v3  }
0x32: {  	[tilespmem:$0xE180] =	vst v3  }
0x33: {  	[tilespmem:$0xE190] =	vst v3  }
0x34: {  	[tilespmem:$0xE1A0] =	vst v3  }
0x35: {  	[tilespmem:$0xE1B0] =	vst v3  }
.Ltmp2:
0x36: {  	[tilespmem:$0xE1C0] =	vst v3;
	(pc) =	sbr.rel .LBB2_2-.Ltmp2, $4  }
0x37: {  	[tilespmem:$0xE1D0] =	vst v3  }
0x38: {  	[tilespmem:$0xE1E0] =	vst v3  }
0x39: {  	[tilespmem:$0xE1F0] =	vst v3  }
0x3a: {  	[dreg:$0x17] =	wrdreg s8;
	[tilespmem:$0xE200] =	vst v3;
	s2 =	simm.s32 $0x0  }
.LBB2_42:
0x3b: {  	s2 =	rddreg [dreg:$0xa]  }
0x3c: {  	s3 =	rddreg [dreg:$0x1a];
	[bflag:$0x0] =	sbarrier.arrive $0xFFFF  }
0x3d: {  	s2 =	sadd.s32 s2, s3;
	s4 =	rddreg [dreg:$0x7]  }
0x3e: {  	s8 =	rddreg [dreg:$0x19];
	s3 =	sshll.u32 s2, $0x4  }
0x3f: {  	s28 =	simm.s32 $0x14;
	s3 =	sadd.s32 s4, s3;
	s4 =	rddreg [dreg:$0xd]  }
0x40: {  	[hbm:s3], [sflag:s4] =	dma.local [spmem:s8], $0x1900  }
0x41: {  	_ =	swait.ge [sflag:s28], $0x1900  }
0x42: {  	[sflag:s28] =	ssyncset.done $0x0  }
0x43: {  	s29 =	simm.s32 $0xE280;
	[sflag:s28] =	ssyncadd.s32 $0xFFFFE700  }
0x44: {  	[tilespmem:s29], [sflag:$0x14] =	stream.linear.gather [spmem:s25], $0x190, $0x38;
	[tilespmem:$0x1AE98] =	vst v63  }
0x45: {  	_ =	swait.ge [sflag:s28], $0x190  }
0x46: {  	s2 =	sshrl.u32 s2, $0x3;
	[sflag:s28] =	ssyncset.done $0x0;
	s30 =	rddreg [dreg:$0x8]  }
0x47: {  	s3 =	simm.s32 $0x14;
	[sflag:s28] =	ssyncadd.s32 $0xFFFFFE70;
	s2 =	sadd.s32 s30, s2  }
0x48: {  	[hbm4b:s2+s7] =	stream.linear.scatter [tilespmem:s29], [sflag:$0x14], $0x190, $0x38;
	[tilespmem:$0x1AE98] =	vst v63  }
0x49: {  	_ =	swait.ge [sflag:s3], $0x190  }
0x4a: {  	s31 =	rddreg [dreg:$0x18]  }
0x4b: {  	s2 =	sadd.s32 $0x1, s31  }
0x4c: {  	p0 =	sne.s32 s2, $0x4  }
.Ltmp3:
0x4d: {  	_ = 	snop;
	(pc) =	sbr.rel @!p0 .LBB2_43-.Ltmp3, $3  }
0x4e: {  	[sflag:s3] =	ssyncset.done $0x0  }
0x4f: {  	[sflag:s3] =	ssyncadd.s32 $0xFFFFFE70  }
0x50: {  	[bflag:$0x0] =	sbarrier.arrive $0xFFFF;
	_ =	sdelay $0x1  }
.LBB2_2:
0x51: {  	s15 =	rddreg [dreg:$0xb]  }
0x52: {  	s16 =	rddreg [dreg:$0xc];
	s8 =	sshrl.u32 s15, $0x3  }
0x53: {  	[dreg:$0x19] =	wrdreg s8  }
0x54: {  	[spmem:s8], [sflag:s4] =	dma.local [hbm:s16], $0x800  }
0x55: {  	_ =	swait.ge [sflag:s3], $0x800  }
0x56: {  	[sflag:s3] =	ssyncset.done $0x0  }
0x57: {  	s17 =	rddreg [dreg:$0x14];
	[sflag:s3] =	ssyncadd.s32 $0xFFFFF800  }
0x58: {  	[spmem:s17], [sflag:s4] =	dma.local [hbm:s16], $0x800  }
0x59: {  	_ =	swait.ge [sflag:s3], $0x800  }
0x5a: {  	[sflag:s3] =	ssyncset.done $0x0  }
0x5b: {  	s18 =	rddreg [dreg:$0x15];
	[sflag:s3] =	ssyncadd.s32 $0xFFFFF800  }
0x5c: {  	[spmem:s18], [sflag:s4] =	dma.local [hbm:s16], $0x800  }
0x5d: {  	_ =	swait.ge [sflag:s3], $0x800  }
0x5e: {  	[sflag:s3] =	ssyncset.done $0x0  }
0x5f: {  	s19 =	rddreg [dreg:$0x16];
	[sflag:s3] =	ssyncadd.s32 $0xFFFFF800  }
0x60: {  	[spmem:s19], [sflag:s4] =	dma.local [hbm:s16], $0x100  }
0x61: {  	_ =	swait.ge [sflag:s3], $0x100  }
0x62: {  	[sflag:s3] =	ssyncset.done $0x0  }
0x63: {  	s21 =	simm.s32 $0xE080;
	[sflag:s3] =	ssyncadd.s32 $0xFFFFFF00  }
0x64: {  	[spmem:s25] =	stream.linear.scatter [tilespmem:s21], [sflag:$0x14], $0x190, $0x38;
	[tilespmem:$0x1AE98] =	vst v63  }
0x65: {  	_ =	swait.ge [sflag:s3], $0x190  }
0x66: {  	s9 =	smov.u32 s2;
	[sflag:s3] =	ssyncset.done $0x0  }
0x67: {  	s23 =	simm.s32 $0x0;
	[dreg:$0x18] =	wrdreg s9;
	[sflag:s3] =	ssyncadd.s32 $0xFFFFFE70  }
0x68: {  	s26 =	simm.s32 $0x5000;
	s22 =	rddreg [dreg:$0x9];
	[bflag:$0x0] =	sbarrier.arrive $0xFFFF  }
.Ltmp4:
0x69: {  	s2 =	sadd.s32 s22, s9;
	s24 =	rddreg [dreg:$0xf];
	(pc) =	sbr.rel .LBB2_4-.Ltmp4, $4  }
0x6a: {  	s30 =	simm.s32 $0x4000;
	s28 =	smul.u32 $0x1900, s2;
	s29 =	rddreg [dreg:$0x10]  }
0x6b: {  	[tilespmem:s26], [sflag:$0x1] =	stream.linear.gather [hbm4b:s24+s23], $0x7D0, $0x38;
	[tilespmem:$0x1AE98] =	vst v63  }
0x6c: {  	s17 =	simm.s32 $0x0;
	s31 =	sadd.s32 $0x1900, s28;
	[dreg:$0x1a] =	wrdreg s28  }
0x6d: {  	v6 =	vmov s28;
	v7 =	vmov s31;
	[tilespmem:s30], [sflag:$0x1] =	stream.linear.gather [hbm4b:s29+s23], $0x7D0, $0x38;
	[tilespmem:$0x1AE98] =	vst v63  }
.LBB2_41:
0x6e: {  	[sflag:s20] =	ssyncadd.s32 $0xFFFFFFE0  }
.LBB2_3:
0x6f: {  	p0 =	seq.s32 s17, $0x5  }
.Ltmp5:
0x70: {  	_ = 	snop;
	(pc) =	sbr.rel @p0 .LBB2_42-.Ltmp5, $1  }
0x71: {  	_ =	sdelay $0x3  }
.LBB2_4:
0x72: {  	s3 =	simm.s32 $0x1  }
0x73: {  	_ =	swait.ge [sflag:s3], $0x7D0  }
0x74: {  	[sflag:s3] =	ssyncset.done $0x0  }
0x75: {  	[sflag:s3] =	ssyncadd.s32 $0xFFFFF830  }
0x76: {  	s24 =	smul.u32 $0xFA0, s17;
	_ =	swait.ge [sflag:s3], $0x7D0  }
0x77: {  	s2 =	rddreg [dreg:$0x11];
	[sflag:s3] =	ssyncset.done $0x0  }
0x78: {  	s4 =	simm.s32 $0x5800;
	s2 =	sadd.s32 s24, s2;
	[sflag:s3] =	ssyncadd.s32 $0xFFFFF830  }
0x79: {  	s8 =	simm.s32 $0x0;
	s2 =	sshrl.u32 s2, $0x3;
	s3 =	rddreg [dreg:$0x2]  }
0x7a: {  	s28 =	simm.s32 $0x0;
	s29 =	rddreg [dreg:$0x1];
	s3 =	sadd.s32 s3, s2  }
0x7b: {  	[tilespmem:s4], [sflag:$0x2] =	stream.linear.gather [hbm4b:s3+s8], $0x7D0, $0x38;
	[tilespmem:$0x1AE98] =	vst v63  }
0x7c: {  	s30 =	simm.s32 $0x4800;
	s31 =	simm.s32 $0x0;
	s2 =	sadd.s32 s29, s2  }
0x7d: {  	[tilespmem:s30], [sflag:$0x2] =	stream.linear.gather [hbm4b:s2+s28], $0x7D0, $0x38;
	[tilespmem:$0x1AE98] =	vst v63  }
0x7e: {  	v8 =	vld [tilespmem:s31+$0x5000];
	_ =	sdelay $0x4  }
0x7f: {  	vm0 =	vge.s32 v8, v6;
	vm1 =	vlt.s32 v8, v7  }
0x80: {  	vm0 =	vmand vm0, vm1  }
0x81: {  	v9 =	vsel vm0, $0x1, v4;
	v10 =	vmpcnt.ones.xlane vm0  }
0x82: {  	(xrf0) =	vadd.scan.msk.s32 $0xffff, v9  }
0x83: {  	(v2sf) =	vpush v10, $0x0;
	_ =	sdelay $0x1  }
0x84: {  	v61 =	vmov s28  }
0x85: {  	v9 =	vadd.s32 $0xFFFFFFFF, v61  }
0x86: {  	v9 =	vbroadcast v9, $0x0  }
0x87: {  	v62, _, _ =	vpop (xrf0)  }
0x88: {  	v9 =	vadd.s32 v62, v9  }
0x89: {  	v10 =	vshll.u32 v9, $0x2  }
0x8a: {  	v9 =	vand.u32 $0x1F, v9;
	v10 =	vand.u32 $0xFFFFFF80, v10  }
0x8b: {  	v9 =	vor.u32 v9, v10  }
0x8c: {  	v63 =	vld [tilespmem:s31+$0x4000];
	_ =	sdelay $0x2  }
0x8d: {  	v8 =	vsub.s32 v8, v6  }
0x8e: {  	s22 =	smov.u32 s17;
	s8 =	simm.s32 $0x80;
	[tilespmem:v9+s0+$0x0] =	vst.idx.msk vm0, v8  }
0x8f: {  	s3 =	simm.s32 $0x0;
	s2 =	simm.s32 $0x10;
	[tilespmem:v9+s7+$0x0] =	vst.idx.msk vm0, v63;
	s4 =	spop (v2sf)  }
.LBB2_5:
0x90: {  	p0 =	seq.s32 s8, $0x1F00  }
0x91: {  	v8 =	vld [tilespmem:s2+$0x5000];
	s3 =	sadd.s32 s3, s4;
	s4 =	smov.u32 s8;
	s8 =	sadd.s32 $0x40, s8  }
0x92: {  	v9 =	vmov s3  }
0x93: {  	v9 =	vadd.s32 $0xFFFFFFFF, v9;
	_ =	sdelay $0x2  }
0x94: {  	vm0 =	vge.s32 v8, v6;
	vm1 =	vlt.s32 v8, v7  }
0x95: {  	vm0 =	vmand vm0, vm1  }
0x96: {  	v10 =	vsel vm0, $0x1, v4;
	v11 =	vmpcnt.ones.xlane vm0  }
0x97: {  	(xrf0) =	vadd.scan.msk.s32 $0xffff, v10  }
0x98: {  	(v2sf) =	vpush v11, $0x0;
	_ =	sdelay $0x3  }
0x99: {  	v9 =	vbroadcast v9, $0x0  }
0x9a: {  	v10, _, _ =	vpop (xrf0)  }
0x9b: {  	v9 =	vadd.s32 v10, v9  }
0x9c: {  	v10 =	vshll.u32 v9, $0x2  }
0x9d: {  	v9 =	vand.u32 $0x1F, v9;
	v10 =	vand.u32 $0xFFFFFF80, v10  }
0x9e: {  	v9 =	vor.u32 v9, v10  }
0x9f: {  	v10 =	vld [tilespmem:s2+$0x4000]  }
.Ltmp6:
0xa0: {  	(pc) =	sbr.rel @!p0 .LBB2_5-.Ltmp6, $4  }
0xa1: {  	_ = 	snop  }
0xa2: {  	v8 =	vsub.s32 v8, v6  }
0xa3: {  	[tilespmem:v9+s0+$0x0] =	vst.idx.msk vm0, v8  }
0xa4: {  	s2 =	sshra.s32 s4, $0x2;
	[tilespmem:v9+s7+$0x0] =	vst.idx.msk vm0, v10;
	s4 =	spop (v2sf)  }
0xa5: {  	v8 =	vld [tilespmem:s2+$0x5000];
	_ =	sdelay $0x4  }
0xa6: {  	vm0 =	vge.s32 v8, v6;
	vm1 =	vlt.s32 v8, v7  }
0xa7: {  	vm0 =	vmand vm0, vm1  }
0xa8: {  	v9 =	vmpcnt.ones.xlane vm0;
	_ =	sdelay $0x1  }
0xa9: {  	(v2sf) =	vpush v9, $0x0  }
0xaa: {  	v10 =	vsel vm0, $0x1, v4  }
0xab: {  	(xrf0) =	vadd.scan.msk.s32 $0xffff, v10;
	_ =	sdelay $0x1  }
0xac: {  	s3 =	sadd.s32 s3, s4  }
0xad: {  	v59 =	vmov s3  }
0xae: {  	v9 =	vadd.s32 $0xFFFFFFFF, v59  }
0xaf: {  	v9 =	vbroadcast v9, $0x0  }
0xb0: {  	v10, _, _ =	vpop (xrf0)  }
0xb1: {  	v9 =	vadd.s32 v10, v9  }
0xb2: {  	v10 =	vshll.u32 v9, $0x2  }
0xb3: {  	v9 =	vand.u32 $0x1F, v9;
	v10 =	vand.u32 $0xFFFFFF80, v10  }
0xb4: {  	v9 =	vor.u32 v9, v10;
	_ =	sdelay $0x1  }
0xb5: {  	v60 =	vld [tilespmem:s2+$0x4000]  }
0xb6: {  	s28 =	spop (v2sf)  }
0xb7: {  	v8 =	vsub.s32 v8, v6;
	s2 =	sadd.s32 s3, s28  }
0xb8: {  	[tilespmem:v9+s0+$0x0] =	vst.idx.msk vm0, v8;
	v8 =	vadd.s32 s2, v5;
	s3 =	sadd.s32 $0x10, s2;
	s2 =	sadd.s32 $0x1F, s2  }
0xb9: {  	v61 =	vshll.u32 v8, $0x2;
	s29 =	sand.u32 $0x1F, s2  }
0xba: {  	[tilespmem:v9+s7+$0x0] =	vst.idx.msk vm0, v60;
	v8 =	vand.u32 $0x1F, v8;
	v62 =	vadd.s32 s3, v5;
	s30 =	sshra.s32 s2, $0x1F;
	p0 =	slt.s32 s2, $0x1;
	v9 =	vand.u32 $0xFFFFFF80, v61;
	p1 =	sne.s32 s29, $0x0  }
0xbb: {  	v63 =	vshll.u32 v62, $0x2;
	s31 =	sshrl.u32 s30, $0x1B;
	v8 =	vor.u32 v8, v9;
	p0 =	por !p0, !p1  }
0xbc: {  	s3 =	simm.s32 $0x1;
	v10 =	vand.u32 $0x1F, v62;
	v9 =	vand.u32 $0xFFFFFF80, v63;
	s2 =	sadd.s32 s31, s2;
	p0 =	por !p0, !p0  }
0xbd: {  	v9 =	vor.u32 v10, v9;
	s2 =	sshra.s32 s2, $0x5;
	s3 =	simm.s32 @!p0 $0x0  }
0xbe: {  	s23 =	ssub.s32 s2, s3  }
0xbf: {  	p1 =	sgt.s32 s23, $0x0  }
0xc0: {  	[tilespmem:v8+s0+$0x0] =	vst.idx.msk $0xffff, v1;
	p0 =	seq.s32 @p1 s23, $0x1  }
0xc1: {  	[tilespmem:v8+s7+$0x0] =	vst.idx.msk $0xffff, v0;
	p2 =	por !p1, p0  }
0xc2: {  	s2 =	simm.s32 @p1 $0x20;
	[tilespmem:v9+s0+$0x0] =	vst.idx.msk $0xffff, v1;
	p0 =	slt.u32 @!p2 s23, $0x3  }
0xc3: {  	s3 =	simm.s32 @p1 $0x0;
	s4 =	simm.s32 @p1 $0x6000;
	[tilespmem:v9+s7+$0x0] =	vst.idx.msk $0xffff, v0;
	p0 =	por p2, p0  }
0xc4: {  	[tilespmem:s4], [sflag:$0x3] =	stream.indirect.gather @p1 [hbm4b:s1+s2], $0x80, s3, s2, $0xb8;
	[tilespmem:$0x1AE98] =	vst v63  }
0xc5: {  	p3 =	seq.s32 @!p0 s23, $0x3  }
0xc6: {  	p3 =	por p0, p3  }
.Ltmp7:
0xc7: {  	_ = 	snop;
	(pc) =	sbr.rel @!p3 .LBB2_8-.Ltmp7, $4  }
0xc8: {  	s2 =	simm.s32 @!p2 $0x20;
	s3 =	simm.s32 @!p2 $0x80;
	s4 =	simm.s32 @!p2 $0x7000  }
0xc9: {  	[tilespmem:s4], [sflag:$0x4] =	stream.indirect.gather @!p2 [hbm4b:s1+s2], $0x80, s3, s2, $0xb8;
	[tilespmem:$0x1AE98] =	vst v63  }
0xca: {  	s2 =	simm.s32 @!p0 $0x20;
	s3 =	simm.s32 @!p0 $0x100;
	s4 =	simm.s32 @!p0 $0x8000  }
0xcb: {  	[tilespmem:s4], [sflag:$0x5] =	stream.indirect.gather @!p0 [hbm4b:s1+s2], $0x80, s3, s2, $0xb8;
	[tilespmem:$0x1AE98] =	vst v63  }
0xcc: {  	p5 =	por @p1 $0x0, $0x0;
	p3 =	por $0x0, $0x0  }
0xcd: {  	p5 =	por @!p1 p3, p3  }
0xce: {  	p1 =	por @!p2 $0x0, $0x0;
	p6 =	por p5, p5  }
0xcf: {  	p3 =	por @!p2 $0x1, $0x1;
	p6 =	por @!p2 p1, p1  }
0xd0: {  	p5 =	por @!p2 p3, p3;
	p1 =	por @!p0 $0x1, $0x1;
	p3 =	por p6, p6  }
0xd1: {  	p2 =	por @!p0 $0x0, $0x0;
	p3 =	por @!p0 p1, p1  }
.Ltmp8:
0xd2: {  	p4 =	por p6, p6;
	s2 =	simm.s32 @!p3 $0x0;
	(pc) =	sbr.rel .LBB2_9-.Ltmp8, $4  }
0xd3: {  	p5 =	por @!p0 p1, p1;
	p4 =	por @!p0 p2, p2;
	s2 =	simm.s32 @p3 $0x1  }
0xd4: {  	p3 =	por p6, p6;
	[smem:$0x7FC] =	sst s2;
	s2 =	simm.s32 @!p5 $0x0  }
0xd5: {  	p3 =	por @!p0 p2, p2;
	s2 =	simm.s32 @p5 $0x1;
	p5 =	por p6, p6  }
0xd6: {  	p6 =	por @!p0 p2, p2;
	[smem:$0x7FD] =	sst s2;
	p5 =	por @!p0 p2, p2  }
.LBB2_8:
0xd7: {  	s2 =	simm.s32 $0x20  }
0xd8: {  	s3 =	simm.s32 $0x180;
	s4 =	simm.s32 $0x9000;
	p0 =	slt.u32 s23, $0x5  }
0xd9: {  	[tilespmem:s4], [sflag:$0x6] =	stream.indirect.gather [hbm4b:s1+s2], $0x80, s3, s2, $0xb8;
	[tilespmem:$0x1AE98] =	vst v63  }
0xda: {  	s2 =	simm.s32 @!p0 $0x20;
	p2 =	seq.s32 @!p0 s23, $0x5  }
0xdb: {  	s3 =	simm.s32 @!p0 $0x200;
	s4 =	simm.s32 @!p0 $0xA000;
	p3 =	por p2, p0  }
0xdc: {  	[tilespmem:s4], [sflag:$0x7] =	stream.indirect.gather @!p0 [hbm4b:s1+s2], $0x80, s3, s2, $0xb8;
	[tilespmem:$0x1AE98] =	vst v63  }
0xdd: {  	p6 =	por @!p0 $0x0, $0x0;
	s2 =	simm.s32 @!p3 $0x20;
	p4 =	slt.u32 @!p3 s23, $0x7  }
0xde: {  	s3 =	simm.s32 @!p3 $0x280;
	s4 =	simm.s32 @!p3 $0xB000;
	p1 =	por @!p0 p4, p2  }
0xdf: {  	[tilespmem:s4], [sflag:$0x8] =	stream.indirect.gather @!p3 [hbm4b:s1+s2], $0x80, s3, s2, $0xb8;
	[tilespmem:$0x1AE98] =	vst v63  }
0xe0: {  	p4 =	por @!p0 !p4, p2;
	p5 =	por p1, p0;
	p1 =	por @!p3 $0x1, $0x1  }
0xe1: {  	s2 =	simm.s32 @!p5 $0x20;
	s3 =	simm.s32 @!p5 $0x300;
	s4 =	simm.s32 @!p5 $0xC000  }
0xe2: {  	[tilespmem:s4], [sflag:$0x9] =	stream.indirect.gather @!p5 [hbm4b:s1+s2], $0x80, s3, s2, $0xb8;
	[tilespmem:$0x1AE98] =	vst v63  }
0xe3: {  	p3 =	por @!p3 $0x0, $0x0;
	p4 =	por !p4, p0;
	p5 =	por @!p5 $0x1, $0x1  }
0xe4: {  	p2 =	por !p2, p0;
	p3 =	por @!p4 p5, p5;
	p1 =	por @!p4 p5, p5  }
0xe5: {  	p4 =	por @!p0 $0x1, $0x1;
	p3 =	por @!p2 p6, p6;
	p5 =	por p1, p1  }
0xe6: {  	p1 =	por @!p2 p6, p6;
	p5 =	por @!p2 p4, p4;
	p2 =	por $0x1, $0x1  }
0xe7: {  	p2 =	por @!p0 p5, p5  }
0xe8: {  	s2 =	simm.s32 @!p2 $0x0  }
0xe9: {  	s2 =	simm.s32 @p2 $0x1;
	p2 =	por $0x1, $0x1  }
0xea: {  	p6 =	por $0x0, $0x0;
	p2 =	por @!p0 p5, p5  }
0xeb: {  	p4 =	por $0x0, $0x0;
	[smem:$0x7FC] =	sst s2;
	s2 =	simm.s32 @!p2 $0x0  }
0xec: {  	p6 =	por @!p0 p1, p1;
	s2 =	simm.s32 @p2 $0x1;
	p2 =	por $0x1, $0x1  }
0xed: {  	p4 =	por @!p0 p3, p3;
	p3 =	por $0x0, $0x0;
	p2 =	por @!p0 p5, p5  }
0xee: {  	p3 =	por @!p0 p5, p5;
	[smem:$0x7FD] =	sst s2;
	p5 =	por p2, p2  }
.LBB2_9:
0xef: {  	s2 =	sadd.s32 $0x7, s23  }
0xf0: {  	s3 =	sand.u32 $0x7, s2  }
0xf1: {  	p0 =	slt.s32 s23, $0xFFFFFFFA;
	p1 =	sne.s32 s3, $0x0  }
0xf2: {  	s31 =	sshrl.u32 s2, $0x1D;
	p0 =	por !p0, !p1  }
0xf3: {  	s2 =	sadd.s32 s31, s2;
	s3 =	simm.s32 $0x1;
	p0 =	por !p0, !p0  }
0xf4: {  	s2 =	sshra.s32 s2, $0x3;
	s3 =	simm.s32 @!p0 $0x0  }
0xf5: {  	s2 =	ssub.s32 s2, s3  }
0xf6: {  	p0 =	slt.s32 s2, $0x1  }
.Ltmp9:
0xf7: {  	_ = 	snop;
	(pc) =	sbr.rel @p0 .LBB2_17-.Ltmp9, $1  }
0xf8: {  	_ =	sdelay $0x3  }
0xf9: {  	s3 =	simm.s32 @!p5 $0x0  }
0xfa: {  	s3 =	simm.s32 @p5 $0x1  }
0xfb: {  	s2 =	sadd.s32 $0xFFFFFFFF, s2;
	[smem:$0x7F8] =	sst s3;
	s3 =	simm.s32 @!p6 $0x0  }
0xfc: {  	p0 =	sne.s32 s2, $0x0;
	s3 =	simm.s32 @p6 $0x1  }
.Ltmp10:
0xfd: {  	[smem:$0x7F9] =	sst s3;
	s3 =	simm.s32 @!p4 $0x0;
	(pc) =	sbr.rel @!p0 .LBB2_11-.Ltmp10, $4  }
0xfe: {  	s3 =	simm.s32 @p4 $0x1  }
0xff: {  	[smem:$0x7FA] =	sst s3;
	s3 =	simm.s32 @!p3 $0x0  }
0x100: {  	s17 =	simm.s32 $0x0;
	s13 =	simm.s32 $0x7;
	s3 =	simm.s32 @p3 $0x1  }
0x101: {  	s31 =	simm.s32 $0x0;
	s30 =	simm.s32 $0x1;
	[smem:$0x7FB] =	sst s3  }
0x102: {  	p1 =	sle.s32 s23, $0x7  }
0x103: {  	p0 =	por @!p1 $0x1, $0x1  }
0x104: {  	[dreg:$0x1c] =	wrdreg s24;
	p0 =	por p0, p1  }
0x105: {  	[dreg:$0x1b] =	wrdreg s22;
	s16 =	simm.s32 $0x6;
	s3 =	simm.s32 @!p0 $0x13  }
0x106: {  	p3 =	sle.s32 s23, $0x0;
	s10 =	simm.s32 $0xD;
	_ =	swait.ge @!p0 [sflag:s3], $0x1000  }
0x107: {  	s4 =	simm.s32 @!p1 $0x380;
	s15 =	simm.s32 @!p1 $0x20;
	[sflag:s3] =	ssyncset.done @!p0 $0x0  }
0x108: {  	s8 =	simm.s32 @!p3 $0x3;
	s11 =	simm.s32 @!p1 $0xD000;
	[sflag:s3] =	ssyncadd.s32 @!p0 $0xFFFFF000  }
0x109: {  	[tilespmem:s11], [sflag:$0xA] =	stream.indirect.gather @!p1 [hbm4b:s1+s15], $0x80, s4, s15, $0xb8;
	[tilespmem:$0x1AE98] =	vst v63  }
0x10a: {  	s28 =	sadd.s32 $0xFFFFFFFF, s2;
	p2 =	sle.s32 s23, $0x8;
	_ =	swait.ge @!p3 [sflag:s8], $0x1000  }
0x10b: {  	p6 =	sle.s32 s23, $0x1;
	s2 =	simm.s32 @!p3 $0x20;
	[sflag:s8] =	ssyncset.done @!p3 $0x0  }
0x10c: {  	s3 =	simm.s32 @!p3 $0x6000;
	s4 =	simm.s32 @!p3 $0x2000;
	[sflag:s8] =	ssyncadd.s32 @!p3 $0xFFFFF000  }
0x10d: {  	[spmem:s5] =	stream.indirect.scatter.add.f32 @!p3 [tilespmem:s3], [sflag:$0xC], $0x80, s4, s2, $0xb8;
	[tilespmem:$0x1AE98] =	vst v63  }
0x10e: {  	p5 =	sle.s32 s23, $0xA;
	s8 =	simm.s32 @!p2 $0xC;
	s3 =	simm.s32 @!p3 $0xE000  }
0x10f: {  	[spmem:s6] =	stream.indirect.scatter.add.f32 @!p3 [tilespmem:s3], [sflag:$0xB], $0x1, s4, s2, $0xb8;
	[tilespmem:$0x1AE98] =	vst v63  }
0x110: {  	p4 =	sle.s32 s23, $0x3;
	s26 =	simm.s32 $0xF;
	_ =	swait.ge @!p2 [sflag:s8], $0x1000  }
0x111: {  	s9 =	simm.s32 @!p2 $0x20;
	s2 =	simm.s32 @!p2 $0x400;
	[sflag:s8] =	ssyncset.done @!p2 $0x0  }
0x112: {  	s3 =	simm.s32 @!p2 $0x6000;
	s4 =	simm.s32 @!p6 $0x4;
	[sflag:s8] =	ssyncadd.s32 @!p2 $0xFFFFF000  }
0x113: {  	[tilespmem:s3], [sflag:$0x3] =	stream.indirect.gather @!p2 [hbm4b:s1+s9], $0x80, s2, s9, $0xb8;
	[tilespmem:$0x1AE98] =	vst v63  }
0x114: {  	s31 =	simm.s32 $0x8;
	s30 =	simm.s32 $0x9;
	_ =	swait.ge @!p6 [sflag:s4], $0x1000  }
0x115: {  	p3 =	sle.s32 s23, $0x9;
	s3 =	simm.s32 @!p6 $0x7000;
	[sflag:s4] =	ssyncset.done @!p6 $0x0  }
0x116: {  	s9 =	simm.s32 @!p6 $0x20;
	[sflag:s4] =	ssyncadd.s32 @!p6 $0xFFFFF000;
	s4 =	simm.s32 @!p6 $0x2080  }
0x117: {  	[spmem:s5] =	stream.indirect.scatter.add.f32 @!p6 [tilespmem:s3], [sflag:$0xD], $0x80, s4, s9, $0xb8;
	[tilespmem:$0x1AE98] =	vst v63  }
0x118: {  	s14 =	simm.s32 @!p1 $0x0;
	s18 =	simm.s32 @!p6 $0xE000;
	s12 =	simm.s32 @!p3 $0xD  }
0x119: {  	[spmem:s6] =	stream.indirect.scatter.add.f32 @!p6 [tilespmem:s18], [sflag:$0xB], $0x1, s4, s9, $0xb8;
	[tilespmem:$0x1AE98] =	vst v63  }
0x11a: {  	p0 =	sne.s32 s28, $0x0;
	s21 =	simm.s32 @!p3 $0x7000;
	_ =	swait.ge @!p3 [sflag:s12], $0x1000  }
0x11b: {  	s8 =	simm.s32 @!p3 $0x480;
	p2 =	sle.s32 s23, $0x2;
	[sflag:s12] =	ssyncset.done @!p3 $0x0  }
0x11c: {  	s2 =	simm.s32 @!p5 $0x500;
	s4 =	simm.s32 @!p3 $0x20;
	[sflag:s12] =	ssyncadd.s32 @!p3 $0xFFFFF000  }
0x11d: {  	[tilespmem:s21], [sflag:$0x4] =	stream.indirect.gather @!p3 [hbm4b:s1+s4], $0x80, s8, s4, $0xb8;
	[tilespmem:$0x1AE98] =	vst v63  }
.Ltmp11:
0x11e: {  	s19 =	simm.s32 @!p2 $0x5;
	s3 =	simm.s32 @!p2 $0x20;
	(pc) =	sbr.rel @!p0 .LBB2_13-.Ltmp11, $4  }
0x11f: {  	s18 =	simm.s32 @!p2 $0xE000;
	p6 =	sle.s32 s23, $0xB;
	p3 =	por $0x1, $0x1  }
0x120: {  	s9 =	simm.s32 @!p6 $0x0;
	s12 =	simm.s32 @!p2 $0x8000;
	s8 =	simm.s32 @!p3 $0x0  }
0x121: {  	s4 =	simm.s32 @!p2 $0x2100;
	_ =	swait.ge @!p2 [sflag:s19], $0x1000;
	s8 =	simm.s32 @p3 $0x1  }
0x122: {  	s21 =	simm.s32 $0x0;
	[sflag:s19] =	ssyncset.done @!p2 $0x0;
	[smem:$0x7F7] =	sst s8  }
.LBB2_14:
0x123: {  	s8 =	sadd.s32 $0xFFFFFFFC, s26;
	[sflag:s19] =	ssyncadd.s32 @!p2 $0xFFFFF000;
	s19 =	sadd.s32 $0xFFFFFFFD, s13  }
0x124: {  	[spmem:s5] =	stream.indirect.scatter.add.f32 @!p2 [tilespmem:s12], [sflag:$0xE], $0x80, s4, s3, $0xb8;
	[tilespmem:$0x1AE98] =	vst v63  }
0x125: {  	s29 =	simm.s32 @!p5 $0x8000;
	s25 =	sshra.s32 @!p4 s21, $0x2;
	s12 =	simm.s32 @!p5 $0xE  }
0x126: {  	[spmem:s6] =	stream.indirect.scatter.add.f32 @!p2 [tilespmem:s18], [sflag:$0xB], $0x1, s4, s3, $0xb8;
	[tilespmem:$0x1AE98] =	vst v63  }
0x127: {  	s4 =	simm.s32 @!p4 $0xE000;
	s18 =	sadd.s32 @!p6 $0x580, s9;
	_ =	swait.ge @!p5 [sflag:s12], $0x1000  }
0x128: {  	s22 =	simm.s32 @!p4 $0x6;
	s9 =	simm.s32 @!p5 $0x20;
	[sflag:s12] =	ssyncset.done @!p5 $0x0  }
0x129: {  	s3 =	sadd.s32 $0xFFFFFFFF, s26;
	[sflag:s12] =	ssyncadd.s32 @!p5 $0xFFFFF000;
	s12 =	simm.s32 @!p4 $0x9000  }
0x12a: {  	[tilespmem:s29], [sflag:$0x5] =	stream.indirect.gather @!p5 [hbm4b:s1+s9], $0x80, s2, s9, $0xb8;
	[tilespmem:$0x1AE98] =	vst v63  }
0x12b: {  	p0 =	sge.s32 s19, s23;
	s2 =	sadd.s32 @!p4 $0x2180, s25;
	_ =	swait.ge @!p4 [sflag:s22], $0x1000  }
0x12c: {  	s19 =	simm.s32 @!p4 $0x20;
	s9 =	sadd.s32 $0x4, s26;
	[sflag:s22] =	ssyncset.done @!p4 $0x0  }
0x12d: {  	s25 =	sshra.s32 @!p0 s21, $0x2;
	[sflag:s22] =	ssyncadd.s32 @!p4 $0xFFFFF000;
	s22 =	simm.s32 @!p6 $0x20  }
0x12e: {  	[spmem:s5] =	stream.indirect.scatter.add.f32 @!p4 [tilespmem:s12], [sflag:$0xF], $0x80, s2, s19, $0xb8;
	[tilespmem:$0x1AE98] =	vst v63  }
0x12f: {  	s24 =	sadd.s32 $0x5, s13;
	s29 =	simm.s32 @!p6 $0xF;
	s12 =	sadd.s32 $0x6, s26  }
0x130: {  	[spmem:s6] =	stream.indirect.scatter.add.f32 @!p4 [tilespmem:s4], [sflag:$0xB], $0x1, s2, s19, $0xb8;
	[tilespmem:$0x1AE98] =	vst v63  }
0x131: {  	s2 =	sadd.s32 @!p0 $0x2200, s25;
	s4 =	simm.s32 @!p0 $0xE000;
	_ =	swait.ge @!p6 [sflag:s29], $0x1000  }
0x132: {  	s19 =	simm.s32 @!p6 $0x9000;
	s25 =	simm.s32 @!p0 $0x7;
	[sflag:s29] =	ssyncset.done @!p6 $0x0  }
0x133: {  	p5 =	sge.s32 s24, s23;
	[sflag:s29] =	ssyncadd.s32 @!p6 $0xFFFFF000;
	s29 =	sadd.s32 $0xFFFFFFFE, s13  }
0x134: {  	[tilespmem:s19], [sflag:$0x6] =	stream.indirect.gather @!p6 [hbm4b:s1+s22], $0x80, s18, s22, $0xb8;
	[tilespmem:$0x1AE98] =	vst v63  }
0x135: {  	s18 =	simm.s32 @!p5 $0x10;
	s19 =	sshra.s32 @!p5 s21, $0x2;
	_ =	swait.ge @!p0 [sflag:s25], $0x1000  }
0x136: {  	s24 =	simm.s32 @!p0 $0xA000;
	s22 =	simm.s32 @!p0 $0x20;
	[sflag:s25] =	ssyncset.done @!p0 $0x0  }
0x137: {  	p4 =	sge.s32 s29, s23;
	[sflag:s25] =	ssyncadd.s32 @!p0 $0xFFFFF000;
	s25 =	simm.s32 @!p5 $0xA000  }
0x138: {  	[spmem:s5] =	stream.indirect.scatter.add.f32 @!p0 [tilespmem:s24], [sflag:$0x10], $0x80, s2, s22, $0xb8;
	[tilespmem:$0x1AE98] =	vst v63  }
0x139: {  	s28 =	sadd.s32 $0xFFFFFFFF, s28;
	p2 =	por p1, p1;
	s19 =	sadd.s32 @!p5 $0x600, s19  }
0x13a: {  	[spmem:s6] =	stream.indirect.scatter.add.f32 @!p0 [tilespmem:s4], [sflag:$0xB], $0x1, s2, s22, $0xb8;
	[tilespmem:$0x1AE98] =	vst v63  }
0x13b: {  	s2 =	sshra.s32 @!p4 s21, $0x2;
	s4 =	simm.s32 @!p4 $0xB000;
	_ =	swait.ge @!p5 [sflag:s18], $0x1000  }
0x13c: {  	p3 =	sne.s32 s28, $0x0;
	[sflag:s18] =	ssyncset.done @!p5 $0x0  }
0x13d: {  	s22 =	simm.s32 @!p4 $0x8;
	[sflag:s18] =	ssyncadd.s32 @!p5 $0xFFFFF000;
	s18 =	simm.s32 @!p5 $0x20  }
0x13e: {  	[tilespmem:s25], [sflag:$0x7] =	stream.indirect.gather @!p5 [hbm4b:s1+s18], $0x80, s19, s18, $0xb8;
	[tilespmem:$0x1AE98] =	vst v63  }
0x13f: {  	s2 =	sadd.s32 @!p4 $0x2280, s2;
	s18 =	simm.s32 @!p4 $0x20;
	_ =	swait.ge @!p4 [sflag:s22], $0x1000  }
0x140: {  	p5 =	sge.s32 s10, s23;
	s10 =	smov.u32 s12;
	[sflag:s22] =	ssyncset.done @!p4 $0x0  }
0x141: {  	s12 =	simm.s32 @!p5 $0x11;
	s19 =	sshra.s32 @!p5 s21, $0x2;
	[sflag:s22] =	ssyncadd.s32 @!p4 $0xFFFFF000  }
0x142: {  	[spmem:s5] =	stream.indirect.scatter.add.f32 @!p4 [tilespmem:s4], [sflag:$0x11], $0x80, s2, s18, $0xb8;
	[tilespmem:$0x1AE98] =	vst v63  }
0x143: {  	p1 =	sge.s32 s16, s23;
	s16 =	smov.u32 s3;
	s4 =	simm.s32 @!p4 $0xE000  }
0x144: {  	s13 =	sadd.s32 $0x7, s13;
	s3 =	simm.s32 @!p5 $0x20;
	s22 =	sshra.s32 @!p1 s21, $0x2  }
0x145: {  	[spmem:s6] =	stream.indirect.scatter.add.f32 @!p4 [tilespmem:s4], [sflag:$0xB], $0x1, s2, s18, $0xb8;
	[tilespmem:$0x1AE98] =	vst v63  }
0x146: {  	p0 =	sge.s32 s13, s23;
	s2 =	simm.s32 @!p1 $0x9;
	_ =	swait.ge @!p5 [sflag:s12], $0x1000  }
0x147: {  	s13 =	sshra.s32 @!p0 s21, $0x2;
	s4 =	sadd.s32 @!p5 $0x680, s19;
	[sflag:s12] =	ssyncset.done @!p5 $0x0  }
0x148: {  	s18 =	sadd.s32 @!p0 $0x700, s13;
	[sflag:s12] =	ssyncadd.s32 @!p5 $0xFFFFF000;
	s12 =	simm.s32 @!p5 $0xB000  }
0x149: {  	[tilespmem:s12], [sflag:$0x8] =	stream.indirect.gather @!p5 [hbm4b:s1+s3], $0x80, s4, s3, $0xb8;
	[tilespmem:$0x1AE98] =	vst v63  }
0x14a: {  	p6 =	sge.s32 s30, s23;
	s13 =	smov.u32 s26;
	_ =	swait.ge @!p1 [sflag:s2], $0x1000  }
0x14b: {  	s21 =	sadd.s32 $0x1000, s21;
	s3 =	simm.s32 @!p1 $0xC000;
	[sflag:s2] =	ssyncset.done @!p1 $0x0  }
0x14c: {  	s4 =	simm.s32 @!p1 $0x20;
	[sflag:s2] =	ssyncadd.s32 @!p1 $0xFFFFF000;
	s2 =	sadd.s32 @!p1 $0x2300, s22  }
0x14d: {  	[spmem:s5] =	stream.indirect.scatter.add.f32 @!p1 [tilespmem:s3], [sflag:$0x12], $0x80, s2, s4, $0xb8;
	[tilespmem:$0x1AE98] =	vst v63  }
0x14e: {  	s19 =	simm.s32 @!p2 $0xE000;
	s12 =	simm.s32 @!p0 $0x12;
	s3 =	simm.s32 @!p1 $0xE000  }
0x14f: {  	[spmem:s6] =	stream.indirect.scatter.add.f32 @!p1 [tilespmem:s3], [sflag:$0xB], $0x1, s2, s4, $0xb8;
	[tilespmem:$0x1AE98] =	vst v63  }
0x150: {  	s2 =	simm.s32 @!p0 $0xC000;
	s3 =	sadd.s32 @!p2 $0x2380, s14;
	_ =	swait.ge @!p0 [sflag:s12], $0x1000  }
0x151: {  	s22 =	simm.s32 @!p2 $0xA;
	s4 =	sadd.s32 $0x1, s26;
	[sflag:s12] =	ssyncset.done @!p0 $0x0  }
0x152: {  	p4 =	sge.s32 s4, s23;
	s4 =	simm.s32 @!p0 $0x20;
	[sflag:s12] =	ssyncadd.s32 @!p0 $0xFFFFF000  }
0x153: {  	[tilespmem:s2], [sflag:$0x9] =	stream.indirect.gather @!p0 [hbm4b:s1+s4], $0x80, s18, s4, $0xb8;
	[tilespmem:$0x1AE98] =	vst v63  }
0x154: {  	p1 =	sge.s32 s26, s23;
	s2 =	sshra.s32 @!p4 s21, $0x2;
	_ =	swait.ge @!p2 [sflag:s22], $0x1000  }
0x155: {  	p0 =	seq.s32 @!p1 s26, $0x7;
	s2 =	sadd.s32 @!p4 $0x400, s2;
	[sflag:s22] =	ssyncset.done @!p2 $0x0  }
0x156: {  	s14 =	sshra.s32 @!p1 s21, $0x2;
	p0 =	por p0, p1;
	[sflag:s22] =	ssyncadd.s32 @!p2 $0xFFFFF000  }
0x157: {  	[spmem:s5] =	stream.indirect.scatter.add.f32 @!p2 [tilespmem:s11], [sflag:$0x13], $0x80, s3, s15, $0xb8;
	[tilespmem:$0x1AE98] =	vst v63  }
0x158: {  	s12 =	sadd.s32 @!p1 $0x380, s14;
	s18 =	sadd.s32 $0x2, s26;
	s4 =	simm.s32 @!p0 $0x13  }
0x159: {  	[spmem:s6] =	stream.indirect.scatter.add.f32 @!p2 [tilespmem:s19], [sflag:$0xB], $0x1, s3, s15, $0xb8;
	[tilespmem:$0x1AE98] =	vst v63  }
0x15a: {  	s15 =	simm.s32 @!p1 $0x20;
	p2 =	sge.s32 s31, s23;
	_ =	swait.ge @!p0 [sflag:s4], $0x1000  }
0x15b: {  	s3 =	simm.s32 @!p2 $0x3;
	s19 =	sshra.s32 @!p2 s21, $0x2;
	[sflag:s4] =	ssyncset.done @!p0 $0x0  }
0x15c: {  	s25 =	sshra.s32 @!p6 s21, $0x2;
	s11 =	simm.s32 @!p1 $0xD000;
	[sflag:s4] =	ssyncadd.s32 @!p0 $0xFFFFF000  }
0x15d: {  	[tilespmem:s11], [sflag:$0xA] =	stream.indirect.gather @!p1 [hbm4b:s1+s15], $0x80, s12, s15, $0xb8;
	[tilespmem:$0x1AE98] =	vst v63  }
0x15e: {  	s4 =	simm.s32 @!p2 $0xE000;
	s12 =	simm.s32 @!p4 $0x6000;
	_ =	swait.ge @!p2 [sflag:s3], $0x1000  }
0x15f: {  	s22 =	simm.s32 @!p2 $0x20;
	s24 =	simm.s32 @!p2 $0x6000;
	[sflag:s3] =	ssyncset.done @!p2 $0x0  }
0x160: {  	[sflag:s3] =	ssyncadd.s32 @!p2 $0xFFFFF000;
	s3 =	sadd.s32 @!p2 $0x2000, s19;
	s19 =	simm.s32 @!p4 $0xC  }
0x161: {  	[spmem:s5] =	stream.indirect.scatter.add.f32 @!p2 [tilespmem:s24], [sflag:$0xC], $0x80, s3, s22, $0xb8;
	[tilespmem:$0x1AE98] =	vst v63  }
0x162: {  	p0 =	sge.s32 s18, s23;
	s18 =	simm.s32 @!p4 $0x20;
	s24 =	simm.s32 @!p6 $0x4  }
0x163: {  	[spmem:s6] =	stream.indirect.scatter.add.f32 @!p2 [tilespmem:s4], [sflag:$0xB], $0x1, s3, s22, $0xb8;
	[tilespmem:$0x1AE98] =	vst v63  }
0x164: {  	s3 =	sshra.s32 @!p0 s21, $0x2;
	s4 =	sadd.s32 $0x3, s26;
	_ =	swait.ge @!p4 [sflag:s19], $0x1000  }
0x165: {  	s22 =	sadd.s32 @!p0 $0x480, s3;
	p5 =	sge.s32 s4, s23;
	[sflag:s19] =	ssyncset.done @!p4 $0x0  }
0x166: {  	s4 =	sadd.s32 @!p6 $0x2080, s25;
	[sflag:s19] =	ssyncadd.s32 @!p4 $0xFFFFF000;
	s19 =	simm.s32 @!p6 $0x7000  }
0x167: {  	[tilespmem:s12], [sflag:$0x3] =	stream.indirect.gather @!p4 [hbm4b:s1+s18], $0x80, s2, s18, $0xb8;
	[tilespmem:$0x1AE98] =	vst v63  }
0x168: {  	s3 =	sshra.s32 @!p5 s21, $0x2;
	s2 =	sadd.s32 $0xFFFFFFFB, s26;
	_ =	swait.ge @!p6 [sflag:s24], $0x1000  }
0x169: {  	p2 =	sge.s32 s2, s23;
	s2 =	sadd.s32 @!p5 $0x500, s3;
	[sflag:s24] =	ssyncset.done @!p6 $0x0  }
0x16a: {  	s12 =	simm.s32 @!p6 $0x20;
	p4 =	sge.s32 s8, s23;
	[sflag:s24] =	ssyncadd.s32 @!p6 $0xFFFFF000  }
0x16b: {  	s8 =	simm.s32 @!p6 $0xE000;
	s3 =	simm.s32 @!p2 $0x20;
	s24 =	simm.s32 @!p0 $0xD  }
0x16c: {  	[spmem:s5] =	stream.indirect.scatter.add.f32 @!p6 [tilespmem:s19], [sflag:$0xD], $0x80, s4, s12, $0xb8;
	[tilespmem:$0x1AE98] =	vst v63  }
0x16d: {  	s25 =	sshra.s32 @!p2 s21, $0x2;
	s18 =	simm.s32 @!p2 $0xE000;
	s19 =	simm.s32 @!p2 $0x5  }
0x16e: {  	[spmem:s6] =	stream.indirect.scatter.add.f32 @!p6 [tilespmem:s8], [sflag:$0xB], $0x1, s4, s12, $0xb8;
	[tilespmem:$0x1AE98] =	vst v63  }
0x16f: {  	s4 =	simm.s32 @!p0 $0x20;
	s8 =	simm.s32 @!p0 $0x7000;
	_ =	swait.ge @!p0 [sflag:s24], $0x1000  }
.Ltmp12:
0x170: {  	p6 =	sge.s32 s9, s23;
	[sflag:s24] =	ssyncset.done @!p0 $0x0;
	(pc) =	sbr.rel @p3 .LBB2_14-.Ltmp12, $4  }
0x171: {  	s26 =	sadd.s32 $0x8, s26;
	s9 =	sshra.s32 @!p6 s21, $0x2;
	[sflag:s24] =	ssyncadd.s32 @!p0 $0xFFFFF000  }
0x172: {  	[tilespmem:s8], [sflag:$0x4] =	stream.indirect.gather @!p0 [hbm4b:s1+s4], $0x80, s22, s4, $0xb8;
	[tilespmem:$0x1AE98] =	vst v63  }
0x173: {  	s12 =	simm.s32 @!p2 $0x8000;
	s4 =	sadd.s32 @!p2 $0x2100, s25;
	_ =	swait.ge @!p2 [sflag:s19], $0x1000  }
0x174: {  	s31 =	sadd.s32 $0xFFFFFFF9, s26;
	s30 =	sadd.s32 $0xFFFFFFFA, s26;
	[sflag:s19] =	ssyncset.done @!p2 $0x0  }
0x175: {  	s25 =	rddreg [dreg:$0xe]  }
0x176: {  	s22 =	rddreg [dreg:$0x1b]  }
0x177: {  	s24 =	rddreg [dreg:$0x1c]  }
.LBB2_16:
0x178: {  	s8 =	sld [smem:$0x7F7];
	_ =	sdelay $0x2  }
0x179: {  	p3 =	seq.s32 s8, $0x1  }
0x17a: {  	p0 =	por p2, !p3  }
0x17b: {  	[sflag:s19] =	ssyncadd.s32 @!p0 $0xFFFFF000  }
0x17c: {  	[spmem:s5] =	stream.indirect.scatter.add.f32 @!p0 [tilespmem:s12], [sflag:$0xE], $0x80, s4, s3, $0xb8;
	[tilespmem:$0x1AE98] =	vst v63  }
0x17d: {  	_ = 	snop  }
0x17e: {  	[spmem:s6] =	stream.indirect.scatter.add.f32 @!p0 [tilespmem:s18], [sflag:$0xB], $0x1, s4, s3, $0xb8;
	[tilespmem:$0x1AE98] =	vst v63  }
0x17f: {  	p0 =	por p5, !p3  }
0x180: {  	s3 =	simm.s32 @!p0 $0xE  }
0x181: {  	_ =	swait.ge @!p0 [sflag:s3], $0x1000  }
0x182: {  	p2 =	por p4, !p3;
	[sflag:s3] =	ssyncset.done @!p0 $0x0  }
0x183: {  	s4 =	simm.s32 @!p0 $0x8000;
	[sflag:s3] =	ssyncadd.s32 @!p0 $0xFFFFF000;
	s3 =	simm.s32 @!p0 $0x20  }
0x184: {  	[tilespmem:s4], [sflag:$0x5] =	stream.indirect.gather @!p0 [hbm4b:s1+s3], $0x80, s2, s3, $0xb8;
	[tilespmem:$0x1AE98] =	vst v63  }
0x185: {  	s2 =	simm.s32 @!p2 $0x6  }
0x186: {  	_ =	swait.ge @!p2 [sflag:s2], $0x1000  }
0x187: {  	s3 =	sshra.s32 @!p2 s21, $0x2;
	s4 =	simm.s32 @!p2 $0x9000;
	[sflag:s2] =	ssyncset.done @!p2 $0x0  }
0x188: {  	s3 =	sadd.s32 @!p2 $0x2180, s3;
	[sflag:s2] =	ssyncadd.s32 @!p2 $0xFFFFF000;
	s2 =	simm.s32 @!p2 $0x20  }
0x189: {  	[spmem:s5] =	stream.indirect.scatter.add.f32 @!p2 [tilespmem:s4], [sflag:$0xF], $0x80, s3, s2, $0xb8;
	[tilespmem:$0x1AE98] =	vst v63  }
0x18a: {  	s4 =	simm.s32 @!p2 $0xE000  }
0x18b: {  	[spmem:s6] =	stream.indirect.scatter.add.f32 @!p2 [tilespmem:s4], [sflag:$0xB], $0x1, s3, s2, $0xb8;
	[tilespmem:$0x1AE98] =	vst v63  }
0x18c: {  	p2 =	por p6, !p3  }
0x18d: {  	s2 =	simm.s32 @!p2 $0xF  }
0x18e: {  	s3 =	sadd.s32 @p3 $0xFFFFFFFD, s13;
	s4 =	sadd.s32 @!p2 $0x580, s9;
	_ =	swait.ge @!p2 [sflag:s2], $0x1000  }
0x18f: {  	p0 =	sge.s32 @p3 s3, s23;
	s3 =	simm.s32 @!p2 $0x20;
	[sflag:s2] =	ssyncset.done @!p2 $0x0  }
0x190: {  	p0 =	por p0, !p3;
	[sflag:s2] =	ssyncadd.s32 @!p2 $0xFFFFF000;
	s2 =	simm.s32 @!p2 $0x9000  }
0x191: {  	[tilespmem:s2], [sflag:$0x6] =	stream.indirect.gather @!p2 [hbm4b:s1+s3], $0x80, s4, s3, $0xb8;
	[tilespmem:$0x1AE98] =	vst v63  }
0x192: {  	s2 =	simm.s32 @!p0 $0x7  }
0x193: {  	s3 =	sshra.s32 @!p0 s21, $0x2;
	s4 =	sadd.s32 @p3 $0x5, s13;
	_ =	swait.ge @!p0 [sflag:s2], $0x1000  }
0x194: {  	s3 =	sadd.s32 @!p0 $0x2200, s3;
	p2 =	sge.s32 @p3 s4, s23;
	[sflag:s2] =	ssyncset.done @!p0 $0x0  }
0x195: {  	s4 =	simm.s32 @!p0 $0x20;
	[sflag:s2] =	ssyncadd.s32 @!p0 $0xFFFFF000;
	s2 =	simm.s32 @!p0 $0xA000  }
0x196: {  	[spmem:s5] =	stream.indirect.scatter.add.f32 @!p0 [tilespmem:s2], [sflag:$0x10], $0x80, s3, s4, $0xb8;
	[tilespmem:$0x1AE98] =	vst v63  }
0x197: {  	p2 =	por p2, !p3;
	s2 =	simm.s32 @!p0 $0xE000  }
0x198: {  	[spmem:s6] =	stream.indirect.scatter.add.f32 @!p0 [tilespmem:s2], [sflag:$0xB], $0x1, s3, s4, $0xb8;
	[tilespmem:$0x1AE98] =	vst v63  }
0x199: {  	s2 =	simm.s32 @!p2 $0x10  }
0x19a: {  	_ =	swait.ge @!p2 [sflag:s2], $0x1000  }
0x19b: {  	s3 =	sshra.s32 @!p2 s21, $0x2;
	s4 =	simm.s32 @!p2 $0xA000;
	[sflag:s2] =	ssyncset.done @!p2 $0x0  }
0x19c: {  	s3 =	sadd.s32 @!p2 $0x600, s3;
	[sflag:s2] =	ssyncadd.s32 @!p2 $0xFFFFF000;
	s2 =	simm.s32 @!p2 $0x20  }
0x19d: {  	[tilespmem:s4], [sflag:$0x7] =	stream.indirect.gather @!p2 [hbm4b:s1+s2], $0x80, s3, s2, $0xb8;
	[tilespmem:$0x1AE98] =	vst v63  }
0x19e: {  	s2 =	sadd.s32 @p3 $0xFFFFFFFE, s13  }
0x19f: {  	p0 =	sge.s32 @p3 s2, s23  }
0x1a0: {  	p0 =	por p0, !p3  }
0x1a1: {  	s2 =	simm.s32 @!p0 $0x8  }
0x1a2: {  	p2 =	sge.s32 @p3 s10, s23;
	_ =	swait.ge @!p0 [sflag:s2], $0x1000  }
0x1a3: {  	s3 =	sshra.s32 @!p0 s21, $0x2;
	s4 =	simm.s32 @!p0 $0xB000;
	[sflag:s2] =	ssyncset.done @!p0 $0x0  }
0x1a4: {  	s3 =	sadd.s32 @!p0 $0x2280, s3;
	[sflag:s2] =	ssyncadd.s32 @!p0 $0xFFFFF000;
	s2 =	simm.s32 @!p0 $0x20  }
0x1a5: {  	[spmem:s5] =	stream.indirect.scatter.add.f32 @!p0 [tilespmem:s4], [sflag:$0x11], $0x80, s3, s2, $0xb8;
	[tilespmem:$0x1AE98] =	vst v63  }
0x1a6: {  	p2 =	por p2, !p3;
	s4 =	simm.s32 @!p0 $0xE000  }
0x1a7: {  	[spmem:s6] =	stream.indirect.scatter.add.f32 @!p0 [tilespmem:s4], [sflag:$0xB], $0x1, s3, s2, $0xb8;
	[tilespmem:$0x1AE98] =	vst v63  }
0x1a8: {  	s2 =	simm.s32 @!p2 $0x11  }
0x1a9: {  	s3 =	sshra.s32 @!p2 s21, $0x2;
	s4 =	simm.s32 @!p2 $0x20;
	_ =	swait.ge @!p2 [sflag:s2], $0x1000  }
0x1aa: {  	p0 =	sge.s32 @p3 s16, s23;
	s3 =	sadd.s32 @!p2 $0x680, s3;
	[sflag:s2] =	ssyncset.done @!p2 $0x0  }
0x1ab: {  	p0 =	por p0, !p3;
	[sflag:s2] =	ssyncadd.s32 @!p2 $0xFFFFF000;
	s2 =	simm.s32 @!p2 $0xB000  }
0x1ac: {  	[tilespmem:s2], [sflag:$0x8] =	stream.indirect.gather @!p2 [hbm4b:s1+s4], $0x80, s3, s4, $0xb8;
	[tilespmem:$0x1AE98] =	vst v63  }
0x1ad: {  	s2 =	simm.s32 @!p0 $0x9  }
0x1ae: {  	s3 =	sshra.s32 @!p0 s21, $0x2;
	s4 =	sadd.s32 @p3 $0x7, s13;
	_ =	swait.ge @!p0 [sflag:s2], $0x1000  }
0x1af: {  	p2 =	sge.s32 @p3 s4, s23;
	s4 =	simm.s32 @!p0 $0xC000;
	[sflag:s2] =	ssyncset.done @!p0 $0x0  }
0x1b0: {  	[sflag:s2] =	ssyncadd.s32 @!p0 $0xFFFFF000;
	s2 =	sadd.s32 @!p0 $0x2300, s3;
	s3 =	simm.s32 @!p0 $0x20  }
0x1b1: {  	[spmem:s5] =	stream.indirect.scatter.add.f32 @!p0 [tilespmem:s4], [sflag:$0x12], $0x80, s2, s3, $0xb8;
	[tilespmem:$0x1AE98] =	vst v63  }
0x1b2: {  	p2 =	por p2, !p3;
	s4 =	simm.s32 @!p0 $0xE000  }
0x1b3: {  	[spmem:s6] =	stream.indirect.scatter.add.f32 @!p0 [tilespmem:s4], [sflag:$0xB], $0x1, s2, s3, $0xb8;
	[tilespmem:$0x1AE98] =	vst v63  }
0x1b4: {  	s2 =	simm.s32 @!p2 $0x12  }
0x1b5: {  	s3 =	sshra.s32 @!p2 s21, $0x2;
	s4 =	simm.s32 @!p2 $0xC000;
	_ =	swait.ge @!p2 [sflag:s2], $0x1000  }
0x1b6: {  	p0 =	por @p3 p1, p1;
	s3 =	sadd.s32 @!p2 $0x700, s3;
	[sflag:s2] =	ssyncset.done @!p2 $0x0  }
0x1b7: {  	p0 =	por p0, !p3;
	[sflag:s2] =	ssyncadd.s32 @!p2 $0xFFFFF000;
	s2 =	simm.s32 @!p2 $0x20  }
0x1b8: {  	[tilespmem:s4], [sflag:$0x9] =	stream.indirect.gather @!p2 [hbm4b:s1+s2], $0x80, s3, s2, $0xb8;
	[tilespmem:$0x1AE98] =	vst v63  }
0x1b9: {  	s2 =	simm.s32 @!p0 $0xA  }
0x1ba: {  	p1 =	sge.s32 s26, s23;
	_ =	swait.ge @!p0 [sflag:s2], $0x1000  }
0x1bb: {  	s3 =	sadd.s32 @p3 $0x1000, s21;
	p2 =	seq.s32 @!p1 s26, $0x7;
	[sflag:s2] =	ssyncset.done @!p0 $0x0  }
0x1bc: {  	s4 =	sadd.s32 @!p0 $0x2380, s14;
	p2 =	por p2, p1;
	[sflag:s2] =	ssyncadd.s32 @!p0 $0xFFFFF000  }
0x1bd: {  	[spmem:s5] =	stream.indirect.scatter.add.f32 @!p0 [tilespmem:s11], [sflag:$0x13], $0x80, s4, s15, $0xb8;
	[tilespmem:$0x1AE98] =	vst v63  }
0x1be: {  	s17 =	smov.u32 @p3 s3;
	s3 =	simm.s32 @!p2 $0x13;
	s2 =	simm.s32 @!p0 $0xE000  }
0x1bf: {  	[spmem:s6] =	stream.indirect.scatter.add.f32 @!p0 [tilespmem:s2], [sflag:$0xB], $0x1, s4, s15, $0xb8;
	[tilespmem:$0x1AE98] =	vst v63  }
0x1c0: {  	s9 =	simm.s32 @!p1 $0x20;
	s10 =	simm.s32 @!p1 $0xD000;
	_ =	swait.ge @!p2 [sflag:s3], $0x1000  }
0x1c1: {  	s8 =	sshra.s32 @!p1 s17, $0x2;
	p0 =	sge.s32 s31, s23;
	[sflag:s3] =	ssyncset.done @!p2 $0x0  }
0x1c2: {  	s2 =	sadd.s32 @!p1 $0x380, s8;
	s4 =	simm.s32 @!p0 $0x3;
	[sflag:s3] =	ssyncadd.s32 @!p2 $0xFFFFF000  }
0x1c3: {  	[tilespmem:s10], [sflag:$0xA] =	stream.indirect.gather @!p1 [hbm4b:s1+s9], $0x80, s2, s9, $0xb8;
	[tilespmem:$0x1AE98] =	vst v63  }
0x1c4: {  	s29 =	sadd.s32 $0x1, s26;
	_ =	swait.ge @!p0 [sflag:s4], $0x1000  }
0x1c5: {  	s3 =	simm.s32 @!p0 $0x20;
	s2 =	sshra.s32 @!p0 s17, $0x2;
	[sflag:s4] =	ssyncset.done @!p0 $0x0  }
0x1c6: {  	s2 =	sadd.s32 @!p0 $0x2000, s2;
	[sflag:s4] =	ssyncadd.s32 @!p0 $0xFFFFF000;
	s4 =	simm.s32 @!p0 $0x6000  }
0x1c7: {  	[spmem:s5] =	stream.indirect.scatter.add.f32 @!p0 [tilespmem:s4], [sflag:$0xC], $0x80, s2, s3, $0xb8;
	[tilespmem:$0x1AE98] =	vst v63  }
0x1c8: {  	p2 =	sge.s32 s29, s23;
	s4 =	simm.s32 @!p0 $0xE000  }
0x1c9: {  	[spmem:s6] =	stream.indirect.scatter.add.f32 @!p0 [tilespmem:s4], [sflag:$0xB], $0x1, s2, s3, $0xb8;
	[tilespmem:$0x1AE98] =	vst v63  }
0x1ca: {  	s2 =	simm.s32 @!p2 $0xC  }
0x1cb: {  	s3 =	sshra.s32 @!p2 s17, $0x2;
	_ =	swait.ge @!p2 [sflag:s2], $0x1000  }
0x1cc: {  	p0 =	sge.s32 s30, s23;
	s4 =	simm.s32 @!p2 $0x6000;
	[sflag:s2] =	ssyncset.done @!p2 $0x0  }
0x1cd: {  	s3 =	sadd.s32 @!p2 $0x400, s3;
	[sflag:s2] =	ssyncadd.s32 @!p2 $0xFFFFF000;
	s2 =	simm.s32 @!p2 $0x20  }
0x1ce: {  	[tilespmem:s4], [sflag:$0x3] =	stream.indirect.gather @!p2 [hbm4b:s1+s2], $0x80, s3, s2, $0xb8;
	[tilespmem:$0x1AE98] =	vst v63  }
0x1cf: {  	s2 =	simm.s32 @!p0 $0x4  }
0x1d0: {  	s31 =	sadd.s32 $0x2, s26;
	_ =	swait.ge @!p0 [sflag:s2], $0x1000  }
0x1d1: {  	s3 =	sshra.s32 @!p0 s17, $0x2;
	s4 =	simm.s32 @!p0 $0x7000;
	[sflag:s2] =	ssyncset.done @!p0 $0x0  }
0x1d2: {  	[sflag:s2] =	ssyncadd.s32 @!p0 $0xFFFFF000;
	s2 =	sadd.s32 @!p0 $0x2080, s3;
	s3 =	simm.s32 @!p0 $0x20  }
0x1d3: {  	[spmem:s5] =	stream.indirect.scatter.add.f32 @!p0 [tilespmem:s4], [sflag:$0xD], $0x80, s2, s3, $0xb8;
	[tilespmem:$0x1AE98] =	vst v63  }
0x1d4: {  	p2 =	sge.s32 s31, s23;
	s4 =	simm.s32 @!p0 $0xE000  }
0x1d5: {  	[spmem:s6] =	stream.indirect.scatter.add.f32 @!p0 [tilespmem:s4], [sflag:$0xB], $0x1, s2, s3, $0xb8;
	[tilespmem:$0x1AE98] =	vst v63  }
0x1d6: {  	s2 =	simm.s32 @!p2 $0xD  }
0x1d7: {  	s11 =	sadd.s32 $0xFFFFFFFB, s26;
	s3 =	sshra.s32 @!p2 s17, $0x2;
	_ =	swait.ge @!p2 [sflag:s2], $0x1000  }
0x1d8: {  	p0 =	sge.s32 s11, s23;
	s4 =	simm.s32 @!p2 $0x20;
	[sflag:s2] =	ssyncset.done @!p2 $0x0  }
0x1d9: {  	s3 =	sadd.s32 @!p2 $0x480, s3;
	[sflag:s2] =	ssyncadd.s32 @!p2 $0xFFFFF000;
	s2 =	simm.s32 @!p2 $0x7000  }
0x1da: {  	[tilespmem:s2], [sflag:$0x4] =	stream.indirect.gather @!p2 [hbm4b:s1+s4], $0x80, s3, s4, $0xb8;
	[tilespmem:$0x1AE98] =	vst v63  }
0x1db: {  	s2 =	simm.s32 @!p0 $0x5  }
0x1dc: {  	s12 =	sadd.s32 $0x3, s26;
	_ =	swait.ge @!p0 [sflag:s2], $0x1000  }
0x1dd: {  	s3 =	simm.s32 @!p0 $0x20;
	s4 =	sshra.s32 @!p0 s17, $0x2;
	[sflag:s2] =	ssyncset.done @!p0 $0x0  }
0x1de: {  	s4 =	sadd.s32 @!p0 $0x2100, s4;
	[sflag:s2] =	ssyncadd.s32 @!p0 $0xFFFFF000;
	s2 =	simm.s32 @!p0 $0x8000  }
0x1df: {  	[spmem:s5] =	stream.indirect.scatter.add.f32 @!p0 [tilespmem:s2], [sflag:$0xE], $0x80, s4, s3, $0xb8;
	[tilespmem:$0x1AE98] =	vst v63  }
0x1e0: {  	p2 =	sge.s32 s12, s23;
	s2 =	simm.s32 @!p0 $0xE000  }
0x1e1: {  	[spmem:s6] =	stream.indirect.scatter.add.f32 @!p0 [tilespmem:s2], [sflag:$0xB], $0x1, s4, s3, $0xb8;
	[tilespmem:$0x1AE98] =	vst v63  }
0x1e2: {  	s2 =	simm.s32 @!p2 $0xE  }
0x1e3: {  	s13 =	sadd.s32 $0xFFFFFFFC, s26;
	s4 =	sshra.s32 @!p2 s17, $0x2;
	_ =	swait.ge @!p2 [sflag:s2], $0x1000  }
0x1e4: {  	p0 =	sge.s32 s13, s23;
	s3 =	simm.s32 @!p2 $0x8000;
	[sflag:s2] =	ssyncset.done @!p2 $0x0  }
0x1e5: {  	s4 =	sadd.s32 @!p2 $0x500, s4;
	[sflag:s2] =	ssyncadd.s32 @!p2 $0xFFFFF000;
	s2 =	simm.s32 @!p2 $0x20  }
0x1e6: {  	[tilespmem:s3], [sflag:$0x5] =	stream.indirect.gather @!p2 [hbm4b:s1+s2], $0x80, s4, s2, $0xb8;
	[tilespmem:$0x1AE98] =	vst v63  }
0x1e7: {  	s2 =	simm.s32 @!p0 $0x6  }
0x1e8: {  	s14 =	sadd.s32 $0x4, s26;
	_ =	swait.ge @!p0 [sflag:s2], $0x1000  }
0x1e9: {  	s3 =	sshra.s32 @!p0 s17, $0x2;
	s4 =	simm.s32 @!p0 $0x9000;
	[sflag:s2] =	ssyncset.done @!p0 $0x0  }
0x1ea: {  	s3 =	sadd.s32 @!p0 $0x2180, s3;
	[sflag:s2] =	ssyncadd.s32 @!p0 $0xFFFFF000;
	s2 =	simm.s32 @!p0 $0x20  }
0x1eb: {  	[spmem:s5] =	stream.indirect.scatter.add.f32 @!p0 [tilespmem:s4], [sflag:$0xF], $0x80, s3, s2, $0xb8;
	[tilespmem:$0x1AE98] =	vst v63  }
0x1ec: {  	p2 =	sge.s32 s14, s23;
	s4 =	simm.s32 @!p0 $0xE000  }
0x1ed: {  	[spmem:s6] =	stream.indirect.scatter.add.f32 @!p0 [tilespmem:s4], [sflag:$0xB], $0x1, s3, s2, $0xb8;
	[tilespmem:$0x1AE98] =	vst v63  }
0x1ee: {  	s2 =	simm.s32 @!p2 $0xF  }
0x1ef: {  	s15 =	sadd.s32 $0xFFFFFFFD, s26;
	s3 =	sshra.s32 @!p2 s17, $0x2;
	_ =	swait.ge @!p2 [sflag:s2], $0x1000  }
0x1f0: {  	p0 =	sge.s32 s15, s23;
	s4 =	simm.s32 @!p2 $0x20;
	[sflag:s2] =	ssyncset.done @!p2 $0x0  }
0x1f1: {  	s3 =	sadd.s32 @!p2 $0x580, s3;
	[sflag:s2] =	ssyncadd.s32 @!p2 $0xFFFFF000;
	s2 =	simm.s32 @!p2 $0x9000  }
0x1f2: {  	[tilespmem:s2], [sflag:$0x6] =	stream.indirect.gather @!p2 [hbm4b:s1+s4], $0x80, s3, s4, $0xb8;
	[tilespmem:$0x1AE98] =	vst v63  }
0x1f3: {  	s2 =	simm.s32 @!p0 $0x7  }
0x1f4: {  	s16 =	sadd.s32 $0x5, s26;
	_ =	swait.ge @!p0 [sflag:s2], $0x1000  }
0x1f5: {  	s3 =	sshra.s32 @!p0 s17, $0x2;
	s4 =	simm.s32 @!p0 $0x20;
	[sflag:s2] =	ssyncset.done @!p0 $0x0  }
0x1f6: {  	s3 =	sadd.s32 @!p0 $0x2200, s3;
	[sflag:s2] =	ssyncadd.s32 @!p0 $0xFFFFF000;
	s2 =	simm.s32 @!p0 $0xA000  }
0x1f7: {  	[spmem:s5] =	stream.indirect.scatter.add.f32 @!p0 [tilespmem:s2], [sflag:$0x10], $0x80, s3, s4, $0xb8;
	[tilespmem:$0x1AE98] =	vst v63  }
0x1f8: {  	p2 =	sge.s32 s16, s23;
	s2 =	simm.s32 @!p0 $0xE000  }
0x1f9: {  	[spmem:s6] =	stream.indirect.scatter.add.f32 @!p0 [tilespmem:s2], [sflag:$0xB], $0x1, s3, s4, $0xb8;
	[tilespmem:$0x1AE98] =	vst v63  }
0x1fa: {  	s2 =	simm.s32 @!p2 $0x10  }
0x1fb: {  	s18 =	sadd.s32 $0xFFFFFFFE, s26;
	s4 =	sshra.s32 @!p2 s17, $0x2;
	_ =	swait.ge @!p2 [sflag:s2], $0x1000  }
0x1fc: {  	p0 =	sge.s32 s18, s23;
	s3 =	simm.s32 @!p2 $0xA000;
	[sflag:s2] =	ssyncset.done @!p2 $0x0  }
0x1fd: {  	s4 =	sadd.s32 @!p2 $0x600, s4;
	[sflag:s2] =	ssyncadd.s32 @!p2 $0xFFFFF000;
	s2 =	simm.s32 @!p2 $0x20  }
0x1fe: {  	[tilespmem:s3], [sflag:$0x7] =	stream.indirect.gather @!p2 [hbm4b:s1+s2], $0x80, s4, s2, $0xb8;
	[tilespmem:$0x1AE98] =	vst v63  }
0x1ff: {  	s2 =	simm.s32 @!p0 $0x8  }
0x200: {  	s19 =	sadd.s32 $0x6, s26;
	_ =	swait.ge @!p0 [sflag:s2], $0x1000  }
0x201: {  	s3 =	sshra.s32 @!p0 s17, $0x2;
	s4 =	simm.s32 @!p0 $0xB000;
	[sflag:s2] =	ssyncset.done @!p0 $0x0  }
0x202: {  	s3 =	sadd.s32 @!p0 $0x2280, s3;
	[sflag:s2] =	ssyncadd.s32 @!p0 $0xFFFFF000;
	s2 =	simm.s32 @!p0 $0x20  }
0x203: {  	[spmem:s5] =	stream.indirect.scatter.add.f32 @!p0 [tilespmem:s4], [sflag:$0x11], $0x80, s3, s2, $0xb8;
	[tilespmem:$0x1AE98] =	vst v63  }
0x204: {  	p2 =	sge.s32 s19, s23;
	s4 =	simm.s32 @!p0 $0xE000  }
0x205: {  	[spmem:s6] =	stream.indirect.scatter.add.f32 @!p0 [tilespmem:s4], [sflag:$0xB], $0x1, s3, s2, $0xb8;
	[tilespmem:$0x1AE98] =	vst v63  }
0x206: {  	s2 =	simm.s32 @!p2 $0x11  }
0x207: {  	s21 =	sadd.s32 $0xFFFFFFFF, s26;
	s4 =	sshra.s32 @!p2 s17, $0x2;
	_ =	swait.ge @!p2 [sflag:s2], $0x1000  }
0x208: {  	p0 =	sge.s32 s21, s23;
	s3 =	simm.s32 @!p2 $0x20;
	[sflag:s2] =	ssyncset.done @!p2 $0x0  }
0x209: {  	s4 =	sadd.s32 @!p2 $0x680, s4;
	[sflag:s2] =	ssyncadd.s32 @!p2 $0xFFFFF000;
	s2 =	simm.s32 @!p2 $0xB000  }
0x20a: {  	[tilespmem:s2], [sflag:$0x8] =	stream.indirect.gather @!p2 [hbm4b:s1+s3], $0x80, s4, s3, $0xb8;
	[tilespmem:$0x1AE98] =	vst v63  }
0x20b: {  	s2 =	simm.s32 @!p0 $0x9  }
0x20c: {  	_ =	swait.ge @!p0 [sflag:s2], $0x1000  }
0x20d: {  	s3 =	sshra.s32 @!p0 s17, $0x2;
	s4 =	simm.s32 @!p0 $0xC000;
	[sflag:s2] =	ssyncset.done @!p0 $0x0  }
0x20e: {  	[sflag:s2] =	ssyncadd.s32 @!p0 $0xFFFFF000;
	s2 =	sadd.s32 @!p0 $0x2300, s3;
	s3 =	simm.s32 @!p0 $0x20  }
0x20f: {  	[spmem:s5] =	stream.indirect.scatter.add.f32 @!p0 [tilespmem:s4], [sflag:$0x12], $0x80, s2, s3, $0xb8;
	[tilespmem:$0x1AE98] =	vst v63  }
0x210: {  	s26 =	sadd.s32 $0x7, s26;
	s4 =	simm.s32 @!p0 $0xE000  }
0x211: {  	[spmem:s6] =	stream.indirect.scatter.add.f32 @!p0 [tilespmem:s4], [sflag:$0xB], $0x1, s2, s3, $0xb8;
	[tilespmem:$0x1AE98] =	vst v63  }
0x212: {  	p0 =	sge.s32 s26, s23  }
0x213: {  	s2 =	simm.s32 @!p0 $0x12  }
0x214: {  	_ =	swait.ge @!p0 [sflag:s2], $0x1000  }
0x215: {  	s3 =	sshra.s32 @!p0 s17, $0x2;
	s4 =	simm.s32 @!p0 $0xC000;
	[sflag:s2] =	ssyncset.done @!p0 $0x0  }
0x216: {  	s3 =	sadd.s32 @!p0 $0x700, s3;
	[sflag:s2] =	ssyncadd.s32 @!p0 $0xFFFFF000;
	s2 =	simm.s32 @!p0 $0x20  }
0x217: {  	[tilespmem:s4], [sflag:$0x9] =	stream.indirect.gather @!p0 [hbm4b:s1+s2], $0x80, s3, s2, $0xb8;
	[tilespmem:$0x1AE98] =	vst v63  }
0x218: {  	p0 =	por p1, p1  }
0x219: {  	s2 =	simm.s32 @!p0 $0xA  }
0x21a: {  	_ =	swait.ge @!p0 [sflag:s2], $0x1000  }
0x21b: {  	s28 =	sld [smem:$0x7FA]  }
0x21c: {  	s29 =	sld [smem:$0x7F9]  }
0x21d: {  	[sflag:s2] =	ssyncset.done @!p0 $0x0;
	s30 =	sld [smem:$0x7F8]  }
0x21e: {  	s31 =	sld [smem:$0x7FB];
	[sflag:s2] =	ssyncadd.s32 @!p0 $0xFFFFF000;
	s2 =	sadd.s32 @!p0 $0x2380, s8  }
0x21f: {  	[spmem:s5] =	stream.indirect.scatter.add.f32 @!p0 [tilespmem:s10], [sflag:$0x13], $0x80, s2, s9, $0xb8;
	[tilespmem:$0x1AE98] =	vst v63  }
0x220: {  	s3 =	simm.s32 @!p0 $0xE000;
	p4 =	seq.s32 s28, $0x1  }
0x221: {  	p6 =	seq.s32 s29, $0x1;
	p5 =	seq.s32 s30, $0x1;
	p3 =	seq.s32 s31, $0x1  }
0x222: {  	[spmem:s6] =	stream.indirect.scatter.add.f32 @!p0 [tilespmem:s3], [sflag:$0xB], $0x1, s2, s9, $0xb8;
	[tilespmem:$0x1AE98] =	vst v63  }
.LBB2_17:
0x223: {  	p0 =	slt.s32 s23, $0x1  }
0x224: {  	s2 =	simm.s32 @!p0 $0xC  }
0x225: {  	_ =	swait.ge @!p0 [sflag:s2], $0x1000  }
0x226: {  	s30 =	sld [smem:$0x7FD];
	_ =	sdelay $0x2  }
0x227: {  	[sflag:s2] =	ssyncset.done @!p0 $0x0;
	p1 =	seq.s32 s30, $0x1  }
0x228: {  	[sflag:s2] =	ssyncadd.s32 @!p0 $0xFFFFF000;
	s2 =	simm.s32 @p1 $0xD  }
0x229: {  	_ =	swait.ge @p1 [sflag:s2], $0x1000  }
0x22a: {  	s31 =	sld [smem:$0x7FC];
	_ =	sdelay $0x1  }
0x22b: {  	[sflag:s2] =	ssyncset.done @p1 $0x0  }
0x22c: {  	[sflag:s2] =	ssyncadd.s32 @p1 $0xFFFFF000;
	p1 =	seq.s32 s31, $0x1  }
0x22d: {  	s2 =	simm.s32 @p1 $0xE  }
0x22e: {  	_ =	swait.ge @p1 [sflag:s2], $0x1000  }
0x22f: {  	[sflag:s2] =	ssyncset.done @p1 $0x0  }
0x230: {  	[sflag:s2] =	ssyncadd.s32 @p1 $0xFFFFF000;
	s2 =	simm.s32 @p5 $0xF  }
0x231: {  	_ =	swait.ge @p5 [sflag:s2], $0x1000  }
0x232: {  	[sflag:s2] =	ssyncset.done @p5 $0x0  }
0x233: {  	[sflag:s2] =	ssyncadd.s32 @p5 $0xFFFFF000;
	s2 =	simm.s32 @p3 $0x10  }
0x234: {  	_ =	swait.ge @p3 [sflag:s2], $0x1000  }
0x235: {  	[sflag:s2] =	ssyncset.done @p3 $0x0  }
0x236: {  	[sflag:s2] =	ssyncadd.s32 @p3 $0xFFFFF000;
	s2 =	simm.s32 @p6 $0x11  }
0x237: {  	p1 =	slt.s32 s23, $0x8;
	_ =	swait.ge @p6 [sflag:s2], $0x1000  }
.Ltmp13:
0x238: {  	[sflag:s2] =	ssyncset.done @p6 $0x0;
	(pc) =	sbr.rel @p1 .LBB2_19-.Ltmp13, $4  }
0x239: {  	[sflag:s2] =	ssyncadd.s32 @p6 $0xFFFFF000;
	s2 =	simm.s32 @p4 $0x12  }
0x23a: {  	_ =	swait.ge @p4 [sflag:s2], $0x1000  }
0x23b: {  	[sflag:s2] =	ssyncset.done @p4 $0x0  }
0x23c: {  	[sflag:s2] =	ssyncadd.s32 @p4 $0xFFFFF000  }
.Ltmp14:
0x23d: {  	(pc) =	sbr.rel .LBB2_20-.Ltmp14, $4  }
0x23e: {  	s2 =	simm.s32 $0x13  }
0x23f: {  	_ =	swait.ge [sflag:s2], $0x1000  }
0x240: {  	[sflag:s2] =	ssyncset.done $0x0  }
0x241: {  	[sflag:s2] =	ssyncadd.s32 $0xFFFFF000  }
.LBB2_19:
.Ltmp15:
0x242: {  	(pc) =	sbr.rel @p0 .LBB2_23-.Ltmp15, $1  }
0x243: {  	_ =	sdelay $0x3  }
.LBB2_20:
0x244: {  	p0 =	sne.s32 s23, $0x1  }
.Ltmp16:
0x245: {  	_ = 	snop;
	(pc) =	sbr.rel @!p0 .LBB2_22-.Ltmp16, $3  }
0x246: {  	_ =	sdelay $0x1  }
0x247: {  	_ =	swait.ge [sflag:s20], $0x20  }
0x248: {  	s2 =	sadd.s32 $0xFFFFFFFF, s23;
	[sflag:s20] =	ssyncset.done $0x0  }
.LBB2_21:
0x249: {  	p0 =	sne.s32 s2, $0x1;
	s2 =	sadd.s32 $0xFFFFFFFF, s2;
	[sflag:s20] =	ssyncadd.s32 $0xFFFFFFE0  }
.Ltmp17:
0x24a: {  	(pc) =	sbr.rel @p0 .LBB2_21-.Ltmp17, $3  }
0x24b: {  	_ =	sdelay $0x1  }
0x24c: {  	_ =	swait.ge [sflag:s20], $0x20  }
0x24d: {  	[sflag:s20] =	ssyncset.done $0x0  }
.LBB2_22:
0x24e: {  	[sflag:s20] =	ssyncadd.s32 $0xFFFFFFE0  }
.LBB2_23:
0x24f: {  	s3 =	simm.s32 $0x2  }
0x250: {  	_ =	swait.ge [sflag:s3], $0x7D0  }
0x251: {  	[sflag:s3] =	ssyncset.done $0x0  }
0x252: {  	[sflag:s3] =	ssyncadd.s32 $0xFFFFF830  }
0x253: {  	_ =	swait.ge [sflag:s3], $0x7D0  }
0x254: {  	p0 =	sne.s32 s22, $0x4;
	[sflag:s3] =	ssyncset.done $0x0;
	s2 =	rddreg [dreg:$0x12]  }
0x255: {  	s2 =	sadd.s32 @p0 s24, s2;
	[sflag:s3] =	ssyncadd.s32 $0xFFFFF830  }
0x256: {  	s2 =	sshrl.u32 @p0 s2, $0x3;
	s3 =	rddreg [dreg:$0x2]  }
0x257: {  	s4 =	simm.s32 @p0 $0x0;
	s8 =	simm.s32 @p0 $0x5000;
	s3 =	sadd.s32 @p0 s3, s2  }
0x258: {  	[tilespmem:s8], [sflag:$0x1] =	stream.linear.gather @p0 [hbm4b:s3+s4], $0x7D0, $0x38;
	[tilespmem:$0x1AE98] =	vst v63  }
0x259: {  	s3 =	rddreg [dreg:$0x1]  }
0x25a: {  	s31 =	simm.s32 $0x0;
	s2 =	sadd.s32 @p0 s3, s2;
	s3 =	simm.s32 @p0 $0x4000  }
0x25b: {  	[tilespmem:s3], [sflag:$0x1] =	stream.linear.gather @p0 [hbm4b:s2+s4], $0x7D0, $0x38;
	[tilespmem:$0x1AE98] =	vst v63  }
0x25c: {  	v8 =	vld [tilespmem:s31+$0x5800];
	_ =	sdelay $0x4  }
0x25d: {  	vm0 =	vge.s32 v8, v6;
	vm1 =	vlt.s32 v8, v7  }
0x25e: {  	vm0 =	vmand vm0, vm1  }
0x25f: {  	v9 =	vsel vm0, $0x1, v4;
	v10 =	vmpcnt.ones.xlane vm0  }
0x260: {  	(xrf0) =	vadd.scan.msk.s32 $0xffff, v9  }
0x261: {  	(v2sf) =	vpush v10, $0x0  }
0x262: {  	s2 =	simm.s32 $0x0  }
0x263: {  	v61 =	vmov s2  }
0x264: {  	v9 =	vadd.s32 $0xFFFFFFFF, v61  }
0x265: {  	v9 =	vbroadcast v9, $0x0  }
0x266: {  	v62, _, _ =	vpop (xrf0)  }
0x267: {  	v9 =	vadd.s32 v62, v9  }
0x268: {  	v10 =	vshll.u32 v9, $0x2  }
0x269: {  	v9 =	vand.u32 $0x1F, v9;
	v10 =	vand.u32 $0xFFFFFF80, v10  }
0x26a: {  	v9 =	vor.u32 v9, v10  }
0x26b: {  	v63 =	vld [tilespmem:s31+$0x4800];
	_ =	sdelay $0x2  }
0x26c: {  	v8 =	vsub.s32 v8, v6  }
0x26d: {  	s17 =	sadd.s32 $0x1, s22;
	[tilespmem:v9+s0+$0x0] =	vst.idx.msk vm0, v8  }
0x26e: {  	s8 =	simm.s32 $0x80;
	s3 =	simm.s32 $0x10;
	[tilespmem:v9+s7+$0x0] =	vst.idx.msk vm0, v63;
	s4 =	spop (v2sf)  }
.LBB2_24:
0x26f: {  	p0 =	seq.s32 s8, $0x1F00  }
0x270: {  	v8 =	vld [tilespmem:s3+$0x5800];
	s2 =	sadd.s32 s2, s4;
	s4 =	smov.u32 s8;
	s8 =	sadd.s32 $0x40, s8  }
0x271: {  	v9 =	vmov s2  }
0x272: {  	v9 =	vadd.s32 $0xFFFFFFFF, v9;
	_ =	sdelay $0x2  }
0x273: {  	vm0 =	vge.s32 v8, v6;
	vm1 =	vlt.s32 v8, v7  }
0x274: {  	vm0 =	vmand vm0, vm1  }
0x275: {  	v10 =	vsel vm0, $0x1, v4;
	v11 =	vmpcnt.ones.xlane vm0  }
0x276: {  	(xrf0) =	vadd.scan.msk.s32 $0xffff, v10  }
0x277: {  	(v2sf) =	vpush v11, $0x0;
	_ =	sdelay $0x3  }
0x278: {  	v9 =	vbroadcast v9, $0x0  }
0x279: {  	v10, _, _ =	vpop (xrf0)  }
0x27a: {  	v9 =	vadd.s32 v10, v9  }
0x27b: {  	v10 =	vshll.u32 v9, $0x2  }
0x27c: {  	v9 =	vand.u32 $0x1F, v9;
	v10 =	vand.u32 $0xFFFFFF80, v10  }
0x27d: {  	v9 =	vor.u32 v9, v10  }
0x27e: {  	v10 =	vld [tilespmem:s3+$0x4800]  }
.Ltmp18:
0x27f: {  	(pc) =	sbr.rel @!p0 .LBB2_24-.Ltmp18, $4  }
0x280: {  	_ = 	snop  }
0x281: {  	v8 =	vsub.s32 v8, v6  }
0x282: {  	[tilespmem:v9+s0+$0x0] =	vst.idx.msk vm0, v8  }
0x283: {  	s3 =	sshra.s32 s4, $0x2;
	[tilespmem:v9+s7+$0x0] =	vst.idx.msk vm0, v10;
	s4 =	spop (v2sf)  }
0x284: {  	v8 =	vld [tilespmem:s3+$0x5800];
	_ =	sdelay $0x4  }
0x285: {  	vm0 =	vge.s32 v8, v6;
	vm1 =	vlt.s32 v8, v7  }
0x286: {  	vm0 =	vmand vm0, vm1  }
0x287: {  	v9 =	vmpcnt.ones.xlane vm0;
	_ =	sdelay $0x1  }
0x288: {  	(v2sf) =	vpush v9, $0x0  }
0x289: {  	v10 =	vsel vm0, $0x1, v4  }
0x28a: {  	(xrf0) =	vadd.scan.msk.s32 $0xffff, v10;
	_ =	sdelay $0x1  }
0x28b: {  	s2 =	sadd.s32 s2, s4  }
0x28c: {  	v59 =	vmov s2  }
0x28d: {  	v9 =	vadd.s32 $0xFFFFFFFF, v59  }
0x28e: {  	v9 =	vbroadcast v9, $0x0  }
0x28f: {  	v10, _, _ =	vpop (xrf0)  }
0x290: {  	v9 =	vadd.s32 v10, v9  }
0x291: {  	v10 =	vshll.u32 v9, $0x2  }
0x292: {  	v9 =	vand.u32 $0x1F, v9;
	v10 =	vand.u32 $0xFFFFFF80, v10  }
0x293: {  	v9 =	vor.u32 v9, v10;
	_ =	sdelay $0x1  }
0x294: {  	v60 =	vld [tilespmem:s3+$0x4800]  }
0x295: {  	s28 =	spop (v2sf)  }
0x296: {  	v8 =	vsub.s32 v8, v6;
	s2 =	sadd.s32 s2, s28  }
0x297: {  	[tilespmem:v9+s0+$0x0] =	vst.idx.msk vm0, v8;
	v8 =	vadd.s32 s2, v5;
	s3 =	sadd.s32 $0x10, s2;
	s2 =	sadd.s32 $0x1F, s2  }
0x298: {  	v61 =	vshll.u32 v8, $0x2;
	s29 =	sand.u32 $0x1F, s2  }
0x299: {  	[tilespmem:v9+s7+$0x0] =	vst.idx.msk vm0, v60;
	v8 =	vand.u32 $0x1F, v8;
	v62 =	vadd.s32 s3, v5;
	s30 =	sshra.s32 s2, $0x1F;
	p0 =	slt.s32 s2, $0x1;
	v9 =	vand.u32 $0xFFFFFF80, v61;
	p1 =	sne.s32 s29, $0x0  }
0x29a: {  	v63 =	vshll.u32 v62, $0x2;
	s31 =	sshrl.u32 s30, $0x1B;
	v8 =	vor.u32 v8, v9;
	p0 =	por !p0, !p1  }
0x29b: {  	s3 =	simm.s32 $0x1;
	v10 =	vand.u32 $0x1F, v62;
	v9 =	vand.u32 $0xFFFFFF80, v63;
	s2 =	sadd.s32 s31, s2;
	p0 =	por !p0, !p0  }
0x29c: {  	v9 =	vor.u32 v10, v9;
	s2 =	sshra.s32 s2, $0x5;
	s3 =	simm.s32 @!p0 $0x0  }
0x29d: {  	s22 =	ssub.s32 s2, s3  }
0x29e: {  	p1 =	sgt.s32 s22, $0x0  }
0x29f: {  	[tilespmem:v8+s0+$0x0] =	vst.idx.msk $0xffff, v1;
	p0 =	seq.s32 @p1 s22, $0x1  }
0x2a0: {  	[tilespmem:v8+s7+$0x0] =	vst.idx.msk $0xffff, v0;
	p2 =	por !p1, p0  }
0x2a1: {  	s2 =	simm.s32 @p1 $0x20;
	[tilespmem:v9+s0+$0x0] =	vst.idx.msk $0xffff, v1;
	p0 =	slt.u32 @!p2 s22, $0x3  }
0x2a2: {  	s3 =	simm.s32 @p1 $0x0;
	s4 =	simm.s32 @p1 $0x6000;
	[tilespmem:v9+s7+$0x0] =	vst.idx.msk $0xffff, v0;
	p0 =	por p2, p0  }
0x2a3: {  	[tilespmem:s4], [sflag:$0x3] =	stream.indirect.gather @p1 [hbm4b:s1+s2], $0x80, s3, s2, $0xb8;
	[tilespmem:$0x1AE98] =	vst v63  }
0x2a4: {  	p3 =	seq.s32 @!p0 s22, $0x3  }
0x2a5: {  	p3 =	por p0, p3  }
.Ltmp19:
0x2a6: {  	_ = 	snop;
	(pc) =	sbr.rel @!p3 .LBB2_27-.Ltmp19, $4  }
0x2a7: {  	s2 =	simm.s32 @!p2 $0x20;
	s3 =	simm.s32 @!p2 $0x80;
	s4 =	simm.s32 @!p2 $0x7000  }
0x2a8: {  	[tilespmem:s4], [sflag:$0x4] =	stream.indirect.gather @!p2 [hbm4b:s1+s2], $0x80, s3, s2, $0xb8;
	[tilespmem:$0x1AE98] =	vst v63  }
0x2a9: {  	s2 =	simm.s32 @!p0 $0x20;
	s3 =	simm.s32 @!p0 $0x100;
	s4 =	simm.s32 @!p0 $0x8000  }
0x2aa: {  	[tilespmem:s4], [sflag:$0x5] =	stream.indirect.gather @!p0 [hbm4b:s1+s2], $0x80, s3, s2, $0xb8;
	[tilespmem:$0x1AE98] =	vst v63  }
0x2ab: {  	p5 =	por @p1 $0x0, $0x0;
	p3 =	por $0x0, $0x0  }
0x2ac: {  	p5 =	por @!p1 p3, p3  }
0x2ad: {  	p1 =	por @!p2 $0x0, $0x0;
	p6 =	por p5, p5  }
0x2ae: {  	p3 =	por @!p2 $0x1, $0x1;
	p6 =	por @!p2 p1, p1  }
0x2af: {  	p5 =	por @!p2 p3, p3;
	p1 =	por @!p0 $0x1, $0x1;
	p3 =	por p6, p6  }
0x2b0: {  	p2 =	por @!p0 $0x0, $0x0;
	p3 =	por @!p0 p1, p1  }
.Ltmp20:
0x2b1: {  	p4 =	por p6, p6;
	s2 =	simm.s32 @!p3 $0x0;
	(pc) =	sbr.rel .LBB2_28-.Ltmp20, $4  }
0x2b2: {  	p5 =	por @!p0 p1, p1;
	p4 =	por @!p0 p2, p2;
	s2 =	simm.s32 @p3 $0x1  }
0x2b3: {  	p3 =	por p6, p6;
	[smem:$0x7F5] =	sst s2;
	s2 =	simm.s32 @!p5 $0x0  }
0x2b4: {  	p3 =	por @!p0 p2, p2;
	s2 =	simm.s32 @p5 $0x1;
	p5 =	por p6, p6  }
0x2b5: {  	p6 =	por @!p0 p2, p2;
	[smem:$0x7F6] =	sst s2;
	p5 =	por @!p0 p2, p2  }
.LBB2_27:
0x2b6: {  	s2 =	simm.s32 $0x20  }
0x2b7: {  	s3 =	simm.s32 $0x180;
	s4 =	simm.s32 $0x9000;
	p0 =	slt.u32 s22, $0x5  }
0x2b8: {  	[tilespmem:s4], [sflag:$0x6] =	stream.indirect.gather [hbm4b:s1+s2], $0x80, s3, s2, $0xb8;
	[tilespmem:$0x1AE98] =	vst v63  }
0x2b9: {  	s2 =	simm.s32 @!p0 $0x20;
	p2 =	seq.s32 @!p0 s22, $0x5  }
0x2ba: {  	s3 =	simm.s32 @!p0 $0x200;
	s4 =	simm.s32 @!p0 $0xA000;
	p3 =	por p2, p0  }
0x2bb: {  	[tilespmem:s4], [sflag:$0x7] =	stream.indirect.gather @!p0 [hbm4b:s1+s2], $0x80, s3, s2, $0xb8;
	[tilespmem:$0x1AE98] =	vst v63  }
0x2bc: {  	p6 =	por @!p0 $0x0, $0x0;
	s2 =	simm.s32 @!p3 $0x20;
	p4 =	slt.u32 @!p3 s22, $0x7  }
0x2bd: {  	s3 =	simm.s32 @!p3 $0x280;
	s4 =	simm.s32 @!p3 $0xB000;
	p1 =	por @!p0 p4, p2  }
0x2be: {  	[tilespmem:s4], [sflag:$0x8] =	stream.indirect.gather @!p3 [hbm4b:s1+s2], $0x80, s3, s2, $0xb8;
	[tilespmem:$0x1AE98] =	vst v63  }
0x2bf: {  	p4 =	por @!p0 !p4, p2;
	p5 =	por p1, p0;
	p1 =	por @!p3 $0x1, $0x1  }
0x2c0: {  	s2 =	simm.s32 @!p5 $0x20;
	s3 =	simm.s32 @!p5 $0x300;
	s4 =	simm.s32 @!p5 $0xC000  }
0x2c1: {  	[tilespmem:s4], [sflag:$0x9] =	stream.indirect.gather @!p5 [hbm4b:s1+s2], $0x80, s3, s2, $0xb8;
	[tilespmem:$0x1AE98] =	vst v63  }
0x2c2: {  	p3 =	por @!p3 $0x0, $0x0;
	p4 =	por !p4, p0;
	p5 =	por @!p5 $0x1, $0x1  }
0x2c3: {  	p2 =	por !p2, p0;
	p3 =	por @!p4 p5, p5;
	p1 =	por @!p4 p5, p5  }
0x2c4: {  	p4 =	por @!p0 $0x1, $0x1;
	p3 =	por @!p2 p6, p6;
	p5 =	por p1, p1  }
0x2c5: {  	p1 =	por @!p2 p6, p6;
	p5 =	por @!p2 p4, p4;
	p2 =	por $0x1, $0x1  }
0x2c6: {  	p2 =	por @!p0 p5, p5  }
0x2c7: {  	s2 =	simm.s32 @!p2 $0x0  }
0x2c8: {  	s2 =	simm.s32 @p2 $0x1;
	p2 =	por $0x1, $0x1  }
0x2c9: {  	p6 =	por $0x0, $0x0;
	p2 =	por @!p0 p5, p5  }
0x2ca: {  	p4 =	por $0x0, $0x0;
	[smem:$0x7F5] =	sst s2;
	s2 =	simm.s32 @!p2 $0x0  }
0x2cb: {  	p6 =	por @!p0 p1, p1;
	s2 =	simm.s32 @p2 $0x1;
	p2 =	por $0x1, $0x1  }
0x2cc: {  	p4 =	por @!p0 p3, p3;
	p3 =	por $0x0, $0x0;
	p2 =	por @!p0 p5, p5  }
0x2cd: {  	p3 =	por @!p0 p5, p5;
	[smem:$0x7F6] =	sst s2;
	p5 =	por p2, p2  }
.LBB2_28:
0x2ce: {  	s2 =	sadd.s32 $0x7, s22  }
0x2cf: {  	s3 =	sand.u32 $0x7, s2  }
0x2d0: {  	p0 =	slt.s32 s22, $0xFFFFFFFA;
	p1 =	sne.s32 s3, $0x0  }
0x2d1: {  	s31 =	sshrl.u32 s2, $0x1D;
	p0 =	por !p0, !p1  }
0x2d2: {  	s2 =	sadd.s32 s31, s2;
	s3 =	simm.s32 $0x1;
	p0 =	por !p0, !p0  }
0x2d3: {  	s2 =	sshra.s32 s2, $0x3;
	s3 =	simm.s32 @!p0 $0x0  }
0x2d4: {  	s2 =	ssub.s32 s2, s3  }
0x2d5: {  	p0 =	slt.s32 s2, $0x1  }
.Ltmp21:
0x2d6: {  	_ = 	snop;
	(pc) =	sbr.rel @p0 .LBB2_36-.Ltmp21, $1  }
0x2d7: {  	_ =	sdelay $0x3  }
0x2d8: {  	s3 =	simm.s32 @!p5 $0x0  }
0x2d9: {  	s3 =	simm.s32 @p5 $0x1  }
0x2da: {  	s2 =	sadd.s32 $0xFFFFFFFF, s2;
	[smem:$0x7F1] =	sst s3;
	s3 =	simm.s32 @!p6 $0x0  }
0x2db: {  	p0 =	sne.s32 s2, $0x0;
	s3 =	simm.s32 @p6 $0x1  }
.Ltmp22:
0x2dc: {  	[smem:$0x7F2] =	sst s3;
	s3 =	simm.s32 @!p4 $0x0;
	(pc) =	sbr.rel @!p0 .LBB2_30-.Ltmp22, $4  }
0x2dd: {  	s3 =	simm.s32 @p4 $0x1  }
0x2de: {  	[smem:$0x7F3] =	sst s3;
	s3 =	simm.s32 @!p3 $0x0  }
0x2df: {  	s23 =	simm.s32 $0x0;
	s13 =	simm.s32 $0x7;
	s3 =	simm.s32 @p3 $0x1  }
0x2e0: {  	s30 =	simm.s32 $0x0;
	s26 =	simm.s32 $0x1;
	[smem:$0x7F4] =	sst s3  }
0x2e1: {  	p1 =	sle.s32 s22, $0x7  }
0x2e2: {  	p0 =	por @!p1 $0x1, $0x1  }
0x2e3: {  	p0 =	por p0, p1  }
0x2e4: {  	[dreg:$0x1d] =	wrdreg s17;
	s16 =	simm.s32 $0x6;
	s3 =	simm.s32 @!p0 $0x13  }
0x2e5: {  	p3 =	sle.s32 s22, $0x0;
	s10 =	simm.s32 $0xD;
	_ =	swait.ge @!p0 [sflag:s3], $0x1000  }
0x2e6: {  	s4 =	simm.s32 @!p1 $0x380;
	s15 =	simm.s32 @!p1 $0x20;
	[sflag:s3] =	ssyncset.done @!p0 $0x0  }
0x2e7: {  	s8 =	simm.s32 @!p3 $0x3;
	s11 =	simm.s32 @!p1 $0xD000;
	[sflag:s3] =	ssyncadd.s32 @!p0 $0xFFFFF000  }
0x2e8: {  	[tilespmem:s11], [sflag:$0xA] =	stream.indirect.gather @!p1 [hbm4b:s1+s15], $0x80, s4, s15, $0xb8;
	[tilespmem:$0x1AE98] =	vst v63  }
0x2e9: {  	s28 =	sadd.s32 $0xFFFFFFFF, s2;
	p2 =	sle.s32 s22, $0x8;
	_ =	swait.ge @!p3 [sflag:s8], $0x1000  }
0x2ea: {  	p6 =	sle.s32 s22, $0x1;
	s2 =	simm.s32 @!p3 $0x20;
	[sflag:s8] =	ssyncset.done @!p3 $0x0  }
0x2eb: {  	s3 =	simm.s32 @!p3 $0x6000;
	s4 =	simm.s32 @!p3 $0x2000;
	[sflag:s8] =	ssyncadd.s32 @!p3 $0xFFFFF000  }
0x2ec: {  	[spmem:s5] =	stream.indirect.scatter.add.f32 @!p3 [tilespmem:s3], [sflag:$0xC], $0x80, s4, s2, $0xb8;
	[tilespmem:$0x1AE98] =	vst v63  }
0x2ed: {  	p5 =	sle.s32 s22, $0xA;
	s8 =	simm.s32 @!p2 $0xC;
	s3 =	simm.s32 @!p3 $0xE000  }
0x2ee: {  	[spmem:s6] =	stream.indirect.scatter.add.f32 @!p3 [tilespmem:s3], [sflag:$0xB], $0x1, s4, s2, $0xb8;
	[tilespmem:$0x1AE98] =	vst v63  }
0x2ef: {  	p4 =	sle.s32 s22, $0x3;
	s24 =	simm.s32 $0xF;
	_ =	swait.ge @!p2 [sflag:s8], $0x1000  }
0x2f0: {  	s9 =	simm.s32 @!p2 $0x20;
	s2 =	simm.s32 @!p2 $0x400;
	[sflag:s8] =	ssyncset.done @!p2 $0x0  }
0x2f1: {  	s3 =	simm.s32 @!p2 $0x6000;
	s4 =	simm.s32 @!p6 $0x4;
	[sflag:s8] =	ssyncadd.s32 @!p2 $0xFFFFF000  }
0x2f2: {  	[tilespmem:s3], [sflag:$0x3] =	stream.indirect.gather @!p2 [hbm4b:s1+s9], $0x80, s2, s9, $0xb8;
	[tilespmem:$0x1AE98] =	vst v63  }
0x2f3: {  	s30 =	simm.s32 $0x8;
	s26 =	simm.s32 $0x9;
	_ =	swait.ge @!p6 [sflag:s4], $0x1000  }
0x2f4: {  	p3 =	sle.s32 s22, $0x9;
	s3 =	simm.s32 @!p6 $0x7000;
	[sflag:s4] =	ssyncset.done @!p6 $0x0  }
0x2f5: {  	s9 =	simm.s32 @!p6 $0x20;
	[sflag:s4] =	ssyncadd.s32 @!p6 $0xFFFFF000;
	s4 =	simm.s32 @!p6 $0x2080  }
0x2f6: {  	[spmem:s5] =	stream.indirect.scatter.add.f32 @!p6 [tilespmem:s3], [sflag:$0xD], $0x80, s4, s9, $0xb8;
	[tilespmem:$0x1AE98] =	vst v63  }
0x2f7: {  	s14 =	simm.s32 @!p1 $0x0;
	s18 =	simm.s32 @!p6 $0xE000;
	s12 =	simm.s32 @!p3 $0xD  }
0x2f8: {  	[spmem:s6] =	stream.indirect.scatter.add.f32 @!p6 [tilespmem:s18], [sflag:$0xB], $0x1, s4, s9, $0xb8;
	[tilespmem:$0x1AE98] =	vst v63  }
0x2f9: {  	p0 =	sne.s32 s28, $0x0;
	s21 =	simm.s32 @!p3 $0x7000;
	_ =	swait.ge @!p3 [sflag:s12], $0x1000  }
0x2fa: {  	s8 =	simm.s32 @!p3 $0x480;
	p2 =	sle.s32 s22, $0x2;
	[sflag:s12] =	ssyncset.done @!p3 $0x0  }
0x2fb: {  	s2 =	simm.s32 @!p5 $0x500;
	s4 =	simm.s32 @!p3 $0x20;
	[sflag:s12] =	ssyncadd.s32 @!p3 $0xFFFFF000  }
0x2fc: {  	[tilespmem:s21], [sflag:$0x4] =	stream.indirect.gather @!p3 [hbm4b:s1+s4], $0x80, s8, s4, $0xb8;
	[tilespmem:$0x1AE98] =	vst v63  }
.Ltmp23:
0x2fd: {  	s19 =	simm.s32 @!p2 $0x5;
	s3 =	simm.s32 @!p2 $0x20;
	(pc) =	sbr.rel @!p0 .LBB2_32-.Ltmp23, $4  }
0x2fe: {  	s18 =	simm.s32 @!p2 $0xE000;
	p6 =	sle.s32 s22, $0xB;
	p3 =	por $0x1, $0x1  }
0x2ff: {  	s9 =	simm.s32 @!p6 $0x0;
	s12 =	simm.s32 @!p2 $0x8000;
	s8 =	simm.s32 @!p3 $0x0  }
0x300: {  	s4 =	simm.s32 @!p2 $0x2100;
	_ =	swait.ge @!p2 [sflag:s19], $0x1000;
	s8 =	simm.s32 @p3 $0x1  }
0x301: {  	s21 =	simm.s32 $0x0;
	[sflag:s19] =	ssyncset.done @!p2 $0x0;
	[smem:$0x7F0] =	sst s8  }
.LBB2_33:
0x302: {  	s8 =	sadd.s32 $0xFFFFFFFC, s24;
	[sflag:s19] =	ssyncadd.s32 @!p2 $0xFFFFF000;
	s19 =	sadd.s32 $0xFFFFFFFD, s13  }
0x303: {  	[spmem:s5] =	stream.indirect.scatter.add.f32 @!p2 [tilespmem:s12], [sflag:$0xE], $0x80, s4, s3, $0xb8;
	[tilespmem:$0x1AE98] =	vst v63  }
0x304: {  	s25 =	simm.s32 @!p5 $0x8000;
	s29 =	sshra.s32 @!p4 s21, $0x2;
	s12 =	simm.s32 @!p5 $0xE  }
0x305: {  	[spmem:s6] =	stream.indirect.scatter.add.f32 @!p2 [tilespmem:s18], [sflag:$0xB], $0x1, s4, s3, $0xb8;
	[tilespmem:$0x1AE98] =	vst v63  }
0x306: {  	s4 =	simm.s32 @!p4 $0xE000;
	s18 =	sadd.s32 @!p6 $0x580, s9;
	_ =	swait.ge @!p5 [sflag:s12], $0x1000  }
0x307: {  	s31 =	simm.s32 @!p4 $0x6;
	s9 =	simm.s32 @!p5 $0x20;
	[sflag:s12] =	ssyncset.done @!p5 $0x0  }
0x308: {  	s3 =	sadd.s32 $0xFFFFFFFF, s24;
	[sflag:s12] =	ssyncadd.s32 @!p5 $0xFFFFF000;
	s12 =	simm.s32 @!p4 $0x9000  }
0x309: {  	[tilespmem:s25], [sflag:$0x5] =	stream.indirect.gather @!p5 [hbm4b:s1+s9], $0x80, s2, s9, $0xb8;
	[tilespmem:$0x1AE98] =	vst v63  }
0x30a: {  	p0 =	sge.s32 s19, s22;
	s2 =	sadd.s32 @!p4 $0x2180, s29;
	_ =	swait.ge @!p4 [sflag:s31], $0x1000  }
0x30b: {  	s19 =	simm.s32 @!p4 $0x20;
	s9 =	sadd.s32 $0x4, s24;
	[sflag:s31] =	ssyncset.done @!p4 $0x0  }
0x30c: {  	s25 =	simm.s32 @!p6 $0x20;
	s29 =	sshra.s32 @!p0 s21, $0x2;
	[sflag:s31] =	ssyncadd.s32 @!p4 $0xFFFFF000  }
0x30d: {  	[spmem:s5] =	stream.indirect.scatter.add.f32 @!p4 [tilespmem:s12], [sflag:$0xF], $0x80, s2, s19, $0xb8;
	[tilespmem:$0x1AE98] =	vst v63  }
0x30e: {  	s17 =	sadd.s32 $0x5, s13;
	s31 =	simm.s32 @!p6 $0xF;
	s12 =	sadd.s32 $0x6, s24  }
0x30f: {  	[spmem:s6] =	stream.indirect.scatter.add.f32 @!p4 [tilespmem:s4], [sflag:$0xB], $0x1, s2, s19, $0xb8;
	[tilespmem:$0x1AE98] =	vst v63  }
0x310: {  	s2 =	sadd.s32 @!p0 $0x2200, s29;
	s4 =	simm.s32 @!p0 $0xE000;
	_ =	swait.ge @!p6 [sflag:s31], $0x1000  }
0x311: {  	s19 =	simm.s32 @!p6 $0x9000;
	s29 =	simm.s32 @!p0 $0x7;
	[sflag:s31] =	ssyncset.done @!p6 $0x0  }
0x312: {  	p5 =	sge.s32 s17, s22;
	[sflag:s31] =	ssyncadd.s32 @!p6 $0xFFFFF000;
	s31 =	sadd.s32 $0xFFFFFFFE, s13  }
0x313: {  	[tilespmem:s19], [sflag:$0x6] =	stream.indirect.gather @!p6 [hbm4b:s1+s25], $0x80, s18, s25, $0xb8;
	[tilespmem:$0x1AE98] =	vst v63  }
0x314: {  	s17 =	simm.s32 @!p5 $0x10;
	s18 =	sshra.s32 @!p5 s21, $0x2;
	_ =	swait.ge @!p0 [sflag:s29], $0x1000  }
0x315: {  	s19 =	simm.s32 @!p0 $0x20;
	s25 =	simm.s32 @!p0 $0xA000;
	[sflag:s29] =	ssyncset.done @!p0 $0x0  }
0x316: {  	p4 =	sge.s32 s31, s22;
	[sflag:s29] =	ssyncadd.s32 @!p0 $0xFFFFF000;
	s29 =	simm.s32 @!p5 $0xA000  }
0x317: {  	[spmem:s5] =	stream.indirect.scatter.add.f32 @!p0 [tilespmem:s25], [sflag:$0x10], $0x80, s2, s19, $0xb8;
	[tilespmem:$0x1AE98] =	vst v63  }
0x318: {  	s28 =	sadd.s32 $0xFFFFFFFF, s28;
	p2 =	por p1, p1;
	s18 =	sadd.s32 @!p5 $0x600, s18  }
0x319: {  	[spmem:s6] =	stream.indirect.scatter.add.f32 @!p0 [tilespmem:s4], [sflag:$0xB], $0x1, s2, s19, $0xb8;
	[tilespmem:$0x1AE98] =	vst v63  }
0x31a: {  	s2 =	sshra.s32 @!p4 s21, $0x2;
	s4 =	simm.s32 @!p4 $0xB000;
	_ =	swait.ge @!p5 [sflag:s17], $0x1000  }
0x31b: {  	p3 =	sne.s32 s28, $0x0;
	[sflag:s17] =	ssyncset.done @!p5 $0x0  }
0x31c: {  	s19 =	simm.s32 @!p4 $0x8;
	[sflag:s17] =	ssyncadd.s32 @!p5 $0xFFFFF000;
	s17 =	simm.s32 @!p5 $0x20  }
0x31d: {  	[tilespmem:s29], [sflag:$0x7] =	stream.indirect.gather @!p5 [hbm4b:s1+s17], $0x80, s18, s17, $0xb8;
	[tilespmem:$0x1AE98] =	vst v63  }
0x31e: {  	s2 =	sadd.s32 @!p4 $0x2280, s2;
	s17 =	simm.s32 @!p4 $0x20;
	_ =	swait.ge @!p4 [sflag:s19], $0x1000  }
0x31f: {  	p5 =	sge.s32 s10, s22;
	s10 =	smov.u32 s12;
	[sflag:s19] =	ssyncset.done @!p4 $0x0  }
0x320: {  	s12 =	simm.s32 @!p5 $0x11;
	s18 =	sshra.s32 @!p5 s21, $0x2;
	[sflag:s19] =	ssyncadd.s32 @!p4 $0xFFFFF000  }
0x321: {  	[spmem:s5] =	stream.indirect.scatter.add.f32 @!p4 [tilespmem:s4], [sflag:$0x11], $0x80, s2, s17, $0xb8;
	[tilespmem:$0x1AE98] =	vst v63  }
0x322: {  	p1 =	sge.s32 s16, s22;
	s16 =	smov.u32 s3;
	s4 =	simm.s32 @!p4 $0xE000  }
0x323: {  	s13 =	sadd.s32 $0x7, s13;
	s3 =	simm.s32 @!p5 $0x20;
	s19 =	sshra.s32 @!p1 s21, $0x2  }
0x324: {  	[spmem:s6] =	stream.indirect.scatter.add.f32 @!p4 [tilespmem:s4], [sflag:$0xB], $0x1, s2, s17, $0xb8;
	[tilespmem:$0x1AE98] =	vst v63  }
0x325: {  	p0 =	sge.s32 s13, s22;
	s2 =	simm.s32 @!p1 $0x9;
	_ =	swait.ge @!p5 [sflag:s12], $0x1000  }
0x326: {  	s13 =	sshra.s32 @!p0 s21, $0x2;
	s4 =	sadd.s32 @!p5 $0x680, s18;
	[sflag:s12] =	ssyncset.done @!p5 $0x0  }
0x327: {  	s17 =	sadd.s32 @!p0 $0x700, s13;
	[sflag:s12] =	ssyncadd.s32 @!p5 $0xFFFFF000;
	s12 =	simm.s32 @!p5 $0xB000  }
0x328: {  	[tilespmem:s12], [sflag:$0x8] =	stream.indirect.gather @!p5 [hbm4b:s1+s3], $0x80, s4, s3, $0xb8;
	[tilespmem:$0x1AE98] =	vst v63  }
0x329: {  	p6 =	sge.s32 s26, s22;
	s13 =	smov.u32 s24;
	_ =	swait.ge @!p1 [sflag:s2], $0x1000  }
0x32a: {  	s21 =	sadd.s32 $0x1000, s21;
	s3 =	simm.s32 @!p1 $0xC000;
	[sflag:s2] =	ssyncset.done @!p1 $0x0  }
0x32b: {  	s4 =	simm.s32 @!p1 $0x20;
	[sflag:s2] =	ssyncadd.s32 @!p1 $0xFFFFF000;
	s2 =	sadd.s32 @!p1 $0x2300, s19  }
0x32c: {  	[spmem:s5] =	stream.indirect.scatter.add.f32 @!p1 [tilespmem:s3], [sflag:$0x12], $0x80, s2, s4, $0xb8;
	[tilespmem:$0x1AE98] =	vst v63  }
0x32d: {  	s18 =	simm.s32 @!p2 $0xE000;
	s12 =	simm.s32 @!p0 $0x12;
	s3 =	simm.s32 @!p1 $0xE000  }
0x32e: {  	[spmem:s6] =	stream.indirect.scatter.add.f32 @!p1 [tilespmem:s3], [sflag:$0xB], $0x1, s2, s4, $0xb8;
	[tilespmem:$0x1AE98] =	vst v63  }
0x32f: {  	s2 =	simm.s32 @!p0 $0xC000;
	s3 =	sadd.s32 @!p2 $0x2380, s14;
	_ =	swait.ge @!p0 [sflag:s12], $0x1000  }
0x330: {  	s19 =	simm.s32 @!p2 $0xA;
	s4 =	sadd.s32 $0x1, s24;
	[sflag:s12] =	ssyncset.done @!p0 $0x0  }
0x331: {  	p4 =	sge.s32 s4, s22;
	s4 =	simm.s32 @!p0 $0x20;
	[sflag:s12] =	ssyncadd.s32 @!p0 $0xFFFFF000  }
0x332: {  	[tilespmem:s2], [sflag:$0x9] =	stream.indirect.gather @!p0 [hbm4b:s1+s4], $0x80, s17, s4, $0xb8;
	[tilespmem:$0x1AE98] =	vst v63  }
0x333: {  	p1 =	sge.s32 s24, s22;
	s2 =	sshra.s32 @!p4 s21, $0x2;
	_ =	swait.ge @!p2 [sflag:s19], $0x1000  }
0x334: {  	p0 =	seq.s32 @!p1 s24, $0x7;
	s2 =	sadd.s32 @!p4 $0x400, s2;
	[sflag:s19] =	ssyncset.done @!p2 $0x0  }
0x335: {  	s14 =	sshra.s32 @!p1 s21, $0x2;
	p0 =	por p0, p1;
	[sflag:s19] =	ssyncadd.s32 @!p2 $0xFFFFF000  }
0x336: {  	[spmem:s5] =	stream.indirect.scatter.add.f32 @!p2 [tilespmem:s11], [sflag:$0x13], $0x80, s3, s15, $0xb8;
	[tilespmem:$0x1AE98] =	vst v63  }
0x337: {  	s12 =	sadd.s32 @!p1 $0x380, s14;
	s17 =	sadd.s32 $0x2, s24;
	s4 =	simm.s32 @!p0 $0x13  }
0x338: {  	[spmem:s6] =	stream.indirect.scatter.add.f32 @!p2 [tilespmem:s18], [sflag:$0xB], $0x1, s3, s15, $0xb8;
	[tilespmem:$0x1AE98] =	vst v63  }
0x339: {  	s15 =	simm.s32 @!p1 $0x20;
	p2 =	sge.s32 s30, s22;
	_ =	swait.ge @!p0 [sflag:s4], $0x1000  }
0x33a: {  	s3 =	simm.s32 @!p2 $0x3;
	s18 =	sshra.s32 @!p2 s21, $0x2;
	[sflag:s4] =	ssyncset.done @!p0 $0x0  }
0x33b: {  	s26 =	sshra.s32 @!p6 s21, $0x2;
	s11 =	simm.s32 @!p1 $0xD000;
	[sflag:s4] =	ssyncadd.s32 @!p0 $0xFFFFF000  }
0x33c: {  	[tilespmem:s11], [sflag:$0xA] =	stream.indirect.gather @!p1 [hbm4b:s1+s15], $0x80, s12, s15, $0xb8;
	[tilespmem:$0x1AE98] =	vst v63  }
0x33d: {  	s4 =	simm.s32 @!p2 $0xE000;
	s12 =	simm.s32 @!p4 $0x6000;
	_ =	swait.ge @!p2 [sflag:s3], $0x1000  }
0x33e: {  	s19 =	simm.s32 @!p2 $0x20;
	s25 =	simm.s32 @!p2 $0x6000;
	[sflag:s3] =	ssyncset.done @!p2 $0x0  }
0x33f: {  	[sflag:s3] =	ssyncadd.s32 @!p2 $0xFFFFF000;
	s3 =	sadd.s32 @!p2 $0x2000, s18;
	s18 =	simm.s32 @!p4 $0xC  }
0x340: {  	[spmem:s5] =	stream.indirect.scatter.add.f32 @!p2 [tilespmem:s25], [sflag:$0xC], $0x80, s3, s19, $0xb8;
	[tilespmem:$0x1AE98] =	vst v63  }
0x341: {  	p0 =	sge.s32 s17, s22;
	s17 =	simm.s32 @!p4 $0x20;
	s25 =	simm.s32 @!p6 $0x4  }
0x342: {  	[spmem:s6] =	stream.indirect.scatter.add.f32 @!p2 [tilespmem:s4], [sflag:$0xB], $0x1, s3, s19, $0xb8;
	[tilespmem:$0x1AE98] =	vst v63  }
0x343: {  	s3 =	sshra.s32 @!p0 s21, $0x2;
	s4 =	sadd.s32 $0x3, s24;
	_ =	swait.ge @!p4 [sflag:s18], $0x1000  }
0x344: {  	s29 =	sadd.s32 @!p0 $0x480, s3;
	p5 =	sge.s32 s4, s22;
	[sflag:s18] =	ssyncset.done @!p4 $0x0  }
0x345: {  	s4 =	sadd.s32 @!p6 $0x2080, s26;
	[sflag:s18] =	ssyncadd.s32 @!p4 $0xFFFFF000;
	s18 =	simm.s32 @!p6 $0x7000  }
0x346: {  	[tilespmem:s12], [sflag:$0x3] =	stream.indirect.gather @!p4 [hbm4b:s1+s17], $0x80, s2, s17, $0xb8;
	[tilespmem:$0x1AE98] =	vst v63  }
0x347: {  	s3 =	sshra.s32 @!p5 s21, $0x2;
	s2 =	sadd.s32 $0xFFFFFFFB, s24;
	_ =	swait.ge @!p6 [sflag:s25], $0x1000  }
0x348: {  	p2 =	sge.s32 s2, s22;
	s2 =	sadd.s32 @!p5 $0x500, s3;
	[sflag:s25] =	ssyncset.done @!p6 $0x0  }
0x349: {  	s12 =	simm.s32 @!p6 $0x20;
	s17 =	simm.s32 @!p0 $0xD;
	[sflag:s25] =	ssyncadd.s32 @!p6 $0xFFFFF000  }
0x34a: {  	p4 =	sge.s32 s8, s22;
	s8 =	simm.s32 @!p6 $0xE000;
	s3 =	simm.s32 @!p2 $0x20  }
0x34b: {  	[spmem:s5] =	stream.indirect.scatter.add.f32 @!p6 [tilespmem:s18], [sflag:$0xD], $0x80, s4, s12, $0xb8;
	[tilespmem:$0x1AE98] =	vst v63  }
0x34c: {  	s19 =	simm.s32 @!p2 $0x5;
	s25 =	sshra.s32 @!p2 s21, $0x2;
	s18 =	simm.s32 @!p2 $0xE000  }
0x34d: {  	[spmem:s6] =	stream.indirect.scatter.add.f32 @!p6 [tilespmem:s8], [sflag:$0xB], $0x1, s4, s12, $0xb8;
	[tilespmem:$0x1AE98] =	vst v63  }
0x34e: {  	s4 =	simm.s32 @!p0 $0x20;
	s8 =	simm.s32 @!p0 $0x7000;
	_ =	swait.ge @!p0 [sflag:s17], $0x1000  }
.Ltmp24:
0x34f: {  	p6 =	sge.s32 s9, s22;
	[sflag:s17] =	ssyncset.done @!p0 $0x0;
	(pc) =	sbr.rel @p3 .LBB2_33-.Ltmp24, $4  }
0x350: {  	s24 =	sadd.s32 $0x8, s24;
	s9 =	sshra.s32 @!p6 s21, $0x2;
	[sflag:s17] =	ssyncadd.s32 @!p0 $0xFFFFF000  }
0x351: {  	[tilespmem:s8], [sflag:$0x4] =	stream.indirect.gather @!p0 [hbm4b:s1+s4], $0x80, s29, s4, $0xb8;
	[tilespmem:$0x1AE98] =	vst v63  }
0x352: {  	s12 =	simm.s32 @!p2 $0x8000;
	s4 =	sadd.s32 @!p2 $0x2100, s25;
	_ =	swait.ge @!p2 [sflag:s19], $0x1000  }
0x353: {  	s30 =	sadd.s32 $0xFFFFFFF9, s24;
	s26 =	sadd.s32 $0xFFFFFFFA, s24;
	[sflag:s19] =	ssyncset.done @!p2 $0x0  }
0x354: {  	s25 =	rddreg [dreg:$0xe]  }
0x355: {  	s17 =	rddreg [dreg:$0x1d]  }
.LBB2_35:
0x356: {  	s8 =	sld [smem:$0x7F0];
	_ =	sdelay $0x2  }
0x357: {  	p3 =	seq.s32 s8, $0x1  }
0x358: {  	p0 =	por p2, !p3  }
0x359: {  	[sflag:s19] =	ssyncadd.s32 @!p0 $0xFFFFF000  }
0x35a: {  	[spmem:s5] =	stream.indirect.scatter.add.f32 @!p0 [tilespmem:s12], [sflag:$0xE], $0x80, s4, s3, $0xb8;
	[tilespmem:$0x1AE98] =	vst v63  }
0x35b: {  	_ = 	snop  }
0x35c: {  	[spmem:s6] =	stream.indirect.scatter.add.f32 @!p0 [tilespmem:s18], [sflag:$0xB], $0x1, s4, s3, $0xb8;
	[tilespmem:$0x1AE98] =	vst v63  }
0x35d: {  	p0 =	por p5, !p3  }
0x35e: {  	s3 =	simm.s32 @!p0 $0xE  }
0x35f: {  	_ =	swait.ge @!p0 [sflag:s3], $0x1000  }
0x360: {  	p2 =	por p4, !p3;
	[sflag:s3] =	ssyncset.done @!p0 $0x0  }
0x361: {  	s4 =	simm.s32 @!p0 $0x8000;
	[sflag:s3] =	ssyncadd.s32 @!p0 $0xFFFFF000;
	s3 =	simm.s32 @!p0 $0x20  }
0x362: {  	[tilespmem:s4], [sflag:$0x5] =	stream.indirect.gather @!p0 [hbm4b:s1+s3], $0x80, s2, s3, $0xb8;
	[tilespmem:$0x1AE98] =	vst v63  }
0x363: {  	s2 =	simm.s32 @!p2 $0x6  }
0x364: {  	_ =	swait.ge @!p2 [sflag:s2], $0x1000  }
0x365: {  	s3 =	sshra.s32 @!p2 s21, $0x2;
	s4 =	simm.s32 @!p2 $0x9000;
	[sflag:s2] =	ssyncset.done @!p2 $0x0  }
0x366: {  	s3 =	sadd.s32 @!p2 $0x2180, s3;
	[sflag:s2] =	ssyncadd.s32 @!p2 $0xFFFFF000;
	s2 =	simm.s32 @!p2 $0x20  }
0x367: {  	[spmem:s5] =	stream.indirect.scatter.add.f32 @!p2 [tilespmem:s4], [sflag:$0xF], $0x80, s3, s2, $0xb8;
	[tilespmem:$0x1AE98] =	vst v63  }
0x368: {  	s4 =	simm.s32 @!p2 $0xE000  }
0x369: {  	[spmem:s6] =	stream.indirect.scatter.add.f32 @!p2 [tilespmem:s4], [sflag:$0xB], $0x1, s3, s2, $0xb8;
	[tilespmem:$0x1AE98] =	vst v63  }
0x36a: {  	p2 =	por p6, !p3  }
0x36b: {  	s2 =	simm.s32 @!p2 $0xF  }
0x36c: {  	s3 =	sadd.s32 @p3 $0xFFFFFFFD, s13;
	s4 =	sadd.s32 @!p2 $0x580, s9;
	_ =	swait.ge @!p2 [sflag:s2], $0x1000  }
0x36d: {  	p0 =	sge.s32 @p3 s3, s22;
	s3 =	simm.s32 @!p2 $0x20;
	[sflag:s2] =	ssyncset.done @!p2 $0x0  }
0x36e: {  	p0 =	por p0, !p3;
	[sflag:s2] =	ssyncadd.s32 @!p2 $0xFFFFF000;
	s2 =	simm.s32 @!p2 $0x9000  }
0x36f: {  	[tilespmem:s2], [sflag:$0x6] =	stream.indirect.gather @!p2 [hbm4b:s1+s3], $0x80, s4, s3, $0xb8;
	[tilespmem:$0x1AE98] =	vst v63  }
0x370: {  	s2 =	simm.s32 @!p0 $0x7  }
0x371: {  	s3 =	sshra.s32 @!p0 s21, $0x2;
	s4 =	sadd.s32 @p3 $0x5, s13;
	_ =	swait.ge @!p0 [sflag:s2], $0x1000  }
0x372: {  	s3 =	sadd.s32 @!p0 $0x2200, s3;
	p2 =	sge.s32 @p3 s4, s22;
	[sflag:s2] =	ssyncset.done @!p0 $0x0  }
0x373: {  	s4 =	simm.s32 @!p0 $0x20;
	[sflag:s2] =	ssyncadd.s32 @!p0 $0xFFFFF000;
	s2 =	simm.s32 @!p0 $0xA000  }
0x374: {  	[spmem:s5] =	stream.indirect.scatter.add.f32 @!p0 [tilespmem:s2], [sflag:$0x10], $0x80, s3, s4, $0xb8;
	[tilespmem:$0x1AE98] =	vst v63  }
0x375: {  	p2 =	por p2, !p3;
	s2 =	simm.s32 @!p0 $0xE000  }
0x376: {  	[spmem:s6] =	stream.indirect.scatter.add.f32 @!p0 [tilespmem:s2], [sflag:$0xB], $0x1, s3, s4, $0xb8;
	[tilespmem:$0x1AE98] =	vst v63  }
0x377: {  	s2 =	simm.s32 @!p2 $0x10  }
0x378: {  	_ =	swait.ge @!p2 [sflag:s2], $0x1000  }
0x379: {  	s3 =	sshra.s32 @!p2 s21, $0x2;
	s4 =	simm.s32 @!p2 $0xA000;
	[sflag:s2] =	ssyncset.done @!p2 $0x0  }
0x37a: {  	s3 =	sadd.s32 @!p2 $0x600, s3;
	[sflag:s2] =	ssyncadd.s32 @!p2 $0xFFFFF000;
	s2 =	simm.s32 @!p2 $0x20  }
0x37b: {  	[tilespmem:s4], [sflag:$0x7] =	stream.indirect.gather @!p2 [hbm4b:s1+s2], $0x80, s3, s2, $0xb8;
	[tilespmem:$0x1AE98] =	vst v63  }
0x37c: {  	s2 =	sadd.s32 @p3 $0xFFFFFFFE, s13  }
0x37d: {  	p0 =	sge.s32 @p3 s2, s22  }
0x37e: {  	p0 =	por p0, !p3  }
0x37f: {  	s2 =	simm.s32 @!p0 $0x8  }
0x380: {  	p2 =	sge.s32 @p3 s10, s22;
	_ =	swait.ge @!p0 [sflag:s2], $0x1000  }
0x381: {  	s3 =	sshra.s32 @!p0 s21, $0x2;
	s4 =	simm.s32 @!p0 $0xB000;
	[sflag:s2] =	ssyncset.done @!p0 $0x0  }
0x382: {  	s3 =	sadd.s32 @!p0 $0x2280, s3;
	[sflag:s2] =	ssyncadd.s32 @!p0 $0xFFFFF000;
	s2 =	simm.s32 @!p0 $0x20  }
0x383: {  	[spmem:s5] =	stream.indirect.scatter.add.f32 @!p0 [tilespmem:s4], [sflag:$0x11], $0x80, s3, s2, $0xb8;
	[tilespmem:$0x1AE98] =	vst v63  }
0x384: {  	p2 =	por p2, !p3;
	s4 =	simm.s32 @!p0 $0xE000  }
0x385: {  	[spmem:s6] =	stream.indirect.scatter.add.f32 @!p0 [tilespmem:s4], [sflag:$0xB], $0x1, s3, s2, $0xb8;
	[tilespmem:$0x1AE98] =	vst v63  }
0x386: {  	s2 =	simm.s32 @!p2 $0x11  }
0x387: {  	s3 =	sshra.s32 @!p2 s21, $0x2;
	s4 =	simm.s32 @!p2 $0x20;
	_ =	swait.ge @!p2 [sflag:s2], $0x1000  }
0x388: {  	p0 =	sge.s32 @p3 s16, s22;
	s3 =	sadd.s32 @!p2 $0x680, s3;
	[sflag:s2] =	ssyncset.done @!p2 $0x0  }
0x389: {  	p0 =	por p0, !p3;
	[sflag:s2] =	ssyncadd.s32 @!p2 $0xFFFFF000;
	s2 =	simm.s32 @!p2 $0xB000  }
0x38a: {  	[tilespmem:s2], [sflag:$0x8] =	stream.indirect.gather @!p2 [hbm4b:s1+s4], $0x80, s3, s4, $0xb8;
	[tilespmem:$0x1AE98] =	vst v63  }
0x38b: {  	s2 =	simm.s32 @!p0 $0x9  }
0x38c: {  	s3 =	sshra.s32 @!p0 s21, $0x2;
	s4 =	sadd.s32 @p3 $0x7, s13;
	_ =	swait.ge @!p0 [sflag:s2], $0x1000  }
0x38d: {  	p2 =	sge.s32 @p3 s4, s22;
	s4 =	simm.s32 @!p0 $0xC000;
	[sflag:s2] =	ssyncset.done @!p0 $0x0  }
0x38e: {  	[sflag:s2] =	ssyncadd.s32 @!p0 $0xFFFFF000;
	s2 =	sadd.s32 @!p0 $0x2300, s3;
	s3 =	simm.s32 @!p0 $0x20  }
0x38f: {  	[spmem:s5] =	stream.indirect.scatter.add.f32 @!p0 [tilespmem:s4], [sflag:$0x12], $0x80, s2, s3, $0xb8;
	[tilespmem:$0x1AE98] =	vst v63  }
0x390: {  	p2 =	por p2, !p3;
	s4 =	simm.s32 @!p0 $0xE000  }
0x391: {  	[spmem:s6] =	stream.indirect.scatter.add.f32 @!p0 [tilespmem:s4], [sflag:$0xB], $0x1, s2, s3, $0xb8;
	[tilespmem:$0x1AE98] =	vst v63  }
0x392: {  	s2 =	simm.s32 @!p2 $0x12  }
0x393: {  	s3 =	sshra.s32 @!p2 s21, $0x2;
	s4 =	simm.s32 @!p2 $0xC000;
	_ =	swait.ge @!p2 [sflag:s2], $0x1000  }
0x394: {  	p0 =	por @p3 p1, p1;
	s3 =	sadd.s32 @!p2 $0x700, s3;
	[sflag:s2] =	ssyncset.done @!p2 $0x0  }
0x395: {  	p0 =	por p0, !p3;
	[sflag:s2] =	ssyncadd.s32 @!p2 $0xFFFFF000;
	s2 =	simm.s32 @!p2 $0x20  }
0x396: {  	[tilespmem:s4], [sflag:$0x9] =	stream.indirect.gather @!p2 [hbm4b:s1+s2], $0x80, s3, s2, $0xb8;
	[tilespmem:$0x1AE98] =	vst v63  }
0x397: {  	s2 =	simm.s32 @!p0 $0xA  }
0x398: {  	p1 =	sge.s32 s24, s22;
	_ =	swait.ge @!p0 [sflag:s2], $0x1000  }
0x399: {  	s3 =	sadd.s32 @p3 $0x1000, s21;
	p2 =	seq.s32 @!p1 s24, $0x7;
	[sflag:s2] =	ssyncset.done @!p0 $0x0  }
0x39a: {  	s4 =	sadd.s32 @!p0 $0x2380, s14;
	p2 =	por p2, p1;
	[sflag:s2] =	ssyncadd.s32 @!p0 $0xFFFFF000  }
0x39b: {  	[spmem:s5] =	stream.indirect.scatter.add.f32 @!p0 [tilespmem:s11], [sflag:$0x13], $0x80, s4, s15, $0xb8;
	[tilespmem:$0x1AE98] =	vst v63  }
0x39c: {  	s23 =	smov.u32 @p3 s3;
	s3 =	simm.s32 @!p2 $0x13;
	s2 =	simm.s32 @!p0 $0xE000  }
0x39d: {  	[spmem:s6] =	stream.indirect.scatter.add.f32 @!p0 [tilespmem:s2], [sflag:$0xB], $0x1, s4, s15, $0xb8;
	[tilespmem:$0x1AE98] =	vst v63  }
0x39e: {  	s9 =	simm.s32 @!p1 $0x20;
	s10 =	simm.s32 @!p1 $0xD000;
	_ =	swait.ge @!p2 [sflag:s3], $0x1000  }
0x39f: {  	s8 =	sshra.s32 @!p1 s23, $0x2;
	p0 =	sge.s32 s30, s22;
	[sflag:s3] =	ssyncset.done @!p2 $0x0  }
0x3a0: {  	s2 =	sadd.s32 @!p1 $0x380, s8;
	s4 =	simm.s32 @!p0 $0x3;
	[sflag:s3] =	ssyncadd.s32 @!p2 $0xFFFFF000  }
0x3a1: {  	[tilespmem:s10], [sflag:$0xA] =	stream.indirect.gather @!p1 [hbm4b:s1+s9], $0x80, s2, s9, $0xb8;
	[tilespmem:$0x1AE98] =	vst v63  }
0x3a2: {  	s30 =	sadd.s32 $0x1, s24;
	_ =	swait.ge @!p0 [sflag:s4], $0x1000  }
0x3a3: {  	s3 =	simm.s32 @!p0 $0x20;
	s2 =	sshra.s32 @!p0 s23, $0x2;
	[sflag:s4] =	ssyncset.done @!p0 $0x0  }
0x3a4: {  	s2 =	sadd.s32 @!p0 $0x2000, s2;
	[sflag:s4] =	ssyncadd.s32 @!p0 $0xFFFFF000;
	s4 =	simm.s32 @!p0 $0x6000  }
0x3a5: {  	[spmem:s5] =	stream.indirect.scatter.add.f32 @!p0 [tilespmem:s4], [sflag:$0xC], $0x80, s2, s3, $0xb8;
	[tilespmem:$0x1AE98] =	vst v63  }
0x3a6: {  	p2 =	sge.s32 s30, s22;
	s4 =	simm.s32 @!p0 $0xE000  }
0x3a7: {  	[spmem:s6] =	stream.indirect.scatter.add.f32 @!p0 [tilespmem:s4], [sflag:$0xB], $0x1, s2, s3, $0xb8;
	[tilespmem:$0x1AE98] =	vst v63  }
0x3a8: {  	s2 =	simm.s32 @!p2 $0xC  }
0x3a9: {  	s3 =	sshra.s32 @!p2 s23, $0x2;
	_ =	swait.ge @!p2 [sflag:s2], $0x1000  }
0x3aa: {  	p0 =	sge.s32 s26, s22;
	s4 =	simm.s32 @!p2 $0x6000;
	[sflag:s2] =	ssyncset.done @!p2 $0x0  }
0x3ab: {  	s3 =	sadd.s32 @!p2 $0x400, s3;
	[sflag:s2] =	ssyncadd.s32 @!p2 $0xFFFFF000;
	s2 =	simm.s32 @!p2 $0x20  }
0x3ac: {  	[tilespmem:s4], [sflag:$0x3] =	stream.indirect.gather @!p2 [hbm4b:s1+s2], $0x80, s3, s2, $0xb8;
	[tilespmem:$0x1AE98] =	vst v63  }
0x3ad: {  	s2 =	simm.s32 @!p0 $0x4  }
0x3ae: {  	s31 =	sadd.s32 $0x2, s24;
	_ =	swait.ge @!p0 [sflag:s2], $0x1000  }
0x3af: {  	s3 =	sshra.s32 @!p0 s23, $0x2;
	s4 =	simm.s32 @!p0 $0x7000;
	[sflag:s2] =	ssyncset.done @!p0 $0x0  }
0x3b0: {  	[sflag:s2] =	ssyncadd.s32 @!p0 $0xFFFFF000;
	s2 =	sadd.s32 @!p0 $0x2080, s3;
	s3 =	simm.s32 @!p0 $0x20  }
0x3b1: {  	[spmem:s5] =	stream.indirect.scatter.add.f32 @!p0 [tilespmem:s4], [sflag:$0xD], $0x80, s2, s3, $0xb8;
	[tilespmem:$0x1AE98] =	vst v63  }
0x3b2: {  	p2 =	sge.s32 s31, s22;
	s4 =	simm.s32 @!p0 $0xE000  }
0x3b3: {  	[spmem:s6] =	stream.indirect.scatter.add.f32 @!p0 [tilespmem:s4], [sflag:$0xB], $0x1, s2, s3, $0xb8;
	[tilespmem:$0x1AE98] =	vst v63  }
0x3b4: {  	s2 =	simm.s32 @!p2 $0xD  }
0x3b5: {  	s11 =	sadd.s32 $0xFFFFFFFB, s24;
	s3 =	sshra.s32 @!p2 s23, $0x2;
	_ =	swait.ge @!p2 [sflag:s2], $0x1000  }
0x3b6: {  	p0 =	sge.s32 s11, s22;
	s4 =	simm.s32 @!p2 $0x20;
	[sflag:s2] =	ssyncset.done @!p2 $0x0  }
0x3b7: {  	s3 =	sadd.s32 @!p2 $0x480, s3;
	[sflag:s2] =	ssyncadd.s32 @!p2 $0xFFFFF000;
	s2 =	simm.s32 @!p2 $0x7000  }
0x3b8: {  	[tilespmem:s2], [sflag:$0x4] =	stream.indirect.gather @!p2 [hbm4b:s1+s4], $0x80, s3, s4, $0xb8;
	[tilespmem:$0x1AE98] =	vst v63  }
0x3b9: {  	s2 =	simm.s32 @!p0 $0x5  }
0x3ba: {  	s12 =	sadd.s32 $0x3, s24;
	_ =	swait.ge @!p0 [sflag:s2], $0x1000  }
0x3bb: {  	s3 =	simm.s32 @!p0 $0x20;
	s4 =	sshra.s32 @!p0 s23, $0x2;
	[sflag:s2] =	ssyncset.done @!p0 $0x0  }
0x3bc: {  	s4 =	sadd.s32 @!p0 $0x2100, s4;
	[sflag:s2] =	ssyncadd.s32 @!p0 $0xFFFFF000;
	s2 =	simm.s32 @!p0 $0x8000  }
0x3bd: {  	[spmem:s5] =	stream.indirect.scatter.add.f32 @!p0 [tilespmem:s2], [sflag:$0xE], $0x80, s4, s3, $0xb8;
	[tilespmem:$0x1AE98] =	vst v63  }
0x3be: {  	p2 =	sge.s32 s12, s22;
	s2 =	simm.s32 @!p0 $0xE000  }
0x3bf: {  	[spmem:s6] =	stream.indirect.scatter.add.f32 @!p0 [tilespmem:s2], [sflag:$0xB], $0x1, s4, s3, $0xb8;
	[tilespmem:$0x1AE98] =	vst v63  }
0x3c0: {  	s2 =	simm.s32 @!p2 $0xE  }
0x3c1: {  	s13 =	sadd.s32 $0xFFFFFFFC, s24;
	s4 =	sshra.s32 @!p2 s23, $0x2;
	_ =	swait.ge @!p2 [sflag:s2], $0x1000  }
0x3c2: {  	p0 =	sge.s32 s13, s22;
	s3 =	simm.s32 @!p2 $0x8000;
	[sflag:s2] =	ssyncset.done @!p2 $0x0  }
0x3c3: {  	s4 =	sadd.s32 @!p2 $0x500, s4;
	[sflag:s2] =	ssyncadd.s32 @!p2 $0xFFFFF000;
	s2 =	simm.s32 @!p2 $0x20  }
0x3c4: {  	[tilespmem:s3], [sflag:$0x5] =	stream.indirect.gather @!p2 [hbm4b:s1+s2], $0x80, s4, s2, $0xb8;
	[tilespmem:$0x1AE98] =	vst v63  }
0x3c5: {  	s2 =	simm.s32 @!p0 $0x6  }
0x3c6: {  	s14 =	sadd.s32 $0x4, s24;
	_ =	swait.ge @!p0 [sflag:s2], $0x1000  }
0x3c7: {  	s3 =	sshra.s32 @!p0 s23, $0x2;
	s4 =	simm.s32 @!p0 $0x9000;
	[sflag:s2] =	ssyncset.done @!p0 $0x0  }
0x3c8: {  	s3 =	sadd.s32 @!p0 $0x2180, s3;
	[sflag:s2] =	ssyncadd.s32 @!p0 $0xFFFFF000;
	s2 =	simm.s32 @!p0 $0x20  }
0x3c9: {  	[spmem:s5] =	stream.indirect.scatter.add.f32 @!p0 [tilespmem:s4], [sflag:$0xF], $0x80, s3, s2, $0xb8;
	[tilespmem:$0x1AE98] =	vst v63  }
0x3ca: {  	p2 =	sge.s32 s14, s22;
	s4 =	simm.s32 @!p0 $0xE000  }
0x3cb: {  	[spmem:s6] =	stream.indirect.scatter.add.f32 @!p0 [tilespmem:s4], [sflag:$0xB], $0x1, s3, s2, $0xb8;
	[tilespmem:$0x1AE98] =	vst v63  }
0x3cc: {  	s2 =	simm.s32 @!p2 $0xF  }
0x3cd: {  	s15 =	sadd.s32 $0xFFFFFFFD, s24;
	s3 =	sshra.s32 @!p2 s23, $0x2;
	_ =	swait.ge @!p2 [sflag:s2], $0x1000  }
0x3ce: {  	p0 =	sge.s32 s15, s22;
	s4 =	simm.s32 @!p2 $0x20;
	[sflag:s2] =	ssyncset.done @!p2 $0x0  }
0x3cf: {  	s3 =	sadd.s32 @!p2 $0x580, s3;
	[sflag:s2] =	ssyncadd.s32 @!p2 $0xFFFFF000;
	s2 =	simm.s32 @!p2 $0x9000  }
0x3d0: {  	[tilespmem:s2], [sflag:$0x6] =	stream.indirect.gather @!p2 [hbm4b:s1+s4], $0x80, s3, s4, $0xb8;
	[tilespmem:$0x1AE98] =	vst v63  }
0x3d1: {  	s2 =	simm.s32 @!p0 $0x7  }
0x3d2: {  	s16 =	sadd.s32 $0x5, s24;
	_ =	swait.ge @!p0 [sflag:s2], $0x1000  }
0x3d3: {  	s3 =	sshra.s32 @!p0 s23, $0x2;
	s4 =	simm.s32 @!p0 $0x20;
	[sflag:s2] =	ssyncset.done @!p0 $0x0  }
0x3d4: {  	s3 =	sadd.s32 @!p0 $0x2200, s3;
	[sflag:s2] =	ssyncadd.s32 @!p0 $0xFFFFF000;
	s2 =	simm.s32 @!p0 $0xA000  }
0x3d5: {  	[spmem:s5] =	stream.indirect.scatter.add.f32 @!p0 [tilespmem:s2], [sflag:$0x10], $0x80, s3, s4, $0xb8;
	[tilespmem:$0x1AE98] =	vst v63  }
0x3d6: {  	p2 =	sge.s32 s16, s22;
	s2 =	simm.s32 @!p0 $0xE000  }
0x3d7: {  	[spmem:s6] =	stream.indirect.scatter.add.f32 @!p0 [tilespmem:s2], [sflag:$0xB], $0x1, s3, s4, $0xb8;
	[tilespmem:$0x1AE98] =	vst v63  }
0x3d8: {  	s2 =	simm.s32 @!p2 $0x10  }
0x3d9: {  	s18 =	sadd.s32 $0xFFFFFFFE, s24;
	s4 =	sshra.s32 @!p2 s23, $0x2;
	_ =	swait.ge @!p2 [sflag:s2], $0x1000  }
0x3da: {  	p0 =	sge.s32 s18, s22;
	s3 =	simm.s32 @!p2 $0xA000;
	[sflag:s2] =	ssyncset.done @!p2 $0x0  }
0x3db: {  	s4 =	sadd.s32 @!p2 $0x600, s4;
	[sflag:s2] =	ssyncadd.s32 @!p2 $0xFFFFF000;
	s2 =	simm.s32 @!p2 $0x20  }
0x3dc: {  	[tilespmem:s3], [sflag:$0x7] =	stream.indirect.gather @!p2 [hbm4b:s1+s2], $0x80, s4, s2, $0xb8;
	[tilespmem:$0x1AE98] =	vst v63  }
0x3dd: {  	s2 =	simm.s32 @!p0 $0x8  }
0x3de: {  	s19 =	sadd.s32 $0x6, s24;
	_ =	swait.ge @!p0 [sflag:s2], $0x1000  }
0x3df: {  	s3 =	sshra.s32 @!p0 s23, $0x2;
	s4 =	simm.s32 @!p0 $0xB000;
	[sflag:s2] =	ssyncset.done @!p0 $0x0  }
0x3e0: {  	s3 =	sadd.s32 @!p0 $0x2280, s3;
	[sflag:s2] =	ssyncadd.s32 @!p0 $0xFFFFF000;
	s2 =	simm.s32 @!p0 $0x20  }
0x3e1: {  	[spmem:s5] =	stream.indirect.scatter.add.f32 @!p0 [tilespmem:s4], [sflag:$0x11], $0x80, s3, s2, $0xb8;
	[tilespmem:$0x1AE98] =	vst v63  }
0x3e2: {  	p2 =	sge.s32 s19, s22;
	s4 =	simm.s32 @!p0 $0xE000  }
0x3e3: {  	[spmem:s6] =	stream.indirect.scatter.add.f32 @!p0 [tilespmem:s4], [sflag:$0xB], $0x1, s3, s2, $0xb8;
	[tilespmem:$0x1AE98] =	vst v63  }
0x3e4: {  	s2 =	simm.s32 @!p2 $0x11  }
0x3e5: {  	s21 =	sadd.s32 $0xFFFFFFFF, s24;
	s4 =	sshra.s32 @!p2 s23, $0x2;
	_ =	swait.ge @!p2 [sflag:s2], $0x1000  }
0x3e6: {  	p0 =	sge.s32 s21, s22;
	s3 =	simm.s32 @!p2 $0x20;
	[sflag:s2] =	ssyncset.done @!p2 $0x0  }
0x3e7: {  	s4 =	sadd.s32 @!p2 $0x680, s4;
	[sflag:s2] =	ssyncadd.s32 @!p2 $0xFFFFF000;
	s2 =	simm.s32 @!p2 $0xB000  }
0x3e8: {  	[tilespmem:s2], [sflag:$0x8] =	stream.indirect.gather @!p2 [hbm4b:s1+s3], $0x80, s4, s3, $0xb8;
	[tilespmem:$0x1AE98] =	vst v63  }
0x3e9: {  	s2 =	simm.s32 @!p0 $0x9  }
0x3ea: {  	_ =	swait.ge @!p0 [sflag:s2], $0x1000  }
0x3eb: {  	s3 =	sshra.s32 @!p0 s23, $0x2;
	s4 =	simm.s32 @!p0 $0xC000;
	[sflag:s2] =	ssyncset.done @!p0 $0x0  }
0x3ec: {  	[sflag:s2] =	ssyncadd.s32 @!p0 $0xFFFFF000;
	s2 =	sadd.s32 @!p0 $0x2300, s3;
	s3 =	simm.s32 @!p0 $0x20  }
0x3ed: {  	[spmem:s5] =	stream.indirect.scatter.add.f32 @!p0 [tilespmem:s4], [sflag:$0x12], $0x80, s2, s3, $0xb8;
	[tilespmem:$0x1AE98] =	vst v63  }
0x3ee: {  	s26 =	sadd.s32 $0x7, s24;
	s4 =	simm.s32 @!p0 $0xE000  }
0x3ef: {  	[spmem:s6] =	stream.indirect.scatter.add.f32 @!p0 [tilespmem:s4], [sflag:$0xB], $0x1, s2, s3, $0xb8;
	[tilespmem:$0x1AE98] =	vst v63  }
0x3f0: {  	p0 =	sge.s32 s26, s22  }
0x3f1: {  	s2 =	simm.s32 @!p0 $0x12  }
0x3f2: {  	_ =	swait.ge @!p0 [sflag:s2], $0x1000  }
0x3f3: {  	s3 =	sshra.s32 @!p0 s23, $0x2;
	s4 =	simm.s32 @!p0 $0xC000;
	[sflag:s2] =	ssyncset.done @!p0 $0x0  }
0x3f4: {  	s3 =	sadd.s32 @!p0 $0x700, s3;
	[sflag:s2] =	ssyncadd.s32 @!p0 $0xFFFFF000;
	s2 =	simm.s32 @!p0 $0x20  }
0x3f5: {  	[tilespmem:s4], [sflag:$0x9] =	stream.indirect.gather @!p0 [hbm4b:s1+s2], $0x80, s3, s2, $0xb8;
	[tilespmem:$0x1AE98] =	vst v63  }
0x3f6: {  	p0 =	por p1, p1  }
0x3f7: {  	s2 =	simm.s32 @!p0 $0xA  }
0x3f8: {  	_ =	swait.ge @!p0 [sflag:s2], $0x1000  }
0x3f9: {  	s28 =	sld [smem:$0x7F3]  }
0x3fa: {  	s29 =	sld [smem:$0x7F2]  }
0x3fb: {  	[sflag:s2] =	ssyncset.done @!p0 $0x0;
	s30 =	sld [smem:$0x7F1]  }
0x3fc: {  	s31 =	sld [smem:$0x7F4];
	[sflag:s2] =	ssyncadd.s32 @!p0 $0xFFFFF000;
	s2 =	sadd.s32 @!p0 $0x2380, s8  }
0x3fd: {  	[spmem:s5] =	stream.indirect.scatter.add.f32 @!p0 [tilespmem:s10], [sflag:$0x13], $0x80, s2, s9, $0xb8;
	[tilespmem:$0x1AE98] =	vst v63  }
0x3fe: {  	s3 =	simm.s32 @!p0 $0xE000;
	p4 =	seq.s32 s28, $0x1  }
0x3ff: {  	p6 =	seq.s32 s29, $0x1;
	p5 =	seq.s32 s30, $0x1;
	p3 =	seq.s32 s31, $0x1  }
0x400: {  	[spmem:s6] =	stream.indirect.scatter.add.f32 @!p0 [tilespmem:s3], [sflag:$0xB], $0x1, s2, s9, $0xb8;
	[tilespmem:$0x1AE98] =	vst v63  }
.LBB2_36:
0x401: {  	p0 =	slt.s32 s22, $0x1  }
0x402: {  	s2 =	simm.s32 @!p0 $0xC  }
0x403: {  	_ =	swait.ge @!p0 [sflag:s2], $0x1000  }
0x404: {  	s30 =	sld [smem:$0x7F6];
	_ =	sdelay $0x2  }
0x405: {  	[sflag:s2] =	ssyncset.done @!p0 $0x0;
	p1 =	seq.s32 s30, $0x1  }
0x406: {  	[sflag:s2] =	ssyncadd.s32 @!p0 $0xFFFFF000;
	s2 =	simm.s32 @p1 $0xD  }
0x407: {  	_ =	swait.ge @p1 [sflag:s2], $0x1000  }
0x408: {  	s31 =	sld [smem:$0x7F5];
	_ =	sdelay $0x1  }
0x409: {  	[sflag:s2] =	ssyncset.done @p1 $0x0  }
0x40a: {  	[sflag:s2] =	ssyncadd.s32 @p1 $0xFFFFF000;
	p1 =	seq.s32 s31, $0x1  }
0x40b: {  	s2 =	simm.s32 @p1 $0xE  }
0x40c: {  	_ =	swait.ge @p1 [sflag:s2], $0x1000  }
0x40d: {  	[sflag:s2] =	ssyncset.done @p1 $0x0  }
0x40e: {  	[sflag:s2] =	ssyncadd.s32 @p1 $0xFFFFF000;
	s2 =	simm.s32 @p5 $0xF  }
0x40f: {  	_ =	swait.ge @p5 [sflag:s2], $0x1000  }
0x410: {  	[sflag:s2] =	ssyncset.done @p5 $0x0  }
0x411: {  	[sflag:s2] =	ssyncadd.s32 @p5 $0xFFFFF000;
	s2 =	simm.s32 @p3 $0x10  }
0x412: {  	_ =	swait.ge @p3 [sflag:s2], $0x1000  }
0x413: {  	[sflag:s2] =	ssyncset.done @p3 $0x0  }
0x414: {  	[sflag:s2] =	ssyncadd.s32 @p3 $0xFFFFF000;
	s2 =	simm.s32 @p6 $0x11  }
0x415: {  	p1 =	slt.s32 s22, $0x8;
	_ =	swait.ge @p6 [sflag:s2], $0x1000  }
.Ltmp25:
0x416: {  	[sflag:s2] =	ssyncset.done @p6 $0x0;
	(pc) =	sbr.rel @p1 .LBB2_38-.Ltmp25, $4  }
0x417: {  	[sflag:s2] =	ssyncadd.s32 @p6 $0xFFFFF000;
	s2 =	simm.s32 @p4 $0x12  }
0x418: {  	_ =	swait.ge @p4 [sflag:s2], $0x1000  }
0x419: {  	[sflag:s2] =	ssyncset.done @p4 $0x0  }
0x41a: {  	[sflag:s2] =	ssyncadd.s32 @p4 $0xFFFFF000  }
.Ltmp26:
0x41b: {  	(pc) =	sbr.rel .LBB2_39-.Ltmp26, $4  }
0x41c: {  	s2 =	simm.s32 $0x13  }
0x41d: {  	_ =	swait.ge [sflag:s2], $0x1000  }
0x41e: {  	[sflag:s2] =	ssyncset.done $0x0  }
0x41f: {  	[sflag:s2] =	ssyncadd.s32 $0xFFFFF000  }
.LBB2_38:
.Ltmp27:
0x420: {  	(pc) =	sbr.rel @p0 .LBB2_3-.Ltmp27, $1  }
0x421: {  	_ =	sdelay $0x3  }
.LBB2_39:
0x422: {  	p0 =	seq.s32 s22, $0x1  }
.Ltmp28:
0x423: {  	_ = 	snop;
	(pc) =	sbr.rel @p0 .LBB2_41-.Ltmp28, $3  }
0x424: {  	_ =	sdelay $0x1  }
0x425: {  	_ =	swait.ge [sflag:s20], $0x20  }
0x426: {  	s2 =	sadd.s32 $0xFFFFFFFF, s22;
	[sflag:s20] =	ssyncset.done $0x0  }
.LBB2_40:
0x427: {  	p0 =	seq.s32 s2, $0x1;
	s2 =	sadd.s32 $0xFFFFFFFF, s2;
	[sflag:s20] =	ssyncadd.s32 $0xFFFFFFE0  }
.Ltmp29:
0x428: {  	(pc) =	sbr.rel @!p0 .LBB2_40-.Ltmp29, $3  }
0x429: {  	_ =	sdelay $0x1  }
0x42a: {  	_ =	swait.ge [sflag:s20], $0x20  }
0x42b: {  	[sflag:s20] =	ssyncset.done $0x0  }
.Ltmp30:
0x42c: {  	_ = 	snop;
	(pc) =	sbr.rel .LBB2_41-.Ltmp30, $1  }
0x42d: {  	_ =	sdelay $0x3  }
.LBB2_11:
.Ltmp31:
0x42e: {  	(pc) =	sbr.rel .LBB2_16-.Ltmp31, $4  }
0x42f: {  	p0 =	por $0x0, $0x0  }
0x430: {  	s2 =	simm.s32 @!p0 $0x0  }
0x431: {  	s2 =	simm.s32 @p0 $0x1  }
0x432: {  	s26 =	simm.s32 $0x7;
	s21 =	simm.s32 $0x0;
	[smem:$0x7F7] =	sst s2  }
.LBB2_30:
.Ltmp32:
0x433: {  	(pc) =	sbr.rel .LBB2_35-.Ltmp32, $4  }
0x434: {  	p0 =	por $0x0, $0x0  }
0x435: {  	s2 =	simm.s32 @!p0 $0x0  }
0x436: {  	s2 =	simm.s32 @p0 $0x1  }
0x437: {  	s24 =	simm.s32 $0x7;
	s21 =	simm.s32 $0x0;
	[smem:$0x7F0] =	sst s2  }
.LBB2_13:
.Ltmp33:
0x438: {  	(pc) =	sbr.rel .LBB2_16-.Ltmp33, $4  }
0x439: {  	_ = 	snop  }
0x43a: {  	s25 =	rddreg [dreg:$0xe]  }
0x43b: {  	s22 =	rddreg [dreg:$0x1b]  }
0x43c: {  	s21 =	simm.s32 $0x0;
	s24 =	rddreg [dreg:$0x1c]  }
.LBB2_32:
.Ltmp34:
0x43d: {  	(pc) =	sbr.rel .LBB2_35-.Ltmp34, $3  }
0x43e: {  	_ =	sdelay $0x1  }
0x43f: {  	s25 =	rddreg [dreg:$0xe]  }
0x440: {  	s21 =	simm.s32 $0x0;
	s17 =	rddreg [dreg:$0x1d]  }
.LBB2_44:
0x441: {  	_ =	sfence.sel $0x180000  }
0x442: {  	[bflag:$0x0] =	sbarrier.arrive $0xFFFF  }
0x443: {  	_ =	strace $0x90000047  }
0x444: {  	s0 =	stileid.u32;
	[bflag:$0x2] =	sbarrier.arrive $0xFFFF  }
0x445: {  	p0 =	sne.s32 s0, $0x0;
	s0 =	rddreg [dreg:$0x6]  }
0x446: {  	s0 =	sadd.s32 @!p0 $0x100000, s0  }
0x447: {  	[sflag:s0] =	ssyncadd.tile.s32 @!p0 $0x1;
	_ =	shalt  }
.Lfunc_end2:
_tile_overlayer_lowered:
.L_overlay_start_2:
0x448: {  	(tag) =	ssettag $0x2  }
0x449: {  	s0 =	rddreg [dreg:$0x0];
	s2 =	stileid.u32  }
0x44a: {  	s1 =	rddreg [dreg:$0x1];
	p0 =	sne.s32 s2, $0x0  }
0x44b: {  	s3 =	rddreg [dreg:$0x2];
	[bflag:$0x3] =	sbarrier.arrive $0xFFFF;
	s2 =	simm.s32 @!p0 $0x1C14  }
0x44c: {  	[timem:s3], [sflag:s2] =	dma.local @!p0 [hbm:s0], s1  }
0x44d: {  	s0 =	simm.s32 @!p0 $0x14  }
0x44e: {  	_ =	swait.ge @!p0 [sflag:s0], s1  }
0x44f: {  	s1 =	ssub.s32 @!p0 $0x0, s1;
	[sflag:s0] =	ssyncset.done @!p0 $0x0  }
0x450: {  	[sflag:s0] =	ssyncadd.s32 @!p0 s1  }
0x451: {  	[bflag:$0x3] =	sbarrier.arrive $0xFFFF  }
0x452: {  	_ =	shalt  }

</sc_bundles>
